<compile_context>
chip_gen: v7x
topology: tpu7x:2x2x1
jax: 0.10.2.dev20260603
libtpu: 0.0.44.dev20260713+nightly
codegen_flags: <defaults>
</compile_context>

<pallas_src>
import functools

import jax
import jax.numpy as jnp
from jax import lax
from jax.experimental import pallas as pl
from jax.experimental.pallas import tpu as pltpu
from jax.experimental.pallas import tpu_sc as plsc

_N = 10000
_NP = 10240
_C = 128
_E = 320000
_NC = 2
_NS = 16
_NW = _NC * _NS
_EPT = _E // _NW
_CHUNK = 80
_NCHUNK = _EPT // _CHUNK
_RPT = _NP // _NS
_ZR = 64


def _sc_agg_body(with_deg, *refs):
    if with_deg:
        (x_hbm, srcf_hbm, dsts_hbm, agg_out, deg_out,
         agg_sh, src_v, dst_v, rows_a, rows_b, sem_a, sem_b) = refs
    else:
        (x_hbm, srcf_hbm, dsts_hbm, agg_out,
         agg_sh, src_v, dst_v, rows_a, rows_b, sem_a, sem_b) = refs
    c = lax.axis_index("c")
    s = lax.axis_index("s")
    wid = c * _NS + s

    z16 = jnp.zeros((16,), jnp.float32)

    def zrow(i, carry):
        for j in range(8):
            rows_a[i, pl.ds(j * 16, 16)] = z16
        return carry

    lax.fori_loop(0, _CHUNK, zrow, 0)

    for k in range(_RPT // _CHUNK):
        pltpu.sync_copy(rows_a, agg_sh.at[pl.ds(s * _RPT + k * _CHUNK, _CHUNK)])

    plsc.subcore_barrier()

    pltpu.sync_copy(srcf_hbm.at[wid], src_v)
    pltpu.sync_copy(dsts_hbm.at[wid], dst_v)

    def gather(j, buf, sem):
        pltpu.async_copy(x_hbm.at[src_v.at[pl.ds(j * _CHUNK, _CHUNK)]],
                         buf, sem)

    def gwait(buf, sem):
        pltpu.make_async_copy(x_hbm.at[pl.ds(0, _CHUNK)], buf, sem).wait()

    gather(0, rows_a, sem_a)

    def body2(i, carry):
        j = 2 * i
        gather(j + 1, rows_b, sem_b)
        gwait(rows_a, sem_a)
        pltpu.sync_copy(rows_a, agg_sh.at[dst_v.at[j]], add=True)
        gather(j + 2, rows_a, sem_a)
        gwait(rows_b, sem_b)
        pltpu.sync_copy(rows_b, agg_sh.at[dst_v.at[j + 1]], add=True)
        return carry

    lax.fori_loop(0, (_NCHUNK - 1) // 2, body2, 0)

    gwait(rows_a, sem_a)
    pltpu.sync_copy(rows_a, agg_sh.at[dst_v.at[_NCHUNK - 1]], add=True)

    plsc.subcore_barrier()

    pltpu.sync_copy(agg_sh.at[pl.ds(s * _RPT, _RPT)],
                    agg_out.at[c, pl.ds(s * _RPT, _RPT)])

    if with_deg:
        def zrow2(i, carry):
            for j in range(8):
                rows_a[i, pl.ds(j * 16, 16)] = z16
            return carry

        lax.fori_loop(0, _CHUNK, zrow2, 0)
        for k in range(_RPT // _CHUNK):
            pltpu.sync_copy(rows_a,
                            agg_sh.at[pl.ds(s * _RPT + k * _CHUNK, _CHUNK)])

        o16 = jnp.ones((16,), jnp.float32)

        def orow(i, carry):
            for j in range(8):
                rows_a[i, pl.ds(j * 16, 16)] = o16
            return carry

        lax.fori_loop(0, _CHUNK, orow, 0)

        plsc.subcore_barrier()

        def dchunk(j, carry):
            pltpu.sync_copy(rows_a, agg_sh.at[dst_v.at[j]], add=True)
            return carry

        lax.fori_loop(0, _NCHUNK, dchunk, 0)

        plsc.subcore_barrier()

        pltpu.sync_copy(agg_sh.at[pl.ds(s * _RPT, _RPT)],
                        deg_out.at[c, pl.ds(s * _RPT, _RPT)])


def _make_sc_agg(with_deg=False):
    mesh = plsc.VectorSubcoreMesh(core_axis_name="c", subcore_axis_name="s")
    out_type = [jax.ShapeDtypeStruct((_NC, _NP, _C), jnp.float32)]
    if with_deg:
        out_type.append(jax.ShapeDtypeStruct((_NC, _NP, _C), jnp.float32))
    return pl.kernel(
        functools.partial(_sc_agg_body, with_deg),
        out_type=tuple(out_type),
        mesh=mesh,
        scratch_types=[
            pltpu.VMEM_SHARED((_NP, _C), jnp.float32),
            pltpu.VMEM((_EPT,), jnp.int32),
            pltpu.VMEM((_NCHUNK, _CHUNK), jnp.int32),
            pltpu.VMEM((_CHUNK, _C), jnp.float32),
            pltpu.VMEM((_CHUNK, _C), jnp.float32),
            pltpu.SemaphoreType.DMA,
            pltpu.SemaphoreType.DMA,
        ],
    )


def _mlp_body(has_res, do_norm, *refs):
    if has_res:
        (parts_ref, degp_ref, xn_ref, res_ref,
         w1a_ref, w1b_ref, b1_ref, w2_ref, b2_ref), outs = refs[:9], refs[9:]
    else:
        (parts_ref, degp_ref, xn_ref,
         w1a_ref, w1b_ref, b1_ref, w2_ref, b2_ref), outs = refs[:8], refs[8:]
        res_ref = None
    agg = parts_ref[0] + parts_ref[1]
    deg = degp_ref[0, :, 0:1] + degp_ref[1, :, 0:1]
    agg = agg / jnp.maximum(deg, 1.0)
    xn = xn_ref[...]
    u = jnp.dot(xn, w1a_ref[...], preferred_element_type=jnp.float32)
    u = u + jnp.dot(agg, w1b_ref[...], preferred_element_type=jnp.float32)
    u = jnp.maximum(u + b1_ref[...], 0.0)
    o = jnp.dot(u, w2_ref[...], preferred_element_type=jnp.float32)
    o = o + b2_ref[...]
    if has_res:
        o = o + res_ref[...]
    outs[0][...] = o
    if do_norm:
        mu = jnp.mean(o, axis=1, keepdims=True)
        sd = jnp.sqrt(jnp.mean((o - mu) ** 2, axis=1, keepdims=True)) + 1e-6
        outs[1][...] = (o - mu) / sd


_BLK = 1024


def _mlp_call(parts, degp, xn, res, W1, b1, W2, b2, has_res, do_norm):
    cout = W2.shape[1]
    grid = (_NP // _BLK,)
    in_specs = [
        pl.BlockSpec((2, _BLK, _C), lambda i: (0, i, 0)),
        pl.BlockSpec((2, _BLK, _C), lambda i: (0, i, 0)),
        pl.BlockSpec((_BLK, _C), lambda i: (i, 0)),
    ]
    args = [parts, degp, xn]
    if has_res:
        in_specs.append(pl.BlockSpec((_BLK, _C), lambda i: (i, 0)))
        args.append(res)
    in_specs += [
        pl.BlockSpec((_C, 2 * _C), lambda i: (0, 0)),
        pl.BlockSpec((_C, 2 * _C), lambda i: (0, 0)),
        pl.BlockSpec((1, 2 * _C), lambda i: (0, 0)),
        pl.BlockSpec((2 * _C, cout), lambda i: (0, 0)),
        pl.BlockSpec((1, cout), lambda i: (0, 0)),
    ]
    args += [W1[:_C], W1[_C:], b1.reshape(1, -1), W2, b2.reshape(1, -1)]
    out_shape = [jax.ShapeDtypeStruct((_NP, cout), jnp.float32)]
    out_specs = [pl.BlockSpec((_BLK, cout), lambda i: (i, 0))]
    if do_norm:
        out_shape.append(jax.ShapeDtypeStruct((_NP, cout), jnp.float32))
        out_specs.append(pl.BlockSpec((_BLK, cout), lambda i: (i, 0)))
    return pl.pallas_call(
        functools.partial(_mlp_body, has_res, do_norm),
        grid=grid,
        in_specs=in_specs,
        out_specs=out_specs,
        out_shape=out_shape,
    )(*args)


def kernel(node_features, edge_index, angles, gt_edges,
           W1_1, b1_1, W2_1, b2_1,
           W1_2, b1_2, W2_2, b2_2,
           W1_3, b1_3, W2_3, b2_3,
           W1_4, b1_4, W2_4, b2_4):
    srcf = edge_index[0].reshape(_NW, _EPT)
    dsts = edge_index[1].reshape(_NW, _NCHUNK, _CHUNK)
    xpad = jnp.pad(node_features, ((0, _NP - _N), (0, 0)))

    sc_agg = _make_sc_agg(False)

    parts1, degp = _make_sc_agg(True)(xpad, srcf, dsts)
    h1, xn2 = _mlp_call(parts1, degp, xpad, None,
                        W1_1, b1_1, W2_1, b2_1, False, True)
    (parts2,) = sc_agg(xn2, srcf, dsts)
    h2, xn3 = _mlp_call(parts2, degp, xn2, h1,
                        W1_2, b1_2, W2_2, b2_2, True, True)
    (parts3,) = sc_agg(xn3, srcf, dsts)
    h3, xn4 = _mlp_call(parts3, degp, xn3, h2,
                        W1_3, b1_3, W2_3, b2_3, True, True)
    (parts4,) = sc_agg(xn4, srcf, dsts)
    (out,) = _mlp_call(parts4, degp, xn4, None,
                       W1_4, b1_4, W2_4, b2_4, False, False)
    return (out[:_N], jnp.zeros((1,), jnp.float32))

# --- scband reference (transcript-rebuilt; emitter-appended) ---
"""Pipeline reference for scband-node-gnn-13477607374968 (READ-ONLY COPY).

The authoritative reference and input builder live on the scoring server;
editing this copy changes nothing except your own understanding.
"""

import jax, jax.numpy as jnp
import numpy as np

N = 10000
E = 320000
C_IN = 128
C_OUT = 128
HL = 2


def _mlp_params(key, in_dim, hid_dim, out_dim):
    k1, k2 = jax.random.split(key)
    W1 = jax.random.normal(k1, (in_dim, hid_dim), dtype=jnp.float32) / np.sqrt(in_dim)
    b1 = jnp.zeros((hid_dim,), dtype=jnp.float32)
    W2 = jax.random.normal(k2, (hid_dim, out_dim), dtype=jnp.float32) / np.sqrt(hid_dim)
    b2 = jnp.zeros((out_dim,), dtype=jnp.float32)
    return W1, b1, W2, b2


def setup_inputs(seed: int = 0):
    key = jax.random.key(seed)
    ks = jax.random.split(key, 8)
    inp = {}
    inp["node_features"] = jax.random.normal(ks[0], (N, C_IN), dtype=jnp.float32)
    inp["edge_index"] = jax.random.randint(ks[1], (2, E), 0, N, dtype=jnp.int32)
    inp["angles"] = jax.random.normal(ks[2], (E,), dtype=jnp.float32)
    inp["gt_edges"] = jax.random.uniform(ks[3], (E,), dtype=jnp.float32)
    outs = [C_IN, C_IN, C_IN, C_OUT]
    for i in range(4):
        W1, b1, W2, b2 = _mlp_params(ks[4 + i], 2 * C_IN, HL * C_IN, outs[i])
        inp["W1_%d" % (i + 1)] = W1
        inp["b1_%d" % (i + 1)] = b1
        inp["W2_%d" % (i + 1)] = W2
        inp["b2_%d" % (i + 1)] = b2
    return inp


def _node_conv(x, src, dst, W1, b1, W2, b2, normalize):
    # NodeConv: optional input normalization, mean-aggregate neighbor messages
    # (gather src features, scatter-add to dst, divide by degree), then MLP on
    # [x || agg] with one hidden layer of size hl_factor * in_channels.
    if normalize:
        mu = jnp.mean(x, axis=1, keepdims=True)
        sd = jnp.std(x, axis=1, keepdims=True) + 1e-6
        x = (x - mu) / sd
    msgs = jnp.take(x, src, axis=0)
    agg = jax.ops.segment_sum(msgs, dst, num_segments=x.shape[0])
    deg = jax.ops.segment_sum(jnp.ones((src.shape[0],), x.dtype), dst, num_segments=x.shape[0])
    agg = agg / jnp.clip(deg, 1.0)[:, None]
    h = jnp.concatenate([x, agg], axis=1)
    h = jax.nn.relu(h @ W1 + b1)
    return h @ W2 + b2


def reference(node_features, edge_index, angles, gt_edges,
              W1_1, b1_1, W2_1, b2_1,
              W1_2, b1_2, W2_2, b2_2,
              W1_3, b1_3, W2_3, b2_3,
              W1_4, b1_4, W2_4, b2_4):
    src = edge_index[0]
    dst = edge_index[1]
    h = _node_conv(node_features, src, dst, W1_1, b1_1, W2_1, b2_1, False)
    h = h + _node_conv(h, src, dst, W1_2, b1_2, W2_2, b2_2, True)
    h = h + _node_conv(h, src, dst, W1_3, b1_3, W2_3, b2_3, True)
    out = _node_conv(h, src, dst, W1_4, b1_4, W2_4, b2_4, True)
    return (out, jnp.array([0.0], dtype=jnp.float32))

if __name__ == "__main__":
    import jax
    _d = setup_inputs()
    print(jax.jit(kernel)(*tuple(_d.values())))

</pallas_src>

<mosaic_0001>
#map = affine_map<(d0, d1) -> (0, 0)>
#map1 = affine_map<(d0, d1) -> (0, 0, 0)>
module attributes {stable_mosaic.version = 14 : i64} {
  func.func @_sc_agg_body(%arg0: i32, %arg1: i32, %arg2: memref<10240x128xf32, #tpu.memory_space<hbm>>, %arg3: memref<32x10000xi32, #tpu.memory_space<hbm>>, %arg4: memref<32x125x80xi32, #tpu.memory_space<hbm>>, %arg5: memref<2x10240x128xf32, #tpu.memory_space<hbm>>, %arg6: memref<10240x128xf32, #tpu.memory_space<vmem_shared>>, %arg7: memref<10000xi32, #tpu.memory_space<vmem>>, %arg8: memref<125x80xi32, #tpu.memory_space<vmem>>, %arg9: memref<80x128xf32, #tpu.memory_space<vmem>>, %arg10: memref<80x128xf32, #tpu.memory_space<vmem>>, %arg11: memref<!tpu.dma_semaphore, #tpu.memory_space<semaphore_mem>>, %arg12: memref<!tpu.dma_semaphore, #tpu.memory_space<semaphore_mem>>) attributes {dimension_semantics = [#tpu.dimension_semantics<core_parallel>, #tpu.dimension_semantics<subcore_parallel>], iteration_bounds = array<i64: 2, 16>, scalar_prefetch = 0 : i64, scratch_operands = 7 : i64, tpu.core_type = #tpu.core_type<sc_vector_subcore>, window_params = [{transform_indices = #map}, {transform_indices = #map}, {transform_indices = #map1}, {transform_indices = #map1}]} {
    %mul3A = arith.constant 16 : i32
    %mul3A_0 = arith.muli %arg0, %mul3A : i32
    %add3A = arith.addi %mul3A_0, %arg1 : i32
    %broadcast_in_dim3A = arith.constant 0.000000e+00 : f32
    %broadcast_in_dim3A_1 = vector.broadcast %broadcast_in_dim3A : f32 to vector<16xf32>
    %scan3A = arith.constant 0 : i32
    %scan3A_2 = arith.constant 0 : i32
    %scan3A_3 = arith.constant 80 : i32
    %scan3A_4 = arith.addi %scan3A_2, %scan3A_3 : i32
    %scan3A_5 = arith.constant 1 : i32
    scf.for %scan3A_59 = %scan3A_2 to %scan3A_4 step %scan3A_5  : i32 {
      %swap3A = arith.index_cast %scan3A_59 : i32 to index
      %swap3A_60 = arith.constant 0 : index
      %swap3A_61 = tpu.vector_load %arg9[%swap3A, %swap3A_60] {strides = array<i32>} : memref<80x128xf32, #tpu.memory_space<vmem>>, vector<1x16xf32>,
      %swap3A_62 = vector.shape_cast %swap3A_61 : vector<1x16xf32> to vector<16xf32>
      %swap3A_63 = vector.shape_cast %broadcast_in_dim3A_1 : vector<16xf32> to vector<1x16xf32>
      tpu.vector_store %arg9[%swap3A, %swap3A_60], %swap3A_63 {strides = array<i32>} : memref<80x128xf32, #tpu.memory_space<vmem>>, vector<1x16xf32>,
      %swap3A_64 = arith.index_cast %scan3A_59 : i32 to index
      %swap3A_65 = arith.constant 16 : index
      %swap3A_66 = tpu.vector_load %arg9[%swap3A_64, %swap3A_65] {strides = array<i32>} : memref<80x128xf32, #tpu.memory_space<vmem>>, vector<1x16xf32>,
      %swap3A_67 = vector.shape_cast %swap3A_66 : vector<1x16xf32> to vector<16xf32>
      %swap3A_68 = vector.shape_cast %broadcast_in_dim3A_1 : vector<16xf32> to vector<1x16xf32>
      tpu.vector_store %arg9[%swap3A_64, %swap3A_65], %swap3A_68 {strides = array<i32>} : memref<80x128xf32, #tpu.memory_space<vmem>>, vector<1x16xf32>,
      %swap3A_69 = arith.index_cast %scan3A_59 : i32 to index
      %swap3A_70 = arith.constant 32 : index
      %swap3A_71 = tpu.vector_load %arg9[%swap3A_69, %swap3A_70] {strides = array<i32>} : memref<80x128xf32, #tpu.memory_space<vmem>>, vector<1x16xf32>,
      %swap3A_72 = vector.shape_cast %swap3A_71 : vector<1x16xf32> to vector<16xf32>
      %swap3A_73 = vector.shape_cast %broadcast_in_dim3A_1 : vector<16xf32> to vector<1x16xf32>
      tpu.vector_store %arg9[%swap3A_69, %swap3A_70], %swap3A_73 {strides = array<i32>} : memref<80x128xf32, #tpu.memory_space<vmem>>, vector<1x16xf32>,
      %swap3A_74 = arith.index_cast %scan3A_59 : i32 to index
      %swap3A_75 = arith.constant 48 : index
      %swap3A_76 = tpu.vector_load %arg9[%swap3A_74, %swap3A_75] {strides = array<i32>} : memref<80x128xf32, #tpu.memory_space<vmem>>, vector<1x16xf32>,
      %swap3A_77 = vector.shape_cast %swap3A_76 : vector<1x16xf32> to vector<16xf32>
      %swap3A_78 = vector.shape_cast %broadcast_in_dim3A_1 : vector<16xf32> to vector<1x16xf32>
      tpu.vector_store %arg9[%swap3A_74, %swap3A_75], %swap3A_78 {strides = array<i32>} : memref<80x128xf32, #tpu.memory_space<vmem>>, vector<1x16xf32>,
      %swap3A_79 = arith.index_cast %scan3A_59 : i32 to index
      %swap3A_80 = arith.constant 64 : index
      %swap3A_81 = tpu.vector_load %arg9[%swap3A_79, %swap3A_80] {strides = array<i32>} : memref<80x128xf32, #tpu.memory_space<vmem>>, vector<1x16xf32>,
      %swap3A_82 = vector.shape_cast %swap3A_81 : vector<1x16xf32> to vector<16xf32>
      %swap3A_83 = vector.shape_cast %broadcast_in_dim3A_1 : vector<16xf32> to vector<1x16xf32>
      tpu.vector_store %arg9[%swap3A_79, %swap3A_80], %swap3A_83 {strides = array<i32>} : memref<80x128xf32, #tpu.memory_space<vmem>>, vector<1x16xf32>,
      %swap3A_84 = arith.index_cast %scan3A_59 : i32 to index
      %swap3A_85 = arith.constant 80 : index
      %swap3A_86 = tpu.vector_load %arg9[%swap3A_84, %swap3A_85] {strides = array<i32>} : memref<80x128xf32, #tpu.memory_space<vmem>>, vector<1x16xf32>,
      %swap3A_87 = vector.shape_cast %swap3A_86 : vector<1x16xf32> to vector<16xf32>
      %swap3A_88 = vector.shape_cast %broadcast_in_dim3A_1 : vector<16xf32> to vector<1x16xf32>
      tpu.vector_store %arg9[%swap3A_84, %swap3A_85], %swap3A_88 {strides = array<i32>} : memref<80x128xf32, #tpu.memory_space<vmem>>, vector<1x16xf32>,
      %swap3A_89 = arith.index_cast %scan3A_59 : i32 to index
      %swap3A_90 = arith.constant 96 : index
      %swap3A_91 = tpu.vector_load %arg9[%swap3A_89, %swap3A_90] {strides = array<i32>} : memref<80x128xf32, #tpu.memory_space<vmem>>, vector<1x16xf32>,
      %swap3A_92 = vector.shape_cast %swap3A_91 : vector<1x16xf32> to vector<16xf32>
      %swap3A_93 = vector.shape_cast %broadcast_in_dim3A_1 : vector<16xf32> to vector<1x16xf32>
      tpu.vector_store %arg9[%swap3A_89, %swap3A_90], %swap3A_93 {strides = array<i32>} : memref<80x128xf32, #tpu.memory_space<vmem>>, vector<1x16xf32>,
      %swap3A_94 = arith.index_cast %scan3A_59 : i32 to index
      %swap3A_95 = arith.constant 112 : index
      %swap3A_96 = tpu.vector_load %arg9[%swap3A_94, %swap3A_95] {strides = array<i32>} : memref<80x128xf32, #tpu.memory_space<vmem>>, vector<1x16xf32>,
      %swap3A_97 = vector.shape_cast %swap3A_96 : vector<1x16xf32> to vector<16xf32>
      %swap3A_98 = vector.shape_cast %broadcast_in_dim3A_1 : vector<16xf32> to vector<1x16xf32>
      tpu.vector_store %arg9[%swap3A_94, %swap3A_95], %swap3A_98 {strides = array<i32>} : memref<80x128xf32, #tpu.memory_space<vmem>>, vector<1x16xf32>,
    }
    %scan3A_6 = arith.constant 80 : i32
    %mul3A_7 = arith.constant 640 : i32
    %mul3A_8 = arith.muli %arg1, %mul3A_7 : i32
    %add3A_9 = arith.constant 0 : i32
    %add3A_10 = arith.addi %mul3A_8, %add3A_9 : i32
    "tpu.region"() ({
      %run_scoped3A_59 = tpu.sem_alloc : memref<!tpu.dma_semaphore, #tpu.memory_space<semaphore_mem>>
      %dma_start3A_60 = arith.constant 0 : i32
      %dma_start3A_61 = tpu.memref_slice %arg6[%add3A_10, %dma_start3A_60] : memref<10240x128xf32, #tpu.memory_space<vmem_shared>> -> memref<80x128xf32, #tpu.memory_space<vmem_shared>>
      %dma_start3A_62 = arith.constant 0 : i32
      %dma_start3A_63 = tpu.memref_slice %arg6[%add3A_10, %dma_start3A_62] : memref<10240x128xf32, #tpu.memory_space<vmem_shared>> -> memref<80x128xf32, #tpu.memory_space<vmem_shared>>
      tpu.enqueue_dma source(%arg9 : memref<80x128xf32, #tpu.memory_space<vmem>>) target(%dma_start3A_63 : memref<80x128xf32, #tpu.memory_space<vmem_shared>>) target_semaphore(%run_scoped3A_59 : memref<!tpu.dma_semaphore, #tpu.memory_space<semaphore_mem>>)
      %dma_wait3A_64 = arith.constant 0 : i32
      %dma_wait3A_65 = tpu.memref_slice %arg6[%add3A_10, %dma_wait3A_64] : memref<10240x128xf32, #tpu.memory_space<vmem_shared>> -> memref<80x128xf32, #tpu.memory_space<vmem_shared>>
      %dma_wait3A_66 = arith.constant 0 : i32
      %dma_wait3A_67 = tpu.memref_slice %arg6[%add3A_10, %dma_wait3A_66] : memref<10240x128xf32, #tpu.memory_space<vmem_shared>> -> memref<80x128xf32, #tpu.memory_space<vmem_shared>>
      tpu.wait_dma2 semaphore(%run_scoped3A_59 : memref<!tpu.dma_semaphore, #tpu.memory_space<semaphore_mem>>) src(%arg9 : memref<80x128xf32, #tpu.memory_space<vmem>>) dst(%dma_wait3A_67 : memref<80x128xf32, #tpu.memory_space<vmem_shared>>)
      tpu.yield
    }) : () -> ()
    %mul3A_11 = arith.constant 640 : i32
    %mul3A_12 = arith.muli %arg1, %mul3A_11 : i32
    %add3A_13 = arith.constant 80 : i32
    %add3A_14 = arith.addi %mul3A_12, %add3A_13 : i32
    "tpu.region"() ({
      %run_scoped3A_59 = tpu.sem_alloc : memref<!tpu.dma_semaphore, #tpu.memory_space<semaphore_mem>>
      %dma_start3A_60 = arith.constant 0 : i32
      %dma_start3A_61 = tpu.memref_slice %arg6[%add3A_14, %dma_start3A_60] : memref<10240x128xf32, #tpu.memory_space<vmem_shared>> -> memref<80x128xf32, #tpu.memory_space<vmem_shared>>
      %dma_start3A_62 = arith.constant 0 : i32
      %dma_start3A_63 = tpu.memref_slice %arg6[%add3A_14, %dma_start3A_62] : memref<10240x128xf32, #tpu.memory_space<vmem_shared>> -> memref<80x128xf32, #tpu.memory_space<vmem_shared>>
      tpu.enqueue_dma source(%arg9 : memref<80x128xf32, #tpu.memory_space<vmem>>) target(%dma_start3A_63 : memref<80x128xf32, #tpu.memory_space<vmem_shared>>) target_semaphore(%run_scoped3A_59 : memref<!tpu.dma_semaphore, #tpu.memory_space<semaphore_mem>>)
      %dma_wait3A_64 = arith.constant 0 : i32
      %dma_wait3A_65 = tpu.memref_slice %arg6[%add3A_14, %dma_wait3A_64] : memref<10240x128xf32, #tpu.memory_space<vmem_shared>> -> memref<80x128xf32, #tpu.memory_space<vmem_shared>>
      %dma_wait3A_66 = arith.constant 0 : i32
      %dma_wait3A_67 = tpu.memref_slice %arg6[%add3A_14, %dma_wait3A_66] : memref<10240x128xf32, #tpu.memory_space<vmem_shared>> -> memref<80x128xf32, #tpu.memory_space<vmem_shared>>
      tpu.wait_dma2 semaphore(%run_scoped3A_59 : memref<!tpu.dma_semaphore, #tpu.memory_space<semaphore_mem>>) src(%arg9 : memref<80x128xf32, #tpu.memory_space<vmem>>) dst(%dma_wait3A_67 : memref<80x128xf32, #tpu.memory_space<vmem_shared>>)
      tpu.yield
    }) : () -> ()
    %mul3A_15 = arith.constant 640 : i32
    %mul3A_16 = arith.muli %arg1, %mul3A_15 : i32
    %add3A_17 = arith.constant 160 : i32
    %add3A_18 = arith.addi %mul3A_16, %add3A_17 : i32
    "tpu.region"() ({
      %run_scoped3A_59 = tpu.sem_alloc : memref<!tpu.dma_semaphore, #tpu.memory_space<semaphore_mem>>
      %dma_start3A_60 = arith.constant 0 : i32
      %dma_start3A_61 = tpu.memref_slice %arg6[%add3A_18, %dma_start3A_60] : memref<10240x128xf32, #tpu.memory_space<vmem_shared>> -> memref<80x128xf32, #tpu.memory_space<vmem_shared>>
      %dma_start3A_62 = arith.constant 0 : i32
      %dma_start3A_63 = tpu.memref_slice %arg6[%add3A_18, %dma_start3A_62] : memref<10240x128xf32, #tpu.memory_space<vmem_shared>> -> memref<80x128xf32, #tpu.memory_space<vmem_shared>>
      tpu.enqueue_dma source(%arg9 : memref<80x128xf32, #tpu.memory_space<vmem>>) target(%dma_start3A_63 : memref<80x128xf32, #tpu.memory_space<vmem_shared>>) target_semaphore(%run_scoped3A_59 : memref<!tpu.dma_semaphore, #tpu.memory_space<semaphore_mem>>)
      %dma_wait3A_64 = arith.constant 0 : i32
      %dma_wait3A_65 = tpu.memref_slice %arg6[%add3A_18, %dma_wait3A_64] : memref<10240x128xf32, #tpu.memory_space<vmem_shared>> -> memref<80x128xf32, #tpu.memory_space<vmem_shared>>
      %dma_wait3A_66 = arith.constant 0 : i32
      %dma_wait3A_67 = tpu.memref_slice %arg6[%add3A_18, %dma_wait3A_66] : memref<10240x128xf32, #tpu.memory_space<vmem_shared>> -> memref<80x128xf32, #tpu.memory_space<vmem_shared>>
      tpu.wait_dma2 semaphore(%run_scoped3A_59 : memref<!tpu.dma_semaphore, #tpu.memory_space<semaphore_mem>>) src(%arg9 : memref<80x128xf32, #tpu.memory_space<vmem>>) dst(%dma_wait3A_67 : memref<80x128xf32, #tpu.memory_space<vmem_shared>>)
      tpu.yield
    }) : () -> ()
    %mul3A_19 = arith.constant 640 : i32
    %mul3A_20 = arith.muli %arg1, %mul3A_19 : i32
    %add3A_21 = arith.constant 240 : i32
    %add3A_22 = arith.addi %mul3A_20, %add3A_21 : i32
    "tpu.region"() ({
      %run_scoped3A_59 = tpu.sem_alloc : memref<!tpu.dma_semaphore, #tpu.memory_space<semaphore_mem>>
      %dma_start3A_60 = arith.constant 0 : i32
      %dma_start3A_61 = tpu.memref_slice %arg6[%add3A_22, %dma_start3A_60] : memref<10240x128xf32, #tpu.memory_space<vmem_shared>> -> memref<80x128xf32, #tpu.memory_space<vmem_shared>>
      %dma_start3A_62 = arith.constant 0 : i32
      %dma_start3A_63 = tpu.memref_slice %arg6[%add3A_22, %dma_start3A_62] : memref<10240x128xf32, #tpu.memory_space<vmem_shared>> -> memref<80x128xf32, #tpu.memory_space<vmem_shared>>
      tpu.enqueue_dma source(%arg9 : memref<80x128xf32, #tpu.memory_space<vmem>>) target(%dma_start3A_63 : memref<80x128xf32, #tpu.memory_space<vmem_shared>>) target_semaphore(%run_scoped3A_59 : memref<!tpu.dma_semaphore, #tpu.memory_space<semaphore_mem>>)
      %dma_wait3A_64 = arith.constant 0 : i32
      %dma_wait3A_65 = tpu.memref_slice %arg6[%add3A_22, %dma_wait3A_64] : memref<10240x128xf32, #tpu.memory_space<vmem_shared>> -> memref<80x128xf32, #tpu.memory_space<vmem_shared>>
      %dma_wait3A_66 = arith.constant 0 : i32
      %dma_wait3A_67 = tpu.memref_slice %arg6[%add3A_22, %dma_wait3A_66] : memref<10240x128xf32, #tpu.memory_space<vmem_shared>> -> memref<80x128xf32, #tpu.memory_space<vmem_shared>>
      tpu.wait_dma2 semaphore(%run_scoped3A_59 : memref<!tpu.dma_semaphore, #tpu.memory_space<semaphore_mem>>) src(%arg9 : memref<80x128xf32, #tpu.memory_space<vmem>>) dst(%dma_wait3A_67 : memref<80x128xf32, #tpu.memory_space<vmem_shared>>)
      tpu.yield
    }) : () -> ()
    %mul3A_23 = arith.constant 640 : i32
    %mul3A_24 = arith.muli %arg1, %mul3A_23 : i32
    %add3A_25 = arith.constant 320 : i32
    %add3A_26 = arith.addi %mul3A_24, %add3A_25 : i32
    "tpu.region"() ({
      %run_scoped3A_59 = tpu.sem_alloc : memref<!tpu.dma_semaphore, #tpu.memory_space<semaphore_mem>>
      %dma_start3A_60 = arith.constant 0 : i32
      %dma_start3A_61 = tpu.memref_slice %arg6[%add3A_26, %dma_start3A_60] : memref<10240x128xf32, #tpu.memory_space<vmem_shared>> -> memref<80x128xf32, #tpu.memory_space<vmem_shared>>
      %dma_start3A_62 = arith.constant 0 : i32
      %dma_start3A_63 = tpu.memref_slice %arg6[%add3A_26, %dma_start3A_62] : memref<10240x128xf32, #tpu.memory_space<vmem_shared>> -> memref<80x128xf32, #tpu.memory_space<vmem_shared>>
      tpu.enqueue_dma source(%arg9 : memref<80x128xf32, #tpu.memory_space<vmem>>) target(%dma_start3A_63 : memref<80x128xf32, #tpu.memory_space<vmem_shared>>) target_semaphore(%run_scoped3A_59 : memref<!tpu.dma_semaphore, #tpu.memory_space<semaphore_mem>>)
      %dma_wait3A_64 = arith.constant 0 : i32
      %dma_wait3A_65 = tpu.memref_slice %arg6[%add3A_26, %dma_wait3A_64] : memref<10240x128xf32, #tpu.memory_space<vmem_shared>> -> memref<80x128xf32, #tpu.memory_space<vmem_shared>>
      %dma_wait3A_66 = arith.constant 0 : i32
      %dma_wait3A_67 = tpu.memref_slice %arg6[%add3A_26, %dma_wait3A_66] : memref<10240x128xf32, #tpu.memory_space<vmem_shared>> -> memref<80x128xf32, #tpu.memory_space<vmem_shared>>
      tpu.wait_dma2 semaphore(%run_scoped3A_59 : memref<!tpu.dma_semaphore, #tpu.memory_space<semaphore_mem>>) src(%arg9 : memref<80x128xf32, #tpu.memory_space<vmem>>) dst(%dma_wait3A_67 : memref<80x128xf32, #tpu.memory_space<vmem_shared>>)
      tpu.yield
    }) : () -> ()
    %mul3A_27 = arith.constant 640 : i32
    %mul3A_28 = arith.muli %arg1, %mul3A_27 : i32
    %add3A_29 = arith.constant 400 : i32
    %add3A_30 = arith.addi %mul3A_28, %add3A_29 : i32
    "tpu.region"() ({
      %run_scoped3A_59 = tpu.sem_alloc : memref<!tpu.dma_semaphore, #tpu.memory_space<semaphore_mem>>
      %dma_start3A_60 = arith.constant 0 : i32
      %dma_start3A_61 = tpu.memref_slice %arg6[%add3A_30, %dma_start3A_60] : memref<10240x128xf32, #tpu.memory_space<vmem_shared>> -> memref<80x128xf32, #tpu.memory_space<vmem_shared>>
      %dma_start3A_62 = arith.constant 0 : i32
      %dma_start3A_63 = tpu.memref_slice %arg6[%add3A_30, %dma_start3A_62] : memref<10240x128xf32, #tpu.memory_space<vmem_shared>> -> memref<80x128xf32, #tpu.memory_space<vmem_shared>>
      tpu.enqueue_dma source(%arg9 : memref<80x128xf32, #tpu.memory_space<vmem>>) target(%dma_start3A_63 : memref<80x128xf32, #tpu.memory_space<vmem_shared>>) target_semaphore(%run_scoped3A_59 : memref<!tpu.dma_semaphore, #tpu.memory_space<semaphore_mem>>)
      %dma_wait3A_64 = arith.constant 0 : i32
      %dma_wait3A_65 = tpu.memref_slice %arg6[%add3A_30, %dma_wait3A_64] : memref<10240x128xf32, #tpu.memory_space<vmem_shared>> -> memref<80x128xf32, #tpu.memory_space<vmem_shared>>
      %dma_wait3A_66 = arith.constant 0 : i32
      %dma_wait3A_67 = tpu.memref_slice %arg6[%add3A_30, %dma_wait3A_66] : memref<10240x128xf32, #tpu.memory_space<vmem_shared>> -> memref<80x128xf32, #tpu.memory_space<vmem_shared>>
      tpu.wait_dma2 semaphore(%run_scoped3A_59 : memref<!tpu.dma_semaphore, #tpu.memory_space<semaphore_mem>>) src(%arg9 : memref<80x128xf32, #tpu.memory_space<vmem>>) dst(%dma_wait3A_67 : memref<80x128xf32, #tpu.memory_space<vmem_shared>>)
      tpu.yield
    }) : () -> ()
    %mul3A_31 = arith.constant 640 : i32
    %mul3A_32 = arith.muli %arg1, %mul3A_31 : i32
    %add3A_33 = arith.constant 480 : i32
    %add3A_34 = arith.addi %mul3A_32, %add3A_33 : i32
    "tpu.region"() ({
      %run_scoped3A_59 = tpu.sem_alloc : memref<!tpu.dma_semaphore, #tpu.memory_space<semaphore_mem>>
      %dma_start3A_60 = arith.constant 0 : i32
      %dma_start3A_61 = tpu.memref_slice %arg6[%add3A_34, %dma_start3A_60] : memref<10240x128xf32, #tpu.memory_space<vmem_shared>> -> memref<80x128xf32, #tpu.memory_space<vmem_shared>>
      %dma_start3A_62 = arith.constant 0 : i32
      %dma_start3A_63 = tpu.memref_slice %arg6[%add3A_34, %dma_start3A_62] : memref<10240x128xf32, #tpu.memory_space<vmem_shared>> -> memref<80x128xf32, #tpu.memory_space<vmem_shared>>
      tpu.enqueue_dma source(%arg9 : memref<80x128xf32, #tpu.memory_space<vmem>>) target(%dma_start3A_63 : memref<80x128xf32, #tpu.memory_space<vmem_shared>>) target_semaphore(%run_scoped3A_59 : memref<!tpu.dma_semaphore, #tpu.memory_space<semaphore_mem>>)
      %dma_wait3A_64 = arith.constant 0 : i32
      %dma_wait3A_65 = tpu.memref_slice %arg6[%add3A_34, %dma_wait3A_64] : memref<10240x128xf32, #tpu.memory_space<vmem_shared>> -> memref<80x128xf32, #tpu.memory_space<vmem_shared>>
      %dma_wait3A_66 = arith.constant 0 : i32
      %dma_wait3A_67 = tpu.memref_slice %arg6[%add3A_34, %dma_wait3A_66] : memref<10240x128xf32, #tpu.memory_space<vmem_shared>> -> memref<80x128xf32, #tpu.memory_space<vmem_shared>>
      tpu.wait_dma2 semaphore(%run_scoped3A_59 : memref<!tpu.dma_semaphore, #tpu.memory_space<semaphore_mem>>) src(%arg9 : memref<80x128xf32, #tpu.memory_space<vmem>>) dst(%dma_wait3A_67 : memref<80x128xf32, #tpu.memory_space<vmem_shared>>)
      tpu.yield
    }) : () -> ()
    %mul3A_35 = arith.constant 640 : i32
    %mul3A_36 = arith.muli %arg1, %mul3A_35 : i32
    %add3A_37 = arith.constant 560 : i32
    %add3A_38 = arith.addi %mul3A_36, %add3A_37 : i32
    "tpu.region"() ({
      %run_scoped3A_59 = tpu.sem_alloc : memref<!tpu.dma_semaphore, #tpu.memory_space<semaphore_mem>>
      %dma_start3A_60 = arith.constant 0 : i32
      %dma_start3A_61 = tpu.memref_slice %arg6[%add3A_38, %dma_start3A_60] : memref<10240x128xf32, #tpu.memory_space<vmem_shared>> -> memref<80x128xf32, #tpu.memory_space<vmem_shared>>
      %dma_start3A_62 = arith.constant 0 : i32
      %dma_start3A_63 = tpu.memref_slice %arg6[%add3A_38, %dma_start3A_62] : memref<10240x128xf32, #tpu.memory_space<vmem_shared>> -> memref<80x128xf32, #tpu.memory_space<vmem_shared>>
      tpu.enqueue_dma source(%arg9 : memref<80x128xf32, #tpu.memory_space<vmem>>) target(%dma_start3A_63 : memref<80x128xf32, #tpu.memory_space<vmem_shared>>) target_semaphore(%run_scoped3A_59 : memref<!tpu.dma_semaphore, #tpu.memory_space<semaphore_mem>>)
      %dma_wait3A_64 = arith.constant 0 : i32
      %dma_wait3A_65 = tpu.memref_slice %arg6[%add3A_38, %dma_wait3A_64] : memref<10240x128xf32, #tpu.memory_space<vmem_shared>> -> memref<80x128xf32, #tpu.memory_space<vmem_shared>>
      %dma_wait3A_66 = arith.constant 0 : i32
      %dma_wait3A_67 = tpu.memref_slice %arg6[%add3A_38, %dma_wait3A_66] : memref<10240x128xf32, #tpu.memory_space<vmem_shared>> -> memref<80x128xf32, #tpu.memory_space<vmem_shared>>
      tpu.wait_dma2 semaphore(%run_scoped3A_59 : memref<!tpu.dma_semaphore, #tpu.memory_space<semaphore_mem>>) src(%arg9 : memref<80x128xf32, #tpu.memory_space<vmem>>) dst(%dma_wait3A_67 : memref<80x128xf32, #tpu.memory_space<vmem_shared>>)
      tpu.yield
    }) : () -> ()
    %barrier3A = arith.constant 0 : index
    tpu.barrier barrier_id(%barrier3A)
    "tpu.region"() ({
      %run_scoped3A_59 = tpu.sem_alloc : memref<!tpu.dma_semaphore, #tpu.memory_space<semaphore_mem>>
      %dma_start3A_60 = arith.constant 0 : i32
      %dma_start3A_61 = tpu.memref_slice %arg3[%add3A, %dma_start3A_60] : memref<32x10000xi32, #tpu.memory_space<hbm>> -> memref<1x10000xi32, #tpu.memory_space<hbm>>
      %dma_start3A_62 = tpu.memref_squeeze %dma_start3A_61 : memref<1x10000xi32, #tpu.memory_space<hbm>> -> memref<10000xi32, #tpu.memory_space<hbm>>
      %dma_start3A_63 = arith.constant 0 : i32
      %dma_start3A_64 = tpu.memref_slice %arg3[%add3A, %dma_start3A_63] : memref<32x10000xi32, #tpu.memory_space<hbm>> -> memref<1x10000xi32, #tpu.memory_space<hbm>>
      %dma_start3A_65 = tpu.memref_squeeze %dma_start3A_64 : memref<1x10000xi32, #tpu.memory_space<hbm>> -> memref<10000xi32, #tpu.memory_space<hbm>>
      tpu.enqueue_dma source(%dma_start3A_65 : memref<10000xi32, #tpu.memory_space<hbm>>) target(%arg7 : memref<10000xi32, #tpu.memory_space<vmem>>) target_semaphore(%run_scoped3A_59 : memref<!tpu.dma_semaphore, #tpu.memory_space<semaphore_mem>>)
      %dma_wait3A_66 = arith.constant 0 : i32
      %dma_wait3A_67 = tpu.memref_slice %arg3[%add3A, %dma_wait3A_66] : memref<32x10000xi32, #tpu.memory_space<hbm>> -> memref<1x10000xi32, #tpu.memory_space<hbm>>
      %dma_wait3A_68 = tpu.memref_squeeze %dma_wait3A_67 : memref<1x10000xi32, #tpu.memory_space<hbm>> -> memref<10000xi32, #tpu.memory_space<hbm>>
      %dma_wait3A_69 = arith.constant 0 : i32
      %dma_wait3A_70 = tpu.memref_slice %arg3[%add3A, %dma_wait3A_69] : memref<32x10000xi32, #tpu.memory_space<hbm>> -> memref<1x10000xi32, #tpu.memory_space<hbm>>
      %dma_wait3A_71 = tpu.memref_squeeze %dma_wait3A_70 : memref<1x10000xi32, #tpu.memory_space<hbm>> -> memref<10000xi32, #tpu.memory_space<hbm>>
      tpu.wait_dma2 semaphore(%run_scoped3A_59 : memref<!tpu.dma_semaphore, #tpu.memory_space<semaphore_mem>>) src(%dma_wait3A_71 : memref<10000xi32, #tpu.memory_space<hbm>>) dst(%arg7 : memref<10000xi32, #tpu.memory_space<vmem>>)
      tpu.yield
    }) : () -> ()
    "tpu.region"() ({
      %run_scoped3A_59 = tpu.sem_alloc : memref<!tpu.dma_semaphore, #tpu.memory_space<semaphore_mem>>
      %dma_start3A_60 = arith.constant 0 : i32
      %dma_start3A_61 = arith.constant 0 : i32
      %dma_start3A_62 = tpu.memref_slice %arg4[%add3A, %dma_start3A_60, %dma_start3A_61] : memref<32x125x80xi32, #tpu.memory_space<hbm>> -> memref<1x125x80xi32, #tpu.memory_space<hbm>>
      %dma_start3A_63 = tpu.memref_squeeze %dma_start3A_62 : memref<1x125x80xi32, #tpu.memory_space<hbm>> -> memref<125x80xi32, #tpu.memory_space<hbm>>
      %dma_start3A_64 = arith.constant 0 : i32
      %dma_start3A_65 = arith.constant 0 : i32
      %dma_start3A_66 = tpu.memref_slice %arg4[%add3A, %dma_start3A_64, %dma_start3A_65] : memref<32x125x80xi32, #tpu.memory_space<hbm>> -> memref<1x125x80xi32, #tpu.memory_space<hbm>>
      %dma_start3A_67 = tpu.memref_squeeze %dma_start3A_66 : memref<1x125x80xi32, #tpu.memory_space<hbm>> -> memref<125x80xi32, #tpu.memory_space<hbm>>
      tpu.enqueue_dma source(%dma_start3A_67 : memref<125x80xi32, #tpu.memory_space<hbm>>) target(%arg8 : memref<125x80xi32, #tpu.memory_space<vmem>>) target_semaphore(%run_scoped3A_59 : memref<!tpu.dma_semaphore, #tpu.memory_space<semaphore_mem>>)
      %dma_wait3A_68 = arith.constant 0 : i32
      %dma_wait3A_69 = arith.constant 0 : i32
      %dma_wait3A_70 = tpu.memref_slice %arg4[%add3A, %dma_wait3A_68, %dma_wait3A_69] : memref<32x125x80xi32, #tpu.memory_space<hbm>> -> memref<1x125x80xi32, #tpu.memory_space<hbm>>
      %dma_wait3A_71 = tpu.memref_squeeze %dma_wait3A_70 : memref<1x125x80xi32, #tpu.memory_space<hbm>> -> memref<125x80xi32, #tpu.memory_space<hbm>>
      %dma_wait3A_72 = arith.constant 0 : i32
      %dma_wait3A_73 = arith.constant 0 : i32
      %dma_wait3A_74 = tpu.memref_slice %arg4[%add3A, %dma_wait3A_72, %dma_wait3A_73] : memref<32x125x80xi32, #tpu.memory_space<hbm>> -> memref<1x125x80xi32, #tpu.memory_space<hbm>>
      %dma_wait3A_75 = tpu.memref_squeeze %dma_wait3A_74 : memref<1x125x80xi32, #tpu.memory_space<hbm>> -> memref<125x80xi32, #tpu.memory_space<hbm>>
      tpu.wait_dma2 semaphore(%run_scoped3A_59 : memref<!tpu.dma_semaphore, #tpu.memory_space<semaphore_mem>>) src(%dma_wait3A_75 : memref<125x80xi32, #tpu.memory_space<hbm>>) dst(%arg8 : memref<125x80xi32, #tpu.memory_space<vmem>>)
      tpu.yield
    }) : () -> ()
    %dma_start3A = arith.constant 0 : i32
    %dma_start3A_39 = tpu.memref_slice %arg7[%dma_start3A] : memref<10000xi32, #tpu.memory_space<vmem>> -> memref<80xi32, #tpu.memory_space<vmem>>
    %dma_start3A_40 = arith.constant 0 : i32
    %dma_start3A_41 = arith.constant 0 : i32
    %dma_start3A_42 = tpu.memref_slice %arg2[%dma_start3A_40, %dma_start3A_41] : memref<10240x128xf32, #tpu.memory_space<hbm>> -> memref<10240x128xf32, #tpu.memory_space<hbm>>
    tpu.enqueue_indirect_dma source(%dma_start3A_42 : memref<10240x128xf32, #tpu.memory_space<hbm>>) target(%arg9 : memref<80x128xf32, #tpu.memory_space<vmem>>) offsets(%dma_start3A_39 : memref<80xi32, #tpu.memory_space<vmem>>) semaphore(%arg11 : memref<!tpu.dma_semaphore, #tpu.memory_space<semaphore_mem>>)
    %scan3A_43 = arith.constant 0 : i32
    %scan3A_44 = arith.constant 0 : i32
    %scan3A_45 = arith.constant 62 : i32
    %scan3A_46 = arith.addi %scan3A_44, %scan3A_45 : i32
    %scan3A_47 = arith.constant 1 : i32
    scf.for %scan3A_59 = %scan3A_44 to %scan3A_46 step %scan3A_47  : i32 {
      %mul3A_60 = arith.constant 2 : i32
      %mul3A_61 = arith.muli %mul3A_60, %scan3A_59 : i32
      %add3A_62 = arith.constant 1 : i32
      %add3A_63 = arith.addi %mul3A_61, %add3A_62 : i32
      %mul3A_64 = arith.constant 80 : i32
      %mul3A_65 = arith.muli %add3A_63, %mul3A_64 : i32
      %dma_start3A_66 = tpu.memref_slice %arg7[%mul3A_65] : memref<10000xi32, #tpu.memory_space<vmem>> -> memref<80xi32, #tpu.memory_space<vmem>>
      %dma_start3A_67 = arith.constant 0 : i32
      %dma_start3A_68 = arith.constant 0 : i32
      %dma_start3A_69 = tpu.memref_slice %arg2[%dma_start3A_67, %dma_start3A_68] : memref<10240x128xf32, #tpu.memory_space<hbm>> -> memref<10240x128xf32, #tpu.memory_space<hbm>>
      tpu.enqueue_indirect_dma source(%dma_start3A_69 : memref<10240x128xf32, #tpu.memory_space<hbm>>) target(%arg10 : memref<80x128xf32, #tpu.memory_space<vmem>>) offsets(%dma_start3A_66 : memref<80xi32, #tpu.memory_space<vmem>>) semaphore(%arg12 : memref<!tpu.dma_semaphore, #tpu.memory_space<semaphore_mem>>)
      %dma_wait3A_70 = arith.constant 0 : i32
      %dma_wait3A_71 = arith.constant 0 : i32
      %dma_wait3A_72 = tpu.memref_slice %arg2[%dma_wait3A_70, %dma_wait3A_71] : memref<10240x128xf32, #tpu.memory_space<hbm>> -> memref<80x128xf32, #tpu.memory_space<hbm>>
      %dma_wait3A_73 = arith.constant 0 : i32
      %dma_wait3A_74 = arith.constant 0 : i32
      %dma_wait3A_75 = tpu.memref_slice %arg2[%dma_wait3A_73, %dma_wait3A_74] : memref<10240x128xf32, #tpu.memory_space<hbm>> -> memref<80x128xf32, #tpu.memory_space<hbm>>
      tpu.wait_dma2 semaphore(%arg11 : memref<!tpu.dma_semaphore, #tpu.memory_space<semaphore_mem>>) src(%dma_wait3A_75 : memref<80x128xf32, #tpu.memory_space<hbm>>) dst(%arg9 : memref<80x128xf32, #tpu.memory_space<vmem>>)
      "tpu.region"() ({
        %run_scoped3A_92 = tpu.sem_alloc : memref<!tpu.dma_semaphore, #tpu.memory_space<semaphore_mem>>
        %dma_start3A_93 = arith.constant 0 : i32
        %dma_start3A_94 = tpu.memref_slice %arg8[%mul3A_61, %dma_start3A_93] : memref<125x80xi32, #tpu.memory_space<vmem>> -> memref<1x80xi32, #tpu.memory_space<vmem>>
        %dma_start3A_95 = tpu.memref_squeeze %dma_start3A_94 : memref<1x80xi32, #tpu.memory_space<vmem>> -> memref<80xi32, #tpu.memory_space<vmem>>
        %dma_start3A_96 = arith.constant 0 : i32
        %dma_start3A_97 = arith.constant 0 : i32
        %dma_start3A_98 = tpu.memref_slice %arg6[%dma_start3A_96, %dma_start3A_97] : memref<10240x128xf32, #tpu.memory_space<vmem_shared>> -> memref<10240x128xf32, #tpu.memory_space<vmem_shared>>
        tpu.enqueue_indirect_dma source(%arg9 : memref<80x128xf32, #tpu.memory_space<vmem>>) target(%dma_start3A_98 : memref<10240x128xf32, #tpu.memory_space<vmem_shared>>) offsets(%dma_start3A_95 : memref<80xi32, #tpu.memory_space<vmem>>) semaphore(%run_scoped3A_92 : memref<!tpu.dma_semaphore, #tpu.memory_space<semaphore_mem>>) {add = true}
        %dma_wait3A_99 = arith.constant 0 : i32
        %dma_wait3A_100 = tpu.memref_slice %arg8[%mul3A_61, %dma_wait3A_99] : memref<125x80xi32, #tpu.memory_space<vmem>> -> memref<1x80xi32, #tpu.memory_space<vmem>>
        %dma_wait3A_101 = tpu.memref_squeeze %dma_wait3A_100 : memref<1x80xi32, #tpu.memory_space<vmem>> -> memref<80xi32, #tpu.memory_space<vmem>>
        %dma_wait3A_102 = arith.constant 0 : i32
        %dma_wait3A_103 = arith.constant 0 : i32
        %dma_wait3A_104 = tpu.memref_slice %arg6[%dma_wait3A_102, %dma_wait3A_103] : memref<10240x128xf32, #tpu.memory_space<vmem_shared>> -> memref<10240x128xf32, #tpu.memory_space<vmem_shared>>
        tpu.wait_indirect_dma semaphore(%run_scoped3A_92 : memref<!tpu.dma_semaphore, #tpu.memory_space<semaphore_mem>>) src(%arg9 : memref<80x128xf32, #tpu.memory_space<vmem>>) dst(%dma_wait3A_104 : memref<10240x128xf32, #tpu.memory_space<vmem_shared>>)
        tpu.yield
      }) : () -> ()
      %add3A_76 = arith.constant 2 : i32
      %add3A_77 = arith.addi %mul3A_61, %add3A_76 : i32
      %mul3A_78 = arith.constant 80 : i32
      %mul3A_79 = arith.muli %add3A_77, %mul3A_78 : i32
      %dma_start3A_80 = tpu.memref_slice %arg7[%mul3A_79] : memref<10000xi32, #tpu.memory_space<vmem>> -> memref<80xi32, #tpu.memory_space<vmem>>
      %dma_start3A_81 = arith.constant 0 : i32
      %dma_start3A_82 = arith.constant 0 : i32
      %dma_start3A_83 = tpu.memref_slice %arg2[%dma_start3A_81, %dma_start3A_82] : memref<10240x128xf32, #tpu.memory_space<hbm>> -> memref<10240x128xf32, #tpu.memory_space<hbm>>
      tpu.enqueue_indirect_dma source(%dma_start3A_83 : memref<10240x128xf32, #tpu.memory_space<hbm>>) target(%arg9 : memref<80x128xf32, #tpu.memory_space<vmem>>) offsets(%dma_start3A_80 : memref<80xi32, #tpu.memory_space<vmem>>) semaphore(%arg11 : memref<!tpu.dma_semaphore, #tpu.memory_space<semaphore_mem>>)
      %dma_wait3A_84 = arith.constant 0 : i32
      %dma_wait3A_85 = arith.constant 0 : i32
      %dma_wait3A_86 = tpu.memref_slice %arg2[%dma_wait3A_84, %dma_wait3A_85] : memref<10240x128xf32, #tpu.memory_space<hbm>> -> memref<80x128xf32, #tpu.memory_space<hbm>>
      %dma_wait3A_87 = arith.constant 0 : i32
      %dma_wait3A_88 = arith.constant 0 : i32
      %dma_wait3A_89 = tpu.memref_slice %arg2[%dma_wait3A_87, %dma_wait3A_88] : memref<10240x128xf32, #tpu.memory_space<hbm>> -> memref<80x128xf32, #tpu.memory_space<hbm>>
      tpu.wait_dma2 semaphore(%arg12 : memref<!tpu.dma_semaphore, #tpu.memory_space<semaphore_mem>>) src(%dma_wait3A_89 : memref<80x128xf32, #tpu.memory_space<hbm>>) dst(%arg10 : memref<80x128xf32, #tpu.memory_space<vmem>>)
      %add3A_90 = arith.constant 1 : i32
      %add3A_91 = arith.addi %mul3A_61, %add3A_90 : i32
      "tpu.region"() ({
        %run_scoped3A_92 = tpu.sem_alloc : memref<!tpu.dma_semaphore, #tpu.memory_space<semaphore_mem>>
        %dma_start3A_93 = arith.constant 0 : i32
        %dma_start3A_94 = tpu.memref_slice %arg8[%add3A_91, %dma_start3A_93] : memref<125x80xi32, #tpu.memory_space<vmem>> -> memref<1x80xi32, #tpu.memory_space<vmem>>
        %dma_start3A_95 = tpu.memref_squeeze %dma_start3A_94 : memref<1x80xi32, #tpu.memory_space<vmem>> -> memref<80xi32, #tpu.memory_space<vmem>>
        %dma_start3A_96 = arith.constant 0 : i32
        %dma_start3A_97 = arith.constant 0 : i32
        %dma_start3A_98 = tpu.memref_slice %arg6[%dma_start3A_96, %dma_start3A_97] : memref<10240x128xf32, #tpu.memory_space<vmem_shared>> -> memref<10240x128xf32, #tpu.memory_space<vmem_shared>>
        tpu.enqueue_indirect_dma source(%arg10 : memref<80x128xf32, #tpu.memory_space<vmem>>) target(%dma_start3A_98 : memref<10240x128xf32, #tpu.memory_space<vmem_shared>>) offsets(%dma_start3A_95 : memref<80xi32, #tpu.memory_space<vmem>>) semaphore(%run_scoped3A_92 : memref<!tpu.dma_semaphore, #tpu.memory_space<semaphore_mem>>) {add = true}
        %dma_wait3A_99 = arith.constant 0 : i32
        %dma_wait3A_100 = tpu.memref_slice %arg8[%add3A_91, %dma_wait3A_99] : memref<125x80xi32, #tpu.memory_space<vmem>> -> memref<1x80xi32, #tpu.memory_space<vmem>>
        %dma_wait3A_101 = tpu.memref_squeeze %dma_wait3A_100 : memref<1x80xi32, #tpu.memory_space<vmem>> -> memref<80xi32, #tpu.memory_space<vmem>>
        %dma_wait3A_102 = arith.constant 0 : i32
        %dma_wait3A_103 = arith.constant 0 : i32
        %dma_wait3A_104 = tpu.memref_slice %arg6[%dma_wait3A_102, %dma_wait3A_103] : memref<10240x128xf32, #tpu.memory_space<vmem_shared>> -> memref<10240x128xf32, #tpu.memory_space<vmem_shared>>
        tpu.wait_indirect_dma semaphore(%run_scoped3A_92 : memref<!tpu.dma_semaphore, #tpu.memory_space<semaphore_mem>>) src(%arg10 : memref<80x128xf32, #tpu.memory_space<vmem>>) dst(%dma_wait3A_104 : memref<10240x128xf32, #tpu.memory_space<vmem_shared>>)
        tpu.yield
      }) : () -> ()
    }
    %scan3A_48 = arith.constant 62 : i32
    %dma_wait3A = arith.constant 0 : i32
    %dma_wait3A_49 = arith.constant 0 : i32
    %dma_wait3A_50 = tpu.memref_slice %arg2[%dma_wait3A, %dma_wait3A_49] : memref<10240x128xf32, #tpu.memory_space<hbm>> -> memref<80x128xf32, #tpu.memory_space<hbm>>
    %dma_wait3A_51 = arith.constant 0 : i32
    %dma_wait3A_52 = arith.constant 0 : i32
    %dma_wait3A_53 = tpu.memref_slice %arg2[%dma_wait3A_51, %dma_wait3A_52] : memref<10240x128xf32, #tpu.memory_space<hbm>> -> memref<80x128xf32, #tpu.memory_space<hbm>>
    tpu.wait_dma2 semaphore(%arg11 : memref<!tpu.dma_semaphore, #tpu.memory_space<semaphore_mem>>) src(%dma_wait3A_53 : memref<80x128xf32, #tpu.memory_space<hbm>>) dst(%arg9 : memref<80x128xf32, #tpu.memory_space<vmem>>)
    %run_scoped3A = arith.constant 124 : i32
    "tpu.region"() ({
      %run_scoped3A_59 = tpu.sem_alloc : memref<!tpu.dma_semaphore, #tpu.memory_space<semaphore_mem>>
      %dma_start3A_60 = arith.constant 0 : i32
      %dma_start3A_61 = tpu.memref_slice %arg8[%run_scoped3A, %dma_start3A_60] : memref<125x80xi32, #tpu.memory_space<vmem>> -> memref<1x80xi32, #tpu.memory_space<vmem>>
      %dma_start3A_62 = tpu.memref_squeeze %dma_start3A_61 : memref<1x80xi32, #tpu.memory_space<vmem>> -> memref<80xi32, #tpu.memory_space<vmem>>
      %dma_start3A_63 = arith.constant 0 : i32
      %dma_start3A_64 = arith.constant 0 : i32
      %dma_start3A_65 = tpu.memref_slice %arg6[%dma_start3A_63, %dma_start3A_64] : memref<10240x128xf32, #tpu.memory_space<vmem_shared>> -> memref<10240x128xf32, #tpu.memory_space<vmem_shared>>
      tpu.enqueue_indirect_dma source(%arg9 : memref<80x128xf32, #tpu.memory_space<vmem>>) target(%dma_start3A_65 : memref<10240x128xf32, #tpu.memory_space<vmem_shared>>) offsets(%dma_start3A_62 : memref<80xi32, #tpu.memory_space<vmem>>) semaphore(%run_scoped3A_59 : memref<!tpu.dma_semaphore, #tpu.memory_space<semaphore_mem>>) {add = true}
      %dma_wait3A_66 = arith.constant 0 : i32
      %dma_wait3A_67 = tpu.memref_slice %arg8[%run_scoped3A, %dma_wait3A_66] : memref<125x80xi32, #tpu.memory_space<vmem>> -> memref<1x80xi32, #tpu.memory_space<vmem>>
      %dma_wait3A_68 = tpu.memref_squeeze %dma_wait3A_67 : memref<1x80xi32, #tpu.memory_space<vmem>> -> memref<80xi32, #tpu.memory_space<vmem>>
      %dma_wait3A_69 = arith.constant 0 : i32
      %dma_wait3A_70 = arith.constant 0 : i32
      %dma_wait3A_71 = tpu.memref_slice %arg6[%dma_wait3A_69, %dma_wait3A_70] : memref<10240x128xf32, #tpu.memory_space<vmem_shared>> -> memref<10240x128xf32, #tpu.memory_space<vmem_shared>>
      tpu.wait_indirect_dma semaphore(%run_scoped3A_59 : memref<!tpu.dma_semaphore, #tpu.memory_space<semaphore_mem>>) src(%arg9 : memref<80x128xf32, #tpu.memory_space<vmem>>) dst(%dma_wait3A_71 : memref<10240x128xf32, #tpu.memory_space<vmem_shared>>)
      tpu.yield
    }) : () -> ()
    %barrier3A_54 = arith.constant 0 : index
    tpu.barrier barrier_id(%barrier3A_54)
    %mul3A_55 = arith.constant 640 : i32
    %mul3A_56 = arith.muli %arg1, %mul3A_55 : i32
    %mul3A_57 = arith.constant 640 : i32
    %mul3A_58 = arith.muli %arg1, %mul3A_57 : i32
    "tpu.region"() ({
      %run_scoped3A_59 = tpu.sem_alloc : memref<!tpu.dma_semaphore, #tpu.memory_space<semaphore_mem>>
      %dma_start3A_60 = arith.constant 0 : i32
      %dma_start3A_61 = tpu.memref_slice %arg5[%arg0, %mul3A_58, %dma_start3A_60] : memref<2x10240x128xf32, #tpu.memory_space<hbm>> -> memref<1x640x128xf32, #tpu.memory_space<hbm>>
      %dma_start3A_62 = tpu.memref_squeeze %dma_start3A_61 : memref<1x640x128xf32, #tpu.memory_space<hbm>> -> memref<640x128xf32, #tpu.memory_space<hbm>>
      %dma_start3A_63 = arith.constant 0 : i32
      %dma_start3A_64 = tpu.memref_slice %arg6[%mul3A_56, %dma_start3A_63] : memref<10240x128xf32, #tpu.memory_space<vmem_shared>> -> memref<640x128xf32, #tpu.memory_space<vmem_shared>>
      tpu.enqueue_dma source(%dma_start3A_64 : memref<640x128xf32, #tpu.memory_space<vmem_shared>>) target(%dma_start3A_62 : memref<640x128xf32, #tpu.memory_space<hbm>>) target_semaphore(%run_scoped3A_59 : memref<!tpu.dma_semaphore, #tpu.memory_space<semaphore_mem>>)
      %dma_wait3A_65 = arith.constant 0 : i32
      %dma_wait3A_66 = tpu.memref_slice %arg5[%arg0, %mul3A_58, %dma_wait3A_65] : memref<2x10240x128xf32, #tpu.memory_space<hbm>> -> memref<1x640x128xf32, #tpu.memory_space<hbm>>
      %dma_wait3A_67 = tpu.memref_squeeze %dma_wait3A_66 : memref<1x640x128xf32, #tpu.memory_space<hbm>> -> memref<640x128xf32, #tpu.memory_space<hbm>>
      %dma_wait3A_68 = arith.constant 0 : i32
      %dma_wait3A_69 = tpu.memref_slice %arg6[%mul3A_56, %dma_wait3A_68] : memref<10240x128xf32, #tpu.memory_space<vmem_shared>> -> memref<640x128xf32, #tpu.memory_space<vmem_shared>>
      tpu.wait_dma2 semaphore(%run_scoped3A_59 : memref<!tpu.dma_semaphore, #tpu.memory_space<semaphore_mem>>) src(%dma_wait3A_69 : memref<640x128xf32, #tpu.memory_space<vmem_shared>>) dst(%dma_wait3A_67 : memref<640x128xf32, #tpu.memory_space<hbm>>)
      tpu.yield
    }) : () -> ()
    return
  }
}

#map = affine_map<(d0, d1) -> (0, 0)>
#map1 = affine_map<(d0, d1) -> (0, 0, 0)>
module attributes {stable_mosaic.version = 14 : i64} {
  func.func @_sc_agg_body(%arg0: i32, %arg1: i32, %arg2: memref<10240x128xf32, #tpu.memory_space<hbm>>, %arg3: memref<32x10000xi32, #tpu.memory_space<hbm>>, %arg4: memref<32x125x80xi32, #tpu.memory_space<hbm>>, %arg5: memref<2x10240x128xf32, #tpu.memory_space<hbm>>, %arg6: memref<2x10240x128xf32, #tpu.memory_space<hbm>>, %arg7: memref<10240x128xf32, #tpu.memory_space<vmem_shared>>, %arg8: memref<10000xi32, #tpu.memory_space<vmem>>, %arg9: memref<125x80xi32, #tpu.memory_space<vmem>>, %arg10: memref<80x128xf32, #tpu.memory_space<vmem>>, %arg11: memref<80x128xf32, #tpu.memory_space<vmem>>, %arg12: memref<!tpu.dma_semaphore, #tpu.memory_space<semaphore_mem>>, %arg13: memref<!tpu.dma_semaphore, #tpu.memory_space<semaphore_mem>>) attributes {dimension_semantics = [#tpu.dimension_semantics<core_parallel>, #tpu.dimension_semantics<subcore_parallel>], iteration_bounds = array<i64: 2, 16>, scalar_prefetch = 0 : i64, scratch_operands = 7 : i64, tpu.core_type = #tpu.core_type<sc_vector_subcore>, window_params = [{transform_indices = #map}, {transform_indices = #map}, {transform_indices = #map1}, {transform_indices = #map1}, {transform_indices = #map1}]} {
    %mul3A = arith.constant 16 : i32
    %mul3A_0 = arith.muli %arg0, %mul3A : i32
    %add3A = arith.addi %mul3A_0, %arg1 : i32
    %broadcast_in_dim3A = arith.constant 0.000000e+00 : f32
    %broadcast_in_dim3A_1 = vector.broadcast %broadcast_in_dim3A : f32 to vector<16xf32>
    %scan3A = arith.constant 0 : i32
    %scan3A_2 = arith.constant 0 : i32
    %scan3A_3 = arith.constant 80 : i32
    %scan3A_4 = arith.addi %scan3A_2, %scan3A_3 : i32
    %scan3A_5 = arith.constant 1 : i32
    scf.for %scan3A_117 = %scan3A_2 to %scan3A_4 step %scan3A_5  : i32 {
      %swap3A = arith.index_cast %scan3A_117 : i32 to index
      %swap3A_118 = arith.constant 0 : index
      %swap3A_119 = tpu.vector_load %arg10[%swap3A, %swap3A_118] {strides = array<i32>} : memref<80x128xf32, #tpu.memory_space<vmem>>, vector<1x16xf32>,
      %swap3A_120 = vector.shape_cast %swap3A_119 : vector<1x16xf32> to vector<16xf32>
      %swap3A_121 = vector.shape_cast %broadcast_in_dim3A_1 : vector<16xf32> to vector<1x16xf32>
      tpu.vector_store %arg10[%swap3A, %swap3A_118], %swap3A_121 {strides = array<i32>} : memref<80x128xf32, #tpu.memory_space<vmem>>, vector<1x16xf32>,
      %swap3A_122 = arith.index_cast %scan3A_117 : i32 to index
      %swap3A_123 = arith.constant 16 : index
      %swap3A_124 = tpu.vector_load %arg10[%swap3A_122, %swap3A_123] {strides = array<i32>} : memref<80x128xf32, #tpu.memory_space<vmem>>, vector<1x16xf32>,
      %swap3A_125 = vector.shape_cast %swap3A_124 : vector<1x16xf32> to vector<16xf32>
      %swap3A_126 = vector.shape_cast %broadcast_in_dim3A_1 : vector<16xf32> to vector<1x16xf32>
      tpu.vector_store %arg10[%swap3A_122, %swap3A_123], %swap3A_126 {strides = array<i32>} : memref<80x128xf32, #tpu.memory_space<vmem>>, vector<1x16xf32>,
      %swap3A_127 = arith.index_cast %scan3A_117 : i32 to index
      %swap3A_128 = arith.constant 32 : index
      %swap3A_129 = tpu.vector_load %arg10[%swap3A_127, %swap3A_128] {strides = array<i32>} : memref<80x128xf32, #tpu.memory_space<vmem>>, vector<1x16xf32>,
      %swap3A_130 = vector.shape_cast %swap3A_129 : vector<1x16xf32> to vector<16xf32>
      %swap3A_131 = vector.shape_cast %broadcast_in_dim3A_1 : vector<16xf32> to vector<1x16xf32>
      tpu.vector_store %arg10[%swap3A_127, %swap3A_128], %swap3A_131 {strides = array<i32>} : memref<80x128xf32, #tpu.memory_space<vmem>>, vector<1x16xf32>,
      %swap3A_132 = arith.index_cast %scan3A_117 : i32 to index
      %swap3A_133 = arith.constant 48 : index
      %swap3A_134 = tpu.vector_load %arg10[%swap3A_132, %swap3A_133] {strides = array<i32>} : memref<80x128xf32, #tpu.memory_space<vmem>>, vector<1x16xf32>,
      %swap3A_135 = vector.shape_cast %swap3A_134 : vector<1x16xf32> to vector<16xf32>
      %swap3A_136 = vector.shape_cast %broadcast_in_dim3A_1 : vector<16xf32> to vector<1x16xf32>
      tpu.vector_store %arg10[%swap3A_132, %swap3A_133], %swap3A_136 {strides = array<i32>} : memref<80x128xf32, #tpu.memory_space<vmem>>, vector<1x16xf32>,
      %swap3A_137 = arith.index_cast %scan3A_117 : i32 to index
      %swap3A_138 = arith.constant 64 : index
      %swap3A_139 = tpu.vector_load %arg10[%swap3A_137, %swap3A_138] {strides = array<i32>} : memref<80x128xf32, #tpu.memory_space<vmem>>, vector<1x16xf32>,
      %swap3A_140 = vector.shape_cast %swap3A_139 : vector<1x16xf32> to vector<16xf32>
      %swap3A_141 = vector.shape_cast %broadcast_in_dim3A_1 : vector<16xf32> to vector<1x16xf32>
      tpu.vector_store %arg10[%swap3A_137, %swap3A_138], %swap3A_141 {strides = array<i32>} : memref<80x128xf32, #tpu.memory_space<vmem>>, vector<1x16xf32>,
      %swap3A_142 = arith.index_cast %scan3A_117 : i32 to index
      %swap3A_143 = arith.constant 80 : index
      %swap3A_144 = tpu.vector_load %arg10[%swap3A_142, %swap3A_143] {strides = array<i32>} : memref<80x128xf32, #tpu.memory_space<vmem>>, vector<1x16xf32>,
      %swap3A_145 = vector.shape_cast %swap3A_144 : vector<1x16xf32> to vector<16xf32>
      %swap3A_146 = vector.shape_cast %broadcast_in_dim3A_1 : vector<16xf32> to vector<1x16xf32>
      tpu.vector_store %arg10[%swap3A_142, %swap3A_143], %swap3A_146 {strides = array<i32>} : memref<80x128xf32, #tpu.memory_space<vmem>>, vector<1x16xf32>,
      %swap3A_147 = arith.index_cast %scan3A_117 : i32 to index
      %swap3A_148 = arith.constant 96 : index
      %swap3A_149 = tpu.vector_load %arg10[%swap3A_147, %swap3A_148] {strides = array<i32>} : memref<80x128xf32, #tpu.memory_space<vmem>>, vector<1x16xf32>,
      %swap3A_150 = vector.shape_cast %swap3A_149 : vector<1x16xf32> to vector<16xf32>
      %swap3A_151 = vector.shape_cast %broadcast_in_dim3A_1 : vector<16xf32> to vector<1x16xf32>
      tpu.vector_store %arg10[%swap3A_147, %swap3A_148], %swap3A_151 {strides = array<i32>} : memref<80x128xf32, #tpu.memory_space<vmem>>, vector<1x16xf32>,
      %swap3A_152 = arith.index_cast %scan3A_117 : i32 to index
      %swap3A_153 = arith.constant 112 : index
      %swap3A_154 = tpu.vector_load %arg10[%swap3A_152, %swap3A_153] {strides = array<i32>} : memref<80x128xf32, #tpu.memory_space<vmem>>, vector<1x16xf32>,
      %swap3A_155 = vector.shape_cast %swap3A_154 : vector<1x16xf32> to vector<16xf32>
      %swap3A_156 = vector.shape_cast %broadcast_in_dim3A_1 : vector<16xf32> to vector<1x16xf32>
      tpu.vector_store %arg10[%swap3A_152, %swap3A_153], %swap3A_156 {strides = array<i32>} : memref<80x128xf32, #tpu.memory_space<vmem>>, vector<1x16xf32>,
    }
    %scan3A_6 = arith.constant 80 : i32
    %mul3A_7 = arith.constant 640 : i32
    %mul3A_8 = arith.muli %arg1, %mul3A_7 : i32
    %add3A_9 = arith.constant 0 : i32
    %add3A_10 = arith.addi %mul3A_8, %add3A_9 : i32
    "tpu.region"() ({
      %run_scoped3A_117 = tpu.sem_alloc : memref<!tpu.dma_semaphore, #tpu.memory_space<semaphore_mem>>
      %dma_start3A_118 = arith.constant 0 : i32
      %dma_start3A_119 = tpu.memref_slice %arg7[%add3A_10, %dma_start3A_118] : memref<10240x128xf32, #tpu.memory_space<vmem_shared>> -> memref<80x128xf32, #tpu.memory_space<vmem_shared>>
      %dma_start3A_120 = arith.constant 0 : i32
      %dma_start3A_121 = tpu.memref_slice %arg7[%add3A_10, %dma_start3A_120] : memref<10240x128xf32, #tpu.memory_space<vmem_shared>> -> memref<80x128xf32, #tpu.memory_space<vmem_shared>>
      tpu.enqueue_dma source(%arg10 : memref<80x128xf32, #tpu.memory_space<vmem>>) target(%dma_start3A_121 : memref<80x128xf32, #tpu.memory_space<vmem_shared>>) target_semaphore(%run_scoped3A_117 : memref<!tpu.dma_semaphore, #tpu.memory_space<semaphore_mem>>)
      %dma_wait3A_122 = arith.constant 0 : i32
      %dma_wait3A_123 = tpu.memref_slice %arg7[%add3A_10, %dma_wait3A_122] : memref<10240x128xf32, #tpu.memory_space<vmem_shared>> -> memref<80x128xf32, #tpu.memory_space<vmem_shared>>
      %dma_wait3A_124 = arith.constant 0 : i32
      %dma_wait3A_125 = tpu.memref_slice %arg7[%add3A_10, %dma_wait3A_124] : memref<10240x128xf32, #tpu.memory_space<vmem_shared>> -> memref<80x128xf32, #tpu.memory_space<vmem_shared>>
      tpu.wait_dma2 semaphore(%run_scoped3A_117 : memref<!tpu.dma_semaphore, #tpu.memory_space<semaphore_mem>>) src(%arg10 : memref<80x128xf32, #tpu.memory_space<vmem>>) dst(%dma_wait3A_125 : memref<80x128xf32, #tpu.memory_space<vmem_shared>>)
      tpu.yield
    }) : () -> ()
    %mul3A_11 = arith.constant 640 : i32
    %mul3A_12 = arith.muli %arg1, %mul3A_11 : i32
    %add3A_13 = arith.constant 80 : i32
    %add3A_14 = arith.addi %mul3A_12, %add3A_13 : i32
    "tpu.region"() ({
      %run_scoped3A_117 = tpu.sem_alloc : memref<!tpu.dma_semaphore, #tpu.memory_space<semaphore_mem>>
      %dma_start3A_118 = arith.constant 0 : i32
      %dma_start3A_119 = tpu.memref_slice %arg7[%add3A_14, %dma_start3A_118] : memref<10240x128xf32, #tpu.memory_space<vmem_shared>> -> memref<80x128xf32, #tpu.memory_space<vmem_shared>>
      %dma_start3A_120 = arith.constant 0 : i32
      %dma_start3A_121 = tpu.memref_slice %arg7[%add3A_14, %dma_start3A_120] : memref<10240x128xf32, #tpu.memory_space<vmem_shared>> -> memref<80x128xf32, #tpu.memory_space<vmem_shared>>
      tpu.enqueue_dma source(%arg10 : memref<80x128xf32, #tpu.memory_space<vmem>>) target(%dma_start3A_121 : memref<80x128xf32, #tpu.memory_space<vmem_shared>>) target_semaphore(%run_scoped3A_117 : memref<!tpu.dma_semaphore, #tpu.memory_space<semaphore_mem>>)
      %dma_wait3A_122 = arith.constant 0 : i32
      %dma_wait3A_123 = tpu.memref_slice %arg7[%add3A_14, %dma_wait3A_122] : memref<10240x128xf32, #tpu.memory_space<vmem_shared>> -> memref<80x128xf32, #tpu.memory_space<vmem_shared>>
      %dma_wait3A_124 = arith.constant 0 : i32
      %dma_wait3A_125 = tpu.memref_slice %arg7[%add3A_14, %dma_wait3A_124] : memref<10240x128xf32, #tpu.memory_space<vmem_shared>> -> memref<80x128xf32, #tpu.memory_space<vmem_shared>>
      tpu.wait_dma2 semaphore(%run_scoped3A_117 : memref<!tpu.dma_semaphore, #tpu.memory_space<semaphore_mem>>) src(%arg10 : memref<80x128xf32, #tpu.memory_space<vmem>>) dst(%dma_wait3A_125 : memref<80x128xf32, #tpu.memory_space<vmem_shared>>)
      tpu.yield
    }) : () -> ()
    %mul3A_15 = arith.constant 640 : i32
    %mul3A_16 = arith.muli %arg1, %mul3A_15 : i32
    %add3A_17 = arith.constant 160 : i32
    %add3A_18 = arith.addi %mul3A_16, %add3A_17 : i32
    "tpu.region"() ({
      %run_scoped3A_117 = tpu.sem_alloc : memref<!tpu.dma_semaphore, #tpu.memory_space<semaphore_mem>>
      %dma_start3A_118 = arith.constant 0 : i32
      %dma_start3A_119 = tpu.memref_slice %arg7[%add3A_18, %dma_start3A_118] : memref<10240x128xf32, #tpu.memory_space<vmem_shared>> -> memref<80x128xf32, #tpu.memory_space<vmem_shared>>
      %dma_start3A_120 = arith.constant 0 : i32
      %dma_start3A_121 = tpu.memref_slice %arg7[%add3A_18, %dma_start3A_120] : memref<10240x128xf32, #tpu.memory_space<vmem_shared>> -> memref<80x128xf32, #tpu.memory_space<vmem_shared>>
      tpu.enqueue_dma source(%arg10 : memref<80x128xf32, #tpu.memory_space<vmem>>) target(%dma_start3A_121 : memref<80x128xf32, #tpu.memory_space<vmem_shared>>) target_semaphore(%run_scoped3A_117 : memref<!tpu.dma_semaphore, #tpu.memory_space<semaphore_mem>>)
      %dma_wait3A_122 = arith.constant 0 : i32
      %dma_wait3A_123 = tpu.memref_slice %arg7[%add3A_18, %dma_wait3A_122] : memref<10240x128xf32, #tpu.memory_space<vmem_shared>> -> memref<80x128xf32, #tpu.memory_space<vmem_shared>>
      %dma_wait3A_124 = arith.constant 0 : i32
      %dma_wait3A_125 = tpu.memref_slice %arg7[%add3A_18, %dma_wait3A_124] : memref<10240x128xf32, #tpu.memory_space<vmem_shared>> -> memref<80x128xf32, #tpu.memory_space<vmem_shared>>
      tpu.wait_dma2 semaphore(%run_scoped3A_117 : memref<!tpu.dma_semaphore, #tpu.memory_space<semaphore_mem>>) src(%arg10 : memref<80x128xf32, #tpu.memory_space<vmem>>) dst(%dma_wait3A_125 : memref<80x128xf32, #tpu.memory_space<vmem_shared>>)
      tpu.yield
    }) : () -> ()
    %mul3A_19 = arith.constant 640 : i32
    %mul3A_20 = arith.muli %arg1, %mul3A_19 : i32
    %add3A_21 = arith.constant 240 : i32
    %add3A_22 = arith.addi %mul3A_20, %add3A_21 : i32
    "tpu.region"() ({
      %run_scoped3A_117 = tpu.sem_alloc : memref<!tpu.dma_semaphore, #tpu.memory_space<semaphore_mem>>
      %dma_start3A_118 = arith.constant 0 : i32
      %dma_start3A_119 = tpu.memref_slice %arg7[%add3A_22, %dma_start3A_118] : memref<10240x128xf32, #tpu.memory_space<vmem_shared>> -> memref<80x128xf32, #tpu.memory_space<vmem_shared>>
      %dma_start3A_120 = arith.constant 0 : i32
      %dma_start3A_121 = tpu.memref_slice %arg7[%add3A_22, %dma_start3A_120] : memref<10240x128xf32, #tpu.memory_space<vmem_shared>> -> memref<80x128xf32, #tpu.memory_space<vmem_shared>>
      tpu.enqueue_dma source(%arg10 : memref<80x128xf32, #tpu.memory_space<vmem>>) target(%dma_start3A_121 : memref<80x128xf32, #tpu.memory_space<vmem_shared>>) target_semaphore(%run_scoped3A_117 : memref<!tpu.dma_semaphore, #tpu.memory_space<semaphore_mem>>)
      %dma_wait3A_122 = arith.constant 0 : i32
      %dma_wait3A_123 = tpu.memref_slice %arg7[%add3A_22, %dma_wait3A_122] : memref<10240x128xf32, #tpu.memory_space<vmem_shared>> -> memref<80x128xf32, #tpu.memory_space<vmem_shared>>
      %dma_wait3A_124 = arith.constant 0 : i32
      %dma_wait3A_125 = tpu.memref_slice %arg7[%add3A_22, %dma_wait3A_124] : memref<10240x128xf32, #tpu.memory_space<vmem_shared>> -> memref<80x128xf32, #tpu.memory_space<vmem_shared>>
      tpu.wait_dma2 semaphore(%run_scoped3A_117 : memref<!tpu.dma_semaphore, #tpu.memory_space<semaphore_mem>>) src(%arg10 : memref<80x128xf32, #tpu.memory_space<vmem>>) dst(%dma_wait3A_125 : memref<80x128xf32, #tpu.memory_space<vmem_shared>>)
      tpu.yield
    }) : () -> ()
    %mul3A_23 = arith.constant 640 : i32
    %mul3A_24 = arith.muli %arg1, %mul3A_23 : i32
    %add3A_25 = arith.constant 320 : i32
    %add3A_26 = arith.addi %mul3A_24, %add3A_25 : i32
    "tpu.region"() ({
      %run_scoped3A_117 = tpu.sem_alloc : memref<!tpu.dma_semaphore, #tpu.memory_space<semaphore_mem>>
      %dma_start3A_118 = arith.constant 0 : i32
      %dma_start3A_119 = tpu.memref_slice %arg7[%add3A_26, %dma_start3A_118] : memref<10240x128xf32, #tpu.memory_space<vmem_shared>> -> memref<80x128xf32, #tpu.memory_space<vmem_shared>>
      %dma_start3A_120 = arith.constant 0 : i32
      %dma_start3A_121 = tpu.memref_slice %arg7[%add3A_26, %dma_start3A_120] : memref<10240x128xf32, #tpu.memory_space<vmem_shared>> -> memref<80x128xf32, #tpu.memory_space<vmem_shared>>
      tpu.enqueue_dma source(%arg10 : memref<80x128xf32, #tpu.memory_space<vmem>>) target(%dma_start3A_121 : memref<80x128xf32, #tpu.memory_space<vmem_shared>>) target_semaphore(%run_scoped3A_117 : memref<!tpu.dma_semaphore, #tpu.memory_space<semaphore_mem>>)
      %dma_wait3A_122 = arith.constant 0 : i32
      %dma_wait3A_123 = tpu.memref_slice %arg7[%add3A_26, %dma_wait3A_122] : memref<10240x128xf32, #tpu.memory_space<vmem_shared>> -> memref<80x128xf32, #tpu.memory_space<vmem_shared>>
      %dma_wait3A_124 = arith.constant 0 : i32
      %dma_wait3A_125 = tpu.memref_slice %arg7[%add3A_26, %dma_wait3A_124] : memref<10240x128xf32, #tpu.memory_space<vmem_shared>> -> memref<80x128xf32, #tpu.memory_space<vmem_shared>>
      tpu.wait_dma2 semaphore(%run_scoped3A_117 : memref<!tpu.dma_semaphore, #tpu.memory_space<semaphore_mem>>) src(%arg10 : memref<80x128xf32, #tpu.memory_space<vmem>>) dst(%dma_wait3A_125 : memref<80x128xf32, #tpu.memory_space<vmem_shared>>)
      tpu.yield
    }) : () -> ()
    %mul3A_27 = arith.constant 640 : i32
    %mul3A_28 = arith.muli %arg1, %mul3A_27 : i32
    %add3A_29 = arith.constant 400 : i32
    %add3A_30 = arith.addi %mul3A_28, %add3A_29 : i32
    "tpu.region"() ({
      %run_scoped3A_117 = tpu.sem_alloc : memref<!tpu.dma_semaphore, #tpu.memory_space<semaphore_mem>>
      %dma_start3A_118 = arith.constant 0 : i32
      %dma_start3A_119 = tpu.memref_slice %arg7[%add3A_30, %dma_start3A_118] : memref<10240x128xf32, #tpu.memory_space<vmem_shared>> -> memref<80x128xf32, #tpu.memory_space<vmem_shared>>
      %dma_start3A_120 = arith.constant 0 : i32
      %dma_start3A_121 = tpu.memref_slice %arg7[%add3A_30, %dma_start3A_120] : memref<10240x128xf32, #tpu.memory_space<vmem_shared>> -> memref<80x128xf32, #tpu.memory_space<vmem_shared>>
      tpu.enqueue_dma source(%arg10 : memref<80x128xf32, #tpu.memory_space<vmem>>) target(%dma_start3A_121 : memref<80x128xf32, #tpu.memory_space<vmem_shared>>) target_semaphore(%run_scoped3A_117 : memref<!tpu.dma_semaphore, #tpu.memory_space<semaphore_mem>>)
      %dma_wait3A_122 = arith.constant 0 : i32
      %dma_wait3A_123 = tpu.memref_slice %arg7[%add3A_30, %dma_wait3A_122] : memref<10240x128xf32, #tpu.memory_space<vmem_shared>> -> memref<80x128xf32, #tpu.memory_space<vmem_shared>>
      %dma_wait3A_124 = arith.constant 0 : i32
      %dma_wait3A_125 = tpu.memref_slice %arg7[%add3A_30, %dma_wait3A_124] : memref<10240x128xf32, #tpu.memory_space<vmem_shared>> -> memref<80x128xf32, #tpu.memory_space<vmem_shared>>
      tpu.wait_dma2 semaphore(%run_scoped3A_117 : memref<!tpu.dma_semaphore, #tpu.memory_space<semaphore_mem>>) src(%arg10 : memref<80x128xf32, #tpu.memory_space<vmem>>) dst(%dma_wait3A_125 : memref<80x128xf32, #tpu.memory_space<vmem_shared>>)
      tpu.yield
    }) : () -> ()
    %mul3A_31 = arith.constant 640 : i32
    %mul3A_32 = arith.muli %arg1, %mul3A_31 : i32
    %add3A_33 = arith.constant 480 : i32
    %add3A_34 = arith.addi %mul3A_32, %add3A_33 : i32
    "tpu.region"() ({
      %run_scoped3A_117 = tpu.sem_alloc : memref<!tpu.dma_semaphore, #tpu.memory_space<semaphore_mem>>
      %dma_start3A_118 = arith.constant 0 : i32
      %dma_start3A_119 = tpu.memref_slice %arg7[%add3A_34, %dma_start3A_118] : memref<10240x128xf32, #tpu.memory_space<vmem_shared>> -> memref<80x128xf32, #tpu.memory_space<vmem_shared>>
      %dma_start3A_120 = arith.constant 0 : i32
      %dma_start3A_121 = tpu.memref_slice %arg7[%add3A_34, %dma_start3A_120] : memref<10240x128xf32, #tpu.memory_space<vmem_shared>> -> memref<80x128xf32, #tpu.memory_space<vmem_shared>>
      tpu.enqueue_dma source(%arg10 : memref<80x128xf32, #tpu.memory_space<vmem>>) target(%dma_start3A_121 : memref<80x128xf32, #tpu.memory_space<vmem_shared>>) target_semaphore(%run_scoped3A_117 : memref<!tpu.dma_semaphore, #tpu.memory_space<semaphore_mem>>)
      %dma_wait3A_122 = arith.constant 0 : i32
      %dma_wait3A_123 = tpu.memref_slice %arg7[%add3A_34, %dma_wait3A_122] : memref<10240x128xf32, #tpu.memory_space<vmem_shared>> -> memref<80x128xf32, #tpu.memory_space<vmem_shared>>
      %dma_wait3A_124 = arith.constant 0 : i32
      %dma_wait3A_125 = tpu.memref_slice %arg7[%add3A_34, %dma_wait3A_124] : memref<10240x128xf32, #tpu.memory_space<vmem_shared>> -> memref<80x128xf32, #tpu.memory_space<vmem_shared>>
      tpu.wait_dma2 semaphore(%run_scoped3A_117 : memref<!tpu.dma_semaphore, #tpu.memory_space<semaphore_mem>>) src(%arg10 : memref<80x128xf32, #tpu.memory_space<vmem>>) dst(%dma_wait3A_125 : memref<80x128xf32, #tpu.memory_space<vmem_shared>>)
      tpu.yield
    }) : () -> ()
    %mul3A_35 = arith.constant 640 : i32
    %mul3A_36 = arith.muli %arg1, %mul3A_35 : i32
    %add3A_37 = arith.constant 560 : i32
    %add3A_38 = arith.addi %mul3A_36, %add3A_37 : i32
    "tpu.region"() ({
      %run_scoped3A_117 = tpu.sem_alloc : memref<!tpu.dma_semaphore, #tpu.memory_space<semaphore_mem>>
      %dma_start3A_118 = arith.constant 0 : i32
      %dma_start3A_119 = tpu.memref_slice %arg7[%add3A_38, %dma_start3A_118] : memref<10240x128xf32, #tpu.memory_space<vmem_shared>> -> memref<80x128xf32, #tpu.memory_space<vmem_shared>>
      %dma_start3A_120 = arith.constant 0 : i32
      %dma_start3A_121 = tpu.memref_slice %arg7[%add3A_38, %dma_start3A_120] : memref<10240x128xf32, #tpu.memory_space<vmem_shared>> -> memref<80x128xf32, #tpu.memory_space<vmem_shared>>
      tpu.enqueue_dma source(%arg10 : memref<80x128xf32, #tpu.memory_space<vmem>>) target(%dma_start3A_121 : memref<80x128xf32, #tpu.memory_space<vmem_shared>>) target_semaphore(%run_scoped3A_117 : memref<!tpu.dma_semaphore, #tpu.memory_space<semaphore_mem>>)
      %dma_wait3A_122 = arith.constant 0 : i32
      %dma_wait3A_123 = tpu.memref_slice %arg7[%add3A_38, %dma_wait3A_122] : memref<10240x128xf32, #tpu.memory_space<vmem_shared>> -> memref<80x128xf32, #tpu.memory_space<vmem_shared>>
      %dma_wait3A_124 = arith.constant 0 : i32
      %dma_wait3A_125 = tpu.memref_slice %arg7[%add3A_38, %dma_wait3A_124] : memref<10240x128xf32, #tpu.memory_space<vmem_shared>> -> memref<80x128xf32, #tpu.memory_space<vmem_shared>>
      tpu.wait_dma2 semaphore(%run_scoped3A_117 : memref<!tpu.dma_semaphore, #tpu.memory_space<semaphore_mem>>) src(%arg10 : memref<80x128xf32, #tpu.memory_space<vmem>>) dst(%dma_wait3A_125 : memref<80x128xf32, #tpu.memory_space<vmem_shared>>)
      tpu.yield
    }) : () -> ()
    %barrier3A = arith.constant 0 : index
    tpu.barrier barrier_id(%barrier3A)
    "tpu.region"() ({
      %run_scoped3A_117 = tpu.sem_alloc : memref<!tpu.dma_semaphore, #tpu.memory_space<semaphore_mem>>
      %dma_start3A_118 = arith.constant 0 : i32
      %dma_start3A_119 = tpu.memref_slice %arg3[%add3A, %dma_start3A_118] : memref<32x10000xi32, #tpu.memory_space<hbm>> -> memref<1x10000xi32, #tpu.memory_space<hbm>>
      %dma_start3A_120 = tpu.memref_squeeze %dma_start3A_119 : memref<1x10000xi32, #tpu.memory_space<hbm>> -> memref<10000xi32, #tpu.memory_space<hbm>>
      %dma_start3A_121 = arith.constant 0 : i32
      %dma_start3A_122 = tpu.memref_slice %arg3[%add3A, %dma_start3A_121] : memref<32x10000xi32, #tpu.memory_space<hbm>> -> memref<1x10000xi32, #tpu.memory_space<hbm>>
      %dma_start3A_123 = tpu.memref_squeeze %dma_start3A_122 : memref<1x10000xi32, #tpu.memory_space<hbm>> -> memref<10000xi32, #tpu.memory_space<hbm>>
      tpu.enqueue_dma source(%dma_start3A_123 : memref<10000xi32, #tpu.memory_space<hbm>>) target(%arg8 : memref<10000xi32, #tpu.memory_space<vmem>>) target_semaphore(%run_scoped3A_117 : memref<!tpu.dma_semaphore, #tpu.memory_space<semaphore_mem>>)
      %dma_wait3A_124 = arith.constant 0 : i32
      %dma_wait3A_125 = tpu.memref_slice %arg3[%add3A, %dma_wait3A_124] : memref<32x10000xi32, #tpu.memory_space<hbm>> -> memref<1x10000xi32, #tpu.memory_space<hbm>>
      %dma_wait3A_126 = tpu.memref_squeeze %dma_wait3A_125 : memref<1x10000xi32, #tpu.memory_space<hbm>> -> memref<10000xi32, #tpu.memory_space<hbm>>
      %dma_wait3A_127 = arith.constant 0 : i32
      %dma_wait3A_128 = tpu.memref_slice %arg3[%add3A, %dma_wait3A_127] : memref<32x10000xi32, #tpu.memory_space<hbm>> -> memref<1x10000xi32, #tpu.memory_space<hbm>>
      %dma_wait3A_129 = tpu.memref_squeeze %dma_wait3A_128 : memref<1x10000xi32, #tpu.memory_space<hbm>> -> memref<10000xi32, #tpu.memory_space<hbm>>
      tpu.wait_dma2 semaphore(%run_scoped3A_117 : memref<!tpu.dma_semaphore, #tpu.memory_space<semaphore_mem>>) src(%dma_wait3A_129 : memref<10000xi32, #tpu.memory_space<hbm>>) dst(%arg8 : memref<10000xi32, #tpu.memory_space<vmem>>)
      tpu.yield
    }) : () -> ()
    "tpu.region"() ({
      %run_scoped3A_117 = tpu.sem_alloc : memref<!tpu.dma_semaphore, #tpu.memory_space<semaphore_mem>>
      %dma_start3A_118 = arith.constant 0 : i32
      %dma_start3A_119 = arith.constant 0 : i32
      %dma_start3A_120 = tpu.memref_slice %arg4[%add3A, %dma_start3A_118, %dma_start3A_119] : memref<32x125x80xi32, #tpu.memory_space<hbm>> -> memref<1x125x80xi32, #tpu.memory_space<hbm>>
      %dma_start3A_121 = tpu.memref_squeeze %dma_start3A_120 : memref<1x125x80xi32, #tpu.memory_space<hbm>> -> memref<125x80xi32, #tpu.memory_space<hbm>>
      %dma_start3A_122 = arith.constant 0 : i32
      %dma_start3A_123 = arith.constant 0 : i32
      %dma_start3A_124 = tpu.memref_slice %arg4[%add3A, %dma_start3A_122, %dma_start3A_123] : memref<32x125x80xi32, #tpu.memory_space<hbm>> -> memref<1x125x80xi32, #tpu.memory_space<hbm>>
      %dma_start3A_125 = tpu.memref_squeeze %dma_start3A_124 : memref<1x125x80xi32, #tpu.memory_space<hbm>> -> memref<125x80xi32, #tpu.memory_space<hbm>>
      tpu.enqueue_dma source(%dma_start3A_125 : memref<125x80xi32, #tpu.memory_space<hbm>>) target(%arg9 : memref<125x80xi32, #tpu.memory_space<vmem>>) target_semaphore(%run_scoped3A_117 : memref<!tpu.dma_semaphore, #tpu.memory_space<semaphore_mem>>)
      %dma_wait3A_126 = arith.constant 0 : i32
      %dma_wait3A_127 = arith.constant 0 : i32
      %dma_wait3A_128 = tpu.memref_slice %arg4[%add3A, %dma_wait3A_126, %dma_wait3A_127] : memref<32x125x80xi32, #tpu.memory_space<hbm>> -> memref<1x125x80xi32, #tpu.memory_space<hbm>>
      %dma_wait3A_129 = tpu.memref_squeeze %dma_wait3A_128 : memref<1x125x80xi32, #tpu.memory_space<hbm>> -> memref<125x80xi32, #tpu.memory_space<hbm>>
      %dma_wait3A_130 = arith.constant 0 : i32
      %dma_wait3A_131 = arith.constant 0 : i32
      %dma_wait3A_132 = tpu.memref_slice %arg4[%add3A, %dma_wait3A_130, %dma_wait3A_131] : memref<32x125x80xi32, #tpu.memory_space<hbm>> -> memref<1x125x80xi32, #tpu.memory_space<hbm>>
      %dma_wait3A_133 = tpu.memref_squeeze %dma_wait3A_132 : memref<1x125x80xi32, #tpu.memory_space<hbm>> -> memref<125x80xi32, #tpu.memory_space<hbm>>
      tpu.wait_dma2 semaphore(%run_scoped3A_117 : memref<!tpu.dma_semaphore, #tpu.memory_space<semaphore_mem>>) src(%dma_wait3A_133 : memref<125x80xi32, #tpu.memory_space<hbm>>) dst(%arg9 : memref<125x80xi32, #tpu.memory_space<vmem>>)
      tpu.yield
    }) : () -> ()
    %dma_start3A = arith.constant 0 : i32
    %dma_start3A_39 = tpu.memref_slice %arg8[%dma_start3A] : memref<10000xi32, #tpu.memory_space<vmem>> -> memref<80xi32, #tpu.memory_space<vmem>>
    %dma_start3A_40 = arith.constant 0 : i32
    %dma_start3A_41 = arith.constant 0 : i32
    %dma_start3A_42 = tpu.memref_slice %arg2[%dma_start3A_40, %dma_start3A_41] : memref<10240x128xf32, #tpu.memory_space<hbm>> -> memref<10240x128xf32, #tpu.memory_space<hbm>>
    tpu.enqueue_indirect_dma source(%dma_start3A_42 : memref<10240x128xf32, #tpu.memory_space<hbm>>) target(%arg10 : memref<80x128xf32, #tpu.memory_space<vmem>>) offsets(%dma_start3A_39 : memref<80xi32, #tpu.memory_space<vmem>>) semaphore(%arg12 : memref<!tpu.dma_semaphore, #tpu.memory_space<semaphore_mem>>)
    %scan3A_43 = arith.constant 0 : i32
    %scan3A_44 = arith.constant 0 : i32
    %scan3A_45 = arith.constant 62 : i32
    %scan3A_46 = arith.addi %scan3A_44, %scan3A_45 : i32
    %scan3A_47 = arith.constant 1 : i32
    scf.for %scan3A_117 = %scan3A_44 to %scan3A_46 step %scan3A_47  : i32 {
      %mul3A_118 = arith.constant 2 : i32
      %mul3A_119 = arith.muli %mul3A_118, %scan3A_117 : i32
      %add3A_120 = arith.constant 1 : i32
      %add3A_121 = arith.addi %mul3A_119, %add3A_120 : i32
      %mul3A_122 = arith.constant 80 : i32
      %mul3A_123 = arith.muli %add3A_121, %mul3A_122 : i32
      %dma_start3A_124 = tpu.memref_slice %arg8[%mul3A_123] : memref<10000xi32, #tpu.memory_space<vmem>> -> memref<80xi32, #tpu.memory_space<vmem>>
      %dma_start3A_125 = arith.constant 0 : i32
      %dma_start3A_126 = arith.constant 0 : i32
      %dma_start3A_127 = tpu.memref_slice %arg2[%dma_start3A_125, %dma_start3A_126] : memref<10240x128xf32, #tpu.memory_space<hbm>> -> memref<10240x128xf32, #tpu.memory_space<hbm>>
      tpu.enqueue_indirect_dma source(%dma_start3A_127 : memref<10240x128xf32, #tpu.memory_space<hbm>>) target(%arg11 : memref<80x128xf32, #tpu.memory_space<vmem>>) offsets(%dma_start3A_124 : memref<80xi32, #tpu.memory_space<vmem>>) semaphore(%arg13 : memref<!tpu.dma_semaphore, #tpu.memory_space<semaphore_mem>>)
      %dma_wait3A_128 = arith.constant 0 : i32
      %dma_wait3A_129 = arith.constant 0 : i32
      %dma_wait3A_130 = tpu.memref_slice %arg2[%dma_wait3A_128, %dma_wait3A_129] : memref<10240x128xf32, #tpu.memory_space<hbm>> -> memref<80x128xf32, #tpu.memory_space<hbm>>
      %dma_wait3A_131 = arith.constant 0 : i32
      %dma_wait3A_132 = arith.constant 0 : i32
      %dma_wait3A_133 = tpu.memref_slice %arg2[%dma_wait3A_131, %dma_wait3A_132] : memref<10240x128xf32, #tpu.memory_space<hbm>> -> memref<80x128xf32, #tpu.memory_space<hbm>>
      tpu.wait_dma2 semaphore(%arg12 : memref<!tpu.dma_semaphore, #tpu.memory_space<semaphore_mem>>) src(%dma_wait3A_133 : memref<80x128xf32, #tpu.memory_space<hbm>>) dst(%arg10 : memref<80x128xf32, #tpu.memory_space<vmem>>)
      "tpu.region"() ({
        %run_scoped3A_150 = tpu.sem_alloc : memref<!tpu.dma_semaphore, #tpu.memory_space<semaphore_mem>>
        %dma_start3A_151 = arith.constant 0 : i32
        %dma_start3A_152 = tpu.memref_slice %arg9[%mul3A_119, %dma_start3A_151] : memref<125x80xi32, #tpu.memory_space<vmem>> -> memref<1x80xi32, #tpu.memory_space<vmem>>
        %dma_start3A_153 = tpu.memref_squeeze %dma_start3A_152 : memref<1x80xi32, #tpu.memory_space<vmem>> -> memref<80xi32, #tpu.memory_space<vmem>>
        %dma_start3A_154 = arith.constant 0 : i32
        %dma_start3A_155 = arith.constant 0 : i32
        %dma_start3A_156 = tpu.memref_slice %arg7[%dma_start3A_154, %dma_start3A_155] : memref<10240x128xf32, #tpu.memory_space<vmem_shared>> -> memref<10240x128xf32, #tpu.memory_space<vmem_shared>>
        tpu.enqueue_indirect_dma source(%arg10 : memref<80x128xf32, #tpu.memory_space<vmem>>) target(%dma_start3A_156 : memref<10240x128xf32, #tpu.memory_space<vmem_shared>>) offsets(%dma_start3A_153 : memref<80xi32, #tpu.memory_space<vmem>>) semaphore(%run_scoped3A_150 : memref<!tpu.dma_semaphore, #tpu.memory_space<semaphore_mem>>) {add = true}
        %dma_wait3A_157 = arith.constant 0 : i32
        %dma_wait3A_158 = tpu.memref_slice %arg9[%mul3A_119, %dma_wait3A_157] : memref<125x80xi32, #tpu.memory_space<vmem>> -> memref<1x80xi32, #tpu.memory_space<vmem>>
        %dma_wait3A_159 = tpu.memref_squeeze %dma_wait3A_158 : memref<1x80xi32, #tpu.memory_space<vmem>> -> memref<80xi32, #tpu.memory_space<vmem>>
        %dma_wait3A_160 = arith.constant 0 : i32
        %dma_wait3A_161 = arith.constant 0 : i32
        %dma_wait3A_162 = tpu.memref_slice %arg7[%dma_wait3A_160, %dma_wait3A_161] : memref<10240x128xf32, #tpu.memory_space<vmem_shared>> -> memref<10240x128xf32, #tpu.memory_space<vmem_shared>>
        tpu.wait_indirect_dma semaphore(%run_scoped3A_150 : memref<!tpu.dma_semaphore, #tpu.memory_space<semaphore_mem>>) src(%arg10 : memref<80x128xf32, #tpu.memory_space<vmem>>) dst(%dma_wait3A_162 : memref<10240x128xf32, #tpu.memory_space<vmem_shared>>)
        tpu.yield
      }) : () -> ()
      %add3A_134 = arith.constant 2 : i32
      %add3A_135 = arith.addi %mul3A_119, %add3A_134 : i32
      %mul3A_136 = arith.constant 80 : i32
      %mul3A_137 = arith.muli %add3A_135, %mul3A_136 : i32
      %dma_start3A_138 = tpu.memref_slice %arg8[%mul3A_137] : memref<10000xi32, #tpu.memory_space<vmem>> -> memref<80xi32, #tpu.memory_space<vmem>>
      %dma_start3A_139 = arith.constant 0 : i32
      %dma_start3A_140 = arith.constant 0 : i32
      %dma_start3A_141 = tpu.memref_slice %arg2[%dma_start3A_139, %dma_start3A_140] : memref<10240x128xf32, #tpu.memory_space<hbm>> -> memref<10240x128xf32, #tpu.memory_space<hbm>>
      tpu.enqueue_indirect_dma source(%dma_start3A_141 : memref<10240x128xf32, #tpu.memory_space<hbm>>) target(%arg10 : memref<80x128xf32, #tpu.memory_space<vmem>>) offsets(%dma_start3A_138 : memref<80xi32, #tpu.memory_space<vmem>>) semaphore(%arg12 : memref<!tpu.dma_semaphore, #tpu.memory_space<semaphore_mem>>)
      %dma_wait3A_142 = arith.constant 0 : i32
      %dma_wait3A_143 = arith.constant 0 : i32
      %dma_wait3A_144 = tpu.memref_slice %arg2[%dma_wait3A_142, %dma_wait3A_143] : memref<10240x128xf32, #tpu.memory_space<hbm>> -> memref<80x128xf32, #tpu.memory_space<hbm>>
      %dma_wait3A_145 = arith.constant 0 : i32
      %dma_wait3A_146 = arith.constant 0 : i32
      %dma_wait3A_147 = tpu.memref_slice %arg2[%dma_wait3A_145, %dma_wait3A_146] : memref<10240x128xf32, #tpu.memory_space<hbm>> -> memref<80x128xf32, #tpu.memory_space<hbm>>
      tpu.wait_dma2 semaphore(%arg13 : memref<!tpu.dma_semaphore, #tpu.memory_space<semaphore_mem>>) src(%dma_wait3A_147 : memref<80x128xf32, #tpu.memory_space<hbm>>) dst(%arg11 : memref<80x128xf32, #tpu.memory_space<vmem>>)
      %add3A_148 = arith.constant 1 : i32
      %add3A_149 = arith.addi %mul3A_119, %add3A_148 : i32
      "tpu.region"() ({
        %run_scoped3A_150 = tpu.sem_alloc : memref<!tpu.dma_semaphore, #tpu.memory_space<semaphore_mem>>
        %dma_start3A_151 = arith.constant 0 : i32
        %dma_start3A_152 = tpu.memref_slice %arg9[%add3A_149, %dma_start3A_151] : memref<125x80xi32, #tpu.memory_space<vmem>> -> memref<1x80xi32, #tpu.memory_space<vmem>>
        %dma_start3A_153 = tpu.memref_squeeze %dma_start3A_152 : memref<1x80xi32, #tpu.memory_space<vmem>> -> memref<80xi32, #tpu.memory_space<vmem>>
        %dma_start3A_154 = arith.constant 0 : i32
        %dma_start3A_155 = arith.constant 0 : i32
        %dma_start3A_156 = tpu.memref_slice %arg7[%dma_start3A_154, %dma_start3A_155] : memref<10240x128xf32, #tpu.memory_space<vmem_shared>> -> memref<10240x128xf32, #tpu.memory_space<vmem_shared>>
        tpu.enqueue_indirect_dma source(%arg11 : memref<80x128xf32, #tpu.memory_space<vmem>>) target(%dma_start3A_156 : memref<10240x128xf32, #tpu.memory_space<vmem_shared>>) offsets(%dma_start3A_153 : memref<80xi32, #tpu.memory_space<vmem>>) semaphore(%run_scoped3A_150 : memref<!tpu.dma_semaphore, #tpu.memory_space<semaphore_mem>>) {add = true}
        %dma_wait3A_157 = arith.constant 0 : i32
        %dma_wait3A_158 = tpu.memref_slice %arg9[%add3A_149, %dma_wait3A_157] : memref<125x80xi32, #tpu.memory_space<vmem>> -> memref<1x80xi32, #tpu.memory_space<vmem>>
        %dma_wait3A_159 = tpu.memref_squeeze %dma_wait3A_158 : memref<1x80xi32, #tpu.memory_space<vmem>> -> memref<80xi32, #tpu.memory_space<vmem>>
        %dma_wait3A_160 = arith.constant 0 : i32
        %dma_wait3A_161 = arith.constant 0 : i32
        %dma_wait3A_162 = tpu.memref_slice %arg7[%dma_wait3A_160, %dma_wait3A_161] : memref<10240x128xf32, #tpu.memory_space<vmem_shared>> -> memref<10240x128xf32, #tpu.memory_space<vmem_shared>>
        tpu.wait_indirect_dma semaphore(%run_scoped3A_150 : memref<!tpu.dma_semaphore, #tpu.memory_space<semaphore_mem>>) src(%arg11 : memref<80x128xf32, #tpu.memory_space<vmem>>) dst(%dma_wait3A_162 : memref<10240x128xf32, #tpu.memory_space<vmem_shared>>)
        tpu.yield
      }) : () -> ()
    }
    %scan3A_48 = arith.constant 62 : i32
    %dma_wait3A = arith.constant 0 : i32
    %dma_wait3A_49 = arith.constant 0 : i32
    %dma_wait3A_50 = tpu.memref_slice %arg2[%dma_wait3A, %dma_wait3A_49] : memref<10240x128xf32, #tpu.memory_space<hbm>> -> memref<80x128xf32, #tpu.memory_space<hbm>>
    %dma_wait3A_51 = arith.constant 0 : i32
    %dma_wait3A_52 = arith.constant 0 : i32
    %dma_wait3A_53 = tpu.memref_slice %arg2[%dma_wait3A_51, %dma_wait3A_52] : memref<10240x128xf32, #tpu.memory_space<hbm>> -> memref<80x128xf32, #tpu.memory_space<hbm>>
    tpu.wait_dma2 semaphore(%arg12 : memref<!tpu.dma_semaphore, #tpu.memory_space<semaphore_mem>>) src(%dma_wait3A_53 : memref<80x128xf32, #tpu.memory_space<hbm>>) dst(%arg10 : memref<80x128xf32, #tpu.memory_space<vmem>>)
    %run_scoped3A = arith.constant 124 : i32
    "tpu.region"() ({
      %run_scoped3A_117 = tpu.sem_alloc : memref<!tpu.dma_semaphore, #tpu.memory_space<semaphore_mem>>
      %dma_start3A_118 = arith.constant 0 : i32
      %dma_start3A_119 = tpu.memref_slice %arg9[%run_scoped3A, %dma_start3A_118] : memref<125x80xi32, #tpu.memory_space<vmem>> -> memref<1x80xi32, #tpu.memory_space<vmem>>
      %dma_start3A_120 = tpu.memref_squeeze %dma_start3A_119 : memref<1x80xi32, #tpu.memory_space<vmem>> -> memref<80xi32, #tpu.memory_space<vmem>>
      %dma_start3A_121 = arith.constant 0 : i32
      %dma_start3A_122 = arith.constant 0 : i32
      %dma_start3A_123 = tpu.memref_slice %arg7[%dma_start3A_121, %dma_start3A_122] : memref<10240x128xf32, #tpu.memory_space<vmem_shared>> -> memref<10240x128xf32, #tpu.memory_space<vmem_shared>>
      tpu.enqueue_indirect_dma source(%arg10 : memref<80x128xf32, #tpu.memory_space<vmem>>) target(%dma_start3A_123 : memref<10240x128xf32, #tpu.memory_space<vmem_shared>>) offsets(%dma_start3A_120 : memref<80xi32, #tpu.memory_space<vmem>>) semaphore(%run_scoped3A_117 : memref<!tpu.dma_semaphore, #tpu.memory_space<semaphore_mem>>) {add = true}
      %dma_wait3A_124 = arith.constant 0 : i32
      %dma_wait3A_125 = tpu.memref_slice %arg9[%run_scoped3A, %dma_wait3A_124] : memref<125x80xi32, #tpu.memory_space<vmem>> -> memref<1x80xi32, #tpu.memory_space<vmem>>
      %dma_wait3A_126 = tpu.memref_squeeze %dma_wait3A_125 : memref<1x80xi32, #tpu.memory_space<vmem>> -> memref<80xi32, #tpu.memory_space<vmem>>
      %dma_wait3A_127 = arith.constant 0 : i32
      %dma_wait3A_128 = arith.constant 0 : i32
      %dma_wait3A_129 = tpu.memref_slice %arg7[%dma_wait3A_127, %dma_wait3A_128] : memref<10240x128xf32, #tpu.memory_space<vmem_shared>> -> memref<10240x128xf32, #tpu.memory_space<vmem_shared>>
      tpu.wait_indirect_dma semaphore(%run_scoped3A_117 : memref<!tpu.dma_semaphore, #tpu.memory_space<semaphore_mem>>) src(%arg10 : memref<80x128xf32, #tpu.memory_space<vmem>>) dst(%dma_wait3A_129 : memref<10240x128xf32, #tpu.memory_space<vmem_shared>>)
      tpu.yield
    }) : () -> ()
    %barrier3A_54 = arith.constant 0 : index
    tpu.barrier barrier_id(%barrier3A_54)
    %mul3A_55 = arith.constant 640 : i32
    %mul3A_56 = arith.muli %arg1, %mul3A_55 : i32
    %mul3A_57 = arith.constant 640 : i32
    %mul3A_58 = arith.muli %arg1, %mul3A_57 : i32
    "tpu.region"() ({
      %run_scoped3A_117 = tpu.sem_alloc : memref<!tpu.dma_semaphore, #tpu.memory_space<semaphore_mem>>
      %dma_start3A_118 = arith.constant 0 : i32
      %dma_start3A_119 = tpu.memref_slice %arg5[%arg0, %mul3A_58, %dma_start3A_118] : memref<2x10240x128xf32, #tpu.memory_space<hbm>> -> memref<1x640x128xf32, #tpu.memory_space<hbm>>
      %dma_start3A_120 = tpu.memref_squeeze %dma_start3A_119 : memref<1x640x128xf32, #tpu.memory_space<hbm>> -> memref<640x128xf32, #tpu.memory_space<hbm>>
      %dma_start3A_121 = arith.constant 0 : i32
      %dma_start3A_122 = tpu.memref_slice %arg7[%mul3A_56, %dma_start3A_121] : memref<10240x128xf32, #tpu.memory_space<vmem_shared>> -> memref<640x128xf32, #tpu.memory_space<vmem_shared>>
      tpu.enqueue_dma source(%dma_start3A_122 : memref<640x128xf32, #tpu.memory_space<vmem_shared>>) target(%dma_start3A_120 : memref<640x128xf32, #tpu.memory_space<hbm>>) target_semaphore(%run_scoped3A_117 : memref<!tpu.dma_semaphore, #tpu.memory_space<semaphore_mem>>)
      %dma_wait3A_123 = arith.constant 0 : i32
      %dma_wait3A_124 = tpu.memref_slice %arg5[%arg0, %mul3A_58, %dma_wait3A_123] : memref<2x10240x128xf32, #tpu.memory_space<hbm>> -> memref<1x640x128xf32, #tpu.memory_space<hbm>>
      %dma_wait3A_125 = tpu.memref_squeeze %dma_wait3A_124 : memref<1x640x128xf32, #tpu.memory_space<hbm>> -> memref<640x128xf32, #tpu.memory_space<hbm>>
      %dma_wait3A_126 = arith.constant 0 : i32
      %dma_wait3A_127 = tpu.memref_slice %arg7[%mul3A_56, %dma_wait3A_126] : memref<10240x128xf32, #tpu.memory_space<vmem_shared>> -> memref<640x128xf32, #tpu.memory_space<vmem_shared>>
      tpu.wait_dma2 semaphore(%run_scoped3A_117 : memref<!tpu.dma_semaphore, #tpu.memory_space<semaphore_mem>>) src(%dma_wait3A_127 : memref<640x128xf32, #tpu.memory_space<vmem_shared>>) dst(%dma_wait3A_125 : memref<640x128xf32, #tpu.memory_space<hbm>>)
      tpu.yield
    }) : () -> ()
    %scan3A_59 = arith.constant 0 : i32
    %scan3A_60 = arith.constant 0 : i32
    %scan3A_61 = arith.constant 80 : i32
    %scan3A_62 = arith.addi %scan3A_60, %scan3A_61 : i32
    %scan3A_63 = arith.constant 1 : i32
    scf.for %scan3A_117 = %scan3A_60 to %scan3A_62 step %scan3A_63  : i32 {
      %swap3A = arith.index_cast %scan3A_117 : i32 to index
      %swap3A_118 = arith.constant 0 : index
      %swap3A_119 = tpu.vector_load %arg10[%swap3A, %swap3A_118] {strides = array<i32>} : memref<80x128xf32, #tpu.memory_space<vmem>>, vector<1x16xf32>,
      %swap3A_120 = vector.shape_cast %swap3A_119 : vector<1x16xf32> to vector<16xf32>
      %swap3A_121 = vector.shape_cast %broadcast_in_dim3A_1 : vector<16xf32> to vector<1x16xf32>
      tpu.vector_store %arg10[%swap3A, %swap3A_118], %swap3A_121 {strides = array<i32>} : memref<80x128xf32, #tpu.memory_space<vmem>>, vector<1x16xf32>,
      %swap3A_122 = arith.index_cast %scan3A_117 : i32 to index
      %swap3A_123 = arith.constant 16 : index
      %swap3A_124 = tpu.vector_load %arg10[%swap3A_122, %swap3A_123] {strides = array<i32>} : memref<80x128xf32, #tpu.memory_space<vmem>>, vector<1x16xf32>,
      %swap3A_125 = vector.shape_cast %swap3A_124 : vector<1x16xf32> to vector<16xf32>
      %swap3A_126 = vector.shape_cast %broadcast_in_dim3A_1 : vector<16xf32> to vector<1x16xf32>
      tpu.vector_store %arg10[%swap3A_122, %swap3A_123], %swap3A_126 {strides = array<i32>} : memref<80x128xf32, #tpu.memory_space<vmem>>, vector<1x16xf32>,
      %swap3A_127 = arith.index_cast %scan3A_117 : i32 to index
      %swap3A_128 = arith.constant 32 : index
      %swap3A_129 = tpu.vector_load %arg10[%swap3A_127, %swap3A_128] {strides = array<i32>} : memref<80x128xf32, #tpu.memory_space<vmem>>, vector<1x16xf32>,
      %swap3A_130 = vector.shape_cast %swap3A_129 : vector<1x16xf32> to vector<16xf32>
      %swap3A_131 = vector.shape_cast %broadcast_in_dim3A_1 : vector<16xf32> to vector<1x16xf32>
      tpu.vector_store %arg10[%swap3A_127, %swap3A_128], %swap3A_131 {strides = array<i32>} : memref<80x128xf32, #tpu.memory_space<vmem>>, vector<1x16xf32>,
      %swap3A_132 = arith.index_cast %scan3A_117 : i32 to index
      %swap3A_133 = arith.constant 48 : index
      %swap3A_134 = tpu.vector_load %arg10[%swap3A_132, %swap3A_133] {strides = array<i32>} : memref<80x128xf32, #tpu.memory_space<vmem>>, vector<1x16xf32>,
      %swap3A_135 = vector.shape_cast %swap3A_134 : vector<1x16xf32> to vector<16xf32>
      %swap3A_136 = vector.shape_cast %broadcast_in_dim3A_1 : vector<16xf32> to vector<1x16xf32>
      tpu.vector_store %arg10[%swap3A_132, %swap3A_133], %swap3A_136 {strides = array<i32>} : memref<80x128xf32, #tpu.memory_space<vmem>>, vector<1x16xf32>,
      %swap3A_137 = arith.index_cast %scan3A_117 : i32 to index
      %swap3A_138 = arith.constant 64 : index
      %swap3A_139 = tpu.vector_load %arg10[%swap3A_137, %swap3A_138] {strides = array<i32>} : memref<80x128xf32, #tpu.memory_space<vmem>>, vector<1x16xf32>,
      %swap3A_140 = vector.shape_cast %swap3A_139 : vector<1x16xf32> to vector<16xf32>
      %swap3A_141 = vector.shape_cast %broadcast_in_dim3A_1 : vector<16xf32> to vector<1x16xf32>
      tpu.vector_store %arg10[%swap3A_137, %swap3A_138], %swap3A_141 {strides = array<i32>} : memref<80x128xf32, #tpu.memory_space<vmem>>, vector<1x16xf32>,
      %swap3A_142 = arith.index_cast %scan3A_117 : i32 to index
      %swap3A_143 = arith.constant 80 : index
      %swap3A_144 = tpu.vector_load %arg10[%swap3A_142, %swap3A_143] {strides = array<i32>} : memref<80x128xf32, #tpu.memory_space<vmem>>, vector<1x16xf32>,
      %swap3A_145 = vector.shape_cast %swap3A_144 : vector<1x16xf32> to vector<16xf32>
      %swap3A_146 = vector.shape_cast %broadcast_in_dim3A_1 : vector<16xf32> to vector<1x16xf32>
      tpu.vector_store %arg10[%swap3A_142, %swap3A_143], %swap3A_146 {strides = array<i32>} : memref<80x128xf32, #tpu.memory_space<vmem>>, vector<1x16xf32>,
      %swap3A_147 = arith.index_cast %scan3A_117 : i32 to index
      %swap3A_148 = arith.constant 96 : index
      %swap3A_149 = tpu.vector_load %arg10[%swap3A_147, %swap3A_148] {strides = array<i32>} : memref<80x128xf32, #tpu.memory_space<vmem>>, vector<1x16xf32>,
      %swap3A_150 = vector.shape_cast %swap3A_149 : vector<1x16xf32> to vector<16xf32>
      %swap3A_151 = vector.shape_cast %broadcast_in_dim3A_1 : vector<16xf32> to vector<1x16xf32>
      tpu.vector_store %arg10[%swap3A_147, %swap3A_148], %swap3A_151 {strides = array<i32>} : memref<80x128xf32, #tpu.memory_space<vmem>>, vector<1x16xf32>,
      %swap3A_152 = arith.index_cast %scan3A_117 : i32 to index
      %swap3A_153 = arith.constant 112 : index
      %swap3A_154 = tpu.vector_load %arg10[%swap3A_152, %swap3A_153] {strides = array<i32>} : memref<80x128xf32, #tpu.memory_space<vmem>>, vector<1x16xf32>,
      %swap3A_155 = vector.shape_cast %swap3A_154 : vector<1x16xf32> to vector<16xf32>
      %swap3A_156 = vector.shape_cast %broadcast_in_dim3A_1 : vector<16xf32> to vector<1x16xf32>
      tpu.vector_store %arg10[%swap3A_152, %swap3A_153], %swap3A_156 {strides = array<i32>} : memref<80x128xf32, #tpu.memory_space<vmem>>, vector<1x16xf32>,
    }
    %scan3A_64 = arith.constant 80 : i32
    %mul3A_65 = arith.constant 640 : i32
    %mul3A_66 = arith.muli %arg1, %mul3A_65 : i32
    %add3A_67 = arith.constant 0 : i32
    %add3A_68 = arith.addi %mul3A_66, %add3A_67 : i32
    "tpu.region"() ({
      %run_scoped3A_117 = tpu.sem_alloc : memref<!tpu.dma_semaphore, #tpu.memory_space<semaphore_mem>>
      %dma_start3A_118 = arith.constant 0 : i32
      %dma_start3A_119 = tpu.memref_slice %arg7[%add3A_68, %dma_start3A_118] : memref<10240x128xf32, #tpu.memory_space<vmem_shared>> -> memref<80x128xf32, #tpu.memory_space<vmem_shared>>
      %dma_start3A_120 = arith.constant 0 : i32
      %dma_start3A_121 = tpu.memref_slice %arg7[%add3A_68, %dma_start3A_120] : memref<10240x128xf32, #tpu.memory_space<vmem_shared>> -> memref<80x128xf32, #tpu.memory_space<vmem_shared>>
      tpu.enqueue_dma source(%arg10 : memref<80x128xf32, #tpu.memory_space<vmem>>) target(%dma_start3A_121 : memref<80x128xf32, #tpu.memory_space<vmem_shared>>) target_semaphore(%run_scoped3A_117 : memref<!tpu.dma_semaphore, #tpu.memory_space<semaphore_mem>>)
      %dma_wait3A_122 = arith.constant 0 : i32
      %dma_wait3A_123 = tpu.memref_slice %arg7[%add3A_68, %dma_wait3A_122] : memref<10240x128xf32, #tpu.memory_space<vmem_shared>> -> memref<80x128xf32, #tpu.memory_space<vmem_shared>>
      %dma_wait3A_124 = arith.constant 0 : i32
      %dma_wait3A_125 = tpu.memref_slice %arg7[%add3A_68, %dma_wait3A_124] : memref<10240x128xf32, #tpu.memory_space<vmem_shared>> -> memref<80x128xf32, #tpu.memory_space<vmem_shared>>
      tpu.wait_dma2 semaphore(%run_scoped3A_117 : memref<!tpu.dma_semaphore, #tpu.memory_space<semaphore_mem>>) src(%arg10 : memref<80x128xf32, #tpu.memory_space<vmem>>) dst(%dma_wait3A_125 : memref<80x128xf32, #tpu.memory_space<vmem_shared>>)
      tpu.yield
    }) : () -> ()
    %mul3A_69 = arith.constant 640 : i32
    %mul3A_70 = arith.muli %arg1, %mul3A_69 : i32
    %add3A_71 = arith.constant 80 : i32
    %add3A_72 = arith.addi %mul3A_70, %add3A_71 : i32
    "tpu.region"() ({
      %run_scoped3A_117 = tpu.sem_alloc : memref<!tpu.dma_semaphore, #tpu.memory_space<semaphore_mem>>
      %dma_start3A_118 = arith.constant 0 : i32
      %dma_start3A_119 = tpu.memref_slice %arg7[%add3A_72, %dma_start3A_118] : memref<10240x128xf32, #tpu.memory_space<vmem_shared>> -> memref<80x128xf32, #tpu.memory_space<vmem_shared>>
      %dma_start3A_120 = arith.constant 0 : i32
      %dma_start3A_121 = tpu.memref_slice %arg7[%add3A_72, %dma_start3A_120] : memref<10240x128xf32, #tpu.memory_space<vmem_shared>> -> memref<80x128xf32, #tpu.memory_space<vmem_shared>>
      tpu.enqueue_dma source(%arg10 : memref<80x128xf32, #tpu.memory_space<vmem>>) target(%dma_start3A_121 : memref<80x128xf32, #tpu.memory_space<vmem_shared>>) target_semaphore(%run_scoped3A_117 : memref<!tpu.dma_semaphore, #tpu.memory_space<semaphore_mem>>)
      %dma_wait3A_122 = arith.constant 0 : i32
      %dma_wait3A_123 = tpu.memref_slice %arg7[%add3A_72, %dma_wait3A_122] : memref<10240x128xf32, #tpu.memory_space<vmem_shared>> -> memref<80x128xf32, #tpu.memory_space<vmem_shared>>
      %dma_wait3A_124 = arith.constant 0 : i32
      %dma_wait3A_125 = tpu.memref_slice %arg7[%add3A_72, %dma_wait3A_124] : memref<10240x128xf32, #tpu.memory_space<vmem_shared>> -> memref<80x128xf32, #tpu.memory_space<vmem_shared>>
      tpu.wait_dma2 semaphore(%run_scoped3A_117 : memref<!tpu.dma_semaphore, #tpu.memory_space<semaphore_mem>>) src(%arg10 : memref<80x128xf32, #tpu.memory_space<vmem>>) dst(%dma_wait3A_125 : memref<80x128xf32, #tpu.memory_space<vmem_shared>>)
      tpu.yield
    }) : () -> ()
    %mul3A_73 = arith.constant 640 : i32
    %mul3A_74 = arith.muli %arg1, %mul3A_73 : i32
    %add3A_75 = arith.constant 160 : i32
    %add3A_76 = arith.addi %mul3A_74, %add3A_75 : i32
    "tpu.region"() ({
      %run_scoped3A_117 = tpu.sem_alloc : memref<!tpu.dma_semaphore, #tpu.memory_space<semaphore_mem>>
      %dma_start3A_118 = arith.constant 0 : i32
      %dma_start3A_119 = tpu.memref_slice %arg7[%add3A_76, %dma_start3A_118] : memref<10240x128xf32, #tpu.memory_space<vmem_shared>> -> memref<80x128xf32, #tpu.memory_space<vmem_shared>>
      %dma_start3A_120 = arith.constant 0 : i32
      %dma_start3A_121 = tpu.memref_slice %arg7[%add3A_76, %dma_start3A_120] : memref<10240x128xf32, #tpu.memory_space<vmem_shared>> -> memref<80x128xf32, #tpu.memory_space<vmem_shared>>
      tpu.enqueue_dma source(%arg10 : memref<80x128xf32, #tpu.memory_space<vmem>>) target(%dma_start3A_121 : memref<80x128xf32, #tpu.memory_space<vmem_shared>>) target_semaphore(%run_scoped3A_117 : memref<!tpu.dma_semaphore, #tpu.memory_space<semaphore_mem>>)
      %dma_wait3A_122 = arith.constant 0 : i32
      %dma_wait3A_123 = tpu.memref_slice %arg7[%add3A_76, %dma_wait3A_122] : memref<10240x128xf32, #tpu.memory_space<vmem_shared>> -> memref<80x128xf32, #tpu.memory_space<vmem_shared>>
      %dma_wait3A_124 = arith.constant 0 : i32
      %dma_wait3A_125 = tpu.memref_slice %arg7[%add3A_76, %dma_wait3A_124] : memref<10240x128xf32, #tpu.memory_space<vmem_shared>> -> memref<80x128xf32, #tpu.memory_space<vmem_shared>>
      tpu.wait_dma2 semaphore(%run_scoped3A_117 : memref<!tpu.dma_semaphore, #tpu.memory_space<semaphore_mem>>) src(%arg10 : memref<80x128xf32, #tpu.memory_space<vmem>>) dst(%dma_wait3A_125 : memref<80x128xf32, #tpu.memory_space<vmem_shared>>)
      tpu.yield
    }) : () -> ()
    %mul3A_77 = arith.constant 640 : i32
    %mul3A_78 = arith.muli %arg1, %mul3A_77 : i32
    %add3A_79 = arith.constant 240 : i32
    %add3A_80 = arith.addi %mul3A_78, %add3A_79 : i32
    "tpu.region"() ({
      %run_scoped3A_117 = tpu.sem_alloc : memref<!tpu.dma_semaphore, #tpu.memory_space<semaphore_mem>>
      %dma_start3A_118 = arith.constant 0 : i32
      %dma_start3A_119 = tpu.memref_slice %arg7[%add3A_80, %dma_start3A_118] : memref<10240x128xf32, #tpu.memory_space<vmem_shared>> -> memref<80x128xf32, #tpu.memory_space<vmem_shared>>
      %dma_start3A_120 = arith.constant 0 : i32
      %dma_start3A_121 = tpu.memref_slice %arg7[%add3A_80, %dma_start3A_120] : memref<10240x128xf32, #tpu.memory_space<vmem_shared>> -> memref<80x128xf32, #tpu.memory_space<vmem_shared>>
      tpu.enqueue_dma source(%arg10 : memref<80x128xf32, #tpu.memory_space<vmem>>) target(%dma_start3A_121 : memref<80x128xf32, #tpu.memory_space<vmem_shared>>) target_semaphore(%run_scoped3A_117 : memref<!tpu.dma_semaphore, #tpu.memory_space<semaphore_mem>>)
      %dma_wait3A_122 = arith.constant 0 : i32
      %dma_wait3A_123 = tpu.memref_slice %arg7[%add3A_80, %dma_wait3A_122] : memref<10240x128xf32, #tpu.memory_space<vmem_shared>> -> memref<80x128xf32, #tpu.memory_space<vmem_shared>>
      %dma_wait3A_124 = arith.constant 0 : i32
      %dma_wait3A_125 = tpu.memref_slice %arg7[%add3A_80, %dma_wait3A_124] : memref<10240x128xf32, #tpu.memory_space<vmem_shared>> -> memref<80x128xf32, #tpu.memory_space<vmem_shared>>
      tpu.wait_dma2 semaphore(%run_scoped3A_117 : memref<!tpu.dma_semaphore, #tpu.memory_space<semaphore_mem>>) src(%arg10 : memref<80x128xf32, #tpu.memory_space<vmem>>) dst(%dma_wait3A_125 : memref<80x128xf32, #tpu.memory_space<vmem_shared>>)
      tpu.yield
    }) : () -> ()
    %mul3A_81 = arith.constant 640 : i32
    %mul3A_82 = arith.muli %arg1, %mul3A_81 : i32
    %add3A_83 = arith.constant 320 : i32
    %add3A_84 = arith.addi %mul3A_82, %add3A_83 : i32
    "tpu.region"() ({
      %run_scoped3A_117 = tpu.sem_alloc : memref<!tpu.dma_semaphore, #tpu.memory_space<semaphore_mem>>
      %dma_start3A_118 = arith.constant 0 : i32
      %dma_start3A_119 = tpu.memref_slice %arg7[%add3A_84, %dma_start3A_118] : memref<10240x128xf32, #tpu.memory_space<vmem_shared>> -> memref<80x128xf32, #tpu.memory_space<vmem_shared>>
      %dma_start3A_120 = arith.constant 0 : i32
      %dma_start3A_121 = tpu.memref_slice %arg7[%add3A_84, %dma_start3A_120] : memref<10240x128xf32, #tpu.memory_space<vmem_shared>> -> memref<80x128xf32, #tpu.memory_space<vmem_shared>>
      tpu.enqueue_dma source(%arg10 : memref<80x128xf32, #tpu.memory_space<vmem>>) target(%dma_start3A_121 : memref<80x128xf32, #tpu.memory_space<vmem_shared>>) target_semaphore(%run_scoped3A_117 : memref<!tpu.dma_semaphore, #tpu.memory_space<semaphore_mem>>)
      %dma_wait3A_122 = arith.constant 0 : i32
      %dma_wait3A_123 = tpu.memref_slice %arg7[%add3A_84, %dma_wait3A_122] : memref<10240x128xf32, #tpu.memory_space<vmem_shared>> -> memref<80x128xf32, #tpu.memory_space<vmem_shared>>
      %dma_wait3A_124 = arith.constant 0 : i32
      %dma_wait3A_125 = tpu.memref_slice %arg7[%add3A_84, %dma_wait3A_124] : memref<10240x128xf32, #tpu.memory_space<vmem_shared>> -> memref<80x128xf32, #tpu.memory_space<vmem_shared>>
      tpu.wait_dma2 semaphore(%run_scoped3A_117 : memref<!tpu.dma_semaphore, #tpu.memory_space<semaphore_mem>>) src(%arg10 : memref<80x128xf32, #tpu.memory_space<vmem>>) dst(%dma_wait3A_125 : memref<80x128xf32, #tpu.memory_space<vmem_shared>>)
      tpu.yield
    }) : () -> ()
    %mul3A_85 = arith.constant 640 : i32
    %mul3A_86 = arith.muli %arg1, %mul3A_85 : i32
    %add3A_87 = arith.constant 400 : i32
    %add3A_88 = arith.addi %mul3A_86, %add3A_87 : i32
    "tpu.region"() ({
      %run_scoped3A_117 = tpu.sem_alloc : memref<!tpu.dma_semaphore, #tpu.memory_space<semaphore_mem>>
      %dma_start3A_118 = arith.constant 0 : i32
      %dma_start3A_119 = tpu.memref_slice %arg7[%add3A_88, %dma_start3A_118] : memref<10240x128xf32, #tpu.memory_space<vmem_shared>> -> memref<80x128xf32, #tpu.memory_space<vmem_shared>>
      %dma_start3A_120 = arith.constant 0 : i32
      %dma_start3A_121 = tpu.memref_slice %arg7[%add3A_88, %dma_start3A_120] : memref<10240x128xf32, #tpu.memory_space<vmem_shared>> -> memref<80x128xf32, #tpu.memory_space<vmem_shared>>
      tpu.enqueue_dma source(%arg10 : memref<80x128xf32, #tpu.memory_space<vmem>>) target(%dma_start3A_121 : memref<80x128xf32, #tpu.memory_space<vmem_shared>>) target_semaphore(%run_scoped3A_117 : memref<!tpu.dma_semaphore, #tpu.memory_space<semaphore_mem>>)
      %dma_wait3A_122 = arith.constant 0 : i32
      %dma_wait3A_123 = tpu.memref_slice %arg7[%add3A_88, %dma_wait3A_122] : memref<10240x128xf32, #tpu.memory_space<vmem_shared>> -> memref<80x128xf32, #tpu.memory_space<vmem_shared>>
      %dma_wait3A_124 = arith.constant 0 : i32
      %dma_wait3A_125 = tpu.memref_slice %arg7[%add3A_88, %dma_wait3A_124] : memref<10240x128xf32, #tpu.memory_space<vmem_shared>> -> memref<80x128xf32, #tpu.memory_space<vmem_shared>>
      tpu.wait_dma2 semaphore(%run_scoped3A_117 : memref<!tpu.dma_semaphore, #tpu.memory_space<semaphore_mem>>) src(%arg10 : memref<80x128xf32, #tpu.memory_space<vmem>>) dst(%dma_wait3A_125 : memref<80x128xf32, #tpu.memory_space<vmem_shared>>)
      tpu.yield
    }) : () -> ()
    %mul3A_89 = arith.constant 640 : i32
    %mul3A_90 = arith.muli %arg1, %mul3A_89 : i32
    %add3A_91 = arith.constant 480 : i32
    %add3A_92 = arith.addi %mul3A_90, %add3A_91 : i32
    "tpu.region"() ({
      %run_scoped3A_117 = tpu.sem_alloc : memref<!tpu.dma_semaphore, #tpu.memory_space<semaphore_mem>>
      %dma_start3A_118 = arith.constant 0 : i32
      %dma_start3A_119 = tpu.memref_slice %arg7[%add3A_92, %dma_start3A_118] : memref<10240x128xf32, #tpu.memory_space<vmem_shared>> -> memref<80x128xf32, #tpu.memory_space<vmem_shared>>
      %dma_start3A_120 = arith.constant 0 : i32
      %dma_start3A_121 = tpu.memref_slice %arg7[%add3A_92, %dma_start3A_120] : memref<10240x128xf32, #tpu.memory_space<vmem_shared>> -> memref<80x128xf32, #tpu.memory_space<vmem_shared>>
      tpu.enqueue_dma source(%arg10 : memref<80x128xf32, #tpu.memory_space<vmem>>) target(%dma_start3A_121 : memref<80x128xf32, #tpu.memory_space<vmem_shared>>) target_semaphore(%run_scoped3A_117 : memref<!tpu.dma_semaphore, #tpu.memory_space<semaphore_mem>>)
      %dma_wait3A_122 = arith.constant 0 : i32
      %dma_wait3A_123 = tpu.memref_slice %arg7[%add3A_92, %dma_wait3A_122] : memref<10240x128xf32, #tpu.memory_space<vmem_shared>> -> memref<80x128xf32, #tpu.memory_space<vmem_shared>>
      %dma_wait3A_124 = arith.constant 0 : i32
      %dma_wait3A_125 = tpu.memref_slice %arg7[%add3A_92, %dma_wait3A_124] : memref<10240x128xf32, #tpu.memory_space<vmem_shared>> -> memref<80x128xf32, #tpu.memory_space<vmem_shared>>
      tpu.wait_dma2 semaphore(%run_scoped3A_117 : memref<!tpu.dma_semaphore, #tpu.memory_space<semaphore_mem>>) src(%arg10 : memref<80x128xf32, #tpu.memory_space<vmem>>) dst(%dma_wait3A_125 : memref<80x128xf32, #tpu.memory_space<vmem_shared>>)
      tpu.yield
    }) : () -> ()
    %mul3A_93 = arith.constant 640 : i32
    %mul3A_94 = arith.muli %arg1, %mul3A_93 : i32
    %add3A_95 = arith.constant 560 : i32
    %add3A_96 = arith.addi %mul3A_94, %add3A_95 : i32
    "tpu.region"() ({
      %run_scoped3A_117 = tpu.sem_alloc : memref<!tpu.dma_semaphore, #tpu.memory_space<semaphore_mem>>
      %dma_start3A_118 = arith.constant 0 : i32
      %dma_start3A_119 = tpu.memref_slice %arg7[%add3A_96, %dma_start3A_118] : memref<10240x128xf32, #tpu.memory_space<vmem_shared>> -> memref<80x128xf32, #tpu.memory_space<vmem_shared>>
      %dma_start3A_120 = arith.constant 0 : i32
      %dma_start3A_121 = tpu.memref_slice %arg7[%add3A_96, %dma_start3A_120] : memref<10240x128xf32, #tpu.memory_space<vmem_shared>> -> memref<80x128xf32, #tpu.memory_space<vmem_shared>>
      tpu.enqueue_dma source(%arg10 : memref<80x128xf32, #tpu.memory_space<vmem>>) target(%dma_start3A_121 : memref<80x128xf32, #tpu.memory_space<vmem_shared>>) target_semaphore(%run_scoped3A_117 : memref<!tpu.dma_semaphore, #tpu.memory_space<semaphore_mem>>)
      %dma_wait3A_122 = arith.constant 0 : i32
      %dma_wait3A_123 = tpu.memref_slice %arg7[%add3A_96, %dma_wait3A_122] : memref<10240x128xf32, #tpu.memory_space<vmem_shared>> -> memref<80x128xf32, #tpu.memory_space<vmem_shared>>
      %dma_wait3A_124 = arith.constant 0 : i32
      %dma_wait3A_125 = tpu.memref_slice %arg7[%add3A_96, %dma_wait3A_124] : memref<10240x128xf32, #tpu.memory_space<vmem_shared>> -> memref<80x128xf32, #tpu.memory_space<vmem_shared>>
      tpu.wait_dma2 semaphore(%run_scoped3A_117 : memref<!tpu.dma_semaphore, #tpu.memory_space<semaphore_mem>>) src(%arg10 : memref<80x128xf32, #tpu.memory_space<vmem>>) dst(%dma_wait3A_125 : memref<80x128xf32, #tpu.memory_space<vmem_shared>>)
      tpu.yield
    }) : () -> ()
    %broadcast_in_dim3A_97 = arith.constant 1.000000e+00 : f32
    %broadcast_in_dim3A_98 = vector.broadcast %broadcast_in_dim3A_97 : f32 to vector<16xf32>
    %scan3A_99 = arith.constant 0 : i32
    %scan3A_100 = arith.constant 0 : i32
    %scan3A_101 = arith.constant 80 : i32
    %scan3A_102 = arith.addi %scan3A_100, %scan3A_101 : i32
    %scan3A_103 = arith.constant 1 : i32
    scf.for %scan3A_117 = %scan3A_100 to %scan3A_102 step %scan3A_103  : i32 {
      %swap3A = arith.index_cast %scan3A_117 : i32 to index
      %swap3A_118 = arith.constant 0 : index
      %swap3A_119 = tpu.vector_load %arg10[%swap3A, %swap3A_118] {strides = array<i32>} : memref<80x128xf32, #tpu.memory_space<vmem>>, vector<1x16xf32>,
      %swap3A_120 = vector.shape_cast %swap3A_119 : vector<1x16xf32> to vector<16xf32>
      %swap3A_121 = vector.shape_cast %broadcast_in_dim3A_98 : vector<16xf32> to vector<1x16xf32>
      tpu.vector_store %arg10[%swap3A, %swap3A_118], %swap3A_121 {strides = array<i32>} : memref<80x128xf32, #tpu.memory_space<vmem>>, vector<1x16xf32>,
      %swap3A_122 = arith.index_cast %scan3A_117 : i32 to index
      %swap3A_123 = arith.constant 16 : index
      %swap3A_124 = tpu.vector_load %arg10[%swap3A_122, %swap3A_123] {strides = array<i32>} : memref<80x128xf32, #tpu.memory_space<vmem>>, vector<1x16xf32>,
      %swap3A_125 = vector.shape_cast %swap3A_124 : vector<1x16xf32> to vector<16xf32>
      %swap3A_126 = vector.shape_cast %broadcast_in_dim3A_98 : vector<16xf32> to vector<1x16xf32>
      tpu.vector_store %arg10[%swap3A_122, %swap3A_123], %swap3A_126 {strides = array<i32>} : memref<80x128xf32, #tpu.memory_space<vmem>>, vector<1x16xf32>,
      %swap3A_127 = arith.index_cast %scan3A_117 : i32 to index
      %swap3A_128 = arith.constant 32 : index
      %swap3A_129 = tpu.vector_load %arg10[%swap3A_127, %swap3A_128] {strides = array<i32>} : memref<80x128xf32, #tpu.memory_space<vmem>>, vector<1x16xf32>,
      %swap3A_130 = vector.shape_cast %swap3A_129 : vector<1x16xf32> to vector<16xf32>
      %swap3A_131 = vector.shape_cast %broadcast_in_dim3A_98 : vector<16xf32> to vector<1x16xf32>
      tpu.vector_store %arg10[%swap3A_127, %swap3A_128], %swap3A_131 {strides = array<i32>} : memref<80x128xf32, #tpu.memory_space<vmem>>, vector<1x16xf32>,
      %swap3A_132 = arith.index_cast %scan3A_117 : i32 to index
      %swap3A_133 = arith.constant 48 : index
      %swap3A_134 = tpu.vector_load %arg10[%swap3A_132, %swap3A_133] {strides = array<i32>} : memref<80x128xf32, #tpu.memory_space<vmem>>, vector<1x16xf32>,
      %swap3A_135 = vector.shape_cast %swap3A_134 : vector<1x16xf32> to vector<16xf32>
      %swap3A_136 = vector.shape_cast %broadcast_in_dim3A_98 : vector<16xf32> to vector<1x16xf32>
      tpu.vector_store %arg10[%swap3A_132, %swap3A_133], %swap3A_136 {strides = array<i32>} : memref<80x128xf32, #tpu.memory_space<vmem>>, vector<1x16xf32>,
      %swap3A_137 = arith.index_cast %scan3A_117 : i32 to index
      %swap3A_138 = arith.constant 64 : index
      %swap3A_139 = tpu.vector_load %arg10[%swap3A_137, %swap3A_138] {strides = array<i32>} : memref<80x128xf32, #tpu.memory_space<vmem>>, vector<1x16xf32>,
      %swap3A_140 = vector.shape_cast %swap3A_139 : vector<1x16xf32> to vector<16xf32>
      %swap3A_141 = vector.shape_cast %broadcast_in_dim3A_98 : vector<16xf32> to vector<1x16xf32>
      tpu.vector_store %arg10[%swap3A_137, %swap3A_138], %swap3A_141 {strides = array<i32>} : memref<80x128xf32, #tpu.memory_space<vmem>>, vector<1x16xf32>,
      %swap3A_142 = arith.index_cast %scan3A_117 : i32 to index
      %swap3A_143 = arith.constant 80 : index
      %swap3A_144 = tpu.vector_load %arg10[%swap3A_142, %swap3A_143] {strides = array<i32>} : memref<80x128xf32, #tpu.memory_space<vmem>>, vector<1x16xf32>,
      %swap3A_145 = vector.shape_cast %swap3A_144 : vector<1x16xf32> to vector<16xf32>
      %swap3A_146 = vector.shape_cast %broadcast_in_dim3A_98 : vector<16xf32> to vector<1x16xf32>
      tpu.vector_store %arg10[%swap3A_142, %swap3A_143], %swap3A_146 {strides = array<i32>} : memref<80x128xf32, #tpu.memory_space<vmem>>, vector<1x16xf32>,
      %swap3A_147 = arith.index_cast %scan3A_117 : i32 to index
      %swap3A_148 = arith.constant 96 : index
      %swap3A_149 = tpu.vector_load %arg10[%swap3A_147, %swap3A_148] {strides = array<i32>} : memref<80x128xf32, #tpu.memory_space<vmem>>, vector<1x16xf32>,
      %swap3A_150 = vector.shape_cast %swap3A_149 : vector<1x16xf32> to vector<16xf32>
      %swap3A_151 = vector.shape_cast %broadcast_in_dim3A_98 : vector<16xf32> to vector<1x16xf32>
      tpu.vector_store %arg10[%swap3A_147, %swap3A_148], %swap3A_151 {strides = array<i32>} : memref<80x128xf32, #tpu.memory_space<vmem>>, vector<1x16xf32>,
      %swap3A_152 = arith.index_cast %scan3A_117 : i32 to index
      %swap3A_153 = arith.constant 112 : index
      %swap3A_154 = tpu.vector_load %arg10[%swap3A_152, %swap3A_153] {strides = array<i32>} : memref<80x128xf32, #tpu.memory_space<vmem>>, vector<1x16xf32>,
      %swap3A_155 = vector.shape_cast %swap3A_154 : vector<1x16xf32> to vector<16xf32>
      %swap3A_156 = vector.shape_cast %broadcast_in_dim3A_98 : vector<16xf32> to vector<1x16xf32>
      tpu.vector_store %arg10[%swap3A_152, %swap3A_153], %swap3A_156 {strides = array<i32>} : memref<80x128xf32, #tpu.memory_space<vmem>>, vector<1x16xf32>,
    }
    %scan3A_104 = arith.constant 80 : i32
    %barrier3A_105 = arith.constant 0 : index
    tpu.barrier barrier_id(%barrier3A_105)
    %scan3A_106 = arith.constant 0 : i32
    %scan3A_107 = arith.constant 0 : i32
    %scan3A_108 = arith.constant 125 : i32
    %scan3A_109 = arith.addi %scan3A_107, %scan3A_108 : i32
    %scan3A_110 = arith.constant 1 : i32
    scf.for %scan3A_117 = %scan3A_107 to %scan3A_109 step %scan3A_110  : i32 {
      "tpu.region"() ({
        %run_scoped3A_118 = tpu.sem_alloc : memref<!tpu.dma_semaphore, #tpu.memory_space<semaphore_mem>>
        %dma_start3A_119 = arith.constant 0 : i32
        %dma_start3A_120 = tpu.memref_slice %arg9[%scan3A_117, %dma_start3A_119] : memref<125x80xi32, #tpu.memory_space<vmem>> -> memref<1x80xi32, #tpu.memory_space<vmem>>
        %dma_start3A_121 = tpu.memref_squeeze %dma_start3A_120 : memref<1x80xi32, #tpu.memory_space<vmem>> -> memref<80xi32, #tpu.memory_space<vmem>>
        %dma_start3A_122 = arith.constant 0 : i32
        %dma_start3A_123 = arith.constant 0 : i32
        %dma_start3A_124 = tpu.memref_slice %arg7[%dma_start3A_122, %dma_start3A_123] : memref<10240x128xf32, #tpu.memory_space<vmem_shared>> -> memref<10240x128xf32, #tpu.memory_space<vmem_shared>>
        tpu.enqueue_indirect_dma source(%arg10 : memref<80x128xf32, #tpu.memory_space<vmem>>) target(%dma_start3A_124 : memref<10240x128xf32, #tpu.memory_space<vmem_shared>>) offsets(%dma_start3A_121 : memref<80xi32, #tpu.memory_space<vmem>>) semaphore(%run_scoped3A_118 : memref<!tpu.dma_semaphore, #tpu.memory_space<semaphore_mem>>) {add = true}
        %dma_wait3A_125 = arith.constant 0 : i32
        %dma_wait3A_126 = tpu.memref_slice %arg9[%scan3A_117, %dma_wait3A_125] : memref<125x80xi32, #tpu.memory_space<vmem>> -> memref<1x80xi32, #tpu.memory_space<vmem>>
        %dma_wait3A_127 = tpu.memref_squeeze %dma_wait3A_126 : memref<1x80xi32, #tpu.memory_space<vmem>> -> memref<80xi32, #tpu.memory_space<vmem>>
        %dma_wait3A_128 = arith.constant 0 : i32
        %dma_wait3A_129 = arith.constant 0 : i32
        %dma_wait3A_130 = tpu.memref_slice %arg7[%dma_wait3A_128, %dma_wait3A_129] : memref<10240x128xf32, #tpu.memory_space<vmem_shared>> -> memref<10240x128xf32, #tpu.memory_space<vmem_shared>>
        tpu.wait_indirect_dma semaphore(%run_scoped3A_118 : memref<!tpu.dma_semaphore, #tpu.memory_space<semaphore_mem>>) src(%arg10 : memref<80x128xf32, #tpu.memory_space<vmem>>) dst(%dma_wait3A_130 : memref<10240x128xf32, #tpu.memory_space<vmem_shared>>)
        tpu.yield
      }) : () -> ()
    }
    %scan3A_111 = arith.constant 125 : i32
    %barrier3A_112 = arith.constant 0 : index
    tpu.barrier barrier_id(%barrier3A_112)
    %mul3A_113 = arith.constant 640 : i32
    %mul3A_114 = arith.muli %arg1, %mul3A_113 : i32
    %mul3A_115 = arith.constant 640 : i32
    %mul3A_116 = arith.muli %arg1, %mul3A_115 : i32
    "tpu.region"() ({
      %run_scoped3A_117 = tpu.sem_alloc : memref<!tpu.dma_semaphore, #tpu.memory_space<semaphore_mem>>
      %dma_start3A_118 = arith.constant 0 : i32
      %dma_start3A_119 = tpu.memref_slice %arg6[%arg0, %mul3A_116, %dma_start3A_118] : memref<2x10240x128xf32, #tpu.memory_space<hbm>> -> memref<1x640x128xf32, #tpu.memory_space<hbm>>
      %dma_start3A_120 = tpu.memref_squeeze %dma_start3A_119 : memref<1x640x128xf32, #tpu.memory_space<hbm>> -> memref<640x128xf32, #tpu.memory_space<hbm>>
      %dma_start3A_121 = arith.constant 0 : i32
      %dma_start3A_122 = tpu.memref_slice %arg7[%mul3A_114, %dma_start3A_121] : memref<10240x128xf32, #tpu.memory_space<vmem_shared>> -> memref<640x128xf32, #tpu.memory_space<vmem_shared>>
      tpu.enqueue_dma source(%dma_start3A_122 : memref<640x128xf32, #tpu.memory_space<vmem_shared>>) target(%dma_start3A_120 : memref<640x128xf32, #tpu.memory_space<hbm>>) target_semaphore(%run_scoped3A_117 : memref<!tpu.dma_semaphore, #tpu.memory_space<semaphore_mem>>)
      %dma_wait3A_123 = arith.constant 0 : i32
      %dma_wait3A_124 = tpu.memref_slice %arg6[%arg0, %mul3A_116, %dma_wait3A_123] : memref<2x10240x128xf32, #tpu.memory_space<hbm>> -> memref<1x640x128xf32, #tpu.memory_space<hbm>>
      %dma_wait3A_125 = tpu.memref_squeeze %dma_wait3A_124 : memref<1x640x128xf32, #tpu.memory_space<hbm>> -> memref<640x128xf32, #tpu.memory_space<hbm>>
      %dma_wait3A_126 = arith.constant 0 : i32
      %dma_wait3A_127 = tpu.memref_slice %arg7[%mul3A_114, %dma_wait3A_126] : memref<10240x128xf32, #tpu.memory_space<vmem_shared>> -> memref<640x128xf32, #tpu.memory_space<vmem_shared>>
      tpu.wait_dma2 semaphore(%run_scoped3A_117 : memref<!tpu.dma_semaphore, #tpu.memory_space<semaphore_mem>>) src(%dma_wait3A_127 : memref<640x128xf32, #tpu.memory_space<vmem_shared>>) dst(%dma_wait3A_125 : memref<640x128xf32, #tpu.memory_space<hbm>>)
      tpu.yield
    }) : () -> ()
    return
  }
}

#map = affine_map<(d0, d1) -> (0, 0)>
#map1 = affine_map<(d0, d1) -> (0, 0, 0)>
module attributes {stable_mosaic.version = 14 : i64} {
  func.func @_sc_agg_body(%arg0: i32, %arg1: i32, %arg2: memref<10240x128xf32, #tpu.memory_space<hbm>>, %arg3: memref<32x10000xi32, #tpu.memory_space<hbm>>, %arg4: memref<32x125x80xi32, #tpu.memory_space<hbm>>, %arg5: memref<2x10240x128xf32, #tpu.memory_space<hbm>>, %arg6: memref<10240x128xf32, #tpu.memory_space<vmem_shared>>, %arg7: memref<10000xi32, #tpu.memory_space<vmem>>, %arg8: memref<125x80xi32, #tpu.memory_space<vmem>>, %arg9: memref<80x128xf32, #tpu.memory_space<vmem>>, %arg10: memref<80x128xf32, #tpu.memory_space<vmem>>, %arg11: memref<!tpu.dma_semaphore, #tpu.memory_space<semaphore_mem>>, %arg12: memref<!tpu.dma_semaphore, #tpu.memory_space<semaphore_mem>>) attributes {dimension_semantics = [#tpu.dimension_semantics<core_parallel>, #tpu.dimension_semantics<subcore_parallel>], iteration_bounds = array<i64: 2, 16>, scalar_prefetch = 0 : i64, scratch_operands = 7 : i64, tpu.core_type = #tpu.core_type<sc_vector_subcore>, window_params = [{transform_indices = #map}, {transform_indices = #map}, {transform_indices = #map1}, {transform_indices = #map1}]} {
    %mul3A = arith.constant 16 : i32
    %mul3A_0 = arith.muli %arg0, %mul3A : i32
    %add3A = arith.addi %mul3A_0, %arg1 : i32
    %broadcast_in_dim3A = arith.constant 0.000000e+00 : f32
    %broadcast_in_dim3A_1 = vector.broadcast %broadcast_in_dim3A : f32 to vector<16xf32>
    %scan3A = arith.constant 0 : i32
    %scan3A_2 = arith.constant 0 : i32
    %scan3A_3 = arith.constant 80 : i32
    %scan3A_4 = arith.addi %scan3A_2, %scan3A_3 : i32
    %scan3A_5 = arith.constant 1 : i32
    scf.for %scan3A_59 = %scan3A_2 to %scan3A_4 step %scan3A_5  : i32 {
      %swap3A = arith.index_cast %scan3A_59 : i32 to index
      %swap3A_60 = arith.constant 0 : index
      %swap3A_61 = tpu.vector_load %arg9[%swap3A, %swap3A_60] {strides = array<i32>} : memref<80x128xf32, #tpu.memory_space<vmem>>, vector<1x16xf32>,
      %swap3A_62 = vector.shape_cast %swap3A_61 : vector<1x16xf32> to vector<16xf32>
      %swap3A_63 = vector.shape_cast %broadcast_in_dim3A_1 : vector<16xf32> to vector<1x16xf32>
      tpu.vector_store %arg9[%swap3A, %swap3A_60], %swap3A_63 {strides = array<i32>} : memref<80x128xf32, #tpu.memory_space<vmem>>, vector<1x16xf32>,
      %swap3A_64 = arith.index_cast %scan3A_59 : i32 to index
      %swap3A_65 = arith.constant 16 : index
      %swap3A_66 = tpu.vector_load %arg9[%swap3A_64, %swap3A_65] {strides = array<i32>} : memref<80x128xf32, #tpu.memory_space<vmem>>, vector<1x16xf32>,
      %swap3A_67 = vector.shape_cast %swap3A_66 : vector<1x16xf32> to vector<16xf32>
      %swap3A_68 = vector.shape_cast %broadcast_in_dim3A_1 : vector<16xf32> to vector<1x16xf32>
      tpu.vector_store %arg9[%swap3A_64, %swap3A_65], %swap3A_68 {strides = array<i32>} : memref<80x128xf32, #tpu.memory_space<vmem>>, vector<1x16xf32>,
      %swap3A_69 = arith.index_cast %scan3A_59 : i32 to index
      %swap3A_70 = arith.constant 32 : index
      %swap3A_71 = tpu.vector_load %arg9[%swap3A_69, %swap3A_70] {strides = array<i32>} : memref<80x128xf32, #tpu.memory_space<vmem>>, vector<1x16xf32>,
      %swap3A_72 = vector.shape_cast %swap3A_71 : vector<1x16xf32> to vector<16xf32>
      %swap3A_73 = vector.shape_cast %broadcast_in_dim3A_1 : vector<16xf32> to vector<1x16xf32>
      tpu.vector_store %arg9[%swap3A_69, %swap3A_70], %swap3A_73 {strides = array<i32>} : memref<80x128xf32, #tpu.memory_space<vmem>>, vector<1x16xf32>,
      %swap3A_74 = arith.index_cast %scan3A_59 : i32 to index
      %swap3A_75 = arith.constant 48 : index
      %swap3A_76 = tpu.vector_load %arg9[%swap3A_74, %swap3A_75] {strides = array<i32>} : memref<80x128xf32, #tpu.memory_space<vmem>>, vector<1x16xf32>,
      %swap3A_77 = vector.shape_cast %swap3A_76 : vector<1x16xf32> to vector<16xf32>
      %swap3A_78 = vector.shape_cast %broadcast_in_dim3A_1 : vector<16xf32> to vector<1x16xf32>
      tpu.vector_store %arg9[%swap3A_74, %swap3A_75], %swap3A_78 {strides = array<i32>} : memref<80x128xf32, #tpu.memory_space<vmem>>, vector<1x16xf32>,
      %swap3A_79 = arith.index_cast %scan3A_59 : i32 to index
      %swap3A_80 = arith.constant 64 : index
      %swap3A_81 = tpu.vector_load %arg9[%swap3A_79, %swap3A_80] {strides = array<i32>} : memref<80x128xf32, #tpu.memory_space<vmem>>, vector<1x16xf32>,
      %swap3A_82 = vector.shape_cast %swap3A_81 : vector<1x16xf32> to vector<16xf32>
      %swap3A_83 = vector.shape_cast %broadcast_in_dim3A_1 : vector<16xf32> to vector<1x16xf32>
      tpu.vector_store %arg9[%swap3A_79, %swap3A_80], %swap3A_83 {strides = array<i32>} : memref<80x128xf32, #tpu.memory_space<vmem>>, vector<1x16xf32>,
      %swap3A_84 = arith.index_cast %scan3A_59 : i32 to index
      %swap3A_85 = arith.constant 80 : index
      %swap3A_86 = tpu.vector_load %arg9[%swap3A_84, %swap3A_85] {strides = array<i32>} : memref<80x128xf32, #tpu.memory_space<vmem>>, vector<1x16xf32>,
      %swap3A_87 = vector.shape_cast %swap3A_86 : vector<1x16xf32> to vector<16xf32>
      %swap3A_88 = vector.shape_cast %broadcast_in_dim3A_1 : vector<16xf32> to vector<1x16xf32>
      tpu.vector_store %arg9[%swap3A_84, %swap3A_85], %swap3A_88 {strides = array<i32>} : memref<80x128xf32, #tpu.memory_space<vmem>>, vector<1x16xf32>,
      %swap3A_89 = arith.index_cast %scan3A_59 : i32 to index
      %swap3A_90 = arith.constant 96 : index
      %swap3A_91 = tpu.vector_load %arg9[%swap3A_89, %swap3A_90] {strides = array<i32>} : memref<80x128xf32, #tpu.memory_space<vmem>>, vector<1x16xf32>,
      %swap3A_92 = vector.shape_cast %swap3A_91 : vector<1x16xf32> to vector<16xf32>
      %swap3A_93 = vector.shape_cast %broadcast_in_dim3A_1 : vector<16xf32> to vector<1x16xf32>
      tpu.vector_store %arg9[%swap3A_89, %swap3A_90], %swap3A_93 {strides = array<i32>} : memref<80x128xf32, #tpu.memory_space<vmem>>, vector<1x16xf32>,
      %swap3A_94 = arith.index_cast %scan3A_59 : i32 to index
      %swap3A_95 = arith.constant 112 : index
      %swap3A_96 = tpu.vector_load %arg9[%swap3A_94, %swap3A_95] {strides = array<i32>} : memref<80x128xf32, #tpu.memory_space<vmem>>, vector<1x16xf32>,
      %swap3A_97 = vector.shape_cast %swap3A_96 : vector<1x16xf32> to vector<16xf32>
      %swap3A_98 = vector.shape_cast %broadcast_in_dim3A_1 : vector<16xf32> to vector<1x16xf32>
      tpu.vector_store %arg9[%swap3A_94, %swap3A_95], %swap3A_98 {strides = array<i32>} : memref<80x128xf32, #tpu.memory_space<vmem>>, vector<1x16xf32>,
    }
    %scan3A_6 = arith.constant 80 : i32
    %mul3A_7 = arith.constant 640 : i32
    %mul3A_8 = arith.muli %arg1, %mul3A_7 : i32
    %add3A_9 = arith.constant 0 : i32
    %add3A_10 = arith.addi %mul3A_8, %add3A_9 : i32
    "tpu.region"() ({
      %run_scoped3A_59 = tpu.sem_alloc : memref<!tpu.dma_semaphore, #tpu.memory_space<semaphore_mem>>
      %dma_start3A_60 = arith.constant 0 : i32
      %dma_start3A_61 = tpu.memref_slice %arg6[%add3A_10, %dma_start3A_60] : memref<10240x128xf32, #tpu.memory_space<vmem_shared>> -> memref<80x128xf32, #tpu.memory_space<vmem_shared>>
      %dma_start3A_62 = arith.constant 0 : i32
      %dma_start3A_63 = tpu.memref_slice %arg6[%add3A_10, %dma_start3A_62] : memref<10240x128xf32, #tpu.memory_space<vmem_shared>> -> memref<80x128xf32, #tpu.memory_space<vmem_shared>>
      tpu.enqueue_dma source(%arg9 : memref<80x128xf32, #tpu.memory_space<vmem>>) target(%dma_start3A_63 : memref<80x128xf32, #tpu.memory_space<vmem_shared>>) target_semaphore(%run_scoped3A_59 : memref<!tpu.dma_semaphore, #tpu.memory_space<semaphore_mem>>)
      %dma_wait3A_64 = arith.constant 0 : i32
      %dma_wait3A_65 = tpu.memref_slice %arg6[%add3A_10, %dma_wait3A_64] : memref<10240x128xf32, #tpu.memory_space<vmem_shared>> -> memref<80x128xf32, #tpu.memory_space<vmem_shared>>
      %dma_wait3A_66 = arith.constant 0 : i32
      %dma_wait3A_67 = tpu.memref_slice %arg6[%add3A_10, %dma_wait3A_66] : memref<10240x128xf32, #tpu.memory_space<vmem_shared>> -> memref<80x128xf32, #tpu.memory_space<vmem_shared>>
      tpu.wait_dma2 semaphore(%run_scoped3A_59 : memref<!tpu.dma_semaphore, #tpu.memory_space<semaphore_mem>>) src(%arg9 : memref<80x128xf32, #tpu.memory_space<vmem>>) dst(%dma_wait3A_67 : memref<80x128xf32, #tpu.memory_space<vmem_shared>>)
      tpu.yield
    }) : () -> ()
    %mul3A_11 = arith.constant 640 : i32
    %mul3A_12 = arith.muli %arg1, %mul3A_11 : i32
    %add3A_13 = arith.constant 80 : i32
    %add3A_14 = arith.addi %mul3A_12, %add3A_13 : i32
    "tpu.region"() ({
      %run_scoped3A_59 = tpu.sem_alloc : memref<!tpu.dma_semaphore, #tpu.memory_space<semaphore_mem>>
      %dma_start3A_60 = arith.constant 0 : i32
      %dma_start3A_61 = tpu.memref_slice %arg6[%add3A_14, %dma_start3A_60] : memref<10240x128xf32, #tpu.memory_space<vmem_shared>> -> memref<80x128xf32, #tpu.memory_space<vmem_shared>>
      %dma_start3A_62 = arith.constant 0 : i32
      %dma_start3A_63 = tpu.memref_slice %arg6[%add3A_14, %dma_start3A_62] : memref<10240x128xf32, #tpu.memory_space<vmem_shared>> -> memref<80x128xf32, #tpu.memory_space<vmem_shared>>
      tpu.enqueue_dma source(%arg9 : memref<80x128xf32, #tpu.memory_space<vmem>>) target(%dma_start3A_63 : memref<80x128xf32, #tpu.memory_space<vmem_shared>>) target_semaphore(%run_scoped3A_59 : memref<!tpu.dma_semaphore, #tpu.memory_space<semaphore_mem>>)
      %dma_wait3A_64 = arith.constant 0 : i32
      %dma_wait3A_65 = tpu.memref_slice %arg6[%add3A_14, %dma_wait3A_64] : memref<10240x128xf32, #tpu.memory_space<vmem_shared>> -> memref<80x128xf32, #tpu.memory_space<vmem_shared>>
      %dma_wait3A_66 = arith.constant 0 : i32
      %dma_wait3A_67 = tpu.memref_slice %arg6[%add3A_14, %dma_wait3A_66] : memref<10240x128xf32, #tpu.memory_space<vmem_shared>> -> memref<80x128xf32, #tpu.memory_space<vmem_shared>>
      tpu.wait_dma2 semaphore(%run_scoped3A_59 : memref<!tpu.dma_semaphore, #tpu.memory_space<semaphore_mem>>) src(%arg9 : memref<80x128xf32, #tpu.memory_space<vmem>>) dst(%dma_wait3A_67 : memref<80x128xf32, #tpu.memory_space<vmem_shared>>)
      tpu.yield
    }) : () -> ()
    %mul3A_15 = arith.constant 640 : i32
    %mul3A_16 = arith.muli %arg1, %mul3A_15 : i32
    %add3A_17 = arith.constant 160 : i32
    %add3A_18 = arith.addi %mul3A_16, %add3A_17 : i32
    "tpu.region"() ({
      %run_scoped3A_59 = tpu.sem_alloc : memref<!tpu.dma_semaphore, #tpu.memory_space<semaphore_mem>>
      %dma_start3A_60 = arith.constant 0 : i32
      %dma_start3A_61 = tpu.memref_slice %arg6[%add3A_18, %dma_start3A_60] : memref<10240x128xf32, #tpu.memory_space<vmem_shared>> -> memref<80x128xf32, #tpu.memory_space<vmem_shared>>
      %dma_start3A_62 = arith.constant 0 : i32
      %dma_start3A_63 = tpu.memref_slice %arg6[%add3A_18, %dma_start3A_62] : memref<10240x128xf32, #tpu.memory_space<vmem_shared>> -> memref<80x128xf32, #tpu.memory_space<vmem_shared>>
      tpu.enqueue_dma source(%arg9 : memref<80x128xf32, #tpu.memory_space<vmem>>) target(%dma_start3A_63 : memref<80x128xf32, #tpu.memory_space<vmem_shared>>) target_semaphore(%run_scoped3A_59 : memref<!tpu.dma_semaphore, #tpu.memory_space<semaphore_mem>>)
      %dma_wait3A_64 = arith.constant 0 : i32
      %dma_wait3A_65 = tpu.memref_slice %arg6[%add3A_18, %dma_wait3A_64] : memref<10240x128xf32, #tpu.memory_space<vmem_shared>> -> memref<80x128xf32, #tpu.memory_space<vmem_shared>>
      %dma_wait3A_66 = arith.constant 0 : i32
      %dma_wait3A_67 = tpu.memref_slice %arg6[%add3A_18, %dma_wait3A_66] : memref<10240x128xf32, #tpu.memory_space<vmem_shared>> -> memref<80x128xf32, #tpu.memory_space<vmem_shared>>
      tpu.wait_dma2 semaphore(%run_scoped3A_59 : memref<!tpu.dma_semaphore, #tpu.memory_space<semaphore_mem>>) src(%arg9 : memref<80x128xf32, #tpu.memory_space<vmem>>) dst(%dma_wait3A_67 : memref<80x128xf32, #tpu.memory_space<vmem_shared>>)
      tpu.yield
    }) : () -> ()
    %mul3A_19 = arith.constant 640 : i32
    %mul3A_20 = arith.muli %arg1, %mul3A_19 : i32
    %add3A_21 = arith.constant 240 : i32
    %add3A_22 = arith.addi %mul3A_20, %add3A_21 : i32
    "tpu.region"() ({
      %run_scoped3A_59 = tpu.sem_alloc : memref<!tpu.dma_semaphore, #tpu.memory_space<semaphore_mem>>
      %dma_start3A_60 = arith.constant 0 : i32
      %dma_start3A_61 = tpu.memref_slice %arg6[%add3A_22, %dma_start3A_60] : memref<10240x128xf32, #tpu.memory_space<vmem_shared>> -> memref<80x128xf32, #tpu.memory_space<vmem_shared>>
      %dma_start3A_62 = arith.constant 0 : i32
      %dma_start3A_63 = tpu.memref_slice %arg6[%add3A_22, %dma_start3A_62] : memref<10240x128xf32, #tpu.memory_space<vmem_shared>> -> memref<80x128xf32, #tpu.memory_space<vmem_shared>>
      tpu.enqueue_dma source(%arg9 : memref<80x128xf32, #tpu.memory_space<vmem>>) target(%dma_start3A_63 : memref<80x128xf32, #tpu.memory_space<vmem_shared>>) target_semaphore(%run_scoped3A_59 : memref<!tpu.dma_semaphore, #tpu.memory_space<semaphore_mem>>)
      %dma_wait3A_64 = arith.constant 0 : i32
      %dma_wait3A_65 = tpu.memref_slice %arg6[%add3A_22, %dma_wait3A_64] : memref<10240x128xf32, #tpu.memory_space<vmem_shared>> -> memref<80x128xf32, #tpu.memory_space<vmem_shared>>
      %dma_wait3A_66 = arith.constant 0 : i32
      %dma_wait3A_67 = tpu.memref_slice %arg6[%add3A_22, %dma_wait3A_66] : memref<10240x128xf32, #tpu.memory_space<vmem_shared>> -> memref<80x128xf32, #tpu.memory_space<vmem_shared>>
      tpu.wait_dma2 semaphore(%run_scoped3A_59 : memref<!tpu.dma_semaphore, #tpu.memory_space<semaphore_mem>>) src(%arg9 : memref<80x128xf32, #tpu.memory_space<vmem>>) dst(%dma_wait3A_67 : memref<80x128xf32, #tpu.memory_space<vmem_shared>>)
      tpu.yield
    }) : () -> ()
    %mul3A_23 = arith.constant 640 : i32
    %mul3A_24 = arith.muli %arg1, %mul3A_23 : i32
    %add3A_25 = arith.constant 320 : i32
    %add3A_26 = arith.addi %mul3A_24, %add3A_25 : i32
    "tpu.region"() ({
      %run_scoped3A_59 = tpu.sem_alloc : memref<!tpu.dma_semaphore, #tpu.memory_space<semaphore_mem>>
      %dma_start3A_60 = arith.constant 0 : i32
      %dma_start3A_61 = tpu.memref_slice %arg6[%add3A_26, %dma_start3A_60] : memref<10240x128xf32, #tpu.memory_space<vmem_shared>> -> memref<80x128xf32, #tpu.memory_space<vmem_shared>>
      %dma_start3A_62 = arith.constant 0 : i32
      %dma_start3A_63 = tpu.memref_slice %arg6[%add3A_26, %dma_start3A_62] : memref<10240x128xf32, #tpu.memory_space<vmem_shared>> -> memref<80x128xf32, #tpu.memory_space<vmem_shared>>
      tpu.enqueue_dma source(%arg9 : memref<80x128xf32, #tpu.memory_space<vmem>>) target(%dma_start3A_63 : memref<80x128xf32, #tpu.memory_space<vmem_shared>>) target_semaphore(%run_scoped3A_59 : memref<!tpu.dma_semaphore, #tpu.memory_space<semaphore_mem>>)
      %dma_wait3A_64 = arith.constant 0 : i32
      %dma_wait3A_65 = tpu.memref_slice %arg6[%add3A_26, %dma_wait3A_64] : memref<10240x128xf32, #tpu.memory_space<vmem_shared>> -> memref<80x128xf32, #tpu.memory_space<vmem_shared>>
      %dma_wait3A_66 = arith.constant 0 : i32
      %dma_wait3A_67 = tpu.memref_slice %arg6[%add3A_26, %dma_wait3A_66] : memref<10240x128xf32, #tpu.memory_space<vmem_shared>> -> memref<80x128xf32, #tpu.memory_space<vmem_shared>>
      tpu.wait_dma2 semaphore(%run_scoped3A_59 : memref<!tpu.dma_semaphore, #tpu.memory_space<semaphore_mem>>) src(%arg9 : memref<80x128xf32, #tpu.memory_space<vmem>>) dst(%dma_wait3A_67 : memref<80x128xf32, #tpu.memory_space<vmem_shared>>)
      tpu.yield
    }) : () -> ()
    %mul3A_27 = arith.constant 640 : i32
    %mul3A_28 = arith.muli %arg1, %mul3A_27 : i32
    %add3A_29 = arith.constant 400 : i32
    %add3A_30 = arith.addi %mul3A_28, %add3A_29 : i32
    "tpu.region"() ({
      %run_scoped3A_59 = tpu.sem_alloc : memref<!tpu.dma_semaphore, #tpu.memory_space<semaphore_mem>>
      %dma_start3A_60 = arith.constant 0 : i32
      %dma_start3A_61 = tpu.memref_slice %arg6[%add3A_30, %dma_start3A_60] : memref<10240x128xf32, #tpu.memory_space<vmem_shared>> -> memref<80x128xf32, #tpu.memory_space<vmem_shared>>
      %dma_start3A_62 = arith.constant 0 : i32
      %dma_start3A_63 = tpu.memref_slice %arg6[%add3A_30, %dma_start3A_62] : memref<10240x128xf32, #tpu.memory_space<vmem_shared>> -> memref<80x128xf32, #tpu.memory_space<vmem_shared>>
      tpu.enqueue_dma source(%arg9 : memref<80x128xf32, #tpu.memory_space<vmem>>) target(%dma_start3A_63 : memref<80x128xf32, #tpu.memory_space<vmem_shared>>) target_semaphore(%run_scoped3A_59 : memref<!tpu.dma_semaphore, #tpu.memory_space<semaphore_mem>>)
      %dma_wait3A_64 = arith.constant 0 : i32
      %dma_wait3A_65 = tpu.memref_slice %arg6[%add3A_30, %dma_wait3A_64] : memref<10240x128xf32, #tpu.memory_space<vmem_shared>> -> memref<80x128xf32, #tpu.memory_space<vmem_shared>>
      %dma_wait3A_66 = arith.constant 0 : i32
      %dma_wait3A_67 = tpu.memref_slice %arg6[%add3A_30, %dma_wait3A_66] : memref<10240x128xf32, #tpu.memory_space<vmem_shared>> -> memref<80x128xf32, #tpu.memory_space<vmem_shared>>
      tpu.wait_dma2 semaphore(%run_scoped3A_59 : memref<!tpu.dma_semaphore, #tpu.memory_space<semaphore_mem>>) src(%arg9 : memref<80x128xf32, #tpu.memory_space<vmem>>) dst(%dma_wait3A_67 : memref<80x128xf32, #tpu.memory_space<vmem_shared>>)
      tpu.yield
    }) : () -> ()
    %mul3A_31 = arith.constant 640 : i32
    %mul3A_32 = arith.muli %arg1, %mul3A_31 : i32
    %add3A_33 = arith.constant 480 : i32
    %add3A_34 = arith.addi %mul3A_32, %add3A_33 : i32
    "tpu.region"() ({
      %run_scoped3A_59 = tpu.sem_alloc : memref<!tpu.dma_semaphore, #tpu.memory_space<semaphore_mem>>
      %dma_start3A_60 = arith.constant 0 : i32
      %dma_start3A_61 = tpu.memref_slice %arg6[%add3A_34, %dma_start3A_60] : memref<10240x128xf32, #tpu.memory_space<vmem_shared>> -> memref<80x128xf32, #tpu.memory_space<vmem_shared>>
      %dma_start3A_62 = arith.constant 0 : i32
      %dma_start3A_63 = tpu.memref_slice %arg6[%add3A_34, %dma_start3A_62] : memref<10240x128xf32, #tpu.memory_space<vmem_shared>> -> memref<80x128xf32, #tpu.memory_space<vmem_shared>>
      tpu.enqueue_dma source(%arg9 : memref<80x128xf32, #tpu.memory_space<vmem>>) target(%dma_start3A_63 : memref<80x128xf32, #tpu.memory_space<vmem_shared>>) target_semaphore(%run_scoped3A_59 : memref<!tpu.dma_semaphore, #tpu.memory_space<semaphore_mem>>)
      %dma_wait3A_64 = arith.constant 0 : i32
      %dma_wait3A_65 = tpu.memref_slice %arg6[%add3A_34, %dma_wait3A_64] : memref<10240x128xf32, #tpu.memory_space<vmem_shared>> -> memref<80x128xf32, #tpu.memory_space<vmem_shared>>
      %dma_wait3A_66 = arith.constant 0 : i32
      %dma_wait3A_67 = tpu.memref_slice %arg6[%add3A_34, %dma_wait3A_66] : memref<10240x128xf32, #tpu.memory_space<vmem_shared>> -> memref<80x128xf32, #tpu.memory_space<vmem_shared>>
      tpu.wait_dma2 semaphore(%run_scoped3A_59 : memref<!tpu.dma_semaphore, #tpu.memory_space<semaphore_mem>>) src(%arg9 : memref<80x128xf32, #tpu.memory_space<vmem>>) dst(%dma_wait3A_67 : memref<80x128xf32, #tpu.memory_space<vmem_shared>>)
      tpu.yield
    }) : () -> ()
    %mul3A_35 = arith.constant 640 : i32
    %mul3A_36 = arith.muli %arg1, %mul3A_35 : i32
    %add3A_37 = arith.constant 560 : i32
    %add3A_38 = arith.addi %mul3A_36, %add3A_37 : i32
    "tpu.region"() ({
      %run_scoped3A_59 = tpu.sem_alloc : memref<!tpu.dma_semaphore, #tpu.memory_space<semaphore_mem>>
      %dma_start3A_60 = arith.constant 0 : i32
      %dma_start3A_61 = tpu.memref_slice %arg6[%add3A_38, %dma_start3A_60] : memref<10240x128xf32, #tpu.memory_space<vmem_shared>> -> memref<80x128xf32, #tpu.memory_space<vmem_shared>>
      %dma_start3A_62 = arith.constant 0 : i32
      %dma_start3A_63 = tpu.memref_slice %arg6[%add3A_38, %dma_start3A_62] : memref<10240x128xf32, #tpu.memory_space<vmem_shared>> -> memref<80x128xf32, #tpu.memory_space<vmem_shared>>
      tpu.enqueue_dma source(%arg9 : memref<80x128xf32, #tpu.memory_space<vmem>>) target(%dma_start3A_63 : memref<80x128xf32, #tpu.memory_space<vmem_shared>>) target_semaphore(%run_scoped3A_59 : memref<!tpu.dma_semaphore, #tpu.memory_space<semaphore_mem>>)
      %dma_wait3A_64 = arith.constant 0 : i32
      %dma_wait3A_65 = tpu.memref_slice %arg6[%add3A_38, %dma_wait3A_64] : memref<10240x128xf32, #tpu.memory_space<vmem_shared>> -> memref<80x128xf32, #tpu.memory_space<vmem_shared>>
      %dma_wait3A_66 = arith.constant 0 : i32
      %dma_wait3A_67 = tpu.memref_slice %arg6[%add3A_38, %dma_wait3A_66] : memref<10240x128xf32, #tpu.memory_space<vmem_shared>> -> memref<80x128xf32, #tpu.memory_space<vmem_shared>>
      tpu.wait_dma2 semaphore(%run_scoped3A_59 : memref<!tpu.dma_semaphore, #tpu.memory_space<semaphore_mem>>) src(%arg9 : memref<80x128xf32, #tpu.memory_space<vmem>>) dst(%dma_wait3A_67 : memref<80x128xf32, #tpu.memory_space<vmem_shared>>)
      tpu.yield
    }) : () -> ()
    %barrier3A = arith.constant 0 : index
    tpu.barrier barrier_id(%barrier3A)
    "tpu.region"() ({
      %run_scoped3A_59 = tpu.sem_alloc : memref<!tpu.dma_semaphore, #tpu.memory_space<semaphore_mem>>
      %dma_start3A_60 = arith.constant 0 : i32
      %dma_start3A_61 = tpu.memref_slice %arg3[%add3A, %dma_start3A_60] : memref<32x10000xi32, #tpu.memory_space<hbm>> -> memref<1x10000xi32, #tpu.memory_space<hbm>>
      %dma_start3A_62 = tpu.memref_squeeze %dma_start3A_61 : memref<1x10000xi32, #tpu.memory_space<hbm>> -> memref<10000xi32, #tpu.memory_space<hbm>>
      %dma_start3A_63 = arith.constant 0 : i32
      %dma_start3A_64 = tpu.memref_slice %arg3[%add3A, %dma_start3A_63] : memref<32x10000xi32, #tpu.memory_space<hbm>> -> memref<1x10000xi32, #tpu.memory_space<hbm>>
      %dma_start3A_65 = tpu.memref_squeeze %dma_start3A_64 : memref<1x10000xi32, #tpu.memory_space<hbm>> -> memref<10000xi32, #tpu.memory_space<hbm>>
      tpu.enqueue_dma source(%dma_start3A_65 : memref<10000xi32, #tpu.memory_space<hbm>>) target(%arg7 : memref<10000xi32, #tpu.memory_space<vmem>>) target_semaphore(%run_scoped3A_59 : memref<!tpu.dma_semaphore, #tpu.memory_space<semaphore_mem>>)
      %dma_wait3A_66 = arith.constant 0 : i32
      %dma_wait3A_67 = tpu.memref_slice %arg3[%add3A, %dma_wait3A_66] : memref<32x10000xi32, #tpu.memory_space<hbm>> -> memref<1x10000xi32, #tpu.memory_space<hbm>>
      %dma_wait3A_68 = tpu.memref_squeeze %dma_wait3A_67 : memref<1x10000xi32, #tpu.memory_space<hbm>> -> memref<10000xi32, #tpu.memory_space<hbm>>
      %dma_wait3A_69 = arith.constant 0 : i32
      %dma_wait3A_70 = tpu.memref_slice %arg3[%add3A, %dma_wait3A_69] : memref<32x10000xi32, #tpu.memory_space<hbm>> -> memref<1x10000xi32, #tpu.memory_space<hbm>>
      %dma_wait3A_71 = tpu.memref_squeeze %dma_wait3A_70 : memref<1x10000xi32, #tpu.memory_space<hbm>> -> memref<10000xi32, #tpu.memory_space<hbm>>
      tpu.wait_dma2 semaphore(%run_scoped3A_59 : memref<!tpu.dma_semaphore, #tpu.memory_space<semaphore_mem>>) src(%dma_wait3A_71 : memref<10000xi32, #tpu.memory_space<hbm>>) dst(%arg7 : memref<10000xi32, #tpu.memory_space<vmem>>)
      tpu.yield
    }) : () -> ()
    "tpu.region"() ({
      %run_scoped3A_59 = tpu.sem_alloc : memref<!tpu.dma_semaphore, #tpu.memory_space<semaphore_mem>>
      %dma_start3A_60 = arith.constant 0 : i32
      %dma_start3A_61 = arith.constant 0 : i32
      %dma_start3A_62 = tpu.memref_slice %arg4[%add3A, %dma_start3A_60, %dma_start3A_61] : memref<32x125x80xi32, #tpu.memory_space<hbm>> -> memref<1x125x80xi32, #tpu.memory_space<hbm>>
      %dma_start3A_63 = tpu.memref_squeeze %dma_start3A_62 : memref<1x125x80xi32, #tpu.memory_space<hbm>> -> memref<125x80xi32, #tpu.memory_space<hbm>>
      %dma_start3A_64 = arith.constant 0 : i32
      %dma_start3A_65 = arith.constant 0 : i32
      %dma_start3A_66 = tpu.memref_slice %arg4[%add3A, %dma_start3A_64, %dma_start3A_65] : memref<32x125x80xi32, #tpu.memory_space<hbm>> -> memref<1x125x80xi32, #tpu.memory_space<hbm>>
      %dma_start3A_67 = tpu.memref_squeeze %dma_start3A_66 : memref<1x125x80xi32, #tpu.memory_space<hbm>> -> memref<125x80xi32, #tpu.memory_space<hbm>>
      tpu.enqueue_dma source(%dma_start3A_67 : memref<125x80xi32, #tpu.memory_space<hbm>>) target(%arg8 : memref<125x80xi32, #tpu.memory_space<vmem>>) target_semaphore(%run_scoped3A_59 : memref<!tpu.dma_semaphore, #tpu.memory_space<semaphore_mem>>)
      %dma_wait3A_68 = arith.constant 0 : i32
      %dma_wait3A_69 = arith.constant 0 : i32
      %dma_wait3A_70 = tpu.memref_slice %arg4[%add3A, %dma_wait3A_68, %dma_wait3A_69] : memref<32x125x80xi32, #tpu.memory_space<hbm>> -> memref<1x125x80xi32, #tpu.memory_space<hbm>>
      %dma_wait3A_71 = tpu.memref_squeeze %dma_wait3A_70 : memref<1x125x80xi32, #tpu.memory_space<hbm>> -> memref<125x80xi32, #tpu.memory_space<hbm>>
      %dma_wait3A_72 = arith.constant 0 : i32
      %dma_wait3A_73 = arith.constant 0 : i32
      %dma_wait3A_74 = tpu.memref_slice %arg4[%add3A, %dma_wait3A_72, %dma_wait3A_73] : memref<32x125x80xi32, #tpu.memory_space<hbm>> -> memref<1x125x80xi32, #tpu.memory_space<hbm>>
      %dma_wait3A_75 = tpu.memref_squeeze %dma_wait3A_74 : memref<1x125x80xi32, #tpu.memory_space<hbm>> -> memref<125x80xi32, #tpu.memory_space<hbm>>
      tpu.wait_dma2 semaphore(%run_scoped3A_59 : memref<!tpu.dma_semaphore, #tpu.memory_space<semaphore_mem>>) src(%dma_wait3A_75 : memref<125x80xi32, #tpu.memory_space<hbm>>) dst(%arg8 : memref<125x80xi32, #tpu.memory_space<vmem>>)
      tpu.yield
    }) : () -> ()
    %dma_start3A = arith.constant 0 : i32
    %dma_start3A_39 = tpu.memref_slice %arg7[%dma_start3A] : memref<10000xi32, #tpu.memory_space<vmem>> -> memref<80xi32, #tpu.memory_space<vmem>>
    %dma_start3A_40 = arith.constant 0 : i32
    %dma_start3A_41 = arith.constant 0 : i32
    %dma_start3A_42 = tpu.memref_slice %arg2[%dma_start3A_40, %dma_start3A_41] : memref<10240x128xf32, #tpu.memory_space<hbm>> -> memref<10240x128xf32, #tpu.memory_space<hbm>>
    tpu.enqueue_indirect_dma source(%dma_start3A_42 : memref<10240x128xf32, #tpu.memory_space<hbm>>) target(%arg9 : memref<80x128xf32, #tpu.memory_space<vmem>>) offsets(%dma_start3A_39 : memref<80xi32, #tpu.memory_space<vmem>>) semaphore(%arg11 : memref<!tpu.dma_semaphore, #tpu.memory_space<semaphore_mem>>)
    %scan3A_43 = arith.constant 0 : i32
    %scan3A_44 = arith.constant 0 : i32
    %scan3A_45 = arith.constant 62 : i32
    %scan3A_46 = arith.addi %scan3A_44, %scan3A_45 : i32
    %scan3A_47 = arith.constant 1 : i32
    scf.for %scan3A_59 = %scan3A_44 to %scan3A_46 step %scan3A_47  : i32 {
      %mul3A_60 = arith.constant 2 : i32
      %mul3A_61 = arith.muli %mul3A_60, %scan3A_59 : i32
      %add3A_62 = arith.constant 1 : i32
      %add3A_63 = arith.addi %mul3A_61, %add3A_62 : i32
      %mul3A_64 = arith.constant 80 : i32
      %mul3A_65 = arith.muli %add3A_63, %mul3A_64 : i32
      %dma_start3A_66 = tpu.memref_slice %arg7[%mul3A_65] : memref<10000xi32, #tpu.memory_space<vmem>> -> memref<80xi32, #tpu.memory_space<vmem>>
      %dma_start3A_67 = arith.constant 0 : i32
      %dma_start3A_68 = arith.constant 0 : i32
      %dma_start3A_69 = tpu.memref_slice %arg2[%dma_start3A_67, %dma_start3A_68] : memref<10240x128xf32, #tpu.memory_space<hbm>> -> memref<10240x128xf32, #tpu.memory_space<hbm>>
      tpu.enqueue_indirect_dma source(%dma_start3A_69 : memref<10240x128xf32, #tpu.memory_space<hbm>>) target(%arg10 : memref<80x128xf32, #tpu.memory_space<vmem>>) offsets(%dma_start3A_66 : memref<80xi32, #tpu.memory_space<vmem>>) semaphore(%arg12 : memref<!tpu.dma_semaphore, #tpu.memory_space<semaphore_mem>>)
      %dma_wait3A_70 = arith.constant 0 : i32
      %dma_wait3A_71 = arith.constant 0 : i32
      %dma_wait3A_72 = tpu.memref_slice %arg2[%dma_wait3A_70, %dma_wait3A_71] : memref<10240x128xf32, #tpu.memory_space<hbm>> -> memref<80x128xf32, #tpu.memory_space<hbm>>
      %dma_wait3A_73 = arith.constant 0 : i32
      %dma_wait3A_74 = arith.constant 0 : i32
      %dma_wait3A_75 = tpu.memref_slice %arg2[%dma_wait3A_73, %dma_wait3A_74] : memref<10240x128xf32, #tpu.memory_space<hbm>> -> memref<80x128xf32, #tpu.memory_space<hbm>>
      tpu.wait_dma2 semaphore(%arg11 : memref<!tpu.dma_semaphore, #tpu.memory_space<semaphore_mem>>) src(%dma_wait3A_75 : memref<80x128xf32, #tpu.memory_space<hbm>>) dst(%arg9 : memref<80x128xf32, #tpu.memory_space<vmem>>)
      "tpu.region"() ({
        %run_scoped3A_92 = tpu.sem_alloc : memref<!tpu.dma_semaphore, #tpu.memory_space<semaphore_mem>>
        %dma_start3A_93 = arith.constant 0 : i32
        %dma_start3A_94 = tpu.memref_slice %arg8[%mul3A_61, %dma_start3A_93] : memref<125x80xi32, #tpu.memory_space<vmem>> -> memref<1x80xi32, #tpu.memory_space<vmem>>
        %dma_start3A_95 = tpu.memref_squeeze %dma_start3A_94 : memref<1x80xi32, #tpu.memory_space<vmem>> -> memref<80xi32, #tpu.memory_space<vmem>>
        %dma_start3A_96 = arith.constant 0 : i32
        %dma_start3A_97 = arith.constant 0 : i32
        %dma_start3A_98 = tpu.memref_slice %arg6[%dma_start3A_96, %dma_start3A_97] : memref<10240x128xf32, #tpu.memory_space<vmem_shared>> -> memref<10240x128xf32, #tpu.memory_space<vmem_shared>>
        tpu.enqueue_indirect_dma source(%arg9 : memref<80x128xf32, #tpu.memory_space<vmem>>) target(%dma_start3A_98 : memref<10240x128xf32, #tpu.memory_space<vmem_shared>>) offsets(%dma_start3A_95 : memref<80xi32, #tpu.memory_space<vmem>>) semaphore(%run_scoped3A_92 : memref<!tpu.dma_semaphore, #tpu.memory_space<semaphore_mem>>) {add = true}
        %dma_wait3A_99 = arith.constant 0 : i32
        %dma_wait3A_100 = tpu.memref_slice %arg8[%mul3A_61, %dma_wait3A_99] : memref<125x80xi32, #tpu.memory_space<vmem>> -> memref<1x80xi32, #tpu.memory_space<vmem>>
        %dma_wait3A_101 = tpu.memref_squeeze %dma_wait3A_100 : memref<1x80xi32, #tpu.memory_space<vmem>> -> memref<80xi32, #tpu.memory_space<vmem>>
        %dma_wait3A_102 = arith.constant 0 : i32
        %dma_wait3A_103 = arith.constant 0 : i32
        %dma_wait3A_104 = tpu.memref_slice %arg6[%dma_wait3A_102, %dma_wait3A_103] : memref<10240x128xf32, #tpu.memory_space<vmem_shared>> -> memref<10240x128xf32, #tpu.memory_space<vmem_shared>>
        tpu.wait_indirect_dma semaphore(%run_scoped3A_92 : memref<!tpu.dma_semaphore, #tpu.memory_space<semaphore_mem>>) src(%arg9 : memref<80x128xf32, #tpu.memory_space<vmem>>) dst(%dma_wait3A_104 : memref<10240x128xf32, #tpu.memory_space<vmem_shared>>)
        tpu.yield
      }) : () -> ()
      %add3A_76 = arith.constant 2 : i32
      %add3A_77 = arith.addi %mul3A_61, %add3A_76 : i32
      %mul3A_78 = arith.constant 80 : i32
      %mul3A_79 = arith.muli %add3A_77, %mul3A_78 : i32
      %dma_start3A_80 = tpu.memref_slice %arg7[%mul3A_79] : memref<10000xi32, #tpu.memory_space<vmem>> -> memref<80xi32, #tpu.memory_space<vmem>>
      %dma_start3A_81 = arith.constant 0 : i32
      %dma_start3A_82 = arith.constant 0 : i32
      %dma_start3A_83 = tpu.memref_slice %arg2[%dma_start3A_81, %dma_start3A_82] : memref<10240x128xf32, #tpu.memory_space<hbm>> -> memref<10240x128xf32, #tpu.memory_space<hbm>>
      tpu.enqueue_indirect_dma source(%dma_start3A_83 : memref<10240x128xf32, #tpu.memory_space<hbm>>) target(%arg9 : memref<80x128xf32, #tpu.memory_space<vmem>>) offsets(%dma_start3A_80 : memref<80xi32, #tpu.memory_space<vmem>>) semaphore(%arg11 : memref<!tpu.dma_semaphore, #tpu.memory_space<semaphore_mem>>)
      %dma_wait3A_84 = arith.constant 0 : i32
      %dma_wait3A_85 = arith.constant 0 : i32
      %dma_wait3A_86 = tpu.memref_slice %arg2[%dma_wait3A_84, %dma_wait3A_85] : memref<10240x128xf32, #tpu.memory_space<hbm>> -> memref<80x128xf32, #tpu.memory_space<hbm>>
      %dma_wait3A_87 = arith.constant 0 : i32
      %dma_wait3A_88 = arith.constant 0 : i32
      %dma_wait3A_89 = tpu.memref_slice %arg2[%dma_wait3A_87, %dma_wait3A_88] : memref<10240x128xf32, #tpu.memory_space<hbm>> -> memref<80x128xf32, #tpu.memory_space<hbm>>
      tpu.wait_dma2 semaphore(%arg12 : memref<!tpu.dma_semaphore, #tpu.memory_space<semaphore_mem>>) src(%dma_wait3A_89 : memref<80x128xf32, #tpu.memory_space<hbm>>) dst(%arg10 : memref<80x128xf32, #tpu.memory_space<vmem>>)
      %add3A_90 = arith.constant 1 : i32
      %add3A_91 = arith.addi %mul3A_61, %add3A_90 : i32
      "tpu.region"() ({
        %run_scoped3A_92 = tpu.sem_alloc : memref<!tpu.dma_semaphore, #tpu.memory_space<semaphore_mem>>
        %dma_start3A_93 = arith.constant 0 : i32
        %dma_start3A_94 = tpu.memref_slice %arg8[%add3A_91, %dma_start3A_93] : memref<125x80xi32, #tpu.memory_space<vmem>> -> memref<1x80xi32, #tpu.memory_space<vmem>>
        %dma_start3A_95 = tpu.memref_squeeze %dma_start3A_94 : memref<1x80xi32, #tpu.memory_space<vmem>> -> memref<80xi32, #tpu.memory_space<vmem>>
        %dma_start3A_96 = arith.constant 0 : i32
        %dma_start3A_97 = arith.constant 0 : i32
        %dma_start3A_98 = tpu.memref_slice %arg6[%dma_start3A_96, %dma_start3A_97] : memref<10240x128xf32, #tpu.memory_space<vmem_shared>> -> memref<10240x128xf32, #tpu.memory_space<vmem_shared>>
        tpu.enqueue_indirect_dma source(%arg10 : memref<80x128xf32, #tpu.memory_space<vmem>>) target(%dma_start3A_98 : memref<10240x128xf32, #tpu.memory_space<vmem_shared>>) offsets(%dma_start3A_95 : memref<80xi32, #tpu.memory_space<vmem>>) semaphore(%run_scoped3A_92 : memref<!tpu.dma_semaphore, #tpu.memory_space<semaphore_mem>>) {add = true}
        %dma_wait3A_99 = arith.constant 0 : i32
        %dma_wait3A_100 = tpu.memref_slice %arg8[%add3A_91, %dma_wait3A_99] : memref<125x80xi32, #tpu.memory_space<vmem>> -> memref<1x80xi32, #tpu.memory_space<vmem>>
        %dma_wait3A_101 = tpu.memref_squeeze %dma_wait3A_100 : memref<1x80xi32, #tpu.memory_space<vmem>> -> memref<80xi32, #tpu.memory_space<vmem>>
        %dma_wait3A_102 = arith.constant 0 : i32
        %dma_wait3A_103 = arith.constant 0 : i32
        %dma_wait3A_104 = tpu.memref_slice %arg6[%dma_wait3A_102, %dma_wait3A_103] : memref<10240x128xf32, #tpu.memory_space<vmem_shared>> -> memref<10240x128xf32, #tpu.memory_space<vmem_shared>>
        tpu.wait_indirect_dma semaphore(%run_scoped3A_92 : memref<!tpu.dma_semaphore, #tpu.memory_space<semaphore_mem>>) src(%arg10 : memref<80x128xf32, #tpu.memory_space<vmem>>) dst(%dma_wait3A_104 : memref<10240x128xf32, #tpu.memory_space<vmem_shared>>)
        tpu.yield
      }) : () -> ()
    }
    %scan3A_48 = arith.constant 62 : i32
    %dma_wait3A = arith.constant 0 : i32
    %dma_wait3A_49 = arith.constant 0 : i32
    %dma_wait3A_50 = tpu.memref_slice %arg2[%dma_wait3A, %dma_wait3A_49] : memref<10240x128xf32, #tpu.memory_space<hbm>> -> memref<80x128xf32, #tpu.memory_space<hbm>>
    %dma_wait3A_51 = arith.constant 0 : i32
    %dma_wait3A_52 = arith.constant 0 : i32
    %dma_wait3A_53 = tpu.memref_slice %arg2[%dma_wait3A_51, %dma_wait3A_52] : memref<10240x128xf32, #tpu.memory_space<hbm>> -> memref<80x128xf32, #tpu.memory_space<hbm>>
    tpu.wait_dma2 semaphore(%arg11 : memref<!tpu.dma_semaphore, #tpu.memory_space<semaphore_mem>>) src(%dma_wait3A_53 : memref<80x128xf32, #tpu.memory_space<hbm>>) dst(%arg9 : memref<80x128xf32, #tpu.memory_space<vmem>>)
    %run_scoped3A = arith.constant 124 : i32
    "tpu.region"() ({
      %run_scoped3A_59 = tpu.sem_alloc : memref<!tpu.dma_semaphore, #tpu.memory_space<semaphore_mem>>
      %dma_start3A_60 = arith.constant 0 : i32
      %dma_start3A_61 = tpu.memref_slice %arg8[%run_scoped3A, %dma_start3A_60] : memref<125x80xi32, #tpu.memory_space<vmem>> -> memref<1x80xi32, #tpu.memory_space<vmem>>
      %dma_start3A_62 = tpu.memref_squeeze %dma_start3A_61 : memref<1x80xi32, #tpu.memory_space<vmem>> -> memref<80xi32, #tpu.memory_space<vmem>>
      %dma_start3A_63 = arith.constant 0 : i32
      %dma_start3A_64 = arith.constant 0 : i32
      %dma_start3A_65 = tpu.memref_slice %arg6[%dma_start3A_63, %dma_start3A_64] : memref<10240x128xf32, #tpu.memory_space<vmem_shared>> -> memref<10240x128xf32, #tpu.memory_space<vmem_shared>>
      tpu.enqueue_indirect_dma source(%arg9 : memref<80x128xf32, #tpu.memory_space<vmem>>) target(%dma_start3A_65 : memref<10240x128xf32, #tpu.memory_space<vmem_shared>>) offsets(%dma_start3A_62 : memref<80xi32, #tpu.memory_space<vmem>>) semaphore(%run_scoped3A_59 : memref<!tpu.dma_semaphore, #tpu.memory_space<semaphore_mem>>) {add = true}
      %dma_wait3A_66 = arith.constant 0 : i32
      %dma_wait3A_67 = tpu.memref_slice %arg8[%run_scoped3A, %dma_wait3A_66] : memref<125x80xi32, #tpu.memory_space<vmem>> -> memref<1x80xi32, #tpu.memory_space<vmem>>
      %dma_wait3A_68 = tpu.memref_squeeze %dma_wait3A_67 : memref<1x80xi32, #tpu.memory_space<vmem>> -> memref<80xi32, #tpu.memory_space<vmem>>
      %dma_wait3A_69 = arith.constant 0 : i32
      %dma_wait3A_70 = arith.constant 0 : i32
      %dma_wait3A_71 = tpu.memref_slice %arg6[%dma_wait3A_69, %dma_wait3A_70] : memref<10240x128xf32, #tpu.memory_space<vmem_shared>> -> memref<10240x128xf32, #tpu.memory_space<vmem_shared>>
      tpu.wait_indirect_dma semaphore(%run_scoped3A_59 : memref<!tpu.dma_semaphore, #tpu.memory_space<semaphore_mem>>) src(%arg9 : memref<80x128xf32, #tpu.memory_space<vmem>>) dst(%dma_wait3A_71 : memref<10240x128xf32, #tpu.memory_space<vmem_shared>>)
      tpu.yield
    }) : () -> ()
    %barrier3A_54 = arith.constant 0 : index
    tpu.barrier barrier_id(%barrier3A_54)
    %mul3A_55 = arith.constant 640 : i32
    %mul3A_56 = arith.muli %arg1, %mul3A_55 : i32
    %mul3A_57 = arith.constant 640 : i32
    %mul3A_58 = arith.muli %arg1, %mul3A_57 : i32
    "tpu.region"() ({
      %run_scoped3A_59 = tpu.sem_alloc : memref<!tpu.dma_semaphore, #tpu.memory_space<semaphore_mem>>
      %dma_start3A_60 = arith.constant 0 : i32
      %dma_start3A_61 = tpu.memref_slice %arg5[%arg0, %mul3A_58, %dma_start3A_60] : memref<2x10240x128xf32, #tpu.memory_space<hbm>> -> memref<1x640x128xf32, #tpu.memory_space<hbm>>
      %dma_start3A_62 = tpu.memref_squeeze %dma_start3A_61 : memref<1x640x128xf32, #tpu.memory_space<hbm>> -> memref<640x128xf32, #tpu.memory_space<hbm>>
      %dma_start3A_63 = arith.constant 0 : i32
      %dma_start3A_64 = tpu.memref_slice %arg6[%mul3A_56, %dma_start3A_63] : memref<10240x128xf32, #tpu.memory_space<vmem_shared>> -> memref<640x128xf32, #tpu.memory_space<vmem_shared>>
      tpu.enqueue_dma source(%dma_start3A_64 : memref<640x128xf32, #tpu.memory_space<vmem_shared>>) target(%dma_start3A_62 : memref<640x128xf32, #tpu.memory_space<hbm>>) target_semaphore(%run_scoped3A_59 : memref<!tpu.dma_semaphore, #tpu.memory_space<semaphore_mem>>)
      %dma_wait3A_65 = arith.constant 0 : i32
      %dma_wait3A_66 = tpu.memref_slice %arg5[%arg0, %mul3A_58, %dma_wait3A_65] : memref<2x10240x128xf32, #tpu.memory_space<hbm>> -> memref<1x640x128xf32, #tpu.memory_space<hbm>>
      %dma_wait3A_67 = tpu.memref_squeeze %dma_wait3A_66 : memref<1x640x128xf32, #tpu.memory_space<hbm>> -> memref<640x128xf32, #tpu.memory_space<hbm>>
      %dma_wait3A_68 = arith.constant 0 : i32
      %dma_wait3A_69 = tpu.memref_slice %arg6[%mul3A_56, %dma_wait3A_68] : memref<10240x128xf32, #tpu.memory_space<vmem_shared>> -> memref<640x128xf32, #tpu.memory_space<vmem_shared>>
      tpu.wait_dma2 semaphore(%run_scoped3A_59 : memref<!tpu.dma_semaphore, #tpu.memory_space<semaphore_mem>>) src(%dma_wait3A_69 : memref<640x128xf32, #tpu.memory_space<vmem_shared>>) dst(%dma_wait3A_67 : memref<640x128xf32, #tpu.memory_space<hbm>>)
      tpu.yield
    }) : () -> ()
    return
  }
}

#map = affine_map<(d0, d1) -> (0, 0)>
#map1 = affine_map<(d0, d1) -> (0, 0, 0)>
module attributes {stable_mosaic.version = 14 : i64} {
  func.func @_sc_agg_body(%arg0: i32, %arg1: i32, %arg2: memref<10240x128xf32, #tpu.memory_space<hbm>>, %arg3: memref<32x10000xi32, #tpu.memory_space<hbm>>, %arg4: memref<32x125x80xi32, #tpu.memory_space<hbm>>, %arg5: memref<2x10240x128xf32, #tpu.memory_space<hbm>>, %arg6: memref<10240x128xf32, #tpu.memory_space<vmem_shared>>, %arg7: memref<10000xi32, #tpu.memory_space<vmem>>, %arg8: memref<125x80xi32, #tpu.memory_space<vmem>>, %arg9: memref<80x128xf32, #tpu.memory_space<vmem>>, %arg10: memref<80x128xf32, #tpu.memory_space<vmem>>, %arg11: memref<!tpu.dma_semaphore, #tpu.memory_space<semaphore_mem>>, %arg12: memref<!tpu.dma_semaphore, #tpu.memory_space<semaphore_mem>>) attributes {dimension_semantics = [#tpu.dimension_semantics<core_parallel>, #tpu.dimension_semantics<subcore_parallel>], iteration_bounds = array<i64: 2, 16>, scalar_prefetch = 0 : i64, scratch_operands = 7 : i64, tpu.core_type = #tpu.core_type<sc_vector_subcore>, window_params = [{transform_indices = #map}, {transform_indices = #map}, {transform_indices = #map1}, {transform_indices = #map1}]} {
    %mul3A = arith.constant 16 : i32
    %mul3A_0 = arith.muli %arg0, %mul3A : i32
    %add3A = arith.addi %mul3A_0, %arg1 : i32
    %broadcast_in_dim3A = arith.constant 0.000000e+00 : f32
    %broadcast_in_dim3A_1 = vector.broadcast %broadcast_in_dim3A : f32 to vector<16xf32>
    %scan3A = arith.constant 0 : i32
    %scan3A_2 = arith.constant 0 : i32
    %scan3A_3 = arith.constant 80 : i32
    %scan3A_4 = arith.addi %scan3A_2, %scan3A_3 : i32
    %scan3A_5 = arith.constant 1 : i32
    scf.for %scan3A_59 = %scan3A_2 to %scan3A_4 step %scan3A_5  : i32 {
      %swap3A = arith.index_cast %scan3A_59 : i32 to index
      %swap3A_60 = arith.constant 0 : index
      %swap3A_61 = tpu.vector_load %arg9[%swap3A, %swap3A_60] {strides = array<i32>} : memref<80x128xf32, #tpu.memory_space<vmem>>, vector<1x16xf32>,
      %swap3A_62 = vector.shape_cast %swap3A_61 : vector<1x16xf32> to vector<16xf32>
      %swap3A_63 = vector.shape_cast %broadcast_in_dim3A_1 : vector<16xf32> to vector<1x16xf32>
      tpu.vector_store %arg9[%swap3A, %swap3A_60], %swap3A_63 {strides = array<i32>} : memref<80x128xf32, #tpu.memory_space<vmem>>, vector<1x16xf32>,
      %swap3A_64 = arith.index_cast %scan3A_59 : i32 to index
      %swap3A_65 = arith.constant 16 : index
      %swap3A_66 = tpu.vector_load %arg9[%swap3A_64, %swap3A_65] {strides = array<i32>} : memref<80x128xf32, #tpu.memory_space<vmem>>, vector<1x16xf32>,
      %swap3A_67 = vector.shape_cast %swap3A_66 : vector<1x16xf32> to vector<16xf32>
      %swap3A_68 = vector.shape_cast %broadcast_in_dim3A_1 : vector<16xf32> to vector<1x16xf32>
      tpu.vector_store %arg9[%swap3A_64, %swap3A_65], %swap3A_68 {strides = array<i32>} : memref<80x128xf32, #tpu.memory_space<vmem>>, vector<1x16xf32>,
      %swap3A_69 = arith.index_cast %scan3A_59 : i32 to index
      %swap3A_70 = arith.constant 32 : index
      %swap3A_71 = tpu.vector_load %arg9[%swap3A_69, %swap3A_70] {strides = array<i32>} : memref<80x128xf32, #tpu.memory_space<vmem>>, vector<1x16xf32>,
      %swap3A_72 = vector.shape_cast %swap3A_71 : vector<1x16xf32> to vector<16xf32>
      %swap3A_73 = vector.shape_cast %broadcast_in_dim3A_1 : vector<16xf32> to vector<1x16xf32>
      tpu.vector_store %arg9[%swap3A_69, %swap3A_70], %swap3A_73 {strides = array<i32>} : memref<80x128xf32, #tpu.memory_space<vmem>>, vector<1x16xf32>,
      %swap3A_74 = arith.index_cast %scan3A_59 : i32 to index
      %swap3A_75 = arith.constant 48 : index
      %swap3A_76 = tpu.vector_load %arg9[%swap3A_74, %swap3A_75] {strides = array<i32>} : memref<80x128xf32, #tpu.memory_space<vmem>>, vector<1x16xf32>,
      %swap3A_77 = vector.shape_cast %swap3A_76 : vector<1x16xf32> to vector<16xf32>
      %swap3A_78 = vector.shape_cast %broadcast_in_dim3A_1 : vector<16xf32> to vector<1x16xf32>
      tpu.vector_store %arg9[%swap3A_74, %swap3A_75], %swap3A_78 {strides = array<i32>} : memref<80x128xf32, #tpu.memory_space<vmem>>, vector<1x16xf32>,
      %swap3A_79 = arith.index_cast %scan3A_59 : i32 to index
      %swap3A_80 = arith.constant 64 : index
      %swap3A_81 = tpu.vector_load %arg9[%swap3A_79, %swap3A_80] {strides = array<i32>} : memref<80x128xf32, #tpu.memory_space<vmem>>, vector<1x16xf32>,
      %swap3A_82 = vector.shape_cast %swap3A_81 : vector<1x16xf32> to vector<16xf32>
      %swap3A_83 = vector.shape_cast %broadcast_in_dim3A_1 : vector<16xf32> to vector<1x16xf32>
      tpu.vector_store %arg9[%swap3A_79, %swap3A_80], %swap3A_83 {strides = array<i32>} : memref<80x128xf32, #tpu.memory_space<vmem>>, vector<1x16xf32>,
      %swap3A_84 = arith.index_cast %scan3A_59 : i32 to index
      %swap3A_85 = arith.constant 80 : index
      %swap3A_86 = tpu.vector_load %arg9[%swap3A_84, %swap3A_85] {strides = array<i32>} : memref<80x128xf32, #tpu.memory_space<vmem>>, vector<1x16xf32>,
      %swap3A_87 = vector.shape_cast %swap3A_86 : vector<1x16xf32> to vector<16xf32>
      %swap3A_88 = vector.shape_cast %broadcast_in_dim3A_1 : vector<16xf32> to vector<1x16xf32>
      tpu.vector_store %arg9[%swap3A_84, %swap3A_85], %swap3A_88 {strides = array<i32>} : memref<80x128xf32, #tpu.memory_space<vmem>>, vector<1x16xf32>,
      %swap3A_89 = arith.index_cast %scan3A_59 : i32 to index
      %swap3A_90 = arith.constant 96 : index
      %swap3A_91 = tpu.vector_load %arg9[%swap3A_89, %swap3A_90] {strides = array<i32>} : memref<80x128xf32, #tpu.memory_space<vmem>>, vector<1x16xf32>,
      %swap3A_92 = vector.shape_cast %swap3A_91 : vector<1x16xf32> to vector<16xf32>
      %swap3A_93 = vector.shape_cast %broadcast_in_dim3A_1 : vector<16xf32> to vector<1x16xf32>
      tpu.vector_store %arg9[%swap3A_89, %swap3A_90], %swap3A_93 {strides = array<i32>} : memref<80x128xf32, #tpu.memory_space<vmem>>, vector<1x16xf32>,
      %swap3A_94 = arith.index_cast %scan3A_59 : i32 to index
      %swap3A_95 = arith.constant 112 : index
      %swap3A_96 = tpu.vector_load %arg9[%swap3A_94, %swap3A_95] {strides = array<i32>} : memref<80x128xf32, #tpu.memory_space<vmem>>, vector<1x16xf32>,
      %swap3A_97 = vector.shape_cast %swap3A_96 : vector<1x16xf32> to vector<16xf32>
      %swap3A_98 = vector.shape_cast %broadcast_in_dim3A_1 : vector<16xf32> to vector<1x16xf32>
      tpu.vector_store %arg9[%swap3A_94, %swap3A_95], %swap3A_98 {strides = array<i32>} : memref<80x128xf32, #tpu.memory_space<vmem>>, vector<1x16xf32>,
    }
    %scan3A_6 = arith.constant 80 : i32
    %mul3A_7 = arith.constant 640 : i32
    %mul3A_8 = arith.muli %arg1, %mul3A_7 : i32
    %add3A_9 = arith.constant 0 : i32
    %add3A_10 = arith.addi %mul3A_8, %add3A_9 : i32
    "tpu.region"() ({
      %run_scoped3A_59 = tpu.sem_alloc : memref<!tpu.dma_semaphore, #tpu.memory_space<semaphore_mem>>
      %dma_start3A_60 = arith.constant 0 : i32
      %dma_start3A_61 = tpu.memref_slice %arg6[%add3A_10, %dma_start3A_60] : memref<10240x128xf32, #tpu.memory_space<vmem_shared>> -> memref<80x128xf32, #tpu.memory_space<vmem_shared>>
      %dma_start3A_62 = arith.constant 0 : i32
      %dma_start3A_63 = tpu.memref_slice %arg6[%add3A_10, %dma_start3A_62] : memref<10240x128xf32, #tpu.memory_space<vmem_shared>> -> memref<80x128xf32, #tpu.memory_space<vmem_shared>>
      tpu.enqueue_dma source(%arg9 : memref<80x128xf32, #tpu.memory_space<vmem>>) target(%dma_start3A_63 : memref<80x128xf32, #tpu.memory_space<vmem_shared>>) target_semaphore(%run_scoped3A_59 : memref<!tpu.dma_semaphore, #tpu.memory_space<semaphore_mem>>)
      %dma_wait3A_64 = arith.constant 0 : i32
      %dma_wait3A_65 = tpu.memref_slice %arg6[%add3A_10, %dma_wait3A_64] : memref<10240x128xf32, #tpu.memory_space<vmem_shared>> -> memref<80x128xf32, #tpu.memory_space<vmem_shared>>
      %dma_wait3A_66 = arith.constant 0 : i32
      %dma_wait3A_67 = tpu.memref_slice %arg6[%add3A_10, %dma_wait3A_66] : memref<10240x128xf32, #tpu.memory_space<vmem_shared>> -> memref<80x128xf32, #tpu.memory_space<vmem_shared>>
      tpu.wait_dma2 semaphore(%run_scoped3A_59 : memref<!tpu.dma_semaphore, #tpu.memory_space<semaphore_mem>>) src(%arg9 : memref<80x128xf32, #tpu.memory_space<vmem>>) dst(%dma_wait3A_67 : memref<80x128xf32, #tpu.memory_space<vmem_shared>>)
      tpu.yield
    }) : () -> ()
    %mul3A_11 = arith.constant 640 : i32
    %mul3A_12 = arith.muli %arg1, %mul3A_11 : i32
    %add3A_13 = arith.constant 80 : i32
    %add3A_14 = arith.addi %mul3A_12, %add3A_13 : i32
    "tpu.region"() ({
      %run_scoped3A_59 = tpu.sem_alloc : memref<!tpu.dma_semaphore, #tpu.memory_space<semaphore_mem>>
      %dma_start3A_60 = arith.constant 0 : i32
      %dma_start3A_61 = tpu.memref_slice %arg6[%add3A_14, %dma_start3A_60] : memref<10240x128xf32, #tpu.memory_space<vmem_shared>> -> memref<80x128xf32, #tpu.memory_space<vmem_shared>>
      %dma_start3A_62 = arith.constant 0 : i32
      %dma_start3A_63 = tpu.memref_slice %arg6[%add3A_14, %dma_start3A_62] : memref<10240x128xf32, #tpu.memory_space<vmem_shared>> -> memref<80x128xf32, #tpu.memory_space<vmem_shared>>
      tpu.enqueue_dma source(%arg9 : memref<80x128xf32, #tpu.memory_space<vmem>>) target(%dma_start3A_63 : memref<80x128xf32, #tpu.memory_space<vmem_shared>>) target_semaphore(%run_scoped3A_59 : memref<!tpu.dma_semaphore, #tpu.memory_space<semaphore_mem>>)
      %dma_wait3A_64 = arith.constant 0 : i32
      %dma_wait3A_65 = tpu.memref_slice %arg6[%add3A_14, %dma_wait3A_64] : memref<10240x128xf32, #tpu.memory_space<vmem_shared>> -> memref<80x128xf32, #tpu.memory_space<vmem_shared>>
      %dma_wait3A_66 = arith.constant 0 : i32
      %dma_wait3A_67 = tpu.memref_slice %arg6[%add3A_14, %dma_wait3A_66] : memref<10240x128xf32, #tpu.memory_space<vmem_shared>> -> memref<80x128xf32, #tpu.memory_space<vmem_shared>>
      tpu.wait_dma2 semaphore(%run_scoped3A_59 : memref<!tpu.dma_semaphore, #tpu.memory_space<semaphore_mem>>) src(%arg9 : memref<80x128xf32, #tpu.memory_space<vmem>>) dst(%dma_wait3A_67 : memref<80x128xf32, #tpu.memory_space<vmem_shared>>)
      tpu.yield
    }) : () -> ()
    %mul3A_15 = arith.constant 640 : i32
    %mul3A_16 = arith.muli %arg1, %mul3A_15 : i32
    %add3A_17 = arith.constant 160 : i32
    %add3A_18 = arith.addi %mul3A_16, %add3A_17 : i32
    "tpu.region"() ({
      %run_scoped3A_59 = tpu.sem_alloc : memref<!tpu.dma_semaphore, #tpu.memory_space<semaphore_mem>>
      %dma_start3A_60 = arith.constant 0 : i32
      %dma_start3A_61 = tpu.memref_slice %arg6[%add3A_18, %dma_start3A_60] : memref<10240x128xf32, #tpu.memory_space<vmem_shared>> -> memref<80x128xf32, #tpu.memory_space<vmem_shared>>
      %dma_start3A_62 = arith.constant 0 : i32
      %dma_start3A_63 = tpu.memref_slice %arg6[%add3A_18, %dma_start3A_62] : memref<10240x128xf32, #tpu.memory_space<vmem_shared>> -> memref<80x128xf32, #tpu.memory_space<vmem_shared>>
      tpu.enqueue_dma source(%arg9 : memref<80x128xf32, #tpu.memory_space<vmem>>) target(%dma_start3A_63 : memref<80x128xf32, #tpu.memory_space<vmem_shared>>) target_semaphore(%run_scoped3A_59 : memref<!tpu.dma_semaphore, #tpu.memory_space<semaphore_mem>>)
      %dma_wait3A_64 = arith.constant 0 : i32
      %dma_wait3A_65 = tpu.memref_slice %arg6[%add3A_18, %dma_wait3A_64] : memref<10240x128xf32, #tpu.memory_space<vmem_shared>> -> memref<80x128xf32, #tpu.memory_space<vmem_shared>>
      %dma_wait3A_66 = arith.constant 0 : i32
      %dma_wait3A_67 = tpu.memref_slice %arg6[%add3A_18, %dma_wait3A_66] : memref<10240x128xf32, #tpu.memory_space<vmem_shared>> -> memref<80x128xf32, #tpu.memory_space<vmem_shared>>
      tpu.wait_dma2 semaphore(%run_scoped3A_59 : memref<!tpu.dma_semaphore, #tpu.memory_space<semaphore_mem>>) src(%arg9 : memref<80x128xf32, #tpu.memory_space<vmem>>) dst(%dma_wait3A_67 : memref<80x128xf32, #tpu.memory_space<vmem_shared>>)
      tpu.yield
    }) : () -> ()
    %mul3A_19 = arith.constant 640 : i32
    %mul3A_20 = arith.muli %arg1, %mul3A_19 : i32
    %add3A_21 = arith.constant 240 : i32
    %add3A_22 = arith.addi %mul3A_20, %add3A_21 : i32
    "tpu.region"() ({
      %run_scoped3A_59 = tpu.sem_alloc : memref<!tpu.dma_semaphore, #tpu.memory_space<semaphore_mem>>
      %dma_start3A_60 = arith.constant 0 : i32
      %dma_start3A_61 = tpu.memref_slice %arg6[%add3A_22, %dma_start3A_60] : memref<10240x128xf32, #tpu.memory_space<vmem_shared>> -> memref<80x128xf32, #tpu.memory_space<vmem_shared>>
      %dma_start3A_62 = arith.constant 0 : i32
      %dma_start3A_63 = tpu.memref_slice %arg6[%add3A_22, %dma_start3A_62] : memref<10240x128xf32, #tpu.memory_space<vmem_shared>> -> memref<80x128xf32, #tpu.memory_space<vmem_shared>>
      tpu.enqueue_dma source(%arg9 : memref<80x128xf32, #tpu.memory_space<vmem>>) target(%dma_start3A_63 : memref<80x128xf32, #tpu.memory_space<vmem_shared>>) target_semaphore(%run_scoped3A_59 : memref<!tpu.dma_semaphore, #tpu.memory_space<semaphore_mem>>)
      %dma_wait3A_64 = arith.constant 0 : i32
      %dma_wait3A_65 = tpu.memref_slice %arg6[%add3A_22, %dma_wait3A_64] : memref<10240x128xf32, #tpu.memory_space<vmem_shared>> -> memref<80x128xf32, #tpu.memory_space<vmem_shared>>
      %dma_wait3A_66 = arith.constant 0 : i32
      %dma_wait3A_67 = tpu.memref_slice %arg6[%add3A_22, %dma_wait3A_66] : memref<10240x128xf32, #tpu.memory_space<vmem_shared>> -> memref<80x128xf32, #tpu.memory_space<vmem_shared>>
      tpu.wait_dma2 semaphore(%run_scoped3A_59 : memref<!tpu.dma_semaphore, #tpu.memory_space<semaphore_mem>>) src(%arg9 : memref<80x128xf32, #tpu.memory_space<vmem>>) dst(%dma_wait3A_67 : memref<80x128xf32, #tpu.memory_space<vmem_shared>>)
      tpu.yield
    }) : () -> ()
    %mul3A_23 = arith.constant 640 : i32
    %mul3A_24 = arith.muli %arg1, %mul3A_23 : i32
    %add3A_25 = arith.constant 320 : i32
    %add3A_26 = arith.addi %mul3A_24, %add3A_25 : i32
    "tpu.region"() ({
      %run_scoped3A_59 = tpu.sem_alloc : memref<!tpu.dma_semaphore, #tpu.memory_space<semaphore_mem>>
      %dma_start3A_60 = arith.constant 0 : i32
      %dma_start3A_61 = tpu.memref_slice %arg6[%add3A_26, %dma_start3A_60] : memref<10240x128xf32, #tpu.memory_space<vmem_shared>> -> memref<80x128xf32, #tpu.memory_space<vmem_shared>>
      %dma_start3A_62 = arith.constant 0 : i32
      %dma_start3A_63 = tpu.memref_slice %arg6[%add3A_26, %dma_start3A_62] : memref<10240x128xf32, #tpu.memory_space<vmem_shared>> -> memref<80x128xf32, #tpu.memory_space<vmem_shared>>
      tpu.enqueue_dma source(%arg9 : memref<80x128xf32, #tpu.memory_space<vmem>>) target(%dma_start3A_63 : memref<80x128xf32, #tpu.memory_space<vmem_shared>>) target_semaphore(%run_scoped3A_59 : memref<!tpu.dma_semaphore, #tpu.memory_space<semaphore_mem>>)
      %dma_wait3A_64 = arith.constant 0 : i32
      %dma_wait3A_65 = tpu.memref_slice %arg6[%add3A_26, %dma_wait3A_64] : memref<10240x128xf32, #tpu.memory_space<vmem_shared>> -> memref<80x128xf32, #tpu.memory_space<vmem_shared>>
      %dma_wait3A_66 = arith.constant 0 : i32
      %dma_wait3A_67 = tpu.memref_slice %arg6[%add3A_26, %dma_wait3A_66] : memref<10240x128xf32, #tpu.memory_space<vmem_shared>> -> memref<80x128xf32, #tpu.memory_space<vmem_shared>>
      tpu.wait_dma2 semaphore(%run_scoped3A_59 : memref<!tpu.dma_semaphore, #tpu.memory_space<semaphore_mem>>) src(%arg9 : memref<80x128xf32, #tpu.memory_space<vmem>>) dst(%dma_wait3A_67 : memref<80x128xf32, #tpu.memory_space<vmem_shared>>)
      tpu.yield
    }) : () -> ()
    %mul3A_27 = arith.constant 640 : i32
    %mul3A_28 = arith.muli %arg1, %mul3A_27 : i32
    %add3A_29 = arith.constant 400 : i32
    %add3A_30 = arith.addi %mul3A_28, %add3A_29 : i32
    "tpu.region"() ({
      %run_scoped3A_59 = tpu.sem_alloc : memref<!tpu.dma_semaphore, #tpu.memory_space<semaphore_mem>>
      %dma_start3A_60 = arith.constant 0 : i32
      %dma_start3A_61 = tpu.memref_slice %arg6[%add3A_30, %dma_start3A_60] : memref<10240x128xf32, #tpu.memory_space<vmem_shared>> -> memref<80x128xf32, #tpu.memory_space<vmem_shared>>
      %dma_start3A_62 = arith.constant 0 : i32
      %dma_start3A_63 = tpu.memref_slice %arg6[%add3A_30, %dma_start3A_62] : memref<10240x128xf32, #tpu.memory_space<vmem_shared>> -> memref<80x128xf32, #tpu.memory_space<vmem_shared>>
      tpu.enqueue_dma source(%arg9 : memref<80x128xf32, #tpu.memory_space<vmem>>) target(%dma_start3A_63 : memref<80x128xf32, #tpu.memory_space<vmem_shared>>) target_semaphore(%run_scoped3A_59 : memref<!tpu.dma_semaphore, #tpu.memory_space<semaphore_mem>>)
      %dma_wait3A_64 = arith.constant 0 : i32
      %dma_wait3A_65 = tpu.memref_slice %arg6[%add3A_30, %dma_wait3A_64] : memref<10240x128xf32, #tpu.memory_space<vmem_shared>> -> memref<80x128xf32, #tpu.memory_space<vmem_shared>>
      %dma_wait3A_66 = arith.constant 0 : i32
      %dma_wait3A_67 = tpu.memref_slice %arg6[%add3A_30, %dma_wait3A_66] : memref<10240x128xf32, #tpu.memory_space<vmem_shared>> -> memref<80x128xf32, #tpu.memory_space<vmem_shared>>
      tpu.wait_dma2 semaphore(%run_scoped3A_59 : memref<!tpu.dma_semaphore, #tpu.memory_space<semaphore_mem>>) src(%arg9 : memref<80x128xf32, #tpu.memory_space<vmem>>) dst(%dma_wait3A_67 : memref<80x128xf32, #tpu.memory_space<vmem_shared>>)
      tpu.yield
    }) : () -> ()
    %mul3A_31 = arith.constant 640 : i32
    %mul3A_32 = arith.muli %arg1, %mul3A_31 : i32
    %add3A_33 = arith.constant 480 : i32
    %add3A_34 = arith.addi %mul3A_32, %add3A_33 : i32
    "tpu.region"() ({
      %run_scoped3A_59 = tpu.sem_alloc : memref<!tpu.dma_semaphore, #tpu.memory_space<semaphore_mem>>
      %dma_start3A_60 = arith.constant 0 : i32
      %dma_start3A_61 = tpu.memref_slice %arg6[%add3A_34, %dma_start3A_60] : memref<10240x128xf32, #tpu.memory_space<vmem_shared>> -> memref<80x128xf32, #tpu.memory_space<vmem_shared>>
      %dma_start3A_62 = arith.constant 0 : i32
      %dma_start3A_63 = tpu.memref_slice %arg6[%add3A_34, %dma_start3A_62] : memref<10240x128xf32, #tpu.memory_space<vmem_shared>> -> memref<80x128xf32, #tpu.memory_space<vmem_shared>>
      tpu.enqueue_dma source(%arg9 : memref<80x128xf32, #tpu.memory_space<vmem>>) target(%dma_start3A_63 : memref<80x128xf32, #tpu.memory_space<vmem_shared>>) target_semaphore(%run_scoped3A_59 : memref<!tpu.dma_semaphore, #tpu.memory_space<semaphore_mem>>)
      %dma_wait3A_64 = arith.constant 0 : i32
      %dma_wait3A_65 = tpu.memref_slice %arg6[%add3A_34, %dma_wait3A_64] : memref<10240x128xf32, #tpu.memory_space<vmem_shared>> -> memref<80x128xf32, #tpu.memory_space<vmem_shared>>
      %dma_wait3A_66 = arith.constant 0 : i32
      %dma_wait3A_67 = tpu.memref_slice %arg6[%add3A_34, %dma_wait3A_66] : memref<10240x128xf32, #tpu.memory_space<vmem_shared>> -> memref<80x128xf32, #tpu.memory_space<vmem_shared>>
      tpu.wait_dma2 semaphore(%run_scoped3A_59 : memref<!tpu.dma_semaphore, #tpu.memory_space<semaphore_mem>>) src(%arg9 : memref<80x128xf32, #tpu.memory_space<vmem>>) dst(%dma_wait3A_67 : memref<80x128xf32, #tpu.memory_space<vmem_shared>>)
      tpu.yield
    }) : () -> ()
    %mul3A_35 = arith.constant 640 : i32
    %mul3A_36 = arith.muli %arg1, %mul3A_35 : i32
    %add3A_37 = arith.constant 560 : i32
    %add3A_38 = arith.addi %mul3A_36, %add3A_37 : i32
    "tpu.region"() ({
      %run_scoped3A_59 = tpu.sem_alloc : memref<!tpu.dma_semaphore, #tpu.memory_space<semaphore_mem>>
      %dma_start3A_60 = arith.constant 0 : i32
      %dma_start3A_61 = tpu.memref_slice %arg6[%add3A_38, %dma_start3A_60] : memref<10240x128xf32, #tpu.memory_space<vmem_shared>> -> memref<80x128xf32, #tpu.memory_space<vmem_shared>>
      %dma_start3A_62 = arith.constant 0 : i32
      %dma_start3A_63 = tpu.memref_slice %arg6[%add3A_38, %dma_start3A_62] : memref<10240x128xf32, #tpu.memory_space<vmem_shared>> -> memref<80x128xf32, #tpu.memory_space<vmem_shared>>
      tpu.enqueue_dma source(%arg9 : memref<80x128xf32, #tpu.memory_space<vmem>>) target(%dma_start3A_63 : memref<80x128xf32, #tpu.memory_space<vmem_shared>>) target_semaphore(%run_scoped3A_59 : memref<!tpu.dma_semaphore, #tpu.memory_space<semaphore_mem>>)
      %dma_wait3A_64 = arith.constant 0 : i32
      %dma_wait3A_65 = tpu.memref_slice %arg6[%add3A_38, %dma_wait3A_64] : memref<10240x128xf32, #tpu.memory_space<vmem_shared>> -> memref<80x128xf32, #tpu.memory_space<vmem_shared>>
      %dma_wait3A_66 = arith.constant 0 : i32
      %dma_wait3A_67 = tpu.memref_slice %arg6[%add3A_38, %dma_wait3A_66] : memref<10240x128xf32, #tpu.memory_space<vmem_shared>> -> memref<80x128xf32, #tpu.memory_space<vmem_shared>>
      tpu.wait_dma2 semaphore(%run_scoped3A_59 : memref<!tpu.dma_semaphore, #tpu.memory_space<semaphore_mem>>) src(%arg9 : memref<80x128xf32, #tpu.memory_space<vmem>>) dst(%dma_wait3A_67 : memref<80x128xf32, #tpu.memory_space<vmem_shared>>)
      tpu.yield
    }) : () -> ()
    %barrier3A = arith.constant 0 : index
    tpu.barrier barrier_id(%barrier3A)
    "tpu.region"() ({
      %run_scoped3A_59 = tpu.sem_alloc : memref<!tpu.dma_semaphore, #tpu.memory_space<semaphore_mem>>
      %dma_start3A_60 = arith.constant 0 : i32
      %dma_start3A_61 = tpu.memref_slice %arg3[%add3A, %dma_start3A_60] : memref<32x10000xi32, #tpu.memory_space<hbm>> -> memref<1x10000xi32, #tpu.memory_space<hbm>>
      %dma_start3A_62 = tpu.memref_squeeze %dma_start3A_61 : memref<1x10000xi32, #tpu.memory_space<hbm>> -> memref<10000xi32, #tpu.memory_space<hbm>>
      %dma_start3A_63 = arith.constant 0 : i32
      %dma_start3A_64 = tpu.memref_slice %arg3[%add3A, %dma_start3A_63] : memref<32x10000xi32, #tpu.memory_space<hbm>> -> memref<1x10000xi32, #tpu.memory_space<hbm>>
      %dma_start3A_65 = tpu.memref_squeeze %dma_start3A_64 : memref<1x10000xi32, #tpu.memory_space<hbm>> -> memref<10000xi32, #tpu.memory_space<hbm>>
      tpu.enqueue_dma source(%dma_start3A_65 : memref<10000xi32, #tpu.memory_space<hbm>>) target(%arg7 : memref<10000xi32, #tpu.memory_space<vmem>>) target_semaphore(%run_scoped3A_59 : memref<!tpu.dma_semaphore, #tpu.memory_space<semaphore_mem>>)
      %dma_wait3A_66 = arith.constant 0 : i32
      %dma_wait3A_67 = tpu.memref_slice %arg3[%add3A, %dma_wait3A_66] : memref<32x10000xi32, #tpu.memory_space<hbm>> -> memref<1x10000xi32, #tpu.memory_space<hbm>>
      %dma_wait3A_68 = tpu.memref_squeeze %dma_wait3A_67 : memref<1x10000xi32, #tpu.memory_space<hbm>> -> memref<10000xi32, #tpu.memory_space<hbm>>
      %dma_wait3A_69 = arith.constant 0 : i32
      %dma_wait3A_70 = tpu.memref_slice %arg3[%add3A, %dma_wait3A_69] : memref<32x10000xi32, #tpu.memory_space<hbm>> -> memref<1x10000xi32, #tpu.memory_space<hbm>>
      %dma_wait3A_71 = tpu.memref_squeeze %dma_wait3A_70 : memref<1x10000xi32, #tpu.memory_space<hbm>> -> memref<10000xi32, #tpu.memory_space<hbm>>
      tpu.wait_dma2 semaphore(%run_scoped3A_59 : memref<!tpu.dma_semaphore, #tpu.memory_space<semaphore_mem>>) src(%dma_wait3A_71 : memref<10000xi32, #tpu.memory_space<hbm>>) dst(%arg7 : memref<10000xi32, #tpu.memory_space<vmem>>)
      tpu.yield
    }) : () -> ()
    "tpu.region"() ({
      %run_scoped3A_59 = tpu.sem_alloc : memref<!tpu.dma_semaphore, #tpu.memory_space<semaphore_mem>>
      %dma_start3A_60 = arith.constant 0 : i32
      %dma_start3A_61 = arith.constant 0 : i32
      %dma_start3A_62 = tpu.memref_slice %arg4[%add3A, %dma_start3A_60, %dma_start3A_61] : memref<32x125x80xi32, #tpu.memory_space<hbm>> -> memref<1x125x80xi32, #tpu.memory_space<hbm>>
      %dma_start3A_63 = tpu.memref_squeeze %dma_start3A_62 : memref<1x125x80xi32, #tpu.memory_space<hbm>> -> memref<125x80xi32, #tpu.memory_space<hbm>>
      %dma_start3A_64 = arith.constant 0 : i32
      %dma_start3A_65 = arith.constant 0 : i32
      %dma_start3A_66 = tpu.memref_slice %arg4[%add3A, %dma_start3A_64, %dma_start3A_65] : memref<32x125x80xi32, #tpu.memory_space<hbm>> -> memref<1x125x80xi32, #tpu.memory_space<hbm>>
      %dma_start3A_67 = tpu.memref_squeeze %dma_start3A_66 : memref<1x125x80xi32, #tpu.memory_space<hbm>> -> memref<125x80xi32, #tpu.memory_space<hbm>>
      tpu.enqueue_dma source(%dma_start3A_67 : memref<125x80xi32, #tpu.memory_space<hbm>>) target(%arg8 : memref<125x80xi32, #tpu.memory_space<vmem>>) target_semaphore(%run_scoped3A_59 : memref<!tpu.dma_semaphore, #tpu.memory_space<semaphore_mem>>)
      %dma_wait3A_68 = arith.constant 0 : i32
      %dma_wait3A_69 = arith.constant 0 : i32
      %dma_wait3A_70 = tpu.memref_slice %arg4[%add3A, %dma_wait3A_68, %dma_wait3A_69] : memref<32x125x80xi32, #tpu.memory_space<hbm>> -> memref<1x125x80xi32, #tpu.memory_space<hbm>>
      %dma_wait3A_71 = tpu.memref_squeeze %dma_wait3A_70 : memref<1x125x80xi32, #tpu.memory_space<hbm>> -> memref<125x80xi32, #tpu.memory_space<hbm>>
      %dma_wait3A_72 = arith.constant 0 : i32
      %dma_wait3A_73 = arith.constant 0 : i32
      %dma_wait3A_74 = tpu.memref_slice %arg4[%add3A, %dma_wait3A_72, %dma_wait3A_73] : memref<32x125x80xi32, #tpu.memory_space<hbm>> -> memref<1x125x80xi32, #tpu.memory_space<hbm>>
      %dma_wait3A_75 = tpu.memref_squeeze %dma_wait3A_74 : memref<1x125x80xi32, #tpu.memory_space<hbm>> -> memref<125x80xi32, #tpu.memory_space<hbm>>
      tpu.wait_dma2 semaphore(%run_scoped3A_59 : memref<!tpu.dma_semaphore, #tpu.memory_space<semaphore_mem>>) src(%dma_wait3A_75 : memref<125x80xi32, #tpu.memory_space<hbm>>) dst(%arg8 : memref<125x80xi32, #tpu.memory_space<vmem>>)
      tpu.yield
    }) : () -> ()
    %dma_start3A = arith.constant 0 : i32
    %dma_start3A_39 = tpu.memref_slice %arg7[%dma_start3A] : memref<10000xi32, #tpu.memory_space<vmem>> -> memref<80xi32, #tpu.memory_space<vmem>>
    %dma_start3A_40 = arith.constant 0 : i32
    %dma_start3A_41 = arith.constant 0 : i32
    %dma_start3A_42 = tpu.memref_slice %arg2[%dma_start3A_40, %dma_start3A_41] : memref<10240x128xf32, #tpu.memory_space<hbm>> -> memref<10240x128xf32, #tpu.memory_space<hbm>>
    tpu.enqueue_indirect_dma source(%dma_start3A_42 : memref<10240x128xf32, #tpu.memory_space<hbm>>) target(%arg9 : memref<80x128xf32, #tpu.memory_space<vmem>>) offsets(%dma_start3A_39 : memref<80xi32, #tpu.memory_space<vmem>>) semaphore(%arg11 : memref<!tpu.dma_semaphore, #tpu.memory_space<semaphore_mem>>)
    %scan3A_43 = arith.constant 0 : i32
    %scan3A_44 = arith.constant 0 : i32
    %scan3A_45 = arith.constant 62 : i32
    %scan3A_46 = arith.addi %scan3A_44, %scan3A_45 : i32
    %scan3A_47 = arith.constant 1 : i32
    scf.for %scan3A_59 = %scan3A_44 to %scan3A_46 step %scan3A_47  : i32 {
      %mul3A_60 = arith.constant 2 : i32
      %mul3A_61 = arith.muli %mul3A_60, %scan3A_59 : i32
      %add3A_62 = arith.constant 1 : i32
      %add3A_63 = arith.addi %mul3A_61, %add3A_62 : i32
      %mul3A_64 = arith.constant 80 : i32
      %mul3A_65 = arith.muli %add3A_63, %mul3A_64 : i32
      %dma_start3A_66 = tpu.memref_slice %arg7[%mul3A_65] : memref<10000xi32, #tpu.memory_space<vmem>> -> memref<80xi32, #tpu.memory_space<vmem>>
      %dma_start3A_67 = arith.constant 0 : i32
      %dma_start3A_68 = arith.constant 0 : i32
      %dma_start3A_69 = tpu.memref_slice %arg2[%dma_start3A_67, %dma_start3A_68] : memref<10240x128xf32, #tpu.memory_space<hbm>> -> memref<10240x128xf32, #tpu.memory_space<hbm>>
      tpu.enqueue_indirect_dma source(%dma_start3A_69 : memref<10240x128xf32, #tpu.memory_space<hbm>>) target(%arg10 : memref<80x128xf32, #tpu.memory_space<vmem>>) offsets(%dma_start3A_66 : memref<80xi32, #tpu.memory_space<vmem>>) semaphore(%arg12 : memref<!tpu.dma_semaphore, #tpu.memory_space<semaphore_mem>>)
      %dma_wait3A_70 = arith.constant 0 : i32
      %dma_wait3A_71 = arith.constant 0 : i32
      %dma_wait3A_72 = tpu.memref_slice %arg2[%dma_wait3A_70, %dma_wait3A_71] : memref<10240x128xf32, #tpu.memory_space<hbm>> -> memref<80x128xf32, #tpu.memory_space<hbm>>
      %dma_wait3A_73 = arith.constant 0 : i32
      %dma_wait3A_74 = arith.constant 0 : i32
      %dma_wait3A_75 = tpu.memref_slice %arg2[%dma_wait3A_73, %dma_wait3A_74] : memref<10240x128xf32, #tpu.memory_space<hbm>> -> memref<80x128xf32, #tpu.memory_space<hbm>>
      tpu.wait_dma2 semaphore(%arg11 : memref<!tpu.dma_semaphore, #tpu.memory_space<semaphore_mem>>) src(%dma_wait3A_75 : memref<80x128xf32, #tpu.memory_space<hbm>>) dst(%arg9 : memref<80x128xf32, #tpu.memory_space<vmem>>)
      "tpu.region"() ({
        %run_scoped3A_92 = tpu.sem_alloc : memref<!tpu.dma_semaphore, #tpu.memory_space<semaphore_mem>>
        %dma_start3A_93 = arith.constant 0 : i32
        %dma_start3A_94 = tpu.memref_slice %arg8[%mul3A_61, %dma_start3A_93] : memref<125x80xi32, #tpu.memory_space<vmem>> -> memref<1x80xi32, #tpu.memory_space<vmem>>
        %dma_start3A_95 = tpu.memref_squeeze %dma_start3A_94 : memref<1x80xi32, #tpu.memory_space<vmem>> -> memref<80xi32, #tpu.memory_space<vmem>>
        %dma_start3A_96 = arith.constant 0 : i32
        %dma_start3A_97 = arith.constant 0 : i32
        %dma_start3A_98 = tpu.memref_slice %arg6[%dma_start3A_96, %dma_start3A_97] : memref<10240x128xf32, #tpu.memory_space<vmem_shared>> -> memref<10240x128xf32, #tpu.memory_space<vmem_shared>>
        tpu.enqueue_indirect_dma source(%arg9 : memref<80x128xf32, #tpu.memory_space<vmem>>) target(%dma_start3A_98 : memref<10240x128xf32, #tpu.memory_space<vmem_shared>>) offsets(%dma_start3A_95 : memref<80xi32, #tpu.memory_space<vmem>>) semaphore(%run_scoped3A_92 : memref<!tpu.dma_semaphore, #tpu.memory_space<semaphore_mem>>) {add = true}
        %dma_wait3A_99 = arith.constant 0 : i32
        %dma_wait3A_100 = tpu.memref_slice %arg8[%mul3A_61, %dma_wait3A_99] : memref<125x80xi32, #tpu.memory_space<vmem>> -> memref<1x80xi32, #tpu.memory_space<vmem>>
        %dma_wait3A_101 = tpu.memref_squeeze %dma_wait3A_100 : memref<1x80xi32, #tpu.memory_space<vmem>> -> memref<80xi32, #tpu.memory_space<vmem>>
        %dma_wait3A_102 = arith.constant 0 : i32
        %dma_wait3A_103 = arith.constant 0 : i32
        %dma_wait3A_104 = tpu.memref_slice %arg6[%dma_wait3A_102, %dma_wait3A_103] : memref<10240x128xf32, #tpu.memory_space<vmem_shared>> -> memref<10240x128xf32, #tpu.memory_space<vmem_shared>>
        tpu.wait_indirect_dma semaphore(%run_scoped3A_92 : memref<!tpu.dma_semaphore, #tpu.memory_space<semaphore_mem>>) src(%arg9 : memref<80x128xf32, #tpu.memory_space<vmem>>) dst(%dma_wait3A_104 : memref<10240x128xf32, #tpu.memory_space<vmem_shared>>)
        tpu.yield
      }) : () -> ()
      %add3A_76 = arith.constant 2 : i32
      %add3A_77 = arith.addi %mul3A_61, %add3A_76 : i32
      %mul3A_78 = arith.constant 80 : i32
      %mul3A_79 = arith.muli %add3A_77, %mul3A_78 : i32
      %dma_start3A_80 = tpu.memref_slice %arg7[%mul3A_79] : memref<10000xi32, #tpu.memory_space<vmem>> -> memref<80xi32, #tpu.memory_space<vmem>>
      %dma_start3A_81 = arith.constant 0 : i32
      %dma_start3A_82 = arith.constant 0 : i32
      %dma_start3A_83 = tpu.memref_slice %arg2[%dma_start3A_81, %dma_start3A_82] : memref<10240x128xf32, #tpu.memory_space<hbm>> -> memref<10240x128xf32, #tpu.memory_space<hbm>>
      tpu.enqueue_indirect_dma source(%dma_start3A_83 : memref<10240x128xf32, #tpu.memory_space<hbm>>) target(%arg9 : memref<80x128xf32, #tpu.memory_space<vmem>>) offsets(%dma_start3A_80 : memref<80xi32, #tpu.memory_space<vmem>>) semaphore(%arg11 : memref<!tpu.dma_semaphore, #tpu.memory_space<semaphore_mem>>)
      %dma_wait3A_84 = arith.constant 0 : i32
      %dma_wait3A_85 = arith.constant 0 : i32
      %dma_wait3A_86 = tpu.memref_slice %arg2[%dma_wait3A_84, %dma_wait3A_85] : memref<10240x128xf32, #tpu.memory_space<hbm>> -> memref<80x128xf32, #tpu.memory_space<hbm>>
      %dma_wait3A_87 = arith.constant 0 : i32
      %dma_wait3A_88 = arith.constant 0 : i32
      %dma_wait3A_89 = tpu.memref_slice %arg2[%dma_wait3A_87, %dma_wait3A_88] : memref<10240x128xf32, #tpu.memory_space<hbm>> -> memref<80x128xf32, #tpu.memory_space<hbm>>
      tpu.wait_dma2 semaphore(%arg12 : memref<!tpu.dma_semaphore, #tpu.memory_space<semaphore_mem>>) src(%dma_wait3A_89 : memref<80x128xf32, #tpu.memory_space<hbm>>) dst(%arg10 : memref<80x128xf32, #tpu.memory_space<vmem>>)
      %add3A_90 = arith.constant 1 : i32
      %add3A_91 = arith.addi %mul3A_61, %add3A_90 : i32
      "tpu.region"() ({
        %run_scoped3A_92 = tpu.sem_alloc : memref<!tpu.dma_semaphore, #tpu.memory_space<semaphore_mem>>
        %dma_start3A_93 = arith.constant 0 : i32
        %dma_start3A_94 = tpu.memref_slice %arg8[%add3A_91, %dma_start3A_93] : memref<125x80xi32, #tpu.memory_space<vmem>> -> memref<1x80xi32, #tpu.memory_space<vmem>>
        %dma_start3A_95 = tpu.memref_squeeze %dma_start3A_94 : memref<1x80xi32, #tpu.memory_space<vmem>> -> memref<80xi32, #tpu.memory_space<vmem>>
        %dma_start3A_96 = arith.constant 0 : i32
        %dma_start3A_97 = arith.constant 0 : i32
        %dma_start3A_98 = tpu.memref_slice %arg6[%dma_start3A_96, %dma_start3A_97] : memref<10240x128xf32, #tpu.memory_space<vmem_shared>> -> memref<10240x128xf32, #tpu.memory_space<vmem_shared>>
        tpu.enqueue_indirect_dma source(%arg10 : memref<80x128xf32, #tpu.memory_space<vmem>>) target(%dma_start3A_98 : memref<10240x128xf32, #tpu.memory_space<vmem_shared>>) offsets(%dma_start3A_95 : memref<80xi32, #tpu.memory_space<vmem>>) semaphore(%run_scoped3A_92 : memref<!tpu.dma_semaphore, #tpu.memory_space<semaphore_mem>>) {add = true}
        %dma_wait3A_99 = arith.constant 0 : i32
        %dma_wait3A_100 = tpu.memref_slice %arg8[%add3A_91, %dma_wait3A_99] : memref<125x80xi32, #tpu.memory_space<vmem>> -> memref<1x80xi32, #tpu.memory_space<vmem>>
        %dma_wait3A_101 = tpu.memref_squeeze %dma_wait3A_100 : memref<1x80xi32, #tpu.memory_space<vmem>> -> memref<80xi32, #tpu.memory_space<vmem>>
        %dma_wait3A_102 = arith.constant 0 : i32
        %dma_wait3A_103 = arith.constant 0 : i32
        %dma_wait3A_104 = tpu.memref_slice %arg6[%dma_wait3A_102, %dma_wait3A_103] : memref<10240x128xf32, #tpu.memory_space<vmem_shared>> -> memref<10240x128xf32, #tpu.memory_space<vmem_shared>>
        tpu.wait_indirect_dma semaphore(%run_scoped3A_92 : memref<!tpu.dma_semaphore, #tpu.memory_space<semaphore_mem>>) src(%arg10 : memref<80x128xf32, #tpu.memory_space<vmem>>) dst(%dma_wait3A_104 : memref<10240x128xf32, #tpu.memory_space<vmem_shared>>)
        tpu.yield
      }) : () -> ()
    }
    %scan3A_48 = arith.constant 62 : i32
    %dma_wait3A = arith.constant 0 : i32
    %dma_wait3A_49 = arith.constant 0 : i32
    %dma_wait3A_50 = tpu.memref_slice %arg2[%dma_wait3A, %dma_wait3A_49] : memref<10240x128xf32, #tpu.memory_space<hbm>> -> memref<80x128xf32, #tpu.memory_space<hbm>>
    %dma_wait3A_51 = arith.constant 0 : i32
    %dma_wait3A_52 = arith.constant 0 : i32
    %dma_wait3A_53 = tpu.memref_slice %arg2[%dma_wait3A_51, %dma_wait3A_52] : memref<10240x128xf32, #tpu.memory_space<hbm>> -> memref<80x128xf32, #tpu.memory_space<hbm>>
    tpu.wait_dma2 semaphore(%arg11 : memref<!tpu.dma_semaphore, #tpu.memory_space<semaphore_mem>>) src(%dma_wait3A_53 : memref<80x128xf32, #tpu.memory_space<hbm>>) dst(%arg9 : memref<80x128xf32, #tpu.memory_space<vmem>>)
    %run_scoped3A = arith.constant 124 : i32
    "tpu.region"() ({
      %run_scoped3A_59 = tpu.sem_alloc : memref<!tpu.dma_semaphore, #tpu.memory_space<semaphore_mem>>
      %dma_start3A_60 = arith.constant 0 : i32
      %dma_start3A_61 = tpu.memref_slice %arg8[%run_scoped3A, %dma_start3A_60] : memref<125x80xi32, #tpu.memory_space<vmem>> -> memref<1x80xi32, #tpu.memory_space<vmem>>
      %dma_start3A_62 = tpu.memref_squeeze %dma_start3A_61 : memref<1x80xi32, #tpu.memory_space<vmem>> -> memref<80xi32, #tpu.memory_space<vmem>>
      %dma_start3A_63 = arith.constant 0 : i32
      %dma_start3A_64 = arith.constant 0 : i32
      %dma_start3A_65 = tpu.memref_slice %arg6[%dma_start3A_63, %dma_start3A_64] : memref<10240x128xf32, #tpu.memory_space<vmem_shared>> -> memref<10240x128xf32, #tpu.memory_space<vmem_shared>>
      tpu.enqueue_indirect_dma source(%arg9 : memref<80x128xf32, #tpu.memory_space<vmem>>) target(%dma_start3A_65 : memref<10240x128xf32, #tpu.memory_space<vmem_shared>>) offsets(%dma_start3A_62 : memref<80xi32, #tpu.memory_space<vmem>>) semaphore(%run_scoped3A_59 : memref<!tpu.dma_semaphore, #tpu.memory_space<semaphore_mem>>) {add = true}
      %dma_wait3A_66 = arith.constant 0 : i32
      %dma_wait3A_67 = tpu.memref_slice %arg8[%run_scoped3A, %dma_wait3A_66] : memref<125x80xi32, #tpu.memory_space<vmem>> -> memref<1x80xi32, #tpu.memory_space<vmem>>
      %dma_wait3A_68 = tpu.memref_squeeze %dma_wait3A_67 : memref<1x80xi32, #tpu.memory_space<vmem>> -> memref<80xi32, #tpu.memory_space<vmem>>
      %dma_wait3A_69 = arith.constant 0 : i32
      %dma_wait3A_70 = arith.constant 0 : i32
      %dma_wait3A_71 = tpu.memref_slice %arg6[%dma_wait3A_69, %dma_wait3A_70] : memref<10240x128xf32, #tpu.memory_space<vmem_shared>> -> memref<10240x128xf32, #tpu.memory_space<vmem_shared>>
      tpu.wait_indirect_dma semaphore(%run_scoped3A_59 : memref<!tpu.dma_semaphore, #tpu.memory_space<semaphore_mem>>) src(%arg9 : memref<80x128xf32, #tpu.memory_space<vmem>>) dst(%dma_wait3A_71 : memref<10240x128xf32, #tpu.memory_space<vmem_shared>>)
      tpu.yield
    }) : () -> ()
    %barrier3A_54 = arith.constant 0 : index
    tpu.barrier barrier_id(%barrier3A_54)
    %mul3A_55 = arith.constant 640 : i32
    %mul3A_56 = arith.muli %arg1, %mul3A_55 : i32
    %mul3A_57 = arith.constant 640 : i32
    %mul3A_58 = arith.muli %arg1, %mul3A_57 : i32
    "tpu.region"() ({
      %run_scoped3A_59 = tpu.sem_alloc : memref<!tpu.dma_semaphore, #tpu.memory_space<semaphore_mem>>
      %dma_start3A_60 = arith.constant 0 : i32
      %dma_start3A_61 = tpu.memref_slice %arg5[%arg0, %mul3A_58, %dma_start3A_60] : memref<2x10240x128xf32, #tpu.memory_space<hbm>> -> memref<1x640x128xf32, #tpu.memory_space<hbm>>
      %dma_start3A_62 = tpu.memref_squeeze %dma_start3A_61 : memref<1x640x128xf32, #tpu.memory_space<hbm>> -> memref<640x128xf32, #tpu.memory_space<hbm>>
      %dma_start3A_63 = arith.constant 0 : i32
      %dma_start3A_64 = tpu.memref_slice %arg6[%mul3A_56, %dma_start3A_63] : memref<10240x128xf32, #tpu.memory_space<vmem_shared>> -> memref<640x128xf32, #tpu.memory_space<vmem_shared>>
      tpu.enqueue_dma source(%dma_start3A_64 : memref<640x128xf32, #tpu.memory_space<vmem_shared>>) target(%dma_start3A_62 : memref<640x128xf32, #tpu.memory_space<hbm>>) target_semaphore(%run_scoped3A_59 : memref<!tpu.dma_semaphore, #tpu.memory_space<semaphore_mem>>)
      %dma_wait3A_65 = arith.constant 0 : i32
      %dma_wait3A_66 = tpu.memref_slice %arg5[%arg0, %mul3A_58, %dma_wait3A_65] : memref<2x10240x128xf32, #tpu.memory_space<hbm>> -> memref<1x640x128xf32, #tpu.memory_space<hbm>>
      %dma_wait3A_67 = tpu.memref_squeeze %dma_wait3A_66 : memref<1x640x128xf32, #tpu.memory_space<hbm>> -> memref<640x128xf32, #tpu.memory_space<hbm>>
      %dma_wait3A_68 = arith.constant 0 : i32
      %dma_wait3A_69 = tpu.memref_slice %arg6[%mul3A_56, %dma_wait3A_68] : memref<10240x128xf32, #tpu.memory_space<vmem_shared>> -> memref<640x128xf32, #tpu.memory_space<vmem_shared>>
      tpu.wait_dma2 semaphore(%run_scoped3A_59 : memref<!tpu.dma_semaphore, #tpu.memory_space<semaphore_mem>>) src(%dma_wait3A_69 : memref<640x128xf32, #tpu.memory_space<vmem_shared>>) dst(%dma_wait3A_67 : memref<640x128xf32, #tpu.memory_space<hbm>>)
      tpu.yield
    }) : () -> ()
    return
  }
}

module attributes {stable_mosaic.version = 14 : i64} {
  func.func @_mlp_body(%arg0: i32, %arg1: memref<2x1024x128xf32, #tpu.memory_space<vmem>>, %arg2: memref<2x1024x128xf32, #tpu.memory_space<vmem>>, %arg3: memref<1024x128xf32, #tpu.memory_space<vmem>>, %arg4: memref<128x256xf32, #tpu.memory_space<vmem>>, %arg5: memref<128x256xf32, #tpu.memory_space<vmem>>, %arg6: memref<1x256xf32, #tpu.memory_space<vmem>>, %arg7: memref<256x128xf32, #tpu.memory_space<vmem>>, %arg8: memref<1x128xf32, #tpu.memory_space<vmem>>, %arg9: memref<1024x128xf32, #tpu.memory_space<vmem>>, %arg10: memref<1024x128xf32, #tpu.memory_space<vmem>>) attributes {dimension_semantics = [#tpu.dimension_semantics<arbitrary>], iteration_bounds = array<i64: 10>, scalar_prefetch = 0 : i64, scratch_operands = 0 : i64, tpu.core_type = #tpu.core_type<tc>, window_params = [{transform_indices = @transform_0, window_bounds = array<i64: 2, 1024, 128>}, {transform_indices = @transform_1, window_bounds = array<i64: 2, 1024, 128>}, {transform_indices = @transform_2, window_bounds = array<i64: 1024, 128>}, {pipeline_mode = #tpu.pipeline_mode<synchronous>, transform_indices = @transform_3, window_bounds = array<i64: 128, 256>}, {pipeline_mode = #tpu.pipeline_mode<synchronous>, transform_indices = @transform_4, window_bounds = array<i64: 128, 256>}, {pipeline_mode = #tpu.pipeline_mode<synchronous>, transform_indices = @transform_5, window_bounds = array<i64: 1, 256>}, {pipeline_mode = #tpu.pipeline_mode<synchronous>, transform_indices = @transform_6, window_bounds = array<i64: 256, 128>}, {pipeline_mode = #tpu.pipeline_mode<synchronous>, transform_indices = @transform_7, window_bounds = array<i64: 1, 128>}, {transform_indices = @transform_8, window_bounds = array<i64: 1024, 128>}, {transform_indices = @transform_9, window_bounds = array<i64: 1024, 128>}]} {
    %get3A = arith.constant 0 : index
    %get3A_0 = arith.constant 0 : index
    %get3A_1 = arith.constant 0 : index
    %get3A_2 = vector.load %arg1[%get3A, %get3A_0, %get3A_1] : memref<2x1024x128xf32, #tpu.memory_space<vmem>>, vector<1x1024x128xf32>
    %get3A_3 = vector.shape_cast %get3A_2 : vector<1x1024x128xf32> to vector<1024x128xf32>
    %get3A_4 = arith.constant 1 : index
    %get3A_5 = arith.constant 0 : index
    %get3A_6 = arith.constant 0 : index
    %get3A_7 = vector.load %arg1[%get3A_4, %get3A_5, %get3A_6] : memref<2x1024x128xf32, #tpu.memory_space<vmem>>, vector<1x1024x128xf32>
    %get3A_8 = vector.shape_cast %get3A_7 : vector<1x1024x128xf32> to vector<1024x128xf32>
    %add3A = arith.addf %get3A_3, %get3A_8 : vector<1024x128xf32>
    %get3A_9 = arith.constant 0 : index
    %get3A_10 = arith.constant 0 : index
    %get3A_11 = arith.constant 0 : index
    %get3A_12 = vector.load %arg2[%get3A_9, %get3A_10, %get3A_11] : memref<2x1024x128xf32, #tpu.memory_space<vmem>>, vector<1x1024x1xf32>
    %get3A_13 = vector.shape_cast %get3A_12 : vector<1x1024x1xf32> to vector<1024x1xf32>
    %get3A_14 = arith.constant 1 : index
    %get3A_15 = arith.constant 0 : index
    %get3A_16 = arith.constant 0 : index
    %get3A_17 = vector.load %arg2[%get3A_14, %get3A_15, %get3A_16] : memref<2x1024x128xf32, #tpu.memory_space<vmem>>, vector<1x1024x1xf32>
    %get3A_18 = vector.shape_cast %get3A_17 : vector<1x1024x1xf32> to vector<1024x1xf32>
    %add3A_19 = arith.addf %get3A_13, %get3A_18 : vector<1024x1xf32>
    %max3A = arith.constant 1.000000e+00 : f32
    %max3A_20 = vector.broadcast %max3A : f32 to vector<1024x1xf32>
    %max3A_21 = arith.maximumf %add3A_19, %max3A_20 : vector<1024x1xf32>
    %div3A = vector.broadcast %max3A_21 : vector<1024x1xf32> to vector<1024x128xf32>
    %div3A_22 = arith.divf %add3A, %div3A : vector<1024x128xf32>
    %get3A_23 = arith.constant 0 : index
    %get3A_24 = arith.constant 0 : index
    %get3A_25 = vector.load %arg3[%get3A_23, %get3A_24] : memref<1024x128xf32, #tpu.memory_space<vmem>>, vector<1024x128xf32>
    %get3A_26 = arith.constant 0 : index
    %get3A_27 = arith.constant 0 : index
    %get3A_28 = vector.load %arg4[%get3A_26, %get3A_27] : memref<128x256xf32, #tpu.memory_space<vmem>>, vector<128x256xf32>
    %dot_general3A = arith.constant dense<0.000000e+00> : vector<1024x256xf32>
    %dot_general3A_29 = tpu.matmul %get3A_25, %get3A_28, %dot_general3A {dimension_numbers = #tpu.dot_dimension_numbers<[1], [0], [0], [1], [0, 0, 1, 1], [], []>, transpose_lhs_hint = false} : vector<1024x128xf32>, vector<128x256xf32>, vector<1024x256xf32> -> vector<1024x256xf32>
    %get3A_30 = arith.constant 0 : index
    %get3A_31 = arith.constant 0 : index
    %get3A_32 = vector.load %arg5[%get3A_30, %get3A_31] : memref<128x256xf32, #tpu.memory_space<vmem>>, vector<128x256xf32>
    %dot_general3A_33 = arith.constant dense<0.000000e+00> : vector<1024x256xf32>
    %dot_general3A_34 = tpu.matmul %div3A_22, %get3A_32, %dot_general3A_33 {dimension_numbers = #tpu.dot_dimension_numbers<[1], [0], [0], [1], [0, 0, 1, 1], [], []>, transpose_lhs_hint = false} : vector<1024x128xf32>, vector<128x256xf32>, vector<1024x256xf32> -> vector<1024x256xf32>
    %add3A_35 = arith.addf %dot_general3A_29, %dot_general3A_34 : vector<1024x256xf32>
    %get3A_36 = arith.constant 0 : index
    %get3A_37 = arith.constant 0 : index
    %get3A_38 = vector.load %arg6[%get3A_36, %get3A_37] : memref<1x256xf32, #tpu.memory_space<vmem>>, vector<1x256xf32>
    %add3A_39 = vector.broadcast %get3A_38 : vector<1x256xf32> to vector<1024x256xf32>
    %add3A_40 = arith.addf %add3A_35, %add3A_39 : vector<1024x256xf32>
    %max3A_41 = arith.constant 0.000000e+00 : f32
    %max3A_42 = vector.broadcast %max3A_41 : f32 to vector<1024x256xf32>
    %max3A_43 = arith.maximumf %add3A_40, %max3A_42 : vector<1024x256xf32>
    %get3A_44 = arith.constant 0 : index
    %get3A_45 = arith.constant 0 : index
    %get3A_46 = vector.load %arg7[%get3A_44, %get3A_45] : memref<256x128xf32, #tpu.memory_space<vmem>>, vector<256x128xf32>
    %dot_general3A_47 = arith.constant dense<0.000000e+00> : vector<1024x128xf32>
    %dot_general3A_48 = tpu.matmul %max3A_43, %get3A_46, %dot_general3A_47 {dimension_numbers = #tpu.dot_dimension_numbers<[1], [0], [0], [1], [0, 0, 1, 1], [], []>, transpose_lhs_hint = false} : vector<1024x256xf32>, vector<256x128xf32>, vector<1024x128xf32> -> vector<1024x128xf32>
    %get3A_49 = arith.constant 0 : index
    %get3A_50 = arith.constant 0 : index
    %get3A_51 = vector.load %arg8[%get3A_49, %get3A_50] : memref<1x128xf32, #tpu.memory_space<vmem>>, vector<1x128xf32>
    %add3A_52 = vector.broadcast %get3A_51 : vector<1x128xf32> to vector<1024x128xf32>
    %add3A_53 = arith.addf %dot_general3A_48, %add3A_52 : vector<1024x128xf32>
    %swap3A = arith.constant 0 : index
    %swap3A_54 = arith.constant 0 : index
    %swap3A_55 = vector.load %arg9[%swap3A, %swap3A_54] : memref<1024x128xf32, #tpu.memory_space<vmem>>, vector<1024x128xf32>
    tpu.vector_store %arg9[%swap3A, %swap3A_54], %add3A_53 {strides = array<i32>} : memref<1024x128xf32, #tpu.memory_space<vmem>>, vector<1024x128xf32>,
    %reduce_sum3A = arith.constant dense<0.000000e+00> : vector<1024xf32>
    %reduce_sum3A_56 = vector.multi_reduction <add>, %add3A_53, %reduce_sum3A [1] : vector<1024x128xf32> to vector<1024xf32>
    %broadcast_in_dim3A = vector.shape_cast %reduce_sum3A_56 : vector<1024xf32> to vector<1024x1xf32>
    %div3A_57 = arith.constant 1.280000e+02 : f32
    %div3A_58 = vector.broadcast %div3A_57 : f32 to vector<1024x1xf32>
    %div3A_59 = arith.divf %broadcast_in_dim3A, %div3A_58 : vector<1024x1xf32>
    %sub3A = vector.broadcast %div3A_59 : vector<1024x1xf32> to vector<1024x128xf32>
    %sub3A_60 = arith.subf %add3A_53, %sub3A : vector<1024x128xf32>
    %integer_pow3A = arith.mulf %sub3A_60, %sub3A_60 : vector<1024x128xf32>
    %reduce_sum3A_61 = arith.constant dense<0.000000e+00> : vector<1024xf32>
    %reduce_sum3A_62 = vector.multi_reduction <add>, %integer_pow3A, %reduce_sum3A_61 [1] : vector<1024x128xf32> to vector<1024xf32>
    %broadcast_in_dim3A_63 = vector.shape_cast %reduce_sum3A_62 : vector<1024xf32> to vector<1024x1xf32>
    %div3A_64 = arith.constant 1.280000e+02 : f32
    %div3A_65 = vector.broadcast %div3A_64 : f32 to vector<1024x1xf32>
    %div3A_66 = arith.divf %broadcast_in_dim3A_63, %div3A_65 : vector<1024x1xf32>
    %sqrt3A = math.sqrt %div3A_66 : vector<1024x1xf32>
    %add3A_67 = arith.constant 9.99999997E-7 : f32
    %add3A_68 = vector.broadcast %add3A_67 : f32 to vector<1024x1xf32>
    %add3A_69 = arith.addf %sqrt3A, %add3A_68 : vector<1024x1xf32>
    %sub3A_70 = vector.broadcast %div3A_59 : vector<1024x1xf32> to vector<1024x128xf32>
    %sub3A_71 = arith.subf %add3A_53, %sub3A_70 : vector<1024x128xf32>
    %div3A_72 = vector.broadcast %add3A_69 : vector<1024x1xf32> to vector<1024x128xf32>
    %div3A_73 = arith.divf %sub3A_71, %div3A_72 : vector<1024x128xf32>
    %swap3A_74 = arith.constant 0 : index
    %swap3A_75 = arith.constant 0 : index
    %swap3A_76 = vector.load %arg10[%swap3A_74, %swap3A_75] : memref<1024x128xf32, #tpu.memory_space<vmem>>, vector<1024x128xf32>
    tpu.vector_store %arg10[%swap3A_74, %swap3A_75], %div3A_73 {strides = array<i32>} : memref<1024x128xf32, #tpu.memory_space<vmem>>, vector<1024x128xf32>,
    return
  }
  func.func @transform_0(%arg0: i32) -> (i32, i32, i32) {
    %c0_i32 = arith.constant 0 : i32
    %c0_i32_0 = arith.constant 0 : i32
    %c0_i32_1 = arith.constant 0 : i32
    return %c0_i32, %arg0, %c0_i32_0 : i32, i32, i32
  }
  func.func @transform_1(%arg0: i32) -> (i32, i32, i32) {
    %c0_i32 = arith.constant 0 : i32
    %c0_i32_0 = arith.constant 0 : i32
    %c0_i32_1 = arith.constant 0 : i32
    return %c0_i32, %arg0, %c0_i32_0 : i32, i32, i32
  }
  func.func @transform_2(%arg0: i32) -> (i32, i32) {
    %c0_i32 = arith.constant 0 : i32
    %c0_i32_0 = arith.constant 0 : i32
    return %arg0, %c0_i32 : i32, i32
  }
  func.func @transform_3(%arg0: i32) -> (i32, i32) {
    %c0_i32 = arith.constant 0 : i32
    %c0_i32_0 = arith.constant 0 : i32
    %c0_i32_1 = arith.constant 0 : i32
    return %c0_i32, %c0_i32_0 : i32, i32
  }
  func.func @transform_4(%arg0: i32) -> (i32, i32) {
    %c0_i32 = arith.constant 0 : i32
    %c0_i32_0 = arith.constant 0 : i32
    %c0_i32_1 = arith.constant 0 : i32
    return %c0_i32, %c0_i32_0 : i32, i32
  }
  func.func @transform_5(%arg0: i32) -> (i32, i32) {
    %c0_i32 = arith.constant 0 : i32
    %c0_i32_0 = arith.constant 0 : i32
    %c0_i32_1 = arith.constant 0 : i32
    return %c0_i32, %c0_i32_0 : i32, i32
  }
  func.func @transform_6(%arg0: i32) -> (i32, i32) {
    %c0_i32 = arith.constant 0 : i32
    %c0_i32_0 = arith.constant 0 : i32
    %c0_i32_1 = arith.constant 0 : i32
    return %c0_i32, %c0_i32_0 : i32, i32
  }
  func.func @transform_7(%arg0: i32) -> (i32, i32) {
    %c0_i32 = arith.constant 0 : i32
    %c0_i32_0 = arith.constant 0 : i32
    %c0_i32_1 = arith.constant 0 : i32
    return %c0_i32, %c0_i32_0 : i32, i32
  }
  func.func @transform_8(%arg0: i32) -> (i32, i32) {
    %c0_i32 = arith.constant 0 : i32
    %c0_i32_0 = arith.constant 0 : i32
    return %arg0, %c0_i32 : i32, i32
  }
  func.func @transform_9(%arg0: i32) -> (i32, i32) {
    %c0_i32 = arith.constant 0 : i32
    %c0_i32_0 = arith.constant 0 : i32
    return %arg0, %c0_i32 : i32, i32
  }
}

module attributes {stable_mosaic.version = 14 : i64} {
  func.func @_mlp_body(%arg0: i32, %arg1: memref<2x1024x128xf32, #tpu.memory_space<vmem>>, %arg2: memref<2x1024x128xf32, #tpu.memory_space<vmem>>, %arg3: memref<1024x128xf32, #tpu.memory_space<vmem>>, %arg4: memref<1024x128xf32, #tpu.memory_space<vmem>>, %arg5: memref<128x256xf32, #tpu.memory_space<vmem>>, %arg6: memref<128x256xf32, #tpu.memory_space<vmem>>, %arg7: memref<1x256xf32, #tpu.memory_space<vmem>>, %arg8: memref<256x128xf32, #tpu.memory_space<vmem>>, %arg9: memref<1x128xf32, #tpu.memory_space<vmem>>, %arg10: memref<1024x128xf32, #tpu.memory_space<vmem>>, %arg11: memref<1024x128xf32, #tpu.memory_space<vmem>>) attributes {dimension_semantics = [#tpu.dimension_semantics<arbitrary>], iteration_bounds = array<i64: 10>, scalar_prefetch = 0 : i64, scratch_operands = 0 : i64, tpu.core_type = #tpu.core_type<tc>, window_params = [{transform_indices = @transform_0, window_bounds = array<i64: 2, 1024, 128>}, {transform_indices = @transform_1, window_bounds = array<i64: 2, 1024, 128>}, {transform_indices = @transform_2, window_bounds = array<i64: 1024, 128>}, {transform_indices = @transform_3, window_bounds = array<i64: 1024, 128>}, {pipeline_mode = #tpu.pipeline_mode<synchronous>, transform_indices = @transform_4, window_bounds = array<i64: 128, 256>}, {pipeline_mode = #tpu.pipeline_mode<synchronous>, transform_indices = @transform_5, window_bounds = array<i64: 128, 256>}, {pipeline_mode = #tpu.pipeline_mode<synchronous>, transform_indices = @transform_6, window_bounds = array<i64: 1, 256>}, {pipeline_mode = #tpu.pipeline_mode<synchronous>, transform_indices = @transform_7, window_bounds = array<i64: 256, 128>}, {pipeline_mode = #tpu.pipeline_mode<synchronous>, transform_indices = @transform_8, window_bounds = array<i64: 1, 128>}, {transform_indices = @transform_9, window_bounds = array<i64: 1024, 128>}, {transform_indices = @transform_10, window_bounds = array<i64: 1024, 128>}]} {
    %get3A = arith.constant 0 : index
    %get3A_0 = arith.constant 0 : index
    %get3A_1 = arith.constant 0 : index
    %get3A_2 = vector.load %arg1[%get3A, %get3A_0, %get3A_1] : memref<2x1024x128xf32, #tpu.memory_space<vmem>>, vector<1x1024x128xf32>
    %get3A_3 = vector.shape_cast %get3A_2 : vector<1x1024x128xf32> to vector<1024x128xf32>
    %get3A_4 = arith.constant 1 : index
    %get3A_5 = arith.constant 0 : index
    %get3A_6 = arith.constant 0 : index
    %get3A_7 = vector.load %arg1[%get3A_4, %get3A_5, %get3A_6] : memref<2x1024x128xf32, #tpu.memory_space<vmem>>, vector<1x1024x128xf32>
    %get3A_8 = vector.shape_cast %get3A_7 : vector<1x1024x128xf32> to vector<1024x128xf32>
    %add3A = arith.addf %get3A_3, %get3A_8 : vector<1024x128xf32>
    %get3A_9 = arith.constant 0 : index
    %get3A_10 = arith.constant 0 : index
    %get3A_11 = arith.constant 0 : index
    %get3A_12 = vector.load %arg2[%get3A_9, %get3A_10, %get3A_11] : memref<2x1024x128xf32, #tpu.memory_space<vmem>>, vector<1x1024x1xf32>
    %get3A_13 = vector.shape_cast %get3A_12 : vector<1x1024x1xf32> to vector<1024x1xf32>
    %get3A_14 = arith.constant 1 : index
    %get3A_15 = arith.constant 0 : index
    %get3A_16 = arith.constant 0 : index
    %get3A_17 = vector.load %arg2[%get3A_14, %get3A_15, %get3A_16] : memref<2x1024x128xf32, #tpu.memory_space<vmem>>, vector<1x1024x1xf32>
    %get3A_18 = vector.shape_cast %get3A_17 : vector<1x1024x1xf32> to vector<1024x1xf32>
    %add3A_19 = arith.addf %get3A_13, %get3A_18 : vector<1024x1xf32>
    %max3A = arith.constant 1.000000e+00 : f32
    %max3A_20 = vector.broadcast %max3A : f32 to vector<1024x1xf32>
    %max3A_21 = arith.maximumf %add3A_19, %max3A_20 : vector<1024x1xf32>
    %div3A = vector.broadcast %max3A_21 : vector<1024x1xf32> to vector<1024x128xf32>
    %div3A_22 = arith.divf %add3A, %div3A : vector<1024x128xf32>
    %get3A_23 = arith.constant 0 : index
    %get3A_24 = arith.constant 0 : index
    %get3A_25 = vector.load %arg3[%get3A_23, %get3A_24] : memref<1024x128xf32, #tpu.memory_space<vmem>>, vector<1024x128xf32>
    %get3A_26 = arith.constant 0 : index
    %get3A_27 = arith.constant 0 : index
    %get3A_28 = vector.load %arg5[%get3A_26, %get3A_27] : memref<128x256xf32, #tpu.memory_space<vmem>>, vector<128x256xf32>
    %dot_general3A = arith.constant dense<0.000000e+00> : vector<1024x256xf32>
    %dot_general3A_29 = tpu.matmul %get3A_25, %get3A_28, %dot_general3A {dimension_numbers = #tpu.dot_dimension_numbers<[1], [0], [0], [1], [0, 0, 1, 1], [], []>, transpose_lhs_hint = false} : vector<1024x128xf32>, vector<128x256xf32>, vector<1024x256xf32> -> vector<1024x256xf32>
    %get3A_30 = arith.constant 0 : index
    %get3A_31 = arith.constant 0 : index
    %get3A_32 = vector.load %arg6[%get3A_30, %get3A_31] : memref<128x256xf32, #tpu.memory_space<vmem>>, vector<128x256xf32>
    %dot_general3A_33 = arith.constant dense<0.000000e+00> : vector<1024x256xf32>
    %dot_general3A_34 = tpu.matmul %div3A_22, %get3A_32, %dot_general3A_33 {dimension_numbers = #tpu.dot_dimension_numbers<[1], [0], [0], [1], [0, 0, 1, 1], [], []>, transpose_lhs_hint = false} : vector<1024x128xf32>, vector<128x256xf32>, vector<1024x256xf32> -> vector<1024x256xf32>
    %add3A_35 = arith.addf %dot_general3A_29, %dot_general3A_34 : vector<1024x256xf32>
    %get3A_36 = arith.constant 0 : index
    %get3A_37 = arith.constant 0 : index
    %get3A_38 = vector.load %arg7[%get3A_36, %get3A_37] : memref<1x256xf32, #tpu.memory_space<vmem>>, vector<1x256xf32>
    %add3A_39 = vector.broadcast %get3A_38 : vector<1x256xf32> to vector<1024x256xf32>
    %add3A_40 = arith.addf %add3A_35, %add3A_39 : vector<1024x256xf32>
    %max3A_41 = arith.constant 0.000000e+00 : f32
    %max3A_42 = vector.broadcast %max3A_41 : f32 to vector<1024x256xf32>
    %max3A_43 = arith.maximumf %add3A_40, %max3A_42 : vector<1024x256xf32>
    %get3A_44 = arith.constant 0 : index
    %get3A_45 = arith.constant 0 : index
    %get3A_46 = vector.load %arg8[%get3A_44, %get3A_45] : memref<256x128xf32, #tpu.memory_space<vmem>>, vector<256x128xf32>
    %dot_general3A_47 = arith.constant dense<0.000000e+00> : vector<1024x128xf32>
    %dot_general3A_48 = tpu.matmul %max3A_43, %get3A_46, %dot_general3A_47 {dimension_numbers = #tpu.dot_dimension_numbers<[1], [0], [0], [1], [0, 0, 1, 1], [], []>, transpose_lhs_hint = false} : vector<1024x256xf32>, vector<256x128xf32>, vector<1024x128xf32> -> vector<1024x128xf32>
    %get3A_49 = arith.constant 0 : index
    %get3A_50 = arith.constant 0 : index
    %get3A_51 = vector.load %arg9[%get3A_49, %get3A_50] : memref<1x128xf32, #tpu.memory_space<vmem>>, vector<1x128xf32>
    %add3A_52 = vector.broadcast %get3A_51 : vector<1x128xf32> to vector<1024x128xf32>
    %add3A_53 = arith.addf %dot_general3A_48, %add3A_52 : vector<1024x128xf32>
    %get3A_54 = arith.constant 0 : index
    %get3A_55 = arith.constant 0 : index
    %get3A_56 = vector.load %arg4[%get3A_54, %get3A_55] : memref<1024x128xf32, #tpu.memory_space<vmem>>, vector<1024x128xf32>
    %add3A_57 = arith.addf %add3A_53, %get3A_56 : vector<1024x128xf32>
    %swap3A = arith.constant 0 : index
    %swap3A_58 = arith.constant 0 : index
    %swap3A_59 = vector.load %arg10[%swap3A, %swap3A_58] : memref<1024x128xf32, #tpu.memory_space<vmem>>, vector<1024x128xf32>
    tpu.vector_store %arg10[%swap3A, %swap3A_58], %add3A_57 {strides = array<i32>} : memref<1024x128xf32, #tpu.memory_space<vmem>>, vector<1024x128xf32>,
    %reduce_sum3A = arith.constant dense<0.000000e+00> : vector<1024xf32>
    %reduce_sum3A_60 = vector.multi_reduction <add>, %add3A_57, %reduce_sum3A [1] : vector<1024x128xf32> to vector<1024xf32>
    %broadcast_in_dim3A = vector.shape_cast %reduce_sum3A_60 : vector<1024xf32> to vector<1024x1xf32>
    %div3A_61 = arith.constant 1.280000e+02 : f32
    %div3A_62 = vector.broadcast %div3A_61 : f32 to vector<1024x1xf32>
    %div3A_63 = arith.divf %broadcast_in_dim3A, %div3A_62 : vector<1024x1xf32>
    %sub3A = vector.broadcast %div3A_63 : vector<1024x1xf32> to vector<1024x128xf32>
    %sub3A_64 = arith.subf %add3A_57, %sub3A : vector<1024x128xf32>
    %integer_pow3A = arith.mulf %sub3A_64, %sub3A_64 : vector<1024x128xf32>
    %reduce_sum3A_65 = arith.constant dense<0.000000e+00> : vector<1024xf32>
    %reduce_sum3A_66 = vector.multi_reduction <add>, %integer_pow3A, %reduce_sum3A_65 [1] : vector<1024x128xf32> to vector<1024xf32>
    %broadcast_in_dim3A_67 = vector.shape_cast %reduce_sum3A_66 : vector<1024xf32> to vector<1024x1xf32>
    %div3A_68 = arith.constant 1.280000e+02 : f32
    %div3A_69 = vector.broadcast %div3A_68 : f32 to vector<1024x1xf32>
    %div3A_70 = arith.divf %broadcast_in_dim3A_67, %div3A_69 : vector<1024x1xf32>
    %sqrt3A = math.sqrt %div3A_70 : vector<1024x1xf32>
    %add3A_71 = arith.constant 9.99999997E-7 : f32
    %add3A_72 = vector.broadcast %add3A_71 : f32 to vector<1024x1xf32>
    %add3A_73 = arith.addf %sqrt3A, %add3A_72 : vector<1024x1xf32>
    %sub3A_74 = vector.broadcast %div3A_63 : vector<1024x1xf32> to vector<1024x128xf32>
    %sub3A_75 = arith.subf %add3A_57, %sub3A_74 : vector<1024x128xf32>
    %div3A_76 = vector.broadcast %add3A_73 : vector<1024x1xf32> to vector<1024x128xf32>
    %div3A_77 = arith.divf %sub3A_75, %div3A_76 : vector<1024x128xf32>
    %swap3A_78 = arith.constant 0 : index
    %swap3A_79 = arith.constant 0 : index
    %swap3A_80 = vector.load %arg11[%swap3A_78, %swap3A_79] : memref<1024x128xf32, #tpu.memory_space<vmem>>, vector<1024x128xf32>
    tpu.vector_store %arg11[%swap3A_78, %swap3A_79], %div3A_77 {strides = array<i32>} : memref<1024x128xf32, #tpu.memory_space<vmem>>, vector<1024x128xf32>,
    return
  }
  func.func @transform_0(%arg0: i32) -> (i32, i32, i32) {
    %c0_i32 = arith.constant 0 : i32
    %c0_i32_0 = arith.constant 0 : i32
    %c0_i32_1 = arith.constant 0 : i32
    return %c0_i32, %arg0, %c0_i32_0 : i32, i32, i32
  }
  func.func @transform_1(%arg0: i32) -> (i32, i32, i32) {
    %c0_i32 = arith.constant 0 : i32
    %c0_i32_0 = arith.constant 0 : i32
    %c0_i32_1 = arith.constant 0 : i32
    return %c0_i32, %arg0, %c0_i32_0 : i32, i32, i32
  }
  func.func @transform_2(%arg0: i32) -> (i32, i32) {
    %c0_i32 = arith.constant 0 : i32
    %c0_i32_0 = arith.constant 0 : i32
    return %arg0, %c0_i32 : i32, i32
  }
  func.func @transform_3(%arg0: i32) -> (i32, i32) {
    %c0_i32 = arith.constant 0 : i32
    %c0_i32_0 = arith.constant 0 : i32
    return %arg0, %c0_i32 : i32, i32
  }
  func.func @transform_4(%arg0: i32) -> (i32, i32) {
    %c0_i32 = arith.constant 0 : i32
    %c0_i32_0 = arith.constant 0 : i32
    %c0_i32_1 = arith.constant 0 : i32
    return %c0_i32, %c0_i32_0 : i32, i32
  }
  func.func @transform_5(%arg0: i32) -> (i32, i32) {
    %c0_i32 = arith.constant 0 : i32
    %c0_i32_0 = arith.constant 0 : i32
    %c0_i32_1 = arith.constant 0 : i32
    return %c0_i32, %c0_i32_0 : i32, i32
  }
  func.func @transform_6(%arg0: i32) -> (i32, i32) {
    %c0_i32 = arith.constant 0 : i32
    %c0_i32_0 = arith.constant 0 : i32
    %c0_i32_1 = arith.constant 0 : i32
    return %c0_i32, %c0_i32_0 : i32, i32
  }
  func.func @transform_7(%arg0: i32) -> (i32, i32) {
    %c0_i32 = arith.constant 0 : i32
    %c0_i32_0 = arith.constant 0 : i32
    %c0_i32_1 = arith.constant 0 : i32
    return %c0_i32, %c0_i32_0 : i32, i32
  }
  func.func @transform_8(%arg0: i32) -> (i32, i32) {
    %c0_i32 = arith.constant 0 : i32
    %c0_i32_0 = arith.constant 0 : i32
    %c0_i32_1 = arith.constant 0 : i32
    return %c0_i32, %c0_i32_0 : i32, i32
  }
  func.func @transform_9(%arg0: i32) -> (i32, i32) {
    %c0_i32 = arith.constant 0 : i32
    %c0_i32_0 = arith.constant 0 : i32
    return %arg0, %c0_i32 : i32, i32
  }
  func.func @transform_10(%arg0: i32) -> (i32, i32) {
    %c0_i32 = arith.constant 0 : i32
    %c0_i32_0 = arith.constant 0 : i32
    return %arg0, %c0_i32 : i32, i32
  }
}

module attributes {stable_mosaic.version = 14 : i64} {
  func.func @_mlp_body(%arg0: i32, %arg1: memref<2x1024x128xf32, #tpu.memory_space<vmem>>, %arg2: memref<2x1024x128xf32, #tpu.memory_space<vmem>>, %arg3: memref<1024x128xf32, #tpu.memory_space<vmem>>, %arg4: memref<1024x128xf32, #tpu.memory_space<vmem>>, %arg5: memref<128x256xf32, #tpu.memory_space<vmem>>, %arg6: memref<128x256xf32, #tpu.memory_space<vmem>>, %arg7: memref<1x256xf32, #tpu.memory_space<vmem>>, %arg8: memref<256x128xf32, #tpu.memory_space<vmem>>, %arg9: memref<1x128xf32, #tpu.memory_space<vmem>>, %arg10: memref<1024x128xf32, #tpu.memory_space<vmem>>, %arg11: memref<1024x128xf32, #tpu.memory_space<vmem>>) attributes {dimension_semantics = [#tpu.dimension_semantics<arbitrary>], iteration_bounds = array<i64: 10>, scalar_prefetch = 0 : i64, scratch_operands = 0 : i64, tpu.core_type = #tpu.core_type<tc>, window_params = [{transform_indices = @transform_0, window_bounds = array<i64: 2, 1024, 128>}, {transform_indices = @transform_1, window_bounds = array<i64: 2, 1024, 128>}, {transform_indices = @transform_2, window_bounds = array<i64: 1024, 128>}, {transform_indices = @transform_3, window_bounds = array<i64: 1024, 128>}, {pipeline_mode = #tpu.pipeline_mode<synchronous>, transform_indices = @transform_4, window_bounds = array<i64: 128, 256>}, {pipeline_mode = #tpu.pipeline_mode<synchronous>, transform_indices = @transform_5, window_bounds = array<i64: 128, 256>}, {pipeline_mode = #tpu.pipeline_mode<synchronous>, transform_indices = @transform_6, window_bounds = array<i64: 1, 256>}, {pipeline_mode = #tpu.pipeline_mode<synchronous>, transform_indices = @transform_7, window_bounds = array<i64: 256, 128>}, {pipeline_mode = #tpu.pipeline_mode<synchronous>, transform_indices = @transform_8, window_bounds = array<i64: 1, 128>}, {transform_indices = @transform_9, window_bounds = array<i64: 1024, 128>}, {transform_indices = @transform_10, window_bounds = array<i64: 1024, 128>}]} {
    %get3A = arith.constant 0 : index
    %get3A_0 = arith.constant 0 : index
    %get3A_1 = arith.constant 0 : index
    %get3A_2 = vector.load %arg1[%get3A, %get3A_0, %get3A_1] : memref<2x1024x128xf32, #tpu.memory_space<vmem>>, vector<1x1024x128xf32>
    %get3A_3 = vector.shape_cast %get3A_2 : vector<1x1024x128xf32> to vector<1024x128xf32>
    %get3A_4 = arith.constant 1 : index
    %get3A_5 = arith.constant 0 : index
    %get3A_6 = arith.constant 0 : index
    %get3A_7 = vector.load %arg1[%get3A_4, %get3A_5, %get3A_6] : memref<2x1024x128xf32, #tpu.memory_space<vmem>>, vector<1x1024x128xf32>
    %get3A_8 = vector.shape_cast %get3A_7 : vector<1x1024x128xf32> to vector<1024x128xf32>
    %add3A = arith.addf %get3A_3, %get3A_8 : vector<1024x128xf32>
    %get3A_9 = arith.constant 0 : index
    %get3A_10 = arith.constant 0 : index
    %get3A_11 = arith.constant 0 : index
    %get3A_12 = vector.load %arg2[%get3A_9, %get3A_10, %get3A_11] : memref<2x1024x128xf32, #tpu.memory_space<vmem>>, vector<1x1024x1xf32>
    %get3A_13 = vector.shape_cast %get3A_12 : vector<1x1024x1xf32> to vector<1024x1xf32>
    %get3A_14 = arith.constant 1 : index
    %get3A_15 = arith.constant 0 : index
    %get3A_16 = arith.constant 0 : index
    %get3A_17 = vector.load %arg2[%get3A_14, %get3A_15, %get3A_16] : memref<2x1024x128xf32, #tpu.memory_space<vmem>>, vector<1x1024x1xf32>
    %get3A_18 = vector.shape_cast %get3A_17 : vector<1x1024x1xf32> to vector<1024x1xf32>
    %add3A_19 = arith.addf %get3A_13, %get3A_18 : vector<1024x1xf32>
    %max3A = arith.constant 1.000000e+00 : f32
    %max3A_20 = vector.broadcast %max3A : f32 to vector<1024x1xf32>
    %max3A_21 = arith.maximumf %add3A_19, %max3A_20 : vector<1024x1xf32>
    %div3A = vector.broadcast %max3A_21 : vector<1024x1xf32> to vector<1024x128xf32>
    %div3A_22 = arith.divf %add3A, %div3A : vector<1024x128xf32>
    %get3A_23 = arith.constant 0 : index
    %get3A_24 = arith.constant 0 : index
    %get3A_25 = vector.load %arg3[%get3A_23, %get3A_24] : memref<1024x128xf32, #tpu.memory_space<vmem>>, vector<1024x128xf32>
    %get3A_26 = arith.constant 0 : index
    %get3A_27 = arith.constant 0 : index
    %get3A_28 = vector.load %arg5[%get3A_26, %get3A_27] : memref<128x256xf32, #tpu.memory_space<vmem>>, vector<128x256xf32>
    %dot_general3A = arith.constant dense<0.000000e+00> : vector<1024x256xf32>
    %dot_general3A_29 = tpu.matmul %get3A_25, %get3A_28, %dot_general3A {dimension_numbers = #tpu.dot_dimension_numbers<[1], [0], [0], [1], [0, 0, 1, 1], [], []>, transpose_lhs_hint = false} : vector<1024x128xf32>, vector<128x256xf32>, vector<1024x256xf32> -> vector<1024x256xf32>
    %get3A_30 = arith.constant 0 : index
    %get3A_31 = arith.constant 0 : index
    %get3A_32 = vector.load %arg6[%get3A_30, %get3A_31] : memref<128x256xf32, #tpu.memory_space<vmem>>, vector<128x256xf32>
    %dot_general3A_33 = arith.constant dense<0.000000e+00> : vector<1024x256xf32>
    %dot_general3A_34 = tpu.matmul %div3A_22, %get3A_32, %dot_general3A_33 {dimension_numbers = #tpu.dot_dimension_numbers<[1], [0], [0], [1], [0, 0, 1, 1], [], []>, transpose_lhs_hint = false} : vector<1024x128xf32>, vector<128x256xf32>, vector<1024x256xf32> -> vector<1024x256xf32>
    %add3A_35 = arith.addf %dot_general3A_29, %dot_general3A_34 : vector<1024x256xf32>
    %get3A_36 = arith.constant 0 : index
    %get3A_37 = arith.constant 0 : index
    %get3A_38 = vector.load %arg7[%get3A_36, %get3A_37] : memref<1x256xf32, #tpu.memory_space<vmem>>, vector<1x256xf32>
    %add3A_39 = vector.broadcast %get3A_38 : vector<1x256xf32> to vector<1024x256xf32>
    %add3A_40 = arith.addf %add3A_35, %add3A_39 : vector<1024x256xf32>
    %max3A_41 = arith.constant 0.000000e+00 : f32
    %max3A_42 = vector.broadcast %max3A_41 : f32 to vector<1024x256xf32>
    %max3A_43 = arith.maximumf %add3A_40, %max3A_42 : vector<1024x256xf32>
    %get3A_44 = arith.constant 0 : index
    %get3A_45 = arith.constant 0 : index
    %get3A_46 = vector.load %arg8[%get3A_44, %get3A_45] : memref<256x128xf32, #tpu.memory_space<vmem>>, vector<256x128xf32>
    %dot_general3A_47 = arith.constant dense<0.000000e+00> : vector<1024x128xf32>
    %dot_general3A_48 = tpu.matmul %max3A_43, %get3A_46, %dot_general3A_47 {dimension_numbers = #tpu.dot_dimension_numbers<[1], [0], [0], [1], [0, 0, 1, 1], [], []>, transpose_lhs_hint = false} : vector<1024x256xf32>, vector<256x128xf32>, vector<1024x128xf32> -> vector<1024x128xf32>
    %get3A_49 = arith.constant 0 : index
    %get3A_50 = arith.constant 0 : index
    %get3A_51 = vector.load %arg9[%get3A_49, %get3A_50] : memref<1x128xf32, #tpu.memory_space<vmem>>, vector<1x128xf32>
    %add3A_52 = vector.broadcast %get3A_51 : vector<1x128xf32> to vector<1024x128xf32>
    %add3A_53 = arith.addf %dot_general3A_48, %add3A_52 : vector<1024x128xf32>
    %get3A_54 = arith.constant 0 : index
    %get3A_55 = arith.constant 0 : index
    %get3A_56 = vector.load %arg4[%get3A_54, %get3A_55] : memref<1024x128xf32, #tpu.memory_space<vmem>>, vector<1024x128xf32>
    %add3A_57 = arith.addf %add3A_53, %get3A_56 : vector<1024x128xf32>
    %swap3A = arith.constant 0 : index
    %swap3A_58 = arith.constant 0 : index
    %swap3A_59 = vector.load %arg10[%swap3A, %swap3A_58] : memref<1024x128xf32, #tpu.memory_space<vmem>>, vector<1024x128xf32>
    tpu.vector_store %arg10[%swap3A, %swap3A_58], %add3A_57 {strides = array<i32>} : memref<1024x128xf32, #tpu.memory_space<vmem>>, vector<1024x128xf32>,
    %reduce_sum3A = arith.constant dense<0.000000e+00> : vector<1024xf32>
    %reduce_sum3A_60 = vector.multi_reduction <add>, %add3A_57, %reduce_sum3A [1] : vector<1024x128xf32> to vector<1024xf32>
    %broadcast_in_dim3A = vector.shape_cast %reduce_sum3A_60 : vector<1024xf32> to vector<1024x1xf32>
    %div3A_61 = arith.constant 1.280000e+02 : f32
    %div3A_62 = vector.broadcast %div3A_61 : f32 to vector<1024x1xf32>
    %div3A_63 = arith.divf %broadcast_in_dim3A, %div3A_62 : vector<1024x1xf32>
    %sub3A = vector.broadcast %div3A_63 : vector<1024x1xf32> to vector<1024x128xf32>
    %sub3A_64 = arith.subf %add3A_57, %sub3A : vector<1024x128xf32>
    %integer_pow3A = arith.mulf %sub3A_64, %sub3A_64 : vector<1024x128xf32>
    %reduce_sum3A_65 = arith.constant dense<0.000000e+00> : vector<1024xf32>
    %reduce_sum3A_66 = vector.multi_reduction <add>, %integer_pow3A, %reduce_sum3A_65 [1] : vector<1024x128xf32> to vector<1024xf32>
    %broadcast_in_dim3A_67 = vector.shape_cast %reduce_sum3A_66 : vector<1024xf32> to vector<1024x1xf32>
    %div3A_68 = arith.constant 1.280000e+02 : f32
    %div3A_69 = vector.broadcast %div3A_68 : f32 to vector<1024x1xf32>
    %div3A_70 = arith.divf %broadcast_in_dim3A_67, %div3A_69 : vector<1024x1xf32>
    %sqrt3A = math.sqrt %div3A_70 : vector<1024x1xf32>
    %add3A_71 = arith.constant 9.99999997E-7 : f32
    %add3A_72 = vector.broadcast %add3A_71 : f32 to vector<1024x1xf32>
    %add3A_73 = arith.addf %sqrt3A, %add3A_72 : vector<1024x1xf32>
    %sub3A_74 = vector.broadcast %div3A_63 : vector<1024x1xf32> to vector<1024x128xf32>
    %sub3A_75 = arith.subf %add3A_57, %sub3A_74 : vector<1024x128xf32>
    %div3A_76 = vector.broadcast %add3A_73 : vector<1024x1xf32> to vector<1024x128xf32>
    %div3A_77 = arith.divf %sub3A_75, %div3A_76 : vector<1024x128xf32>
    %swap3A_78 = arith.constant 0 : index
    %swap3A_79 = arith.constant 0 : index
    %swap3A_80 = vector.load %arg11[%swap3A_78, %swap3A_79] : memref<1024x128xf32, #tpu.memory_space<vmem>>, vector<1024x128xf32>
    tpu.vector_store %arg11[%swap3A_78, %swap3A_79], %div3A_77 {strides = array<i32>} : memref<1024x128xf32, #tpu.memory_space<vmem>>, vector<1024x128xf32>,
    return
  }
  func.func @transform_0(%arg0: i32) -> (i32, i32, i32) {
    %c0_i32 = arith.constant 0 : i32
    %c0_i32_0 = arith.constant 0 : i32
    %c0_i32_1 = arith.constant 0 : i32
    return %c0_i32, %arg0, %c0_i32_0 : i32, i32, i32
  }
  func.func @transform_1(%arg0: i32) -> (i32, i32, i32) {
    %c0_i32 = arith.constant 0 : i32
    %c0_i32_0 = arith.constant 0 : i32
    %c0_i32_1 = arith.constant 0 : i32
    return %c0_i32, %arg0, %c0_i32_0 : i32, i32, i32
  }
  func.func @transform_2(%arg0: i32) -> (i32, i32) {
    %c0_i32 = arith.constant 0 : i32
    %c0_i32_0 = arith.constant 0 : i32
    return %arg0, %c0_i32 : i32, i32
  }
  func.func @transform_3(%arg0: i32) -> (i32, i32) {
    %c0_i32 = arith.constant 0 : i32
    %c0_i32_0 = arith.constant 0 : i32
    return %arg0, %c0_i32 : i32, i32
  }
  func.func @transform_4(%arg0: i32) -> (i32, i32) {
    %c0_i32 = arith.constant 0 : i32
    %c0_i32_0 = arith.constant 0 : i32
    %c0_i32_1 = arith.constant 0 : i32
    return %c0_i32, %c0_i32_0 : i32, i32
  }
  func.func @transform_5(%arg0: i32) -> (i32, i32) {
    %c0_i32 = arith.constant 0 : i32
    %c0_i32_0 = arith.constant 0 : i32
    %c0_i32_1 = arith.constant 0 : i32
    return %c0_i32, %c0_i32_0 : i32, i32
  }
  func.func @transform_6(%arg0: i32) -> (i32, i32) {
    %c0_i32 = arith.constant 0 : i32
    %c0_i32_0 = arith.constant 0 : i32
    %c0_i32_1 = arith.constant 0 : i32
    return %c0_i32, %c0_i32_0 : i32, i32
  }
  func.func @transform_7(%arg0: i32) -> (i32, i32) {
    %c0_i32 = arith.constant 0 : i32
    %c0_i32_0 = arith.constant 0 : i32
    %c0_i32_1 = arith.constant 0 : i32
    return %c0_i32, %c0_i32_0 : i32, i32
  }
  func.func @transform_8(%arg0: i32) -> (i32, i32) {
    %c0_i32 = arith.constant 0 : i32
    %c0_i32_0 = arith.constant 0 : i32
    %c0_i32_1 = arith.constant 0 : i32
    return %c0_i32, %c0_i32_0 : i32, i32
  }
  func.func @transform_9(%arg0: i32) -> (i32, i32) {
    %c0_i32 = arith.constant 0 : i32
    %c0_i32_0 = arith.constant 0 : i32
    return %arg0, %c0_i32 : i32, i32
  }
  func.func @transform_10(%arg0: i32) -> (i32, i32) {
    %c0_i32 = arith.constant 0 : i32
    %c0_i32_0 = arith.constant 0 : i32
    return %arg0, %c0_i32 : i32, i32
  }
}

module attributes {stable_mosaic.version = 14 : i64} {
  func.func @_mlp_body(%arg0: i32, %arg1: memref<2x1024x128xf32, #tpu.memory_space<vmem>>, %arg2: memref<2x1024x128xf32, #tpu.memory_space<vmem>>, %arg3: memref<1024x128xf32, #tpu.memory_space<vmem>>, %arg4: memref<128x256xf32, #tpu.memory_space<vmem>>, %arg5: memref<128x256xf32, #tpu.memory_space<vmem>>, %arg6: memref<1x256xf32, #tpu.memory_space<vmem>>, %arg7: memref<256x128xf32, #tpu.memory_space<vmem>>, %arg8: memref<1x128xf32, #tpu.memory_space<vmem>>, %arg9: memref<1024x128xf32, #tpu.memory_space<vmem>>) attributes {dimension_semantics = [#tpu.dimension_semantics<arbitrary>], iteration_bounds = array<i64: 10>, scalar_prefetch = 0 : i64, scratch_operands = 0 : i64, tpu.core_type = #tpu.core_type<tc>, window_params = [{transform_indices = @transform_0, window_bounds = array<i64: 2, 1024, 128>}, {transform_indices = @transform_1, window_bounds = array<i64: 2, 1024, 128>}, {transform_indices = @transform_2, window_bounds = array<i64: 1024, 128>}, {pipeline_mode = #tpu.pipeline_mode<synchronous>, transform_indices = @transform_3, window_bounds = array<i64: 128, 256>}, {pipeline_mode = #tpu.pipeline_mode<synchronous>, transform_indices = @transform_4, window_bounds = array<i64: 128, 256>}, {pipeline_mode = #tpu.pipeline_mode<synchronous>, transform_indices = @transform_5, window_bounds = array<i64: 1, 256>}, {pipeline_mode = #tpu.pipeline_mode<synchronous>, transform_indices = @transform_6, window_bounds = array<i64: 256, 128>}, {pipeline_mode = #tpu.pipeline_mode<synchronous>, transform_indices = @transform_7, window_bounds = array<i64: 1, 128>}, {transform_indices = @transform_8, window_bounds = array<i64: 1024, 128>}]} {
    %get3A = arith.constant 0 : index
    %get3A_0 = arith.constant 0 : index
    %get3A_1 = arith.constant 0 : index
    %get3A_2 = vector.load %arg1[%get3A, %get3A_0, %get3A_1] : memref<2x1024x128xf32, #tpu.memory_space<vmem>>, vector<1x1024x128xf32>
    %get3A_3 = vector.shape_cast %get3A_2 : vector<1x1024x128xf32> to vector<1024x128xf32>
    %get3A_4 = arith.constant 1 : index
    %get3A_5 = arith.constant 0 : index
    %get3A_6 = arith.constant 0 : index
    %get3A_7 = vector.load %arg1[%get3A_4, %get3A_5, %get3A_6] : memref<2x1024x128xf32, #tpu.memory_space<vmem>>, vector<1x1024x128xf32>
    %get3A_8 = vector.shape_cast %get3A_7 : vector<1x1024x128xf32> to vector<1024x128xf32>
    %add3A = arith.addf %get3A_3, %get3A_8 : vector<1024x128xf32>
    %get3A_9 = arith.constant 0 : index
    %get3A_10 = arith.constant 0 : index
    %get3A_11 = arith.constant 0 : index
    %get3A_12 = vector.load %arg2[%get3A_9, %get3A_10, %get3A_11] : memref<2x1024x128xf32, #tpu.memory_space<vmem>>, vector<1x1024x1xf32>
    %get3A_13 = vector.shape_cast %get3A_12 : vector<1x1024x1xf32> to vector<1024x1xf32>
    %get3A_14 = arith.constant 1 : index
    %get3A_15 = arith.constant 0 : index
    %get3A_16 = arith.constant 0 : index
    %get3A_17 = vector.load %arg2[%get3A_14, %get3A_15, %get3A_16] : memref<2x1024x128xf32, #tpu.memory_space<vmem>>, vector<1x1024x1xf32>
    %get3A_18 = vector.shape_cast %get3A_17 : vector<1x1024x1xf32> to vector<1024x1xf32>
    %add3A_19 = arith.addf %get3A_13, %get3A_18 : vector<1024x1xf32>
    %max3A = arith.constant 1.000000e+00 : f32
    %max3A_20 = vector.broadcast %max3A : f32 to vector<1024x1xf32>
    %max3A_21 = arith.maximumf %add3A_19, %max3A_20 : vector<1024x1xf32>
    %div3A = vector.broadcast %max3A_21 : vector<1024x1xf32> to vector<1024x128xf32>
    %div3A_22 = arith.divf %add3A, %div3A : vector<1024x128xf32>
    %get3A_23 = arith.constant 0 : index
    %get3A_24 = arith.constant 0 : index
    %get3A_25 = vector.load %arg3[%get3A_23, %get3A_24] : memref<1024x128xf32, #tpu.memory_space<vmem>>, vector<1024x128xf32>
    %get3A_26 = arith.constant 0 : index
    %get3A_27 = arith.constant 0 : index
    %get3A_28 = vector.load %arg4[%get3A_26, %get3A_27] : memref<128x256xf32, #tpu.memory_space<vmem>>, vector<128x256xf32>
    %dot_general3A = arith.constant dense<0.000000e+00> : vector<1024x256xf32>
    %dot_general3A_29 = tpu.matmul %get3A_25, %get3A_28, %dot_general3A {dimension_numbers = #tpu.dot_dimension_numbers<[1], [0], [0], [1], [0, 0, 1, 1], [], []>, transpose_lhs_hint = false} : vector<1024x128xf32>, vector<128x256xf32>, vector<1024x256xf32> -> vector<1024x256xf32>
    %get3A_30 = arith.constant 0 : index
    %get3A_31 = arith.constant 0 : index
    %get3A_32 = vector.load %arg5[%get3A_30, %get3A_31] : memref<128x256xf32, #tpu.memory_space<vmem>>, vector<128x256xf32>
    %dot_general3A_33 = arith.constant dense<0.000000e+00> : vector<1024x256xf32>
    %dot_general3A_34 = tpu.matmul %div3A_22, %get3A_32, %dot_general3A_33 {dimension_numbers = #tpu.dot_dimension_numbers<[1], [0], [0], [1], [0, 0, 1, 1], [], []>, transpose_lhs_hint = false} : vector<1024x128xf32>, vector<128x256xf32>, vector<1024x256xf32> -> vector<1024x256xf32>
    %add3A_35 = arith.addf %dot_general3A_29, %dot_general3A_34 : vector<1024x256xf32>
    %get3A_36 = arith.constant 0 : index
    %get3A_37 = arith.constant 0 : index
    %get3A_38 = vector.load %arg6[%get3A_36, %get3A_37] : memref<1x256xf32, #tpu.memory_space<vmem>>, vector<1x256xf32>
    %add3A_39 = vector.broadcast %get3A_38 : vector<1x256xf32> to vector<1024x256xf32>
    %add3A_40 = arith.addf %add3A_35, %add3A_39 : vector<1024x256xf32>
    %max3A_41 = arith.constant 0.000000e+00 : f32
    %max3A_42 = vector.broadcast %max3A_41 : f32 to vector<1024x256xf32>
    %max3A_43 = arith.maximumf %add3A_40, %max3A_42 : vector<1024x256xf32>
    %get3A_44 = arith.constant 0 : index
    %get3A_45 = arith.constant 0 : index
    %get3A_46 = vector.load %arg7[%get3A_44, %get3A_45] : memref<256x128xf32, #tpu.memory_space<vmem>>, vector<256x128xf32>
    %dot_general3A_47 = arith.constant dense<0.000000e+00> : vector<1024x128xf32>
    %dot_general3A_48 = tpu.matmul %max3A_43, %get3A_46, %dot_general3A_47 {dimension_numbers = #tpu.dot_dimension_numbers<[1], [0], [0], [1], [0, 0, 1, 1], [], []>, transpose_lhs_hint = false} : vector<1024x256xf32>, vector<256x128xf32>, vector<1024x128xf32> -> vector<1024x128xf32>
    %get3A_49 = arith.constant 0 : index
    %get3A_50 = arith.constant 0 : index
    %get3A_51 = vector.load %arg8[%get3A_49, %get3A_50] : memref<1x128xf32, #tpu.memory_space<vmem>>, vector<1x128xf32>
    %add3A_52 = vector.broadcast %get3A_51 : vector<1x128xf32> to vector<1024x128xf32>
    %add3A_53 = arith.addf %dot_general3A_48, %add3A_52 : vector<1024x128xf32>
    %swap3A = arith.constant 0 : index
    %swap3A_54 = arith.constant 0 : index
    %swap3A_55 = vector.load %arg9[%swap3A, %swap3A_54] : memref<1024x128xf32, #tpu.memory_space<vmem>>, vector<1024x128xf32>
    tpu.vector_store %arg9[%swap3A, %swap3A_54], %add3A_53 {strides = array<i32>} : memref<1024x128xf32, #tpu.memory_space<vmem>>, vector<1024x128xf32>,
    return
  }
  func.func @transform_0(%arg0: i32) -> (i32, i32, i32) {
    %c0_i32 = arith.constant 0 : i32
    %c0_i32_0 = arith.constant 0 : i32
    %c0_i32_1 = arith.constant 0 : i32
    return %c0_i32, %arg0, %c0_i32_0 : i32, i32, i32
  }
  func.func @transform_1(%arg0: i32) -> (i32, i32, i32) {
    %c0_i32 = arith.constant 0 : i32
    %c0_i32_0 = arith.constant 0 : i32
    %c0_i32_1 = arith.constant 0 : i32
    return %c0_i32, %arg0, %c0_i32_0 : i32, i32, i32
  }
  func.func @transform_2(%arg0: i32) -> (i32, i32) {
    %c0_i32 = arith.constant 0 : i32
    %c0_i32_0 = arith.constant 0 : i32
    return %arg0, %c0_i32 : i32, i32
  }
  func.func @transform_3(%arg0: i32) -> (i32, i32) {
    %c0_i32 = arith.constant 0 : i32
    %c0_i32_0 = arith.constant 0 : i32
    %c0_i32_1 = arith.constant 0 : i32
    return %c0_i32, %c0_i32_0 : i32, i32
  }
  func.func @transform_4(%arg0: i32) -> (i32, i32) {
    %c0_i32 = arith.constant 0 : i32
    %c0_i32_0 = arith.constant 0 : i32
    %c0_i32_1 = arith.constant 0 : i32
    return %c0_i32, %c0_i32_0 : i32, i32
  }
  func.func @transform_5(%arg0: i32) -> (i32, i32) {
    %c0_i32 = arith.constant 0 : i32
    %c0_i32_0 = arith.constant 0 : i32
    %c0_i32_1 = arith.constant 0 : i32
    return %c0_i32, %c0_i32_0 : i32, i32
  }
  func.func @transform_6(%arg0: i32) -> (i32, i32) {
    %c0_i32 = arith.constant 0 : i32
    %c0_i32_0 = arith.constant 0 : i32
    %c0_i32_1 = arith.constant 0 : i32
    return %c0_i32, %c0_i32_0 : i32, i32
  }
  func.func @transform_7(%arg0: i32) -> (i32, i32) {
    %c0_i32 = arith.constant 0 : i32
    %c0_i32_0 = arith.constant 0 : i32
    %c0_i32_1 = arith.constant 0 : i32
    return %c0_i32, %c0_i32_0 : i32, i32
  }
  func.func @transform_8(%arg0: i32) -> (i32, i32) {
    %c0_i32 = arith.constant 0 : i32
    %c0_i32_0 = arith.constant 0 : i32
    return %arg0, %c0_i32 : i32, i32
  }
}

</mosaic_0001>

<sc_bundles>
// kernel: kernel.10.cloned.1.call-start
scs
__scs_entry_jumppad:
0x0: {  	(pc) =	sbr.rel $0x88, $3  }
0x1: {  	(tag) =	ssettag $0x0;
	lr =	simm.s32 $0x1  }
0x2: {  	[smem:$0x3F8F] =	sst lr;
	_ =	strace $0xD0000000  }
0x3: {  	_ = 	snop  }
0x4: {  	_ = 	snop  }
0x5: {  	_ = 	snop  }
0x6: {  	_ = 	snop  }
0x7: {  	_ = 	snop  }
__scs_overlays_trampoline_lowered:
0x8: {  	[smem:$0x3F9E] =	sst s0  }
0x9: {  	[smem:$0x3F9F] =	sst s1  }
0xa: {  	[smem:$0x3FA0] =	sst s2  }
0xb: {  	[smem:$0x3FA1] =	sst s3  }
0xc: {  	[smem:$0x3FA2] =	sst s4  }
0xd: {  	[smem:$0x3FA3] =	sst s5  }
0xe: {  	[smem:$0x3FA4] =	sst s6  }
0xf: {  	[smem:$0x3FA5] =	sst s7  }
0x10: {  	[smem:$0x3FA6] =	sst s8  }
0x11: {  	[smem:$0x3FA7] =	sst s9;
	s0 =	simm.s32 @!p0 $0x0  }
0x12: {  	s1 =	sld [smem:$0x3F8D];
	s0 =	simm.s32 @p0 $0x1  }
0x13: {  	[smem:$0x3FA8] =	sst s0;
	s0 =	simm.s32 @!p1 $0x0  }
0x14: {  	s2 =	sld [smem:$0x3F8C];
	s0 =	simm.s32 @p1 $0x1  }
0x15: {  	[smem:$0x3FA9] =	sst s0;
	s0 =	simm.s32 @!p2 $0x0  }
0x16: {  	s3 =	sld [smem:$0x3FDB];
	s0 =	simm.s32 @p2 $0x1  }
0x17: {  	s4 =	simm.s32 $0x1BF5;
	[smem:$0x3FAB] =	sst s0  }
0x18: {  	s0 =	sld [smem:$0x3F8E];
	_ =	swait.ge [sflag:s4], $0x0  }
0x19: {  	s7 =	sld [smem:$0x3F8F]  }
0x1a: {  	s8 =	sadd.s32 $0xFFFFE003, lr  }
0x1b: {  	s9 =	sadd.s32 $0xFFFFFEF7, lr;
	s5 =	simm.s32 $0xFFFFFFFF;
	p2 =	slt.u32 s8, $0xFFFFF086  }
0x1c: {  	p1 =	slt.u32 s9, $0xF7A;
	s5 =	simm.s32 @!p2 $0x0  }
0x1d: {  	s5 =	simm.s32 @p1 $0x1;
	p0 =	seq.s32 s7, s2  }
0x1e: {  	s7 =	smul.u32 @!p0 $0xF7A, s2;
	p2 =	seq.s32 @!p0 s5, $0x0  }
0x1f: {  	s9 =	smul.u32 $0xF7A, s1;
	s8 =	simm.s32 @!p0 $0x1BF5;
	p2 =	por !p2, p0  }
0x20: {  	[sflag:s8] =	ssyncset.s32 @!p0 $0xFFFFF086;
	s6 =	sadd.s32 @!p0 s3, s7;
	s7 =	simm.s32 @!p0 $0x108  }
0x21: {  	s3 =	sadd.s32 s3, s9;
	s6 =	sadd.s32 @!p0 $0x88, s6;
	s7 =	simm.s32 @p2 $0x1082  }
0x22: {  	[simem:s7], [sflag:s8] =	dma.local @!p0 [hbm:s6], $0xF7A  }
0x23: {  	s9 =	sor.u32 $0xD0000000, s2;
	s6 =	simm.s32 $0x108;
	_ =	swait.ge @!p0 [sflag:s8], $0x0  }
0x24: {  	s3 =	sadd.s32 $0x88, s3;
	s6 =	simm.s32 @!p1 $0x1082;
	[sflag:s4] =	ssyncset.s32 $0xFFFFF086  }
0x25: {  	[simem:s6], [sflag:s4] =	dma.local [hbm:s3], $0xF7A  }
0x26: {  	[smem:$0x3F8F] =	sst s1;
	(tag) =	ssettag s2;
	_ =	strace s9  }
0x27: {  	s1 =	sld [smem:$0x3F9F]  }
0x28: {  	s2 =	sld [smem:$0x3FA0]  }
0x29: {  	s4 =	sld [smem:$0x3FA2]  }
0x2a: {  	p0 =	seq.s32 s5, $0x0;
	s5 =	sld [smem:$0x3FA3]  }
0x2b: {  	s6 =	sld [smem:$0x3FA4]  }
0x2c: {  	s7 =	sld [smem:$0x3FA5]  }
0x2d: {  	s3 =	simm.s32 $0x108;
	s8 =	sld [smem:$0x3FA6]  }
0x2e: {  	s3 =	simm.s32 @!p0 $0x1082;
	s9 =	sld [smem:$0x3FA7]  }
0x2f: {  	lr =	sadd.s32 s0, s3;
	s0 =	sld [smem:$0x3F9E]  }
0x30: {  	s3 =	sld [smem:$0x3FA1]  }
0x31: {  	[smem:$0x3FAA] =	sst s10  }
0x32: {  	s10 =	sld [smem:$0x3FA8];
	_ =	sdelay $0x3  }
0x33: {  	p0 =	seq.s32 s10, $0x1;
	s10 =	sld [smem:$0x3FAA];
	_ =	sdelay $0x3  }
0x34: {  	[smem:$0x3FAA] =	sst s10  }
0x35: {  	s10 =	sld [smem:$0x3FA9];
	_ =	sdelay $0x3  }
0x36: {  	p1 =	seq.s32 s10, $0x1;
	s10 =	sld [smem:$0x3FAA];
	_ =	sdelay $0x3  }
0x37: {  	[smem:$0x3FAA] =	sst s10  }
0x38: {  	s10 =	sld [smem:$0x3FAB]  }
0x39: {  	_ = 	snop;
	(pc) =	sbr.ind lr, $3  }
0x3a: {  	_ = 	snop  }
0x3b: {  	_ = 	snop  }
0x3c: {  	p2 =	seq.s32 s10, $0x1;
	s10 =	sld [smem:$0x3FAA]  }
0x3d: {  	_ =	shalt  }
0x3e: {  	_ =	shalt  }
0x3f: {  	_ =	shalt  }
0x40: {  	_ =	shalt  }
0x41: {  	_ =	shalt  }
0x42: {  	_ =	shalt  }
0x43: {  	_ =	shalt  }
0x44: {  	_ =	shalt  }
0x45: {  	_ =	shalt  }
0x46: {  	_ =	shalt  }
0x47: {  	_ =	shalt  }
0x48: {  	_ =	shalt  }
0x49: {  	_ =	shalt  }
0x4a: {  	_ =	shalt  }
0x4b: {  	_ =	shalt  }
0x4c: {  	_ =	shalt  }
0x4d: {  	_ =	shalt  }
0x4e: {  	_ =	shalt  }
0x4f: {  	_ =	shalt  }
0x50: {  	_ =	shalt  }
0x51: {  	_ =	shalt  }
0x52: {  	_ =	shalt  }
0x53: {  	_ =	shalt  }
0x54: {  	_ =	shalt  }
0x55: {  	_ =	shalt  }
0x56: {  	_ =	shalt  }
0x57: {  	_ =	shalt  }
0x58: {  	_ =	shalt  }
0x59: {  	_ =	shalt  }
0x5a: {  	_ =	shalt  }
0x5b: {  	_ =	shalt  }
0x5c: {  	_ =	shalt  }
0x5d: {  	_ =	shalt  }
0x5e: {  	_ =	shalt  }
0x5f: {  	_ =	shalt  }
0x60: {  	_ =	shalt  }
0x61: {  	_ =	shalt  }
0x62: {  	_ =	shalt  }
0x63: {  	_ =	shalt  }
0x64: {  	_ =	shalt  }
0x65: {  	_ =	shalt  }
0x66: {  	_ =	shalt  }
0x67: {  	_ =	shalt  }
0x68: {  	_ =	shalt  }
0x69: {  	_ =	shalt  }
0x6a: {  	_ =	shalt  }
0x6b: {  	_ =	shalt  }
0x6c: {  	_ =	shalt  }
0x6d: {  	_ =	shalt  }
0x6e: {  	_ =	shalt  }
0x6f: {  	_ =	shalt  }
0x70: {  	_ =	shalt  }
0x71: {  	_ =	shalt  }
0x72: {  	_ =	shalt  }
0x73: {  	_ =	shalt  }
0x74: {  	_ =	shalt  }
0x75: {  	_ =	shalt  }
0x76: {  	_ =	shalt  }
0x77: {  	_ =	shalt  }
0x78: {  	_ =	shalt  }
0x79: {  	_ =	shalt  }
0x7a: {  	_ =	shalt  }
0x7b: {  	_ =	shalt  }
0x7c: {  	_ =	shalt  }
0x7d: {  	_ =	shalt  }
0x7e: {  	_ =	shalt  }
0x7f: {  	_ =	shalt  }
0x80: {  	_ =	shalt  }
0x81: {  	_ =	shalt  }
0x82: {  	_ =	shalt  }
0x83: {  	_ =	shalt  }
0x84: {  	_ =	shalt  }
0x85: {  	_ =	shalt  }
0x86: {  	_ =	shalt  }
0x87: {  	_ =	shalt  }
.Lfunc_end0:
.L_simem_size_0:
called_computation_lowered:
.L_overlay_start_0:
0x88: {  	s2 =	sld [smem:$0x3FD9]  }
0x89: {  	s3 =	sld [smem:$0x3FFE];
	_ =	sdelay $0x1  }
0x8a: {  	s1 =	srdreg.scid  }
0x8b: {  	s0 =	sand.u32 $0x1, s1  }
0x8c: {  	s14 =	sshll.u32 s0, $0xA;
	s2 =	sadd.s32 s3, s2  }
0x8d: {  	s2 =	sadd.s32 s2, s14  }
0x8e: {  	[smem:$0x3FB6] =	sst s2  }
0x8f: {  	_ = 	snop  }
0x90: {  	s2 =	sld [smem:$0x3FD0];
	_ =	sdelay $0x2  }
0x91: {  	s15 =	simm.s32 $0xA;
	s4 =	simm.s32 $0x10  }
0x92: {  	[smem:s4], [sflag:s15] =	dma.local [hbm:s2], $0x1  }
0x93: {  	_ =	swait.eq [sflag:s15], $0x1  }
0x94: {  	[sflag:s15] =	ssyncset.done $0x0  }
0x95: {  	[sflag:s15] =	ssyncadd.s32 $0xFFFFFFFF  }
0x96: {  	s16 =	sld [smem:$0x10];
	(tm) =	ssettm $0x1  }
0x97: {  	s17 =	sld [smem:$0x3FFB];
	_ =	sdelay $0x3  }
0x98: {  	_ =	strace s17  }
0x99: {  	s3 =	sld [smem:$0x3FFC];
	_ =	sdelay $0x3  }
0x9a: {  	_ =	strace s3  }
0x9b: {  	s3 =	sld [smem:$0x3FFD];
	_ =	sdelay $0x3  }
0x9c: {  	_ =	strace s3  }
0x9d: {  	_ =	strace $0x8FFFFFFF  }
0x9e: {  	s18 =	sld [smem:$0x3FDB];
	_ =	sdelay $0x1  }
0x9f: {  	s19 =	simm.s32 $_scs_section_size  }
0xa0: {  	s5 =	simm.s32 $_size__tile_overlayer_lowered;
	s6 =	simm.s32 $_tile_overlayer_lowered  }
0xa1: {  	s22 =	simm.s32 $0x1BFF;
	s21 =	sshll.u32 s6, $0x1;
	s3 =	sadd.s32 s19, s18  }
0xa2: {  	s7 =	simm.s32 $0x0;
	s20 =	sshll.u32 s5, $0x1;
	s5 =	sadd.s32 s21, s3  }
0xa3: {  	[timem:s7], [sflag:s22] =	dma.local [hbm:s5], s20  }
0xa4: {  	_ =	swait.ge [sflag:s22], s20  }
0xa5: {  	s4 =	ssub.s32 $0x0, s20;
	[sflag:s22] =	ssyncset.done $0x0  }
0xa6: {  	[sflag:s22] =	ssyncadd.s32 s4;
	_ =	sdelay $0x1  }
0xa7: {  	s23 =	simm.s32 $0x1B8B  }
0xa8: {  	_ =	swait.ge [sflag:s23], $0x1  }
0xa9: {  	[sflag:s23] =	ssyncset.done $0x0  }
0xaa: {  	s25 =	simm.s32 $0x1B8E;
	s24 =	sld [smem:$0x3FFE];
	[sflag:s23] =	ssyncadd.s32 $0xFFFFFFFF  }
0xab: {  	s26 =	simm.s32 $execute0_lowered;
	[smem:$0x3FD2] =	sst s25  }
0xac: {  	s5 =	sshll.u32 s26, $0x1;
	_ =	strace $0x80000046;
	[dreg:$0x1] =	wrdreg $0xFFFFFFFF  }
0xad: {  	s28 =	simm.s32 $_size_execute0_lowered;
	s3 =	sadd.s32 s3, s5;
	[dreg:$0x0] =	wrdreg $0x0  }
0xae: {  	s5 =	sshll.u32 s28, $0x1;
	[dreg:$0x2] =	wrdreg s3  }
0xaf: {  	[dreg:$0x3] =	wrdreg s5  }
0xb0: {  	[dreg:$0x4] =	wrdreg $0xC0  }
0xb1: {  	_ =	task [dreg:s7], $0x5FFFF  }
0xb2: {  	[dreg:$0x1] =	wrdreg $0xFFFFFFFF  }
0xb3: {  	[dreg:$0x0] =	wrdreg $0x60  }
0xb4: {  	[dreg:$0x2] =	wrdreg s24  }
0xb5: {  	[dreg:$0x3] =	wrdreg s16  }
0xb6: {  	[dreg:$0x4] =	wrdreg $0x0  }
0xb7: {  	[dreg:$0x5] =	wrdreg $0x9  }
0xb8: {  	_ =	task.clear_ibuf [dreg:s7], $0x6FFFF;
	_ =	strace $0x90000046  }
0xb9: {  	s29 =	simm.s32 $0x9;
	_ =	strace $0x80000048  }
0xba: {  	_ =	swait.ge [sflag:s29], $0x1  }
0xbb: {  	[sflag:s29] =	ssyncadd.s32 $0xFFFFFFFF  }
0xbc: {  	_ =	strace $0x90000048  }
0xbd: {  	_ =	sfence  }
0xbe: {  	s30 =	sld [smem:$0x0];
	_ =	sdelay $0x2  }
0xbf: {  	s31 =	sshll.u32 s1, $0xD;
	s1 =	sshrl.u32 s1, $0x2  }
0xc0: {  	s3 =	sand.u32 $0x4000, s31;
	s1 =	sadd.s32 s1, s30  }
0xc1: {  	s0 =	sor.u32 s3, s0;
	s1 =	sshll.u32 s1, $0x11  }
0xc2: {  	s0 =	sor.u32 s1, s0  }
0xc3: {  	s0 =	sadd.s32 $0x8F2B, s0  }
0xc4: {  	[sflag:s0] =	ssyncadd.remote.s32 $0x1  }
0xc5: {  	_ =	sfence.sel $0xFFFF  }
0xc6: {  	[dreg:$0x0] =	wrdreg $0xFFFFFFFF;
	(pc) =	sbr.abs _section_cstart, $3  }
0xc7: {  	[dreg:$0x1] =	wrdreg $0xFFFFFFFF  }
0xc8: {  	_ =	task.clear_ibuf [dreg:s7], $0x2FFFF;
	_ =	strace $0x9FFFFFFF  }
0xc9: {  	(tm) =	ssettm $0x7FFFFFFF  }
tec
execute0_lowered:
.L_overlay_start_1:
0x0: {  	(tag) =	ssettag $0x1  }
0x1: {  	s1 =	rddreg [dreg:$0x0]  }
0x2: {  	s14 =	rddreg [dreg:$0x1]  }
0x3: {  	s0 =	srdreg.scid;
	s2 =	rddreg [dreg:$0x2]  }
0x4: {  	s18 =	simm.s32 $0x1A780;
	s19 =	simm.s32 $0x3;
	s22 =	simm.s32 $0x14000  }
0x5: {  	s23 =	simm.s32 $0x16780;
	s24 =	simm.s32 $0x50;
	s5 =	sand.u32 $0x1, s0  }
0x6: {  	s25 =	simm.s32 $0x1CF80;
	s0 =	stileid.u32;
	s7 =	smul.u32 $0x140000, s5  }
0x7: {  	s28 =	simm.s32 $0x2;
	s29 =	simm.s32 $0x1A580;
	s8 =	smul.u32 $0x14000, s0  }
0x8: {  	s3 =	sshll.u32 s5, $0x4;
	s6 =	sshll.u32 s0, $0x7;
	s9 =	smul.u32 $0x50000, s0  }
0x9: {  	s5 =	ssub.s32 $0x2, s5;
	s15 =	sor.u32 s0, s3;
	s3 =	simm.s32 $0x0  }
0xa: {  	s6 =	sand.u32 $0x380, s6;
	s30 =	sshrl.u32 s5, $0x1;
	s4 =	sshrl.u32 s15, $0x3  }
0xb: {  	[smem:$0x7FF] =	sst s3;
	s26 =	sadd.s32 s8, s7;
	s31 =	sshrl.u32 s9, $0x2  }
0xc: {  	s17 =	ssub.s32 s5, s30;
	s15 =	sshll.u32 s15, $0xB;
	s4 =	smul.u32 $0x13C00, s4  }
0xd: {  	_ =	strace $0x80000047;
	s5 =	sadd.s32 s31, s2;
	s14 =	sadd.s32 s14, s15  }
0xe: {  	s17 =	smax.u32 s17, $0x1;
	s7 =	sadd.s32 $0x5000, s5;
	s8 =	sadd.s32 $0x7800, s5  }
0xf: {  	s9 =	sadd.s32 $0xA000, s5;
	s10 =	sadd.s32 $0xC800, s5;
	s6 =	sor.u32 s6, s4  }
0x10: {  	s11 =	sadd.s32 $0xF000, s5;
	s12 =	sadd.s32 $0x11800, s5;
	s6 =	sshrl.u32 s6, $0x3  }
0x11: {  	s4 =	sadd.s32 $0xEA00, s1;
	s13 =	sadd.s32 s6, s1;
	s6 =	sshrl.u32 s26, $0x3  }
0x12: {  	s26 =	simm.s32 $0x1;
	s1 =	sadd.s32 s6, s1;
	s6 =	sadd.s32 $0x2800, s5  }
0x13: {  	v0 =	vimm.f32 $0.0e+00;
	v1 =	vimm.f32 $1.000000000e+00;
	s13 =	sadd.s32 $0x4C00, s13;
	s15 =	sadd.s32 $0x36A00, s1;
	s16 =	sadd.s32 $0x86A00, s1  }
.LBB2_1:
0x14: {  	s1 =	simm.s32 $0x0;
	s30 =	simm.s32 $0x200  }
.LBB2_2:
0x15: {  	p0 =	sne.s32 s30, $0x9E00;
	[tilespmem:s1+$0x1A7F0] =	vst v0  }
0x16: {  	[tilespmem:s1+$0x1A780] =	vst v0  }
0x17: {  	[tilespmem:s1+$0x1A790] =	vst v0  }
.Ltmp0:
0x18: {  	[tilespmem:s1+$0x1A7A0] =	vst v0;
	(pc) =	sbr.rel @p0 .LBB2_2-.Ltmp0, $4  }
0x19: {  	[tilespmem:s1+$0x1A7B0] =	vst v0  }
0x1a: {  	[tilespmem:s1+$0x1A7C0] =	vst v0  }
0x1b: {  	[tilespmem:s1+$0x1A7D0] =	vst v0  }
0x1c: {  	[tilespmem:s1+$0x1A7E0] =	vst v0;
	s1 =	sshra.s32 s30, $0x2;
	s30 =	sadd.s32 $0x200, s30  }
0x1d: {  	[tilespmem:s1+$0x1A7F0] =	vst v0  }
0x1e: {  	[tilespmem:s1+$0x1A780] =	vst v0  }
0x1f: {  	[tilespmem:s1+$0x1A790] =	vst v0  }
0x20: {  	[tilespmem:s1+$0x1A7A0] =	vst v0  }
0x21: {  	[tilespmem:s1+$0x1A7B0] =	vst v0  }
0x22: {  	[tilespmem:s1+$0x1A7C0] =	vst v0  }
0x23: {  	[tilespmem:s1+$0x1A7D0] =	vst v0  }
0x24: {  	[tilespmem:s1+$0x1A7E0] =	vst v0  }
0x25: {  	[spmem:s5] =	stream.linear.scatter [tilespmem:s18], [sflag:$0x3], $0x2800, $0x38;
	[tilespmem:$0x1F780] =	vst v63  }
0x26: {  	_ =	swait.ge [sflag:s19], $0x2800  }
0x27: {  	[sflag:s19] =	ssyncset.done $0x0  }
0x28: {  	[sflag:s19] =	ssyncadd.s32 $0xFFFFD800  }
0x29: {  	[spmem:s6] =	stream.linear.scatter [tilespmem:s18], [sflag:$0x3], $0x2800, $0x38;
	[tilespmem:$0x1F780] =	vst v63  }
0x2a: {  	_ =	swait.ge [sflag:s19], $0x2800  }
0x2b: {  	[sflag:s19] =	ssyncset.done $0x0  }
0x2c: {  	[sflag:s19] =	ssyncadd.s32 $0xFFFFD800  }
0x2d: {  	[spmem:s7] =	stream.linear.scatter [tilespmem:s18], [sflag:$0x3], $0x2800, $0x38;
	[tilespmem:$0x1F780] =	vst v63  }
0x2e: {  	_ =	swait.ge [sflag:s19], $0x2800  }
0x2f: {  	[sflag:s19] =	ssyncset.done $0x0  }
0x30: {  	[sflag:s19] =	ssyncadd.s32 $0xFFFFD800  }
0x31: {  	[spmem:s8] =	stream.linear.scatter [tilespmem:s18], [sflag:$0x3], $0x2800, $0x38;
	[tilespmem:$0x1F780] =	vst v63  }
0x32: {  	_ =	swait.ge [sflag:s19], $0x2800  }
0x33: {  	[sflag:s19] =	ssyncset.done $0x0  }
0x34: {  	[sflag:s19] =	ssyncadd.s32 $0xFFFFD800  }
0x35: {  	[spmem:s9] =	stream.linear.scatter [tilespmem:s18], [sflag:$0x3], $0x2800, $0x38;
	[tilespmem:$0x1F780] =	vst v63  }
0x36: {  	_ =	swait.ge [sflag:s19], $0x2800  }
0x37: {  	[sflag:s19] =	ssyncset.done $0x0  }
0x38: {  	[sflag:s19] =	ssyncadd.s32 $0xFFFFD800  }
0x39: {  	[spmem:s10] =	stream.linear.scatter [tilespmem:s18], [sflag:$0x3], $0x2800, $0x38;
	[tilespmem:$0x1F780] =	vst v63  }
0x3a: {  	_ =	swait.ge [sflag:s19], $0x2800  }
0x3b: {  	[sflag:s19] =	ssyncset.done $0x0  }
0x3c: {  	[sflag:s19] =	ssyncadd.s32 $0xFFFFD800  }
0x3d: {  	[spmem:s11] =	stream.linear.scatter [tilespmem:s18], [sflag:$0x3], $0x2800, $0x38;
	[tilespmem:$0x1F780] =	vst v63  }
0x3e: {  	_ =	swait.ge [sflag:s19], $0x2800  }
0x3f: {  	[sflag:s19] =	ssyncset.done $0x0  }
0x40: {  	[sflag:s19] =	ssyncadd.s32 $0xFFFFD800  }
0x41: {  	[spmem:s12] =	stream.linear.scatter [tilespmem:s18], [sflag:$0x3], $0x2800, $0x38;
	[tilespmem:$0x1F780] =	vst v63  }
0x42: {  	_ =	swait.ge [sflag:s19], $0x2800  }
0x43: {  	[sflag:s19] =	ssyncset.done $0x0  }
0x44: {  	[sflag:s19] =	ssyncadd.s32 $0xFFFFD800  }
0x45: {  	s21 =	simm.s32 $0x80;
	s20 =	simm.s32 $0x400;
	[bflag:$0x0] =	sbarrier.arrive $0xFFFF  }
0x46: {  	[tilespmem:s22], [sflag:$0x3] =	stream.strided.gather [hbm4b:s13+s21], $0x2780, s20, s21, $0x38;
	[tilespmem:$0x1F780] =	vst v63  }
0x47: {  	_ =	swait.ge [sflag:s19], $0x2780  }
0x48: {  	[sflag:s19] =	ssyncset.done $0x0  }
0x49: {  	s21 =	simm.s32 $0x0;
	[sflag:s19] =	ssyncadd.s32 $0xFFFFD880  }
0x4a: {  	[tilespmem:s23], [sflag:$0x3] =	stream.linear.gather [hbm4b:s14+s21], $0x3E80, $0x38;
	[tilespmem:$0x1F780] =	vst v63  }
0x4b: {  	_ =	swait.ge [sflag:s19], $0x3E80  }
0x4c: {  	[sflag:s19] =	ssyncset.done $0x0  }
0x4d: {  	[sflag:s19] =	ssyncadd.s32 $0xFFFFC180  }
0x4e: {  	[tilespmem:s18], [sflag:$0x1] =	stream.indirect.gather [hbm4b:s4+s24], $0x80, s22, s24, $0xb8;
	[tilespmem:$0x1F780] =	vst v63  }
0x4f: {  	s20 =	simm.s32 $0x14050  }
0x50: {  	[tilespmem:s25], [sflag:$0x2] =	stream.indirect.gather [hbm4b:s4+s24], $0x80, s20, s24, $0xb8;
	[tilespmem:$0x1F780] =	vst v63  }
0x51: {  	_ =	swait.ge [sflag:s26], $0x2800  }
0x52: {  	[sflag:s26] =	ssyncset.done $0x0  }
0x53: {  	s21 =	simm.s32 $0x16780;
	[sflag:s26] =	ssyncadd.s32 $0xFFFFD800  }
0x54: {  	[spmem:s2] =	stream.indirect.scatter.add.f32 [tilespmem:s18], [sflag:$0x3], $0x80, s21, s24, $0xb8;
	[tilespmem:$0x1F780] =	vst v63  }
0x55: {  	_ =	swait.ge [sflag:s19], $0x2800  }
0x56: {  	[sflag:s19] =	ssyncset.done $0x0  }
0x57: {  	s20 =	simm.s32 $0x140A0;
	[sflag:s19] =	ssyncadd.s32 $0xFFFFD800  }
0x58: {  	[tilespmem:s18], [sflag:$0x1] =	stream.indirect.gather [hbm4b:s4+s24], $0x80, s20, s24, $0xb8;
	[tilespmem:$0x1F780] =	vst v63  }
0x59: {  	_ =	swait.ge [sflag:s28], $0x2800  }
0x5a: {  	[sflag:s28] =	ssyncset.done $0x0  }
0x5b: {  	s21 =	simm.s32 $0x16800;
	[sflag:s28] =	ssyncadd.s32 $0xFFFFD800  }
0x5c: {  	[spmem:s2] =	stream.indirect.scatter.add.f32 [tilespmem:s25], [sflag:$0x3], $0x80, s21, s24, $0xb8;
	[tilespmem:$0x1F780] =	vst v63  }
0x5d: {  	s31 =	simm.s32 $0x400;
	_ =	swait.ge [sflag:s19], $0x2800  }
0x5e: {  	s1 =	simm.s32 $0x800;
	s30 =	simm.s32 $0x14140;
	[sflag:s19] =	ssyncset.done $0x0  }
.LBB2_4:
0x5f: {  	p0 =	sne.s32 s1, $0xF400;
	s20 =	sadd.s32 $0xFFFFFFB0, s30;
	[sflag:s19] =	ssyncadd.s32 $0xFFFFD800  }
0x60: {  	[tilespmem:s25], [sflag:$0x2] =	stream.indirect.gather [hbm4b:s4+s24], $0x80, s20, s24, $0xb8;
	[tilespmem:$0x1F780] =	vst v63  }
0x61: {  	s20 =	smov.u32 s1;
	s1 =	sadd.s32 $0x400, s1;
	_ =	swait.ge [sflag:s26], $0x2800  }
0x62: {  	s21 =	sshra.s32 s31, $0x2;
	s31 =	smov.u32 s20;
	[sflag:s26] =	ssyncset.done $0x0  }
0x63: {  	s20 =	sadd.s32 $0x16780, s21;
	[sflag:s26] =	ssyncadd.s32 $0xFFFFD800  }
0x64: {  	[spmem:s2] =	stream.indirect.scatter.add.f32 [tilespmem:s18], [sflag:$0x3], $0x80, s20, s24, $0xb8;
	[tilespmem:$0x1F780] =	vst v63  }
0x65: {  	_ =	swait.ge [sflag:s19], $0x2800  }
0x66: {  	[sflag:s19] =	ssyncset.done $0x0  }
0x67: {  	[sflag:s19] =	ssyncadd.s32 $0xFFFFD800  }
0x68: {  	[tilespmem:s18], [sflag:$0x1] =	stream.indirect.gather [hbm4b:s4+s24], $0x80, s30, s24, $0xb8;
	[tilespmem:$0x1F780] =	vst v63  }
0x69: {  	_ =	swait.ge [sflag:s28], $0x2800  }
.Ltmp1:
0x6a: {  	[sflag:s28] =	ssyncset.done $0x0;
	(pc) =	sbr.rel @p0 .LBB2_4-.Ltmp1, $4  }
0x6b: {  	s20 =	sadd.s32 $0x16800, s21;
	[sflag:s28] =	ssyncadd.s32 $0xFFFFD800  }
0x6c: {  	[spmem:s2] =	stream.indirect.scatter.add.f32 [tilespmem:s25], [sflag:$0x3], $0x80, s20, s24, $0xb8;
	[tilespmem:$0x1F780] =	vst v63  }
0x6d: {  	_ =	swait.ge [sflag:s19], $0x2800  }
0x6e: {  	s30 =	sadd.s32 $0xA0, s30;
	[sflag:s19] =	ssyncset.done $0x0  }
0x6f: {  	s1 =	sadd.s32 $0xFFFFFFB0, s30;
	[sflag:s19] =	ssyncadd.s32 $0xFFFFD800  }
0x70: {  	[tilespmem:s25], [sflag:$0x2] =	stream.indirect.gather [hbm4b:s4+s24], $0x80, s1, s24, $0xb8;
	[tilespmem:$0x1F780] =	vst v63  }
0x71: {  	_ =	swait.ge [sflag:s26], $0x2800  }
0x72: {  	s21 =	sshra.s32 s31, $0x2;
	[sflag:s26] =	ssyncset.done $0x0  }
0x73: {  	s20 =	sadd.s32 $0x16780, s21;
	[sflag:s26] =	ssyncadd.s32 $0xFFFFD800  }
0x74: {  	[spmem:s2] =	stream.indirect.scatter.add.f32 [tilespmem:s18], [sflag:$0x3], $0x80, s20, s24, $0xb8;
	[tilespmem:$0x1F780] =	vst v63  }
0x75: {  	_ =	swait.ge [sflag:s19], $0x2800  }
0x76: {  	[sflag:s19] =	ssyncset.done $0x0  }
0x77: {  	[sflag:s19] =	ssyncadd.s32 $0xFFFFD800  }
0x78: {  	[tilespmem:s18], [sflag:$0x1] =	stream.indirect.gather [hbm4b:s4+s24], $0x80, s30, s24, $0xb8;
	[tilespmem:$0x1F780] =	vst v63  }
0x79: {  	_ =	swait.ge [sflag:s28], $0x2800  }
0x7a: {  	[sflag:s28] =	ssyncset.done $0x0  }
0x7b: {  	s1 =	sadd.s32 $0x16800, s21;
	[sflag:s28] =	ssyncadd.s32 $0xFFFFD800  }
0x7c: {  	[spmem:s2] =	stream.indirect.scatter.add.f32 [tilespmem:s25], [sflag:$0x3], $0x80, s1, s24, $0xb8;
	[tilespmem:$0x1F780] =	vst v63  }
0x7d: {  	_ =	swait.ge [sflag:s19], $0x2800  }
0x7e: {  	[sflag:s19] =	ssyncset.done $0x0  }
0x7f: {  	[sflag:s19] =	ssyncadd.s32 $0xFFFFD800  }
0x80: {  	_ =	swait.ge [sflag:s26], $0x2800  }
0x81: {  	[sflag:s26] =	ssyncset.done $0x0  }
0x82: {  	[sflag:s26] =	ssyncadd.s32 $0xFFFFD800  }
0x83: {  	[spmem:s2] =	stream.indirect.scatter.add.f32 [tilespmem:s18], [sflag:$0x3], $0x80, s29, s24, $0xb8;
	[tilespmem:$0x1F780] =	vst v63  }
0x84: {  	_ =	swait.ge [sflag:s19], $0x2800  }
0x85: {  	[sflag:s19] =	ssyncset.done $0x0  }
0x86: {  	s21 =	sshll.u32 s0, $0x6;
	[sflag:s19] =	ssyncadd.s32 $0xFFFFD800  }
0x87: {  	s31 =	sshrl.u32 s5, $0x3;
	s30 =	sor.u32 $0x1C03, s21;
	[bflag:$0x0] =	sbarrier.arrive $0xFFFF  }
0x88: {  	[hbm:s15], [sflag:s30] =	dma.local [spmem:s31], $0x2800  }
0x89: {  	_ =	swait.ge [sflag:s19], $0x2800  }
0x8a: {  	[sflag:s19] =	ssyncset.done $0x0  }
0x8b: {  	s20 =	simm.s32 $0x200;
	s1 =	simm.s32 $0x0;
	[sflag:s19] =	ssyncadd.s32 $0xFFFFD800  }
.LBB2_6:
0x8c: {  	p0 =	sne.s32 s20, $0x9E00;
	[tilespmem:s1+$0x1A7F0] =	vst v0  }
0x8d: {  	[tilespmem:s1+$0x1A780] =	vst v0  }
0x8e: {  	[tilespmem:s1+$0x1A790] =	vst v0  }
.Ltmp2:
0x8f: {  	[tilespmem:s1+$0x1A7A0] =	vst v0;
	(pc) =	sbr.rel @p0 .LBB2_6-.Ltmp2, $4  }
0x90: {  	[tilespmem:s1+$0x1A7B0] =	vst v0  }
0x91: {  	[tilespmem:s1+$0x1A7C0] =	vst v0  }
0x92: {  	[tilespmem:s1+$0x1A7D0] =	vst v0  }
0x93: {  	[tilespmem:s1+$0x1A7E0] =	vst v0;
	s1 =	sshra.s32 s20, $0x2;
	s20 =	sadd.s32 $0x200, s20  }
0x94: {  	[tilespmem:s1+$0x1A7F0] =	vst v0  }
0x95: {  	[tilespmem:s1+$0x1A780] =	vst v0  }
0x96: {  	[tilespmem:s1+$0x1A790] =	vst v0  }
0x97: {  	[tilespmem:s1+$0x1A7A0] =	vst v0  }
0x98: {  	[tilespmem:s1+$0x1A7B0] =	vst v0  }
0x99: {  	[tilespmem:s1+$0x1A7C0] =	vst v0  }
0x9a: {  	[tilespmem:s1+$0x1A7D0] =	vst v0  }
0x9b: {  	[tilespmem:s1+$0x1A7E0] =	vst v0  }
0x9c: {  	[spmem:s5] =	stream.linear.scatter [tilespmem:s18], [sflag:$0x3], $0x2800, $0x38;
	[tilespmem:$0x1F780] =	vst v63  }
0x9d: {  	_ =	swait.ge [sflag:s19], $0x2800  }
0x9e: {  	[sflag:s19] =	ssyncset.done $0x0  }
0x9f: {  	[sflag:s19] =	ssyncadd.s32 $0xFFFFD800  }
0xa0: {  	[spmem:s6] =	stream.linear.scatter [tilespmem:s18], [sflag:$0x3], $0x2800, $0x38;
	[tilespmem:$0x1F780] =	vst v63  }
0xa1: {  	_ =	swait.ge [sflag:s19], $0x2800  }
0xa2: {  	[sflag:s19] =	ssyncset.done $0x0  }
0xa3: {  	[sflag:s19] =	ssyncadd.s32 $0xFFFFD800  }
0xa4: {  	[spmem:s7] =	stream.linear.scatter [tilespmem:s18], [sflag:$0x3], $0x2800, $0x38;
	[tilespmem:$0x1F780] =	vst v63  }
0xa5: {  	_ =	swait.ge [sflag:s19], $0x2800  }
0xa6: {  	[sflag:s19] =	ssyncset.done $0x0  }
0xa7: {  	[sflag:s19] =	ssyncadd.s32 $0xFFFFD800  }
0xa8: {  	[spmem:s8] =	stream.linear.scatter [tilespmem:s18], [sflag:$0x3], $0x2800, $0x38;
	[tilespmem:$0x1F780] =	vst v63  }
0xa9: {  	_ =	swait.ge [sflag:s19], $0x2800  }
0xaa: {  	[sflag:s19] =	ssyncset.done $0x0  }
0xab: {  	[sflag:s19] =	ssyncadd.s32 $0xFFFFD800  }
0xac: {  	[spmem:s9] =	stream.linear.scatter [tilespmem:s18], [sflag:$0x3], $0x2800, $0x38;
	[tilespmem:$0x1F780] =	vst v63  }
0xad: {  	_ =	swait.ge [sflag:s19], $0x2800  }
0xae: {  	[sflag:s19] =	ssyncset.done $0x0  }
0xaf: {  	[sflag:s19] =	ssyncadd.s32 $0xFFFFD800  }
0xb0: {  	[spmem:s10] =	stream.linear.scatter [tilespmem:s18], [sflag:$0x3], $0x2800, $0x38;
	[tilespmem:$0x1F780] =	vst v63  }
0xb1: {  	_ =	swait.ge [sflag:s19], $0x2800  }
0xb2: {  	[sflag:s19] =	ssyncset.done $0x0  }
0xb3: {  	[sflag:s19] =	ssyncadd.s32 $0xFFFFD800  }
0xb4: {  	[spmem:s11] =	stream.linear.scatter [tilespmem:s18], [sflag:$0x3], $0x2800, $0x38;
	[tilespmem:$0x1F780] =	vst v63  }
0xb5: {  	_ =	swait.ge [sflag:s19], $0x2800  }
0xb6: {  	[sflag:s19] =	ssyncset.done $0x0  }
0xb7: {  	[sflag:s19] =	ssyncadd.s32 $0xFFFFD800  }
0xb8: {  	[spmem:s12] =	stream.linear.scatter [tilespmem:s18], [sflag:$0x3], $0x2800, $0x38;
	[tilespmem:$0x1F780] =	vst v63  }
0xb9: {  	_ =	swait.ge [sflag:s19], $0x2800  }
0xba: {  	[sflag:s19] =	ssyncset.done $0x0  }
0xbb: {  	s1 =	simm.s32 $0x0;
	s20 =	simm.s32 $0x200;
	[sflag:s19] =	ssyncadd.s32 $0xFFFFD800  }
.LBB2_8:
0xbc: {  	p0 =	sne.s32 s20, $0x9E00;
	[tilespmem:s1+$0x1A7F0] =	vst v1  }
0xbd: {  	[tilespmem:s1+$0x1A780] =	vst v1  }
0xbe: {  	[tilespmem:s1+$0x1A790] =	vst v1  }
.Ltmp3:
0xbf: {  	[tilespmem:s1+$0x1A7A0] =	vst v1;
	(pc) =	sbr.rel @p0 .LBB2_8-.Ltmp3, $4  }
0xc0: {  	[tilespmem:s1+$0x1A7B0] =	vst v1  }
0xc1: {  	[tilespmem:s1+$0x1A7C0] =	vst v1  }
0xc2: {  	[tilespmem:s1+$0x1A7D0] =	vst v1  }
0xc3: {  	[tilespmem:s1+$0x1A7E0] =	vst v1;
	s1 =	sshra.s32 s20, $0x2;
	s20 =	sadd.s32 $0x200, s20  }
0xc4: {  	[tilespmem:s1+$0x1A7F0] =	vst v1  }
0xc5: {  	[tilespmem:s1+$0x1A780] =	vst v1  }
0xc6: {  	[tilespmem:s1+$0x1A790] =	vst v1  }
0xc7: {  	[tilespmem:s1+$0x1A7A0] =	vst v1  }
0xc8: {  	[tilespmem:s1+$0x1A7B0] =	vst v1  }
0xc9: {  	[tilespmem:s1+$0x1A7C0] =	vst v1  }
0xca: {  	[tilespmem:s1+$0x1A7D0] =	vst v1  }
0xcb: {  	[tilespmem:s1+$0x1A7E0] =	vst v1  }
0xcc: {  	s21 =	simm.s32 $0x16780;
	[bflag:$0x0] =	sbarrier.arrive $0xFFFF  }
0xcd: {  	[spmem:s2] =	stream.indirect.scatter.add.f32 [tilespmem:s18], [sflag:$0x3], $0x80, s21, s24, $0xb8;
	[tilespmem:$0x1F780] =	vst v63  }
0xce: {  	s1 =	simm.s32 $0x200;
	_ =	swait.ge [sflag:s19], $0x2800  }
.LBB2_10:
0xcf: {  	s20 =	sshra.s32 s1, $0x2;
	[sflag:s19] =	ssyncset.done $0x0;
	p0 =	sne.s32 s1, $0xF800  }
.Ltmp4:
0xd0: {  	s20 =	sadd.s32 $0x16780, s20;
	[sflag:s19] =	ssyncadd.s32 $0xFFFFD800;
	(pc) =	sbr.rel @p0 .LBB2_10-.Ltmp4, $3  }
0xd1: {  	[spmem:s2] =	stream.indirect.scatter.add.f32 [tilespmem:s18], [sflag:$0x3], $0x80, s20, s24, $0xb8;
	[tilespmem:$0x1F780] =	vst v63  }
0xd2: {  	s1 =	sadd.s32 $0x200, s1;
	_ =	sdelay $0x1  }
0xd3: {  	_ =	swait.ge [sflag:s19], $0x2800  }
0xd4: {  	[sflag:s19] =	ssyncset.done $0x0;
	s3 =	sadd.s32 $0x1, s3  }
0xd5: {  	[sflag:s19] =	ssyncadd.s32 $0xFFFFD800;
	p0 =	sne.s32 s3, s17  }
.Ltmp5:
0xd6: {  	[bflag:$0x0] =	sbarrier.arrive $0xFFFF;
	(pc) =	sbr.rel @p0 .LBB2_1-.Ltmp5, $4  }
0xd7: {  	[hbm:s16], [sflag:s30] =	dma.local [spmem:s31], $0x2800  }
0xd8: {  	_ =	swait.ge [sflag:s19], $0x2800  }
0xd9: {  	[sflag:s19] =	ssyncset.done $0x0  }
0xda: {  	[sflag:s19] =	ssyncadd.s32 $0xFFFFD800  }
0xdb: {  	_ =	sfence.sel $0x180000  }
0xdc: {  	[bflag:$0x0] =	sbarrier.arrive $0xFFFF  }
0xdd: {  	_ =	strace $0x90000047  }
0xde: {  	[bflag:$0x2] =	sbarrier.arrive $0xFFFF  }
0xdf: {  	p0 =	sne.s32 s0, $0x0;
	s0 =	rddreg [dreg:$0x3]  }
0xe0: {  	s0 =	sadd.s32 @!p0 $0x100000, s0  }
0xe1: {  	[sflag:s0] =	ssyncadd.tile.s32 @!p0 $0x1;
	_ =	shalt  }
.Lfunc_end2:
_tile_overlayer_lowered:
.L_overlay_start_2:
0xe2: {  	(tag) =	ssettag $0x2  }
0xe3: {  	s0 =	rddreg [dreg:$0x0];
	s2 =	stileid.u32  }
0xe4: {  	s1 =	rddreg [dreg:$0x1];
	p0 =	sne.s32 s2, $0x0  }
0xe5: {  	s3 =	rddreg [dreg:$0x2];
	[bflag:$0x3] =	sbarrier.arrive $0xFFFF;
	s2 =	simm.s32 @!p0 $0x1C03  }
0xe6: {  	[timem:s3], [sflag:s2] =	dma.local @!p0 [hbm:s0], s1  }
0xe7: {  	s0 =	simm.s32 @!p0 $0x3  }
0xe8: {  	_ =	swait.ge @!p0 [sflag:s0], s1  }
0xe9: {  	s1 =	ssub.s32 @!p0 $0x0, s1;
	[sflag:s0] =	ssyncset.done @!p0 $0x0  }
0xea: {  	[sflag:s0] =	ssyncadd.s32 @!p0 s1  }
0xeb: {  	[bflag:$0x3] =	sbarrier.arrive $0xFFFF  }
0xec: {  	_ =	shalt  }

// kernel: kernel.13.cloned.1.call-start
scs
__scs_entry_jumppad:
0x0: {  	(pc) =	sbr.rel $0x88, $3  }
0x1: {  	(tag) =	ssettag $0x0;
	lr =	simm.s32 $0x1  }
0x2: {  	[smem:$0x3F8F] =	sst lr;
	_ =	strace $0xD0000000  }
0x3: {  	_ = 	snop  }
0x4: {  	_ = 	snop  }
0x5: {  	_ = 	snop  }
0x6: {  	_ = 	snop  }
0x7: {  	_ = 	snop  }
__scs_overlays_trampoline_lowered:
0x8: {  	[smem:$0x3F9E] =	sst s0  }
0x9: {  	[smem:$0x3F9F] =	sst s1  }
0xa: {  	[smem:$0x3FA0] =	sst s2  }
0xb: {  	[smem:$0x3FA1] =	sst s3  }
0xc: {  	[smem:$0x3FA2] =	sst s4  }
0xd: {  	[smem:$0x3FA3] =	sst s5  }
0xe: {  	[smem:$0x3FA4] =	sst s6  }
0xf: {  	[smem:$0x3FA5] =	sst s7  }
0x10: {  	[smem:$0x3FA6] =	sst s8  }
0x11: {  	[smem:$0x3FA7] =	sst s9;
	s0 =	simm.s32 @!p0 $0x0  }
0x12: {  	s1 =	sld [smem:$0x3F8D];
	s0 =	simm.s32 @p0 $0x1  }
0x13: {  	[smem:$0x3FA8] =	sst s0;
	s0 =	simm.s32 @!p1 $0x0  }
0x14: {  	s2 =	sld [smem:$0x3F8C];
	s0 =	simm.s32 @p1 $0x1  }
0x15: {  	[smem:$0x3FA9] =	sst s0;
	s0 =	simm.s32 @!p2 $0x0  }
0x16: {  	s3 =	sld [smem:$0x3FDB];
	s0 =	simm.s32 @p2 $0x1  }
0x17: {  	s4 =	simm.s32 $0x1BF5;
	[smem:$0x3FAB] =	sst s0  }
0x18: {  	s0 =	sld [smem:$0x3F8E];
	_ =	swait.ge [sflag:s4], $0x0  }
0x19: {  	s7 =	sld [smem:$0x3F8F]  }
0x1a: {  	s8 =	sadd.s32 $0xFFFFE003, lr  }
0x1b: {  	s9 =	sadd.s32 $0xFFFFFEF7, lr;
	s5 =	simm.s32 $0xFFFFFFFF;
	p2 =	slt.u32 s8, $0xFFFFF086  }
0x1c: {  	p1 =	slt.u32 s9, $0xF7A;
	s5 =	simm.s32 @!p2 $0x0  }
0x1d: {  	s5 =	simm.s32 @p1 $0x1;
	p0 =	seq.s32 s7, s2  }
0x1e: {  	s7 =	smul.u32 @!p0 $0xF7A, s2;
	p2 =	seq.s32 @!p0 s5, $0x0  }
0x1f: {  	s9 =	smul.u32 $0xF7A, s1;
	s8 =	simm.s32 @!p0 $0x1BF5;
	p2 =	por !p2, p0  }
0x20: {  	[sflag:s8] =	ssyncset.s32 @!p0 $0xFFFFF086;
	s6 =	sadd.s32 @!p0 s3, s7;
	s7 =	simm.s32 @!p0 $0x108  }
0x21: {  	s3 =	sadd.s32 s3, s9;
	s6 =	sadd.s32 @!p0 $0x88, s6;
	s7 =	simm.s32 @p2 $0x1082  }
0x22: {  	[simem:s7], [sflag:s8] =	dma.local @!p0 [hbm:s6], $0xF7A  }
0x23: {  	s9 =	sor.u32 $0xD0000000, s2;
	s6 =	simm.s32 $0x108;
	_ =	swait.ge @!p0 [sflag:s8], $0x0  }
0x24: {  	s3 =	sadd.s32 $0x88, s3;
	s6 =	simm.s32 @!p1 $0x1082;
	[sflag:s4] =	ssyncset.s32 $0xFFFFF086  }
0x25: {  	[simem:s6], [sflag:s4] =	dma.local [hbm:s3], $0xF7A  }
0x26: {  	[smem:$0x3F8F] =	sst s1;
	(tag) =	ssettag s2;
	_ =	strace s9  }
0x27: {  	s1 =	sld [smem:$0x3F9F]  }
0x28: {  	s2 =	sld [smem:$0x3FA0]  }
0x29: {  	s4 =	sld [smem:$0x3FA2]  }
0x2a: {  	p0 =	seq.s32 s5, $0x0;
	s5 =	sld [smem:$0x3FA3]  }
0x2b: {  	s6 =	sld [smem:$0x3FA4]  }
0x2c: {  	s7 =	sld [smem:$0x3FA5]  }
0x2d: {  	s3 =	simm.s32 $0x108;
	s8 =	sld [smem:$0x3FA6]  }
0x2e: {  	s3 =	simm.s32 @!p0 $0x1082;
	s9 =	sld [smem:$0x3FA7]  }
0x2f: {  	lr =	sadd.s32 s0, s3;
	s0 =	sld [smem:$0x3F9E]  }
0x30: {  	s3 =	sld [smem:$0x3FA1]  }
0x31: {  	[smem:$0x3FAA] =	sst s10  }
0x32: {  	s10 =	sld [smem:$0x3FA8];
	_ =	sdelay $0x3  }
0x33: {  	p0 =	seq.s32 s10, $0x1;
	s10 =	sld [smem:$0x3FAA];
	_ =	sdelay $0x3  }
0x34: {  	[smem:$0x3FAA] =	sst s10  }
0x35: {  	s10 =	sld [smem:$0x3FA9];
	_ =	sdelay $0x3  }
0x36: {  	p1 =	seq.s32 s10, $0x1;
	s10 =	sld [smem:$0x3FAA];
	_ =	sdelay $0x3  }
0x37: {  	[smem:$0x3FAA] =	sst s10  }
0x38: {  	s10 =	sld [smem:$0x3FAB]  }
0x39: {  	_ = 	snop;
	(pc) =	sbr.ind lr, $3  }
0x3a: {  	_ = 	snop  }
0x3b: {  	_ = 	snop  }
0x3c: {  	p2 =	seq.s32 s10, $0x1;
	s10 =	sld [smem:$0x3FAA]  }
0x3d: {  	_ =	shalt  }
0x3e: {  	_ =	shalt  }
0x3f: {  	_ =	shalt  }
0x40: {  	_ =	shalt  }
0x41: {  	_ =	shalt  }
0x42: {  	_ =	shalt  }
0x43: {  	_ =	shalt  }
0x44: {  	_ =	shalt  }
0x45: {  	_ =	shalt  }
0x46: {  	_ =	shalt  }
0x47: {  	_ =	shalt  }
0x48: {  	_ =	shalt  }
0x49: {  	_ =	shalt  }
0x4a: {  	_ =	shalt  }
0x4b: {  	_ =	shalt  }
0x4c: {  	_ =	shalt  }
0x4d: {  	_ =	shalt  }
0x4e: {  	_ =	shalt  }
0x4f: {  	_ =	shalt  }
0x50: {  	_ =	shalt  }
0x51: {  	_ =	shalt  }
0x52: {  	_ =	shalt  }
0x53: {  	_ =	shalt  }
0x54: {  	_ =	shalt  }
0x55: {  	_ =	shalt  }
0x56: {  	_ =	shalt  }
0x57: {  	_ =	shalt  }
0x58: {  	_ =	shalt  }
0x59: {  	_ =	shalt  }
0x5a: {  	_ =	shalt  }
0x5b: {  	_ =	shalt  }
0x5c: {  	_ =	shalt  }
0x5d: {  	_ =	shalt  }
0x5e: {  	_ =	shalt  }
0x5f: {  	_ =	shalt  }
0x60: {  	_ =	shalt  }
0x61: {  	_ =	shalt  }
0x62: {  	_ =	shalt  }
0x63: {  	_ =	shalt  }
0x64: {  	_ =	shalt  }
0x65: {  	_ =	shalt  }
0x66: {  	_ =	shalt  }
0x67: {  	_ =	shalt  }
0x68: {  	_ =	shalt  }
0x69: {  	_ =	shalt  }
0x6a: {  	_ =	shalt  }
0x6b: {  	_ =	shalt  }
0x6c: {  	_ =	shalt  }
0x6d: {  	_ =	shalt  }
0x6e: {  	_ =	shalt  }
0x6f: {  	_ =	shalt  }
0x70: {  	_ =	shalt  }
0x71: {  	_ =	shalt  }
0x72: {  	_ =	shalt  }
0x73: {  	_ =	shalt  }
0x74: {  	_ =	shalt  }
0x75: {  	_ =	shalt  }
0x76: {  	_ =	shalt  }
0x77: {  	_ =	shalt  }
0x78: {  	_ =	shalt  }
0x79: {  	_ =	shalt  }
0x7a: {  	_ =	shalt  }
0x7b: {  	_ =	shalt  }
0x7c: {  	_ =	shalt  }
0x7d: {  	_ =	shalt  }
0x7e: {  	_ =	shalt  }
0x7f: {  	_ =	shalt  }
0x80: {  	_ =	shalt  }
0x81: {  	_ =	shalt  }
0x82: {  	_ =	shalt  }
0x83: {  	_ =	shalt  }
0x84: {  	_ =	shalt  }
0x85: {  	_ =	shalt  }
0x86: {  	_ =	shalt  }
0x87: {  	_ =	shalt  }
.Lfunc_end0:
.L_simem_size_0:
called_computation.1_lowered:
.L_overlay_start_0:
0x88: {  	s2 =	sld [smem:$0x3FD9]  }
0x89: {  	s3 =	sld [smem:$0x3FFE];
	_ =	sdelay $0x1  }
0x8a: {  	s1 =	srdreg.scid  }
0x8b: {  	s0 =	sand.u32 $0x1, s1  }
0x8c: {  	s14 =	sshll.u32 s0, $0xA;
	s2 =	sadd.s32 s3, s2  }
0x8d: {  	s2 =	sadd.s32 s2, s14  }
0x8e: {  	[smem:$0x3FB6] =	sst s2  }
0x8f: {  	_ = 	snop  }
0x90: {  	s2 =	sld [smem:$0x3FD0];
	_ =	sdelay $0x2  }
0x91: {  	s15 =	simm.s32 $0xA;
	s4 =	simm.s32 $0x10  }
0x92: {  	[smem:s4], [sflag:s15] =	dma.local [hbm:s2], $0x1  }
0x93: {  	_ =	swait.eq [sflag:s15], $0x1  }
0x94: {  	[sflag:s15] =	ssyncset.done $0x0  }
0x95: {  	[sflag:s15] =	ssyncadd.s32 $0xFFFFFFFF  }
0x96: {  	s16 =	sld [smem:$0x10];
	(tm) =	ssettm $0x1  }
0x97: {  	s17 =	sld [smem:$0x3FFB];
	_ =	sdelay $0x3  }
0x98: {  	_ =	strace s17  }
0x99: {  	s3 =	sld [smem:$0x3FFC];
	_ =	sdelay $0x3  }
0x9a: {  	_ =	strace s3  }
0x9b: {  	s3 =	sld [smem:$0x3FFD];
	_ =	sdelay $0x3  }
0x9c: {  	_ =	strace s3  }
0x9d: {  	_ =	strace $0x8FFFFFFF  }
0x9e: {  	s18 =	sld [smem:$0x3FDB];
	_ =	sdelay $0x1  }
0x9f: {  	s19 =	simm.s32 $_scs_section_size  }
0xa0: {  	s5 =	simm.s32 $_size__tile_overlayer_lowered;
	s6 =	simm.s32 $_tile_overlayer_lowered  }
0xa1: {  	s22 =	simm.s32 $0x1BFF;
	s21 =	sshll.u32 s6, $0x1;
	s3 =	sadd.s32 s19, s18  }
0xa2: {  	s7 =	simm.s32 $0x0;
	s20 =	sshll.u32 s5, $0x1;
	s5 =	sadd.s32 s21, s3  }
0xa3: {  	[timem:s7], [sflag:s22] =	dma.local [hbm:s5], s20  }
0xa4: {  	_ =	swait.ge [sflag:s22], s20  }
0xa5: {  	s4 =	ssub.s32 $0x0, s20;
	[sflag:s22] =	ssyncset.done $0x0  }
0xa6: {  	[sflag:s22] =	ssyncadd.s32 s4;
	_ =	sdelay $0x1  }
0xa7: {  	s23 =	simm.s32 $0x1B8B  }
0xa8: {  	_ =	swait.ge [sflag:s23], $0x1  }
0xa9: {  	[sflag:s23] =	ssyncset.done $0x0  }
0xaa: {  	s25 =	simm.s32 $0x1B8E;
	s24 =	sld [smem:$0x3FFE];
	[sflag:s23] =	ssyncadd.s32 $0xFFFFFFFF  }
0xab: {  	s26 =	simm.s32 $execute0_lowered;
	[smem:$0x3FD2] =	sst s25  }
0xac: {  	s5 =	sshll.u32 s26, $0x1;
	_ =	strace $0x80000049;
	[dreg:$0x1] =	wrdreg $0xFFFFFFFF  }
0xad: {  	s28 =	simm.s32 $_size_execute0_lowered;
	s3 =	sadd.s32 s3, s5;
	[dreg:$0x0] =	wrdreg $0x0  }
0xae: {  	s5 =	sshll.u32 s28, $0x1;
	[dreg:$0x2] =	wrdreg s3  }
0xaf: {  	[dreg:$0x3] =	wrdreg s5  }
0xb0: {  	[dreg:$0x4] =	wrdreg $0xC0  }
0xb1: {  	_ =	task [dreg:s7], $0x5FFFF  }
0xb2: {  	[dreg:$0x1] =	wrdreg $0xFFFFFFFF  }
0xb3: {  	[dreg:$0x0] =	wrdreg $0x60  }
0xb4: {  	[dreg:$0x2] =	wrdreg s24  }
0xb5: {  	[dreg:$0x3] =	wrdreg s16  }
0xb6: {  	[dreg:$0x4] =	wrdreg $0x0  }
0xb7: {  	[dreg:$0x5] =	wrdreg $0x9  }
0xb8: {  	_ =	task.clear_ibuf [dreg:s7], $0x6FFFF;
	_ =	strace $0x90000049  }
0xb9: {  	s29 =	simm.s32 $0x9;
	_ =	strace $0x8000004B  }
0xba: {  	_ =	swait.ge [sflag:s29], $0x1  }
0xbb: {  	[sflag:s29] =	ssyncadd.s32 $0xFFFFFFFF  }
0xbc: {  	_ =	strace $0x9000004B  }
0xbd: {  	_ =	sfence  }
0xbe: {  	s30 =	sld [smem:$0x0];
	_ =	sdelay $0x2  }
0xbf: {  	s31 =	sshll.u32 s1, $0xD;
	s1 =	sshrl.u32 s1, $0x2  }
0xc0: {  	s3 =	sand.u32 $0x4000, s31;
	s1 =	sadd.s32 s1, s30  }
0xc1: {  	s0 =	sor.u32 s3, s0;
	s1 =	sshll.u32 s1, $0x11  }
0xc2: {  	s0 =	sor.u32 s1, s0  }
0xc3: {  	s0 =	sadd.s32 $0x8F2B, s0  }
0xc4: {  	[sflag:s0] =	ssyncadd.remote.s32 $0x1  }
0xc5: {  	_ =	sfence.sel $0xFFFF  }
0xc6: {  	[dreg:$0x0] =	wrdreg $0xFFFFFFFF;
	(pc) =	sbr.abs _section_cstart, $3  }
0xc7: {  	[dreg:$0x1] =	wrdreg $0xFFFFFFFF  }
0xc8: {  	_ =	task.clear_ibuf [dreg:s7], $0x2FFFF;
	_ =	strace $0x9FFFFFFF  }
0xc9: {  	(tm) =	ssettm $0x7FFFFFFF  }
tec
execute0_lowered:
.L_overlay_start_1:
0x0: {  	(tag) =	ssettag $0x1  }
0x1: {  	s6 =	rddreg [dreg:$0x0]  }
0x2: {  	s0 =	srdreg.scid;
	s14 =	rddreg [dreg:$0x1]  }
0x3: {  	s25 =	stileid.u32;
	s2 =	rddreg [dreg:$0x2]  }
0x4: {  	s19 =	simm.s32 $0x80;
	s20 =	simm.s32 $0x400;
	s21 =	simm.s32 $0x14000  }
0x5: {  	s22 =	simm.s32 $0x16780;
	s23 =	simm.s32 $0x50;
	s24 =	simm.s32 $0x1CF80  }
0x6: {  	s28 =	simm.s32 $0x1A580;
	s5 =	sand.u32 $0x1, s0;
	s26 =	smul.u32 $0x14000, s25  }
0x7: {  	s7 =	sshll.u32 s25, $0x7;
	s10 =	smul.u32 $0x50000, s25;
	s1 =	sshll.u32 s5, $0x4  }
0x8: {  	s7 =	sand.u32 $0x380, s7;
	s8 =	smul.u32 $0x140000, s5;
	s29 =	ssub.s32 $0x2, s5  }
0x9: {  	s13 =	sor.u32 s25, s1;
	s30 =	sshrl.u32 s10, $0x2;
	s31 =	sshrl.u32 s29, $0x1  }
0xa: {  	s25 =	simm.s32 $0x1;
	s3 =	sshrl.u32 s13, $0x3;
	s5 =	sadd.s32 s30, s2  }
0xb: {  	s17 =	ssub.s32 s29, s31;
	s18 =	sshll.u32 s13, $0xB;
	s4 =	smul.u32 $0x13C00, s3  }
0xc: {  	s3 =	simm.s32 $0x0;
	s10 =	sadd.s32 $0xC800, s5;
	s11 =	sadd.s32 $0xF000, s5  }
0xd: {  	s12 =	sadd.s32 $0x11800, s5;
	s14 =	sadd.s32 s14, s18;
	[smem:$0x7FF] =	sst s3  }
0xe: {  	s18 =	simm.s32 $0x3;
	s4 =	sor.u32 s7, s4;
	_ =	strace $0x8000004A  }
0xf: {  	s7 =	sadd.s32 s26, s8;
	s8 =	sadd.s32 $0x7800, s5;
	s26 =	simm.s32 $0x2  }
0x10: {  	s9 =	sshrl.u32 s4, $0x3;
	s4 =	sadd.s32 $0xEA00, s6;
	s7 =	sshrl.u32 s7, $0x3  }
0x11: {  	s15 =	sadd.s32 s9, s6;
	s16 =	sadd.s32 s7, s6;
	s6 =	sadd.s32 $0x2800, s5  }
0x12: {  	s7 =	sadd.s32 $0x5000, s5;
	s9 =	sadd.s32 $0xA000, s5;
	s13 =	sadd.s32 $0x4C00, s15  }
0x13: {  	v0 =	vimm.f32 $0.0e+00;
	s15 =	sadd.s32 $0x36A00, s16;
	s16 =	smax.u32 s17, $0x1;
	s17 =	simm.s32 $0x1A780  }
.LBB2_1:
0x14: {  	s29 =	simm.s32 $0x0;
	s30 =	simm.s32 $0x200  }
.LBB2_2:
0x15: {  	p0 =	sne.s32 s30, $0x9E00;
	[tilespmem:s29+$0x1A7F0] =	vst v0  }
0x16: {  	[tilespmem:s29+$0x1A780] =	vst v0  }
0x17: {  	[tilespmem:s29+$0x1A790] =	vst v0  }
.Ltmp0:
0x18: {  	[tilespmem:s29+$0x1A7A0] =	vst v0;
	(pc) =	sbr.rel @p0 .LBB2_2-.Ltmp0, $4  }
0x19: {  	[tilespmem:s29+$0x1A7B0] =	vst v0  }
0x1a: {  	[tilespmem:s29+$0x1A7C0] =	vst v0  }
0x1b: {  	[tilespmem:s29+$0x1A7D0] =	vst v0  }
0x1c: {  	[tilespmem:s29+$0x1A7E0] =	vst v0;
	s29 =	sshra.s32 s30, $0x2;
	s30 =	sadd.s32 $0x200, s30  }
0x1d: {  	[tilespmem:s29+$0x1A7F0] =	vst v0  }
0x1e: {  	[tilespmem:s29+$0x1A780] =	vst v0  }
0x1f: {  	[tilespmem:s29+$0x1A790] =	vst v0  }
0x20: {  	[tilespmem:s29+$0x1A7A0] =	vst v0  }
0x21: {  	[tilespmem:s29+$0x1A7B0] =	vst v0  }
0x22: {  	[tilespmem:s29+$0x1A7C0] =	vst v0  }
0x23: {  	[tilespmem:s29+$0x1A7D0] =	vst v0  }
0x24: {  	[tilespmem:s29+$0x1A7E0] =	vst v0  }
0x25: {  	[spmem:s5] =	stream.linear.scatter [tilespmem:s17], [sflag:$0x3], $0x2800, $0x38;
	[tilespmem:$0x1F780] =	vst v63  }
0x26: {  	_ =	swait.ge [sflag:s18], $0x2800  }
0x27: {  	[sflag:s18] =	ssyncset.done $0x0  }
0x28: {  	[sflag:s18] =	ssyncadd.s32 $0xFFFFD800  }
0x29: {  	[spmem:s6] =	stream.linear.scatter [tilespmem:s17], [sflag:$0x3], $0x2800, $0x38;
	[tilespmem:$0x1F780] =	vst v63  }
0x2a: {  	_ =	swait.ge [sflag:s18], $0x2800  }
0x2b: {  	[sflag:s18] =	ssyncset.done $0x0  }
0x2c: {  	[sflag:s18] =	ssyncadd.s32 $0xFFFFD800  }
0x2d: {  	[spmem:s7] =	stream.linear.scatter [tilespmem:s17], [sflag:$0x3], $0x2800, $0x38;
	[tilespmem:$0x1F780] =	vst v63  }
0x2e: {  	_ =	swait.ge [sflag:s18], $0x2800  }
0x2f: {  	[sflag:s18] =	ssyncset.done $0x0  }
0x30: {  	[sflag:s18] =	ssyncadd.s32 $0xFFFFD800  }
0x31: {  	[spmem:s8] =	stream.linear.scatter [tilespmem:s17], [sflag:$0x3], $0x2800, $0x38;
	[tilespmem:$0x1F780] =	vst v63  }
0x32: {  	_ =	swait.ge [sflag:s18], $0x2800  }
0x33: {  	[sflag:s18] =	ssyncset.done $0x0  }
0x34: {  	[sflag:s18] =	ssyncadd.s32 $0xFFFFD800  }
0x35: {  	[spmem:s9] =	stream.linear.scatter [tilespmem:s17], [sflag:$0x3], $0x2800, $0x38;
	[tilespmem:$0x1F780] =	vst v63  }
0x36: {  	_ =	swait.ge [sflag:s18], $0x2800  }
0x37: {  	[sflag:s18] =	ssyncset.done $0x0  }
0x38: {  	[sflag:s18] =	ssyncadd.s32 $0xFFFFD800  }
0x39: {  	[spmem:s10] =	stream.linear.scatter [tilespmem:s17], [sflag:$0x3], $0x2800, $0x38;
	[tilespmem:$0x1F780] =	vst v63  }
0x3a: {  	_ =	swait.ge [sflag:s18], $0x2800  }
0x3b: {  	[sflag:s18] =	ssyncset.done $0x0  }
0x3c: {  	[sflag:s18] =	ssyncadd.s32 $0xFFFFD800  }
0x3d: {  	[spmem:s11] =	stream.linear.scatter [tilespmem:s17], [sflag:$0x3], $0x2800, $0x38;
	[tilespmem:$0x1F780] =	vst v63  }
0x3e: {  	_ =	swait.ge [sflag:s18], $0x2800  }
0x3f: {  	[sflag:s18] =	ssyncset.done $0x0  }
0x40: {  	[sflag:s18] =	ssyncadd.s32 $0xFFFFD800  }
0x41: {  	[spmem:s12] =	stream.linear.scatter [tilespmem:s17], [sflag:$0x3], $0x2800, $0x38;
	[tilespmem:$0x1F780] =	vst v63  }
0x42: {  	_ =	swait.ge [sflag:s18], $0x2800  }
0x43: {  	[sflag:s18] =	ssyncset.done $0x0  }
0x44: {  	[sflag:s18] =	ssyncadd.s32 $0xFFFFD800  }
0x45: {  	[bflag:$0x0] =	sbarrier.arrive $0xFFFF  }
0x46: {  	[tilespmem:s21], [sflag:$0x3] =	stream.strided.gather [hbm4b:s13+s19], $0x2780, s20, s19, $0x38;
	[tilespmem:$0x1F780] =	vst v63  }
0x47: {  	_ =	swait.ge [sflag:s18], $0x2780  }
0x48: {  	[sflag:s18] =	ssyncset.done $0x0  }
0x49: {  	s29 =	simm.s32 $0x0;
	[sflag:s18] =	ssyncadd.s32 $0xFFFFD880  }
0x4a: {  	[tilespmem:s22], [sflag:$0x3] =	stream.linear.gather [hbm4b:s14+s29], $0x3E80, $0x38;
	[tilespmem:$0x1F780] =	vst v63  }
0x4b: {  	_ =	swait.ge [sflag:s18], $0x3E80  }
0x4c: {  	[sflag:s18] =	ssyncset.done $0x0  }
0x4d: {  	[sflag:s18] =	ssyncadd.s32 $0xFFFFC180  }
0x4e: {  	[tilespmem:s17], [sflag:$0x1] =	stream.indirect.gather [hbm4b:s4+s23], $0x80, s21, s23, $0xb8;
	[tilespmem:$0x1F780] =	vst v63  }
0x4f: {  	s29 =	simm.s32 $0x14050  }
0x50: {  	[tilespmem:s24], [sflag:$0x2] =	stream.indirect.gather [hbm4b:s4+s23], $0x80, s29, s23, $0xb8;
	[tilespmem:$0x1F780] =	vst v63  }
0x51: {  	_ =	swait.ge [sflag:s25], $0x2800  }
0x52: {  	[sflag:s25] =	ssyncset.done $0x0  }
0x53: {  	s29 =	simm.s32 $0x16780;
	[sflag:s25] =	ssyncadd.s32 $0xFFFFD800  }
0x54: {  	[spmem:s2] =	stream.indirect.scatter.add.f32 [tilespmem:s17], [sflag:$0x3], $0x80, s29, s23, $0xb8;
	[tilespmem:$0x1F780] =	vst v63  }
0x55: {  	_ =	swait.ge [sflag:s18], $0x2800  }
0x56: {  	[sflag:s18] =	ssyncset.done $0x0  }
0x57: {  	s29 =	simm.s32 $0x140A0;
	[sflag:s18] =	ssyncadd.s32 $0xFFFFD800  }
0x58: {  	[tilespmem:s17], [sflag:$0x1] =	stream.indirect.gather [hbm4b:s4+s23], $0x80, s29, s23, $0xb8;
	[tilespmem:$0x1F780] =	vst v63  }
0x59: {  	_ =	swait.ge [sflag:s26], $0x2800  }
0x5a: {  	[sflag:s26] =	ssyncset.done $0x0  }
0x5b: {  	s29 =	simm.s32 $0x16800;
	[sflag:s26] =	ssyncadd.s32 $0xFFFFD800  }
0x5c: {  	[spmem:s2] =	stream.indirect.scatter.add.f32 [tilespmem:s24], [sflag:$0x3], $0x80, s29, s23, $0xb8;
	[tilespmem:$0x1F780] =	vst v63  }
0x5d: {  	s30 =	simm.s32 $0x400;
	_ =	swait.ge [sflag:s18], $0x2800  }
0x5e: {  	s31 =	simm.s32 $0x800;
	s29 =	simm.s32 $0x14140;
	[sflag:s18] =	ssyncset.done $0x0  }
.LBB2_4:
0x5f: {  	p0 =	sne.s32 s31, $0xF400;
	s1 =	sadd.s32 $0xFFFFFFB0, s29;
	[sflag:s18] =	ssyncadd.s32 $0xFFFFD800  }
0x60: {  	[tilespmem:s24], [sflag:$0x2] =	stream.indirect.gather [hbm4b:s4+s23], $0x80, s1, s23, $0xb8;
	[tilespmem:$0x1F780] =	vst v63  }
0x61: {  	s1 =	smov.u32 s31;
	s31 =	sadd.s32 $0x400, s31;
	_ =	swait.ge [sflag:s25], $0x2800  }
0x62: {  	s0 =	sshra.s32 s30, $0x2;
	s30 =	smov.u32 s1;
	[sflag:s25] =	ssyncset.done $0x0  }
0x63: {  	s1 =	sadd.s32 $0x16780, s0;
	[sflag:s25] =	ssyncadd.s32 $0xFFFFD800  }
0x64: {  	[spmem:s2] =	stream.indirect.scatter.add.f32 [tilespmem:s17], [sflag:$0x3], $0x80, s1, s23, $0xb8;
	[tilespmem:$0x1F780] =	vst v63  }
0x65: {  	_ =	swait.ge [sflag:s18], $0x2800  }
0x66: {  	[sflag:s18] =	ssyncset.done $0x0  }
0x67: {  	[sflag:s18] =	ssyncadd.s32 $0xFFFFD800  }
0x68: {  	[tilespmem:s17], [sflag:$0x1] =	stream.indirect.gather [hbm4b:s4+s23], $0x80, s29, s23, $0xb8;
	[tilespmem:$0x1F780] =	vst v63  }
0x69: {  	_ =	swait.ge [sflag:s26], $0x2800  }
.Ltmp1:
0x6a: {  	[sflag:s26] =	ssyncset.done $0x0;
	(pc) =	sbr.rel @p0 .LBB2_4-.Ltmp1, $4  }
0x6b: {  	s0 =	sadd.s32 $0x16800, s0;
	[sflag:s26] =	ssyncadd.s32 $0xFFFFD800  }
0x6c: {  	[spmem:s2] =	stream.indirect.scatter.add.f32 [tilespmem:s24], [sflag:$0x3], $0x80, s0, s23, $0xb8;
	[tilespmem:$0x1F780] =	vst v63  }
0x6d: {  	_ =	swait.ge [sflag:s18], $0x2800  }
0x6e: {  	s29 =	sadd.s32 $0xA0, s29;
	[sflag:s18] =	ssyncset.done $0x0  }
0x6f: {  	s0 =	sadd.s32 $0xFFFFFFB0, s29;
	[sflag:s18] =	ssyncadd.s32 $0xFFFFD800  }
0x70: {  	[tilespmem:s24], [sflag:$0x2] =	stream.indirect.gather [hbm4b:s4+s23], $0x80, s0, s23, $0xb8;
	[tilespmem:$0x1F780] =	vst v63  }
0x71: {  	_ =	swait.ge [sflag:s25], $0x2800  }
0x72: {  	s31 =	sshra.s32 s30, $0x2;
	[sflag:s25] =	ssyncset.done $0x0  }
0x73: {  	s1 =	sadd.s32 $0x16780, s31;
	[sflag:s25] =	ssyncadd.s32 $0xFFFFD800  }
0x74: {  	[spmem:s2] =	stream.indirect.scatter.add.f32 [tilespmem:s17], [sflag:$0x3], $0x80, s1, s23, $0xb8;
	[tilespmem:$0x1F780] =	vst v63  }
0x75: {  	_ =	swait.ge [sflag:s18], $0x2800  }
0x76: {  	[sflag:s18] =	ssyncset.done $0x0  }
0x77: {  	[sflag:s18] =	ssyncadd.s32 $0xFFFFD800  }
0x78: {  	[tilespmem:s17], [sflag:$0x1] =	stream.indirect.gather [hbm4b:s4+s23], $0x80, s29, s23, $0xb8;
	[tilespmem:$0x1F780] =	vst v63  }
0x79: {  	_ =	swait.ge [sflag:s26], $0x2800  }
0x7a: {  	[sflag:s26] =	ssyncset.done $0x0  }
0x7b: {  	s0 =	sadd.s32 $0x16800, s31;
	[sflag:s26] =	ssyncadd.s32 $0xFFFFD800  }
0x7c: {  	[spmem:s2] =	stream.indirect.scatter.add.f32 [tilespmem:s24], [sflag:$0x3], $0x80, s0, s23, $0xb8;
	[tilespmem:$0x1F780] =	vst v63  }
0x7d: {  	_ =	swait.ge [sflag:s18], $0x2800  }
0x7e: {  	[sflag:s18] =	ssyncset.done $0x0  }
0x7f: {  	[sflag:s18] =	ssyncadd.s32 $0xFFFFD800  }
0x80: {  	_ =	swait.ge [sflag:s25], $0x2800  }
0x81: {  	[sflag:s25] =	ssyncset.done $0x0  }
0x82: {  	[sflag:s25] =	ssyncadd.s32 $0xFFFFD800  }
0x83: {  	[spmem:s2] =	stream.indirect.scatter.add.f32 [tilespmem:s17], [sflag:$0x3], $0x80, s28, s23, $0xb8;
	[tilespmem:$0x1F780] =	vst v63  }
0x84: {  	s30 =	stileid.u32;
	_ =	swait.ge [sflag:s18], $0x2800  }
0x85: {  	s3 =	sadd.s32 $0x1, s3;
	s31 =	sshrl.u32 s5, $0x3;
	[sflag:s18] =	ssyncset.done $0x0  }
0x86: {  	p0 =	sne.s32 s3, s16;
	s0 =	sshll.u32 s30, $0x6;
	[sflag:s18] =	ssyncadd.s32 $0xFFFFD800  }
.Ltmp2:
0x87: {  	s0 =	sor.u32 $0x1C03, s0;
	[bflag:$0x0] =	sbarrier.arrive $0xFFFF;
	(pc) =	sbr.rel @p0 .LBB2_1-.Ltmp2, $4  }
0x88: {  	[hbm:s15], [sflag:s0] =	dma.local [spmem:s31], $0x2800  }
0x89: {  	_ =	swait.ge [sflag:s18], $0x2800  }
0x8a: {  	[sflag:s18] =	ssyncset.done $0x0  }
0x8b: {  	[sflag:s18] =	ssyncadd.s32 $0xFFFFD800  }
0x8c: {  	_ =	sfence.sel $0x180000  }
0x8d: {  	[bflag:$0x0] =	sbarrier.arrive $0xFFFF  }
0x8e: {  	_ =	strace $0x9000004A  }
0x8f: {  	s0 =	stileid.u32;
	[bflag:$0x2] =	sbarrier.arrive $0xFFFF  }
0x90: {  	p0 =	sne.s32 s0, $0x0;
	s0 =	rddreg [dreg:$0x3]  }
0x91: {  	s0 =	sadd.s32 @!p0 $0x100000, s0  }
0x92: {  	[sflag:s0] =	ssyncadd.tile.s32 @!p0 $0x1;
	_ =	shalt  }
.Lfunc_end2:
_tile_overlayer_lowered:
.L_overlay_start_2:
0x93: {  	(tag) =	ssettag $0x2  }
0x94: {  	s0 =	rddreg [dreg:$0x0];
	s2 =	stileid.u32  }
0x95: {  	s1 =	rddreg [dreg:$0x1];
	p0 =	sne.s32 s2, $0x0  }
0x96: {  	s3 =	rddreg [dreg:$0x2];
	[bflag:$0x3] =	sbarrier.arrive $0xFFFF;
	s2 =	simm.s32 @!p0 $0x1C03  }
0x97: {  	[timem:s3], [sflag:s2] =	dma.local @!p0 [hbm:s0], s1  }
0x98: {  	s0 =	simm.s32 @!p0 $0x3  }
0x99: {  	_ =	swait.ge @!p0 [sflag:s0], s1  }
0x9a: {  	s1 =	ssub.s32 @!p0 $0x0, s1;
	[sflag:s0] =	ssyncset.done @!p0 $0x0  }
0x9b: {  	[sflag:s0] =	ssyncadd.s32 @!p0 s1  }
0x9c: {  	[bflag:$0x3] =	sbarrier.arrive $0xFFFF  }
0x9d: {  	_ =	shalt  }

// kernel: kernel.16.cloned.1.call-start
scs
__scs_entry_jumppad:
0x0: {  	(pc) =	sbr.rel $0x88, $3  }
0x1: {  	(tag) =	ssettag $0x0;
	lr =	simm.s32 $0x1  }
0x2: {  	[smem:$0x3F8F] =	sst lr;
	_ =	strace $0xD0000000  }
0x3: {  	_ = 	snop  }
0x4: {  	_ = 	snop  }
0x5: {  	_ = 	snop  }
0x6: {  	_ = 	snop  }
0x7: {  	_ = 	snop  }
__scs_overlays_trampoline_lowered:
0x8: {  	[smem:$0x3F9E] =	sst s0  }
0x9: {  	[smem:$0x3F9F] =	sst s1  }
0xa: {  	[smem:$0x3FA0] =	sst s2  }
0xb: {  	[smem:$0x3FA1] =	sst s3  }
0xc: {  	[smem:$0x3FA2] =	sst s4  }
0xd: {  	[smem:$0x3FA3] =	sst s5  }
0xe: {  	[smem:$0x3FA4] =	sst s6  }
0xf: {  	[smem:$0x3FA5] =	sst s7  }
0x10: {  	[smem:$0x3FA6] =	sst s8  }
0x11: {  	[smem:$0x3FA7] =	sst s9;
	s0 =	simm.s32 @!p0 $0x0  }
0x12: {  	s1 =	sld [smem:$0x3F8D];
	s0 =	simm.s32 @p0 $0x1  }
0x13: {  	[smem:$0x3FA8] =	sst s0;
	s0 =	simm.s32 @!p1 $0x0  }
0x14: {  	s2 =	sld [smem:$0x3F8C];
	s0 =	simm.s32 @p1 $0x1  }
0x15: {  	[smem:$0x3FA9] =	sst s0;
	s0 =	simm.s32 @!p2 $0x0  }
0x16: {  	s3 =	sld [smem:$0x3FDB];
	s0 =	simm.s32 @p2 $0x1  }
0x17: {  	s4 =	simm.s32 $0x1BF5;
	[smem:$0x3FAB] =	sst s0  }
0x18: {  	s0 =	sld [smem:$0x3F8E];
	_ =	swait.ge [sflag:s4], $0x0  }
0x19: {  	s7 =	sld [smem:$0x3F8F]  }
0x1a: {  	s8 =	sadd.s32 $0xFFFFE003, lr  }
0x1b: {  	s9 =	sadd.s32 $0xFFFFFEF7, lr;
	s5 =	simm.s32 $0xFFFFFFFF;
	p2 =	slt.u32 s8, $0xFFFFF086  }
0x1c: {  	p1 =	slt.u32 s9, $0xF7A;
	s5 =	simm.s32 @!p2 $0x0  }
0x1d: {  	s5 =	simm.s32 @p1 $0x1;
	p0 =	seq.s32 s7, s2  }
0x1e: {  	s7 =	smul.u32 @!p0 $0xF7A, s2;
	p2 =	seq.s32 @!p0 s5, $0x0  }
0x1f: {  	s9 =	smul.u32 $0xF7A, s1;
	s8 =	simm.s32 @!p0 $0x1BF5;
	p2 =	por !p2, p0  }
0x20: {  	[sflag:s8] =	ssyncset.s32 @!p0 $0xFFFFF086;
	s6 =	sadd.s32 @!p0 s3, s7;
	s7 =	simm.s32 @!p0 $0x108  }
0x21: {  	s3 =	sadd.s32 s3, s9;
	s6 =	sadd.s32 @!p0 $0x88, s6;
	s7 =	simm.s32 @p2 $0x1082  }
0x22: {  	[simem:s7], [sflag:s8] =	dma.local @!p0 [hbm:s6], $0xF7A  }
0x23: {  	s9 =	sor.u32 $0xD0000000, s2;
	s6 =	simm.s32 $0x108;
	_ =	swait.ge @!p0 [sflag:s8], $0x0  }
0x24: {  	s3 =	sadd.s32 $0x88, s3;
	s6 =	simm.s32 @!p1 $0x1082;
	[sflag:s4] =	ssyncset.s32 $0xFFFFF086  }
0x25: {  	[simem:s6], [sflag:s4] =	dma.local [hbm:s3], $0xF7A  }
0x26: {  	[smem:$0x3F8F] =	sst s1;
	(tag) =	ssettag s2;
	_ =	strace s9  }
0x27: {  	s1 =	sld [smem:$0x3F9F]  }
0x28: {  	s2 =	sld [smem:$0x3FA0]  }
0x29: {  	s4 =	sld [smem:$0x3FA2]  }
0x2a: {  	p0 =	seq.s32 s5, $0x0;
	s5 =	sld [smem:$0x3FA3]  }
0x2b: {  	s6 =	sld [smem:$0x3FA4]  }
0x2c: {  	s7 =	sld [smem:$0x3FA5]  }
0x2d: {  	s3 =	simm.s32 $0x108;
	s8 =	sld [smem:$0x3FA6]  }
0x2e: {  	s3 =	simm.s32 @!p0 $0x1082;
	s9 =	sld [smem:$0x3FA7]  }
0x2f: {  	lr =	sadd.s32 s0, s3;
	s0 =	sld [smem:$0x3F9E]  }
0x30: {  	s3 =	sld [smem:$0x3FA1]  }
0x31: {  	[smem:$0x3FAA] =	sst s10  }
0x32: {  	s10 =	sld [smem:$0x3FA8];
	_ =	sdelay $0x3  }
0x33: {  	p0 =	seq.s32 s10, $0x1;
	s10 =	sld [smem:$0x3FAA];
	_ =	sdelay $0x3  }
0x34: {  	[smem:$0x3FAA] =	sst s10  }
0x35: {  	s10 =	sld [smem:$0x3FA9];
	_ =	sdelay $0x3  }
0x36: {  	p1 =	seq.s32 s10, $0x1;
	s10 =	sld [smem:$0x3FAA];
	_ =	sdelay $0x3  }
0x37: {  	[smem:$0x3FAA] =	sst s10  }
0x38: {  	s10 =	sld [smem:$0x3FAB]  }
0x39: {  	_ = 	snop;
	(pc) =	sbr.ind lr, $3  }
0x3a: {  	_ = 	snop  }
0x3b: {  	_ = 	snop  }
0x3c: {  	p2 =	seq.s32 s10, $0x1;
	s10 =	sld [smem:$0x3FAA]  }
0x3d: {  	_ =	shalt  }
0x3e: {  	_ =	shalt  }
0x3f: {  	_ =	shalt  }
0x40: {  	_ =	shalt  }
0x41: {  	_ =	shalt  }
0x42: {  	_ =	shalt  }
0x43: {  	_ =	shalt  }
0x44: {  	_ =	shalt  }
0x45: {  	_ =	shalt  }
0x46: {  	_ =	shalt  }
0x47: {  	_ =	shalt  }
0x48: {  	_ =	shalt  }
0x49: {  	_ =	shalt  }
0x4a: {  	_ =	shalt  }
0x4b: {  	_ =	shalt  }
0x4c: {  	_ =	shalt  }
0x4d: {  	_ =	shalt  }
0x4e: {  	_ =	shalt  }
0x4f: {  	_ =	shalt  }
0x50: {  	_ =	shalt  }
0x51: {  	_ =	shalt  }
0x52: {  	_ =	shalt  }
0x53: {  	_ =	shalt  }
0x54: {  	_ =	shalt  }
0x55: {  	_ =	shalt  }
0x56: {  	_ =	shalt  }
0x57: {  	_ =	shalt  }
0x58: {  	_ =	shalt  }
0x59: {  	_ =	shalt  }
0x5a: {  	_ =	shalt  }
0x5b: {  	_ =	shalt  }
0x5c: {  	_ =	shalt  }
0x5d: {  	_ =	shalt  }
0x5e: {  	_ =	shalt  }
0x5f: {  	_ =	shalt  }
0x60: {  	_ =	shalt  }
0x61: {  	_ =	shalt  }
0x62: {  	_ =	shalt  }
0x63: {  	_ =	shalt  }
0x64: {  	_ =	shalt  }
0x65: {  	_ =	shalt  }
0x66: {  	_ =	shalt  }
0x67: {  	_ =	shalt  }
0x68: {  	_ =	shalt  }
0x69: {  	_ =	shalt  }
0x6a: {  	_ =	shalt  }
0x6b: {  	_ =	shalt  }
0x6c: {  	_ =	shalt  }
0x6d: {  	_ =	shalt  }
0x6e: {  	_ =	shalt  }
0x6f: {  	_ =	shalt  }
0x70: {  	_ =	shalt  }
0x71: {  	_ =	shalt  }
0x72: {  	_ =	shalt  }
0x73: {  	_ =	shalt  }
0x74: {  	_ =	shalt  }
0x75: {  	_ =	shalt  }
0x76: {  	_ =	shalt  }
0x77: {  	_ =	shalt  }
0x78: {  	_ =	shalt  }
0x79: {  	_ =	shalt  }
0x7a: {  	_ =	shalt  }
0x7b: {  	_ =	shalt  }
0x7c: {  	_ =	shalt  }
0x7d: {  	_ =	shalt  }
0x7e: {  	_ =	shalt  }
0x7f: {  	_ =	shalt  }
0x80: {  	_ =	shalt  }
0x81: {  	_ =	shalt  }
0x82: {  	_ =	shalt  }
0x83: {  	_ =	shalt  }
0x84: {  	_ =	shalt  }
0x85: {  	_ =	shalt  }
0x86: {  	_ =	shalt  }
0x87: {  	_ =	shalt  }
.Lfunc_end0:
.L_simem_size_0:
called_computation.2_lowered:
.L_overlay_start_0:
0x88: {  	s2 =	sld [smem:$0x3FD9]  }
0x89: {  	s3 =	sld [smem:$0x3FFE];
	_ =	sdelay $0x1  }
0x8a: {  	s1 =	srdreg.scid  }
0x8b: {  	s0 =	sand.u32 $0x1, s1  }
0x8c: {  	s14 =	sshll.u32 s0, $0xA;
	s2 =	sadd.s32 s3, s2  }
0x8d: {  	s2 =	sadd.s32 s2, s14  }
0x8e: {  	[smem:$0x3FB6] =	sst s2  }
0x8f: {  	_ = 	snop  }
0x90: {  	s2 =	sld [smem:$0x3FD0];
	_ =	sdelay $0x2  }
0x91: {  	s15 =	simm.s32 $0xA;
	s4 =	simm.s32 $0x10  }
0x92: {  	[smem:s4], [sflag:s15] =	dma.local [hbm:s2], $0x1  }
0x93: {  	_ =	swait.eq [sflag:s15], $0x1  }
0x94: {  	[sflag:s15] =	ssyncset.done $0x0  }
0x95: {  	[sflag:s15] =	ssyncadd.s32 $0xFFFFFFFF  }
0x96: {  	s16 =	sld [smem:$0x10];
	(tm) =	ssettm $0x1  }
0x97: {  	s17 =	sld [smem:$0x3FFB];
	_ =	sdelay $0x3  }
0x98: {  	_ =	strace s17  }
0x99: {  	s3 =	sld [smem:$0x3FFC];
	_ =	sdelay $0x3  }
0x9a: {  	_ =	strace s3  }
0x9b: {  	s3 =	sld [smem:$0x3FFD];
	_ =	sdelay $0x3  }
0x9c: {  	_ =	strace s3  }
0x9d: {  	_ =	strace $0x8FFFFFFF  }
0x9e: {  	s18 =	sld [smem:$0x3FDB];
	_ =	sdelay $0x1  }
0x9f: {  	s19 =	simm.s32 $_scs_section_size  }
0xa0: {  	s5 =	simm.s32 $_size__tile_overlayer_lowered;
	s6 =	simm.s32 $_tile_overlayer_lowered  }
0xa1: {  	s22 =	simm.s32 $0x1BFF;
	s21 =	sshll.u32 s6, $0x1;
	s3 =	sadd.s32 s19, s18  }
0xa2: {  	s7 =	simm.s32 $0x0;
	s20 =	sshll.u32 s5, $0x1;
	s5 =	sadd.s32 s21, s3  }
0xa3: {  	[timem:s7], [sflag:s22] =	dma.local [hbm:s5], s20  }
0xa4: {  	_ =	swait.ge [sflag:s22], s20  }
0xa5: {  	s4 =	ssub.s32 $0x0, s20;
	[sflag:s22] =	ssyncset.done $0x0  }
0xa6: {  	[sflag:s22] =	ssyncadd.s32 s4;
	_ =	sdelay $0x1  }
0xa7: {  	s23 =	simm.s32 $0x1B8B  }
0xa8: {  	_ =	swait.ge [sflag:s23], $0x1  }
0xa9: {  	[sflag:s23] =	ssyncset.done $0x0  }
0xaa: {  	s25 =	simm.s32 $0x1B8E;
	s24 =	sld [smem:$0x3FFE];
	[sflag:s23] =	ssyncadd.s32 $0xFFFFFFFF  }
0xab: {  	s26 =	simm.s32 $execute0_lowered;
	[smem:$0x3FD2] =	sst s25  }
0xac: {  	s5 =	sshll.u32 s26, $0x1;
	_ =	strace $0x8000004C;
	[dreg:$0x1] =	wrdreg $0xFFFFFFFF  }
0xad: {  	s28 =	simm.s32 $_size_execute0_lowered;
	s3 =	sadd.s32 s3, s5;
	[dreg:$0x0] =	wrdreg $0x0  }
0xae: {  	s5 =	sshll.u32 s28, $0x1;
	[dreg:$0x2] =	wrdreg s3  }
0xaf: {  	[dreg:$0x3] =	wrdreg s5  }
0xb0: {  	[dreg:$0x4] =	wrdreg $0xC0  }
0xb1: {  	_ =	task [dreg:s7], $0x5FFFF  }
0xb2: {  	[dreg:$0x1] =	wrdreg $0xFFFFFFFF  }
0xb3: {  	[dreg:$0x0] =	wrdreg $0x60  }
0xb4: {  	[dreg:$0x2] =	wrdreg s24  }
0xb5: {  	[dreg:$0x3] =	wrdreg s16  }
0xb6: {  	[dreg:$0x4] =	wrdreg $0x0  }
0xb7: {  	[dreg:$0x5] =	wrdreg $0x9  }
0xb8: {  	_ =	task.clear_ibuf [dreg:s7], $0x6FFFF;
	_ =	strace $0x9000004C  }
0xb9: {  	s29 =	simm.s32 $0x9;
	_ =	strace $0x8000004E  }
0xba: {  	_ =	swait.ge [sflag:s29], $0x1  }
0xbb: {  	[sflag:s29] =	ssyncadd.s32 $0xFFFFFFFF  }
0xbc: {  	_ =	strace $0x9000004E  }
0xbd: {  	_ =	sfence  }
0xbe: {  	s30 =	sld [smem:$0x0];
	_ =	sdelay $0x2  }
0xbf: {  	s31 =	sshll.u32 s1, $0xD;
	s1 =	sshrl.u32 s1, $0x2  }
0xc0: {  	s3 =	sand.u32 $0x4000, s31;
	s1 =	sadd.s32 s1, s30  }
0xc1: {  	s0 =	sor.u32 s3, s0;
	s1 =	sshll.u32 s1, $0x11  }
0xc2: {  	s0 =	sor.u32 s1, s0  }
0xc3: {  	s0 =	sadd.s32 $0x8F2B, s0  }
0xc4: {  	[sflag:s0] =	ssyncadd.remote.s32 $0x1  }
0xc5: {  	_ =	sfence.sel $0xFFFF  }
0xc6: {  	[dreg:$0x0] =	wrdreg $0xFFFFFFFF;
	(pc) =	sbr.abs _section_cstart, $3  }
0xc7: {  	[dreg:$0x1] =	wrdreg $0xFFFFFFFF  }
0xc8: {  	_ =	task.clear_ibuf [dreg:s7], $0x2FFFF;
	_ =	strace $0x9FFFFFFF  }
0xc9: {  	(tm) =	ssettm $0x7FFFFFFF  }
tec
execute0_lowered:
.L_overlay_start_1:
0x0: {  	(tag) =	ssettag $0x1  }
0x1: {  	s6 =	rddreg [dreg:$0x0]  }
0x2: {  	s0 =	srdreg.scid;
	s14 =	rddreg [dreg:$0x1]  }
0x3: {  	s25 =	stileid.u32;
	s2 =	rddreg [dreg:$0x2]  }
0x4: {  	s19 =	simm.s32 $0x80;
	s20 =	simm.s32 $0x400;
	s21 =	simm.s32 $0x14000  }
0x5: {  	s22 =	simm.s32 $0x16780;
	s23 =	simm.s32 $0x50;
	s24 =	simm.s32 $0x1CF80  }
0x6: {  	s28 =	simm.s32 $0x1A580;
	s5 =	sand.u32 $0x1, s0;
	s26 =	smul.u32 $0x14000, s25  }
0x7: {  	s7 =	sshll.u32 s25, $0x7;
	s10 =	smul.u32 $0x50000, s25;
	s1 =	sshll.u32 s5, $0x4  }
0x8: {  	s7 =	sand.u32 $0x380, s7;
	s8 =	smul.u32 $0x140000, s5;
	s29 =	ssub.s32 $0x2, s5  }
0x9: {  	s13 =	sor.u32 s25, s1;
	s30 =	sshrl.u32 s10, $0x2;
	s31 =	sshrl.u32 s29, $0x1  }
0xa: {  	s25 =	simm.s32 $0x1;
	s3 =	sshrl.u32 s13, $0x3;
	s5 =	sadd.s32 s30, s2  }
0xb: {  	s17 =	ssub.s32 s29, s31;
	s18 =	sshll.u32 s13, $0xB;
	s4 =	smul.u32 $0x13C00, s3  }
0xc: {  	s3 =	simm.s32 $0x0;
	s10 =	sadd.s32 $0xC800, s5;
	s11 =	sadd.s32 $0xF000, s5  }
0xd: {  	s12 =	sadd.s32 $0x11800, s5;
	s14 =	sadd.s32 s14, s18;
	[smem:$0x7FF] =	sst s3  }
0xe: {  	s18 =	simm.s32 $0x3;
	s4 =	sor.u32 s7, s4;
	_ =	strace $0x8000004D  }
0xf: {  	s7 =	sadd.s32 s26, s8;
	s8 =	sadd.s32 $0x7800, s5;
	s26 =	simm.s32 $0x2  }
0x10: {  	s9 =	sshrl.u32 s4, $0x3;
	s4 =	sadd.s32 $0xEA00, s6;
	s7 =	sshrl.u32 s7, $0x3  }
0x11: {  	s15 =	sadd.s32 s9, s6;
	s16 =	sadd.s32 s7, s6;
	s6 =	sadd.s32 $0x2800, s5  }
0x12: {  	s7 =	sadd.s32 $0x5000, s5;
	s9 =	sadd.s32 $0xA000, s5;
	s13 =	sadd.s32 $0x4C00, s15  }
0x13: {  	v0 =	vimm.f32 $0.0e+00;
	s15 =	sadd.s32 $0x36A00, s16;
	s16 =	smax.u32 s17, $0x1;
	s17 =	simm.s32 $0x1A780  }
.LBB2_1:
0x14: {  	s29 =	simm.s32 $0x0;
	s30 =	simm.s32 $0x200  }
.LBB2_2:
0x15: {  	p0 =	sne.s32 s30, $0x9E00;
	[tilespmem:s29+$0x1A7F0] =	vst v0  }
0x16: {  	[tilespmem:s29+$0x1A780] =	vst v0  }
0x17: {  	[tilespmem:s29+$0x1A790] =	vst v0  }
.Ltmp0:
0x18: {  	[tilespmem:s29+$0x1A7A0] =	vst v0;
	(pc) =	sbr.rel @p0 .LBB2_2-.Ltmp0, $4  }
0x19: {  	[tilespmem:s29+$0x1A7B0] =	vst v0  }
0x1a: {  	[tilespmem:s29+$0x1A7C0] =	vst v0  }
0x1b: {  	[tilespmem:s29+$0x1A7D0] =	vst v0  }
0x1c: {  	[tilespmem:s29+$0x1A7E0] =	vst v0;
	s29 =	sshra.s32 s30, $0x2;
	s30 =	sadd.s32 $0x200, s30  }
0x1d: {  	[tilespmem:s29+$0x1A7F0] =	vst v0  }
0x1e: {  	[tilespmem:s29+$0x1A780] =	vst v0  }
0x1f: {  	[tilespmem:s29+$0x1A790] =	vst v0  }
0x20: {  	[tilespmem:s29+$0x1A7A0] =	vst v0  }
0x21: {  	[tilespmem:s29+$0x1A7B0] =	vst v0  }
0x22: {  	[tilespmem:s29+$0x1A7C0] =	vst v0  }
0x23: {  	[tilespmem:s29+$0x1A7D0] =	vst v0  }
0x24: {  	[tilespmem:s29+$0x1A7E0] =	vst v0  }
0x25: {  	[spmem:s5] =	stream.linear.scatter [tilespmem:s17], [sflag:$0x3], $0x2800, $0x38;
	[tilespmem:$0x1F780] =	vst v63  }
0x26: {  	_ =	swait.ge [sflag:s18], $0x2800  }
0x27: {  	[sflag:s18] =	ssyncset.done $0x0  }
0x28: {  	[sflag:s18] =	ssyncadd.s32 $0xFFFFD800  }
0x29: {  	[spmem:s6] =	stream.linear.scatter [tilespmem:s17], [sflag:$0x3], $0x2800, $0x38;
	[tilespmem:$0x1F780] =	vst v63  }
0x2a: {  	_ =	swait.ge [sflag:s18], $0x2800  }
0x2b: {  	[sflag:s18] =	ssyncset.done $0x0  }
0x2c: {  	[sflag:s18] =	ssyncadd.s32 $0xFFFFD800  }
0x2d: {  	[spmem:s7] =	stream.linear.scatter [tilespmem:s17], [sflag:$0x3], $0x2800, $0x38;
	[tilespmem:$0x1F780] =	vst v63  }
0x2e: {  	_ =	swait.ge [sflag:s18], $0x2800  }
0x2f: {  	[sflag:s18] =	ssyncset.done $0x0  }
0x30: {  	[sflag:s18] =	ssyncadd.s32 $0xFFFFD800  }
0x31: {  	[spmem:s8] =	stream.linear.scatter [tilespmem:s17], [sflag:$0x3], $0x2800, $0x38;
	[tilespmem:$0x1F780] =	vst v63  }
0x32: {  	_ =	swait.ge [sflag:s18], $0x2800  }
0x33: {  	[sflag:s18] =	ssyncset.done $0x0  }
0x34: {  	[sflag:s18] =	ssyncadd.s32 $0xFFFFD800  }
0x35: {  	[spmem:s9] =	stream.linear.scatter [tilespmem:s17], [sflag:$0x3], $0x2800, $0x38;
	[tilespmem:$0x1F780] =	vst v63  }
0x36: {  	_ =	swait.ge [sflag:s18], $0x2800  }
0x37: {  	[sflag:s18] =	ssyncset.done $0x0  }
0x38: {  	[sflag:s18] =	ssyncadd.s32 $0xFFFFD800  }
0x39: {  	[spmem:s10] =	stream.linear.scatter [tilespmem:s17], [sflag:$0x3], $0x2800, $0x38;
	[tilespmem:$0x1F780] =	vst v63  }
0x3a: {  	_ =	swait.ge [sflag:s18], $0x2800  }
0x3b: {  	[sflag:s18] =	ssyncset.done $0x0  }
0x3c: {  	[sflag:s18] =	ssyncadd.s32 $0xFFFFD800  }
0x3d: {  	[spmem:s11] =	stream.linear.scatter [tilespmem:s17], [sflag:$0x3], $0x2800, $0x38;
	[tilespmem:$0x1F780] =	vst v63  }
0x3e: {  	_ =	swait.ge [sflag:s18], $0x2800  }
0x3f: {  	[sflag:s18] =	ssyncset.done $0x0  }
0x40: {  	[sflag:s18] =	ssyncadd.s32 $0xFFFFD800  }
0x41: {  	[spmem:s12] =	stream.linear.scatter [tilespmem:s17], [sflag:$0x3], $0x2800, $0x38;
	[tilespmem:$0x1F780] =	vst v63  }
0x42: {  	_ =	swait.ge [sflag:s18], $0x2800  }
0x43: {  	[sflag:s18] =	ssyncset.done $0x0  }
0x44: {  	[sflag:s18] =	ssyncadd.s32 $0xFFFFD800  }
0x45: {  	[bflag:$0x0] =	sbarrier.arrive $0xFFFF  }
0x46: {  	[tilespmem:s21], [sflag:$0x3] =	stream.strided.gather [hbm4b:s13+s19], $0x2780, s20, s19, $0x38;
	[tilespmem:$0x1F780] =	vst v63  }
0x47: {  	_ =	swait.ge [sflag:s18], $0x2780  }
0x48: {  	[sflag:s18] =	ssyncset.done $0x0  }
0x49: {  	s29 =	simm.s32 $0x0;
	[sflag:s18] =	ssyncadd.s32 $0xFFFFD880  }
0x4a: {  	[tilespmem:s22], [sflag:$0x3] =	stream.linear.gather [hbm4b:s14+s29], $0x3E80, $0x38;
	[tilespmem:$0x1F780] =	vst v63  }
0x4b: {  	_ =	swait.ge [sflag:s18], $0x3E80  }
0x4c: {  	[sflag:s18] =	ssyncset.done $0x0  }
0x4d: {  	[sflag:s18] =	ssyncadd.s32 $0xFFFFC180  }
0x4e: {  	[tilespmem:s17], [sflag:$0x1] =	stream.indirect.gather [hbm4b:s4+s23], $0x80, s21, s23, $0xb8;
	[tilespmem:$0x1F780] =	vst v63  }
0x4f: {  	s29 =	simm.s32 $0x14050  }
0x50: {  	[tilespmem:s24], [sflag:$0x2] =	stream.indirect.gather [hbm4b:s4+s23], $0x80, s29, s23, $0xb8;
	[tilespmem:$0x1F780] =	vst v63  }
0x51: {  	_ =	swait.ge [sflag:s25], $0x2800  }
0x52: {  	[sflag:s25] =	ssyncset.done $0x0  }
0x53: {  	s29 =	simm.s32 $0x16780;
	[sflag:s25] =	ssyncadd.s32 $0xFFFFD800  }
0x54: {  	[spmem:s2] =	stream.indirect.scatter.add.f32 [tilespmem:s17], [sflag:$0x3], $0x80, s29, s23, $0xb8;
	[tilespmem:$0x1F780] =	vst v63  }
0x55: {  	_ =	swait.ge [sflag:s18], $0x2800  }
0x56: {  	[sflag:s18] =	ssyncset.done $0x0  }
0x57: {  	s29 =	simm.s32 $0x140A0;
	[sflag:s18] =	ssyncadd.s32 $0xFFFFD800  }
0x58: {  	[tilespmem:s17], [sflag:$0x1] =	stream.indirect.gather [hbm4b:s4+s23], $0x80, s29, s23, $0xb8;
	[tilespmem:$0x1F780] =	vst v63  }
0x59: {  	_ =	swait.ge [sflag:s26], $0x2800  }
0x5a: {  	[sflag:s26] =	ssyncset.done $0x0  }
0x5b: {  	s29 =	simm.s32 $0x16800;
	[sflag:s26] =	ssyncadd.s32 $0xFFFFD800  }
0x5c: {  	[spmem:s2] =	stream.indirect.scatter.add.f32 [tilespmem:s24], [sflag:$0x3], $0x80, s29, s23, $0xb8;
	[tilespmem:$0x1F780] =	vst v63  }
0x5d: {  	s30 =	simm.s32 $0x400;
	_ =	swait.ge [sflag:s18], $0x2800  }
0x5e: {  	s31 =	simm.s32 $0x800;
	s29 =	simm.s32 $0x14140;
	[sflag:s18] =	ssyncset.done $0x0  }
.LBB2_4:
0x5f: {  	p0 =	sne.s32 s31, $0xF400;
	s1 =	sadd.s32 $0xFFFFFFB0, s29;
	[sflag:s18] =	ssyncadd.s32 $0xFFFFD800  }
0x60: {  	[tilespmem:s24], [sflag:$0x2] =	stream.indirect.gather [hbm4b:s4+s23], $0x80, s1, s23, $0xb8;
	[tilespmem:$0x1F780] =	vst v63  }
0x61: {  	s1 =	smov.u32 s31;
	s31 =	sadd.s32 $0x400, s31;
	_ =	swait.ge [sflag:s25], $0x2800  }
0x62: {  	s0 =	sshra.s32 s30, $0x2;
	s30 =	smov.u32 s1;
	[sflag:s25] =	ssyncset.done $0x0  }
0x63: {  	s1 =	sadd.s32 $0x16780, s0;
	[sflag:s25] =	ssyncadd.s32 $0xFFFFD800  }
0x64: {  	[spmem:s2] =	stream.indirect.scatter.add.f32 [tilespmem:s17], [sflag:$0x3], $0x80, s1, s23, $0xb8;
	[tilespmem:$0x1F780] =	vst v63  }
0x65: {  	_ =	swait.ge [sflag:s18], $0x2800  }
0x66: {  	[sflag:s18] =	ssyncset.done $0x0  }
0x67: {  	[sflag:s18] =	ssyncadd.s32 $0xFFFFD800  }
0x68: {  	[tilespmem:s17], [sflag:$0x1] =	stream.indirect.gather [hbm4b:s4+s23], $0x80, s29, s23, $0xb8;
	[tilespmem:$0x1F780] =	vst v63  }
0x69: {  	_ =	swait.ge [sflag:s26], $0x2800  }
.Ltmp1:
0x6a: {  	[sflag:s26] =	ssyncset.done $0x0;
	(pc) =	sbr.rel @p0 .LBB2_4-.Ltmp1, $4  }
0x6b: {  	s0 =	sadd.s32 $0x16800, s0;
	[sflag:s26] =	ssyncadd.s32 $0xFFFFD800  }
0x6c: {  	[spmem:s2] =	stream.indirect.scatter.add.f32 [tilespmem:s24], [sflag:$0x3], $0x80, s0, s23, $0xb8;
	[tilespmem:$0x1F780] =	vst v63  }
0x6d: {  	_ =	swait.ge [sflag:s18], $0x2800  }
0x6e: {  	s29 =	sadd.s32 $0xA0, s29;
	[sflag:s18] =	ssyncset.done $0x0  }
0x6f: {  	s0 =	sadd.s32 $0xFFFFFFB0, s29;
	[sflag:s18] =	ssyncadd.s32 $0xFFFFD800  }
0x70: {  	[tilespmem:s24], [sflag:$0x2] =	stream.indirect.gather [hbm4b:s4+s23], $0x80, s0, s23, $0xb8;
	[tilespmem:$0x1F780] =	vst v63  }
0x71: {  	_ =	swait.ge [sflag:s25], $0x2800  }
0x72: {  	s31 =	sshra.s32 s30, $0x2;
	[sflag:s25] =	ssyncset.done $0x0  }
0x73: {  	s1 =	sadd.s32 $0x16780, s31;
	[sflag:s25] =	ssyncadd.s32 $0xFFFFD800  }
0x74: {  	[spmem:s2] =	stream.indirect.scatter.add.f32 [tilespmem:s17], [sflag:$0x3], $0x80, s1, s23, $0xb8;
	[tilespmem:$0x1F780] =	vst v63  }
0x75: {  	_ =	swait.ge [sflag:s18], $0x2800  }
0x76: {  	[sflag:s18] =	ssyncset.done $0x0  }
0x77: {  	[sflag:s18] =	ssyncadd.s32 $0xFFFFD800  }
0x78: {  	[tilespmem:s17], [sflag:$0x1] =	stream.indirect.gather [hbm4b:s4+s23], $0x80, s29, s23, $0xb8;
	[tilespmem:$0x1F780] =	vst v63  }
0x79: {  	_ =	swait.ge [sflag:s26], $0x2800  }
0x7a: {  	[sflag:s26] =	ssyncset.done $0x0  }
0x7b: {  	s0 =	sadd.s32 $0x16800, s31;
	[sflag:s26] =	ssyncadd.s32 $0xFFFFD800  }
0x7c: {  	[spmem:s2] =	stream.indirect.scatter.add.f32 [tilespmem:s24], [sflag:$0x3], $0x80, s0, s23, $0xb8;
	[tilespmem:$0x1F780] =	vst v63  }
0x7d: {  	_ =	swait.ge [sflag:s18], $0x2800  }
0x7e: {  	[sflag:s18] =	ssyncset.done $0x0  }
0x7f: {  	[sflag:s18] =	ssyncadd.s32 $0xFFFFD800  }
0x80: {  	_ =	swait.ge [sflag:s25], $0x2800  }
0x81: {  	[sflag:s25] =	ssyncset.done $0x0  }
0x82: {  	[sflag:s25] =	ssyncadd.s32 $0xFFFFD800  }
0x83: {  	[spmem:s2] =	stream.indirect.scatter.add.f32 [tilespmem:s17], [sflag:$0x3], $0x80, s28, s23, $0xb8;
	[tilespmem:$0x1F780] =	vst v63  }
0x84: {  	s30 =	stileid.u32;
	_ =	swait.ge [sflag:s18], $0x2800  }
0x85: {  	s3 =	sadd.s32 $0x1, s3;
	s31 =	sshrl.u32 s5, $0x3;
	[sflag:s18] =	ssyncset.done $0x0  }
0x86: {  	p0 =	sne.s32 s3, s16;
	s0 =	sshll.u32 s30, $0x6;
	[sflag:s18] =	ssyncadd.s32 $0xFFFFD800  }
.Ltmp2:
0x87: {  	s0 =	sor.u32 $0x1C03, s0;
	[bflag:$0x0] =	sbarrier.arrive $0xFFFF;
	(pc) =	sbr.rel @p0 .LBB2_1-.Ltmp2, $4  }
0x88: {  	[hbm:s15], [sflag:s0] =	dma.local [spmem:s31], $0x2800  }
0x89: {  	_ =	swait.ge [sflag:s18], $0x2800  }
0x8a: {  	[sflag:s18] =	ssyncset.done $0x0  }
0x8b: {  	[sflag:s18] =	ssyncadd.s32 $0xFFFFD800  }
0x8c: {  	_ =	sfence.sel $0x180000  }
0x8d: {  	[bflag:$0x0] =	sbarrier.arrive $0xFFFF  }
0x8e: {  	_ =	strace $0x9000004D  }
0x8f: {  	s0 =	stileid.u32;
	[bflag:$0x2] =	sbarrier.arrive $0xFFFF  }
0x90: {  	p0 =	sne.s32 s0, $0x0;
	s0 =	rddreg [dreg:$0x3]  }
0x91: {  	s0 =	sadd.s32 @!p0 $0x100000, s0  }
0x92: {  	[sflag:s0] =	ssyncadd.tile.s32 @!p0 $0x1;
	_ =	shalt  }
.Lfunc_end2:
_tile_overlayer_lowered:
.L_overlay_start_2:
0x93: {  	(tag) =	ssettag $0x2  }
0x94: {  	s0 =	rddreg [dreg:$0x0];
	s2 =	stileid.u32  }
0x95: {  	s1 =	rddreg [dreg:$0x1];
	p0 =	sne.s32 s2, $0x0  }
0x96: {  	s3 =	rddreg [dreg:$0x2];
	[bflag:$0x3] =	sbarrier.arrive $0xFFFF;
	s2 =	simm.s32 @!p0 $0x1C03  }
0x97: {  	[timem:s3], [sflag:s2] =	dma.local @!p0 [hbm:s0], s1  }
0x98: {  	s0 =	simm.s32 @!p0 $0x3  }
0x99: {  	_ =	swait.ge @!p0 [sflag:s0], s1  }
0x9a: {  	s1 =	ssub.s32 @!p0 $0x0, s1;
	[sflag:s0] =	ssyncset.done @!p0 $0x0  }
0x9b: {  	[sflag:s0] =	ssyncadd.s32 @!p0 s1  }
0x9c: {  	[bflag:$0x3] =	sbarrier.arrive $0xFFFF  }
0x9d: {  	_ =	shalt  }

// kernel: kernel.19.cloned.1.call-start
scs
__scs_entry_jumppad:
0x0: {  	(pc) =	sbr.rel $0x88, $3  }
0x1: {  	(tag) =	ssettag $0x0;
	lr =	simm.s32 $0x1  }
0x2: {  	[smem:$0x3F8F] =	sst lr;
	_ =	strace $0xD0000000  }
0x3: {  	_ = 	snop  }
0x4: {  	_ = 	snop  }
0x5: {  	_ = 	snop  }
0x6: {  	_ = 	snop  }
0x7: {  	_ = 	snop  }
__scs_overlays_trampoline_lowered:
0x8: {  	[smem:$0x3F9E] =	sst s0  }
0x9: {  	[smem:$0x3F9F] =	sst s1  }
0xa: {  	[smem:$0x3FA0] =	sst s2  }
0xb: {  	[smem:$0x3FA1] =	sst s3  }
0xc: {  	[smem:$0x3FA2] =	sst s4  }
0xd: {  	[smem:$0x3FA3] =	sst s5  }
0xe: {  	[smem:$0x3FA4] =	sst s6  }
0xf: {  	[smem:$0x3FA5] =	sst s7  }
0x10: {  	[smem:$0x3FA6] =	sst s8  }
0x11: {  	[smem:$0x3FA7] =	sst s9;
	s0 =	simm.s32 @!p0 $0x0  }
0x12: {  	s1 =	sld [smem:$0x3F8D];
	s0 =	simm.s32 @p0 $0x1  }
0x13: {  	[smem:$0x3FA8] =	sst s0;
	s0 =	simm.s32 @!p1 $0x0  }
0x14: {  	s2 =	sld [smem:$0x3F8C];
	s0 =	simm.s32 @p1 $0x1  }
0x15: {  	[smem:$0x3FA9] =	sst s0;
	s0 =	simm.s32 @!p2 $0x0  }
0x16: {  	s3 =	sld [smem:$0x3FDB];
	s0 =	simm.s32 @p2 $0x1  }
0x17: {  	s4 =	simm.s32 $0x1BF5;
	[smem:$0x3FAB] =	sst s0  }
0x18: {  	s0 =	sld [smem:$0x3F8E];
	_ =	swait.ge [sflag:s4], $0x0  }
0x19: {  	s7 =	sld [smem:$0x3F8F]  }
0x1a: {  	s8 =	sadd.s32 $0xFFFFE003, lr  }
0x1b: {  	s9 =	sadd.s32 $0xFFFFFEF7, lr;
	s5 =	simm.s32 $0xFFFFFFFF;
	p2 =	slt.u32 s8, $0xFFFFF086  }
0x1c: {  	p1 =	slt.u32 s9, $0xF7A;
	s5 =	simm.s32 @!p2 $0x0  }
0x1d: {  	s5 =	simm.s32 @p1 $0x1;
	p0 =	seq.s32 s7, s2  }
0x1e: {  	s7 =	smul.u32 @!p0 $0xF7A, s2;
	p2 =	seq.s32 @!p0 s5, $0x0  }
0x1f: {  	s9 =	smul.u32 $0xF7A, s1;
	s8 =	simm.s32 @!p0 $0x1BF5;
	p2 =	por !p2, p0  }
0x20: {  	[sflag:s8] =	ssyncset.s32 @!p0 $0xFFFFF086;
	s6 =	sadd.s32 @!p0 s3, s7;
	s7 =	simm.s32 @!p0 $0x108  }
0x21: {  	s3 =	sadd.s32 s3, s9;
	s6 =	sadd.s32 @!p0 $0x88, s6;
	s7 =	simm.s32 @p2 $0x1082  }
0x22: {  	[simem:s7], [sflag:s8] =	dma.local @!p0 [hbm:s6], $0xF7A  }
0x23: {  	s9 =	sor.u32 $0xD0000000, s2;
	s6 =	simm.s32 $0x108;
	_ =	swait.ge @!p0 [sflag:s8], $0x0  }
0x24: {  	s3 =	sadd.s32 $0x88, s3;
	s6 =	simm.s32 @!p1 $0x1082;
	[sflag:s4] =	ssyncset.s32 $0xFFFFF086  }
0x25: {  	[simem:s6], [sflag:s4] =	dma.local [hbm:s3], $0xF7A  }
0x26: {  	[smem:$0x3F8F] =	sst s1;
	(tag) =	ssettag s2;
	_ =	strace s9  }
0x27: {  	s1 =	sld [smem:$0x3F9F]  }
0x28: {  	s2 =	sld [smem:$0x3FA0]  }
0x29: {  	s4 =	sld [smem:$0x3FA2]  }
0x2a: {  	p0 =	seq.s32 s5, $0x0;
	s5 =	sld [smem:$0x3FA3]  }
0x2b: {  	s6 =	sld [smem:$0x3FA4]  }
0x2c: {  	s7 =	sld [smem:$0x3FA5]  }
0x2d: {  	s3 =	simm.s32 $0x108;
	s8 =	sld [smem:$0x3FA6]  }
0x2e: {  	s3 =	simm.s32 @!p0 $0x1082;
	s9 =	sld [smem:$0x3FA7]  }
0x2f: {  	lr =	sadd.s32 s0, s3;
	s0 =	sld [smem:$0x3F9E]  }
0x30: {  	s3 =	sld [smem:$0x3FA1]  }
0x31: {  	[smem:$0x3FAA] =	sst s10  }
0x32: {  	s10 =	sld [smem:$0x3FA8];
	_ =	sdelay $0x3  }
0x33: {  	p0 =	seq.s32 s10, $0x1;
	s10 =	sld [smem:$0x3FAA];
	_ =	sdelay $0x3  }
0x34: {  	[smem:$0x3FAA] =	sst s10  }
0x35: {  	s10 =	sld [smem:$0x3FA9];
	_ =	sdelay $0x3  }
0x36: {  	p1 =	seq.s32 s10, $0x1;
	s10 =	sld [smem:$0x3FAA];
	_ =	sdelay $0x3  }
0x37: {  	[smem:$0x3FAA] =	sst s10  }
0x38: {  	s10 =	sld [smem:$0x3FAB]  }
0x39: {  	_ = 	snop;
	(pc) =	sbr.ind lr, $3  }
0x3a: {  	_ = 	snop  }
0x3b: {  	_ = 	snop  }
0x3c: {  	p2 =	seq.s32 s10, $0x1;
	s10 =	sld [smem:$0x3FAA]  }
0x3d: {  	_ =	shalt  }
0x3e: {  	_ =	shalt  }
0x3f: {  	_ =	shalt  }
0x40: {  	_ =	shalt  }
0x41: {  	_ =	shalt  }
0x42: {  	_ =	shalt  }
0x43: {  	_ =	shalt  }
0x44: {  	_ =	shalt  }
0x45: {  	_ =	shalt  }
0x46: {  	_ =	shalt  }
0x47: {  	_ =	shalt  }
0x48: {  	_ =	shalt  }
0x49: {  	_ =	shalt  }
0x4a: {  	_ =	shalt  }
0x4b: {  	_ =	shalt  }
0x4c: {  	_ =	shalt  }
0x4d: {  	_ =	shalt  }
0x4e: {  	_ =	shalt  }
0x4f: {  	_ =	shalt  }
0x50: {  	_ =	shalt  }
0x51: {  	_ =	shalt  }
0x52: {  	_ =	shalt  }
0x53: {  	_ =	shalt  }
0x54: {  	_ =	shalt  }
0x55: {  	_ =	shalt  }
0x56: {  	_ =	shalt  }
0x57: {  	_ =	shalt  }
0x58: {  	_ =	shalt  }
0x59: {  	_ =	shalt  }
0x5a: {  	_ =	shalt  }
0x5b: {  	_ =	shalt  }
0x5c: {  	_ =	shalt  }
0x5d: {  	_ =	shalt  }
0x5e: {  	_ =	shalt  }
0x5f: {  	_ =	shalt  }
0x60: {  	_ =	shalt  }
0x61: {  	_ =	shalt  }
0x62: {  	_ =	shalt  }
0x63: {  	_ =	shalt  }
0x64: {  	_ =	shalt  }
0x65: {  	_ =	shalt  }
0x66: {  	_ =	shalt  }
0x67: {  	_ =	shalt  }
0x68: {  	_ =	shalt  }
0x69: {  	_ =	shalt  }
0x6a: {  	_ =	shalt  }
0x6b: {  	_ =	shalt  }
0x6c: {  	_ =	shalt  }
0x6d: {  	_ =	shalt  }
0x6e: {  	_ =	shalt  }
0x6f: {  	_ =	shalt  }
0x70: {  	_ =	shalt  }
0x71: {  	_ =	shalt  }
0x72: {  	_ =	shalt  }
0x73: {  	_ =	shalt  }
0x74: {  	_ =	shalt  }
0x75: {  	_ =	shalt  }
0x76: {  	_ =	shalt  }
0x77: {  	_ =	shalt  }
0x78: {  	_ =	shalt  }
0x79: {  	_ =	shalt  }
0x7a: {  	_ =	shalt  }
0x7b: {  	_ =	shalt  }
0x7c: {  	_ =	shalt  }
0x7d: {  	_ =	shalt  }
0x7e: {  	_ =	shalt  }
0x7f: {  	_ =	shalt  }
0x80: {  	_ =	shalt  }
0x81: {  	_ =	shalt  }
0x82: {  	_ =	shalt  }
0x83: {  	_ =	shalt  }
0x84: {  	_ =	shalt  }
0x85: {  	_ =	shalt  }
0x86: {  	_ =	shalt  }
0x87: {  	_ =	shalt  }
.Lfunc_end0:
.L_simem_size_0:
called_computation.3_lowered:
.L_overlay_start_0:
0x88: {  	s2 =	sld [smem:$0x3FD9]  }
0x89: {  	s3 =	sld [smem:$0x3FFE];
	_ =	sdelay $0x1  }
0x8a: {  	s1 =	srdreg.scid  }
0x8b: {  	s0 =	sand.u32 $0x1, s1  }
0x8c: {  	s14 =	sshll.u32 s0, $0xA;
	s2 =	sadd.s32 s3, s2  }
0x8d: {  	s2 =	sadd.s32 s2, s14  }
0x8e: {  	[smem:$0x3FB6] =	sst s2  }
0x8f: {  	_ = 	snop  }
0x90: {  	s2 =	sld [smem:$0x3FD0];
	_ =	sdelay $0x2  }
0x91: {  	s15 =	simm.s32 $0xA;
	s4 =	simm.s32 $0x10  }
0x92: {  	[smem:s4], [sflag:s15] =	dma.local [hbm:s2], $0x1  }
0x93: {  	_ =	swait.eq [sflag:s15], $0x1  }
0x94: {  	[sflag:s15] =	ssyncset.done $0x0  }
0x95: {  	[sflag:s15] =	ssyncadd.s32 $0xFFFFFFFF  }
0x96: {  	s16 =	sld [smem:$0x10];
	(tm) =	ssettm $0x1  }
0x97: {  	s17 =	sld [smem:$0x3FFB];
	_ =	sdelay $0x3  }
0x98: {  	_ =	strace s17  }
0x99: {  	s3 =	sld [smem:$0x3FFC];
	_ =	sdelay $0x3  }
0x9a: {  	_ =	strace s3  }
0x9b: {  	s3 =	sld [smem:$0x3FFD];
	_ =	sdelay $0x3  }
0x9c: {  	_ =	strace s3  }
0x9d: {  	_ =	strace $0x8FFFFFFF  }
0x9e: {  	s18 =	sld [smem:$0x3FDB];
	_ =	sdelay $0x1  }
0x9f: {  	s19 =	simm.s32 $_scs_section_size  }
0xa0: {  	s5 =	simm.s32 $_size__tile_overlayer_lowered;
	s6 =	simm.s32 $_tile_overlayer_lowered  }
0xa1: {  	s22 =	simm.s32 $0x1BFF;
	s21 =	sshll.u32 s6, $0x1;
	s3 =	sadd.s32 s19, s18  }
0xa2: {  	s7 =	simm.s32 $0x0;
	s20 =	sshll.u32 s5, $0x1;
	s5 =	sadd.s32 s21, s3  }
0xa3: {  	[timem:s7], [sflag:s22] =	dma.local [hbm:s5], s20  }
0xa4: {  	_ =	swait.ge [sflag:s22], s20  }
0xa5: {  	s4 =	ssub.s32 $0x0, s20;
	[sflag:s22] =	ssyncset.done $0x0  }
0xa6: {  	[sflag:s22] =	ssyncadd.s32 s4;
	_ =	sdelay $0x1  }
0xa7: {  	s23 =	simm.s32 $0x1B8B  }
0xa8: {  	_ =	swait.ge [sflag:s23], $0x1  }
0xa9: {  	[sflag:s23] =	ssyncset.done $0x0  }
0xaa: {  	s25 =	simm.s32 $0x1B8E;
	s24 =	sld [smem:$0x3FFE];
	[sflag:s23] =	ssyncadd.s32 $0xFFFFFFFF  }
0xab: {  	s26 =	simm.s32 $execute0_lowered;
	[smem:$0x3FD2] =	sst s25  }
0xac: {  	s5 =	sshll.u32 s26, $0x1;
	_ =	strace $0x8000004F;
	[dreg:$0x1] =	wrdreg $0xFFFFFFFF  }
0xad: {  	s28 =	simm.s32 $_size_execute0_lowered;
	s3 =	sadd.s32 s3, s5;
	[dreg:$0x0] =	wrdreg $0x0  }
0xae: {  	s5 =	sshll.u32 s28, $0x1;
	[dreg:$0x2] =	wrdreg s3  }
0xaf: {  	[dreg:$0x3] =	wrdreg s5  }
0xb0: {  	[dreg:$0x4] =	wrdreg $0xC0  }
0xb1: {  	_ =	task [dreg:s7], $0x5FFFF  }
0xb2: {  	[dreg:$0x1] =	wrdreg $0xFFFFFFFF  }
0xb3: {  	[dreg:$0x0] =	wrdreg $0x60  }
0xb4: {  	[dreg:$0x2] =	wrdreg s24  }
0xb5: {  	[dreg:$0x3] =	wrdreg s16  }
0xb6: {  	[dreg:$0x4] =	wrdreg $0x0  }
0xb7: {  	[dreg:$0x5] =	wrdreg $0x9  }
0xb8: {  	_ =	task.clear_ibuf [dreg:s7], $0x6FFFF;
	_ =	strace $0x9000004F  }
0xb9: {  	s29 =	simm.s32 $0x9;
	_ =	strace $0x80000051  }
0xba: {  	_ =	swait.ge [sflag:s29], $0x1  }
0xbb: {  	[sflag:s29] =	ssyncadd.s32 $0xFFFFFFFF  }
0xbc: {  	_ =	strace $0x90000051  }
0xbd: {  	_ =	sfence  }
0xbe: {  	s30 =	sld [smem:$0x0];
	_ =	sdelay $0x2  }
0xbf: {  	s31 =	sshll.u32 s1, $0xD;
	s1 =	sshrl.u32 s1, $0x2  }
0xc0: {  	s3 =	sand.u32 $0x4000, s31;
	s1 =	sadd.s32 s1, s30  }
0xc1: {  	s0 =	sor.u32 s3, s0;
	s1 =	sshll.u32 s1, $0x11  }
0xc2: {  	s0 =	sor.u32 s1, s0  }
0xc3: {  	s0 =	sadd.s32 $0x8F2B, s0  }
0xc4: {  	[sflag:s0] =	ssyncadd.remote.s32 $0x1  }
0xc5: {  	_ =	sfence.sel $0xFFFF  }
0xc6: {  	[dreg:$0x0] =	wrdreg $0xFFFFFFFF;
	(pc) =	sbr.abs _section_cstart, $3  }
0xc7: {  	[dreg:$0x1] =	wrdreg $0xFFFFFFFF  }
0xc8: {  	_ =	task.clear_ibuf [dreg:s7], $0x2FFFF;
	_ =	strace $0x9FFFFFFF  }
0xc9: {  	(tm) =	ssettm $0x7FFFFFFF  }
tec
execute0_lowered:
.L_overlay_start_1:
0x0: {  	(tag) =	ssettag $0x1  }
0x1: {  	s6 =	rddreg [dreg:$0x0]  }
0x2: {  	s0 =	srdreg.scid;
	s14 =	rddreg [dreg:$0x1]  }
0x3: {  	s25 =	stileid.u32;
	s2 =	rddreg [dreg:$0x2]  }
0x4: {  	s19 =	simm.s32 $0x80;
	s20 =	simm.s32 $0x400;
	s21 =	simm.s32 $0x14000  }
0x5: {  	s22 =	simm.s32 $0x16780;
	s23 =	simm.s32 $0x50;
	s24 =	simm.s32 $0x1CF80  }
0x6: {  	s28 =	simm.s32 $0x1A580;
	s5 =	sand.u32 $0x1, s0;
	s26 =	smul.u32 $0x14000, s25  }
0x7: {  	s7 =	sshll.u32 s25, $0x7;
	s10 =	smul.u32 $0x50000, s25;
	s1 =	sshll.u32 s5, $0x4  }
0x8: {  	s7 =	sand.u32 $0x380, s7;
	s8 =	smul.u32 $0x140000, s5;
	s29 =	ssub.s32 $0x2, s5  }
0x9: {  	s13 =	sor.u32 s25, s1;
	s30 =	sshrl.u32 s10, $0x2;
	s31 =	sshrl.u32 s29, $0x1  }
0xa: {  	s25 =	simm.s32 $0x1;
	s3 =	sshrl.u32 s13, $0x3;
	s5 =	sadd.s32 s30, s2  }
0xb: {  	s17 =	ssub.s32 s29, s31;
	s18 =	sshll.u32 s13, $0xB;
	s4 =	smul.u32 $0x13C00, s3  }
0xc: {  	s3 =	simm.s32 $0x0;
	s10 =	sadd.s32 $0xC800, s5;
	s11 =	sadd.s32 $0xF000, s5  }
0xd: {  	s12 =	sadd.s32 $0x11800, s5;
	s14 =	sadd.s32 s14, s18;
	[smem:$0x7FF] =	sst s3  }
0xe: {  	s18 =	simm.s32 $0x3;
	s4 =	sor.u32 s7, s4;
	_ =	strace $0x80000050  }
0xf: {  	s7 =	sadd.s32 s26, s8;
	s8 =	sadd.s32 $0x7800, s5;
	s26 =	simm.s32 $0x2  }
0x10: {  	s9 =	sshrl.u32 s4, $0x3;
	s4 =	sadd.s32 $0xEA00, s6;
	s7 =	sshrl.u32 s7, $0x3  }
0x11: {  	s15 =	sadd.s32 s9, s6;
	s16 =	sadd.s32 s7, s6;
	s6 =	sadd.s32 $0x2800, s5  }
0x12: {  	s7 =	sadd.s32 $0x5000, s5;
	s9 =	sadd.s32 $0xA000, s5;
	s13 =	sadd.s32 $0x4C00, s15  }
0x13: {  	v0 =	vimm.f32 $0.0e+00;
	s15 =	sadd.s32 $0x36A00, s16;
	s16 =	smax.u32 s17, $0x1;
	s17 =	simm.s32 $0x1A780  }
.LBB2_1:
0x14: {  	s29 =	simm.s32 $0x0;
	s30 =	simm.s32 $0x200  }
.LBB2_2:
0x15: {  	p0 =	sne.s32 s30, $0x9E00;
	[tilespmem:s29+$0x1A7F0] =	vst v0  }
0x16: {  	[tilespmem:s29+$0x1A780] =	vst v0  }
0x17: {  	[tilespmem:s29+$0x1A790] =	vst v0  }
.Ltmp0:
0x18: {  	[tilespmem:s29+$0x1A7A0] =	vst v0;
	(pc) =	sbr.rel @p0 .LBB2_2-.Ltmp0, $4  }
0x19: {  	[tilespmem:s29+$0x1A7B0] =	vst v0  }
0x1a: {  	[tilespmem:s29+$0x1A7C0] =	vst v0  }
0x1b: {  	[tilespmem:s29+$0x1A7D0] =	vst v0  }
0x1c: {  	[tilespmem:s29+$0x1A7E0] =	vst v0;
	s29 =	sshra.s32 s30, $0x2;
	s30 =	sadd.s32 $0x200, s30  }
0x1d: {  	[tilespmem:s29+$0x1A7F0] =	vst v0  }
0x1e: {  	[tilespmem:s29+$0x1A780] =	vst v0  }
0x1f: {  	[tilespmem:s29+$0x1A790] =	vst v0  }
0x20: {  	[tilespmem:s29+$0x1A7A0] =	vst v0  }
0x21: {  	[tilespmem:s29+$0x1A7B0] =	vst v0  }
0x22: {  	[tilespmem:s29+$0x1A7C0] =	vst v0  }
0x23: {  	[tilespmem:s29+$0x1A7D0] =	vst v0  }
0x24: {  	[tilespmem:s29+$0x1A7E0] =	vst v0  }
0x25: {  	[spmem:s5] =	stream.linear.scatter [tilespmem:s17], [sflag:$0x3], $0x2800, $0x38;
	[tilespmem:$0x1F780] =	vst v63  }
0x26: {  	_ =	swait.ge [sflag:s18], $0x2800  }
0x27: {  	[sflag:s18] =	ssyncset.done $0x0  }
0x28: {  	[sflag:s18] =	ssyncadd.s32 $0xFFFFD800  }
0x29: {  	[spmem:s6] =	stream.linear.scatter [tilespmem:s17], [sflag:$0x3], $0x2800, $0x38;
	[tilespmem:$0x1F780] =	vst v63  }
0x2a: {  	_ =	swait.ge [sflag:s18], $0x2800  }
0x2b: {  	[sflag:s18] =	ssyncset.done $0x0  }
0x2c: {  	[sflag:s18] =	ssyncadd.s32 $0xFFFFD800  }
0x2d: {  	[spmem:s7] =	stream.linear.scatter [tilespmem:s17], [sflag:$0x3], $0x2800, $0x38;
	[tilespmem:$0x1F780] =	vst v63  }
0x2e: {  	_ =	swait.ge [sflag:s18], $0x2800  }
0x2f: {  	[sflag:s18] =	ssyncset.done $0x0  }
0x30: {  	[sflag:s18] =	ssyncadd.s32 $0xFFFFD800  }
0x31: {  	[spmem:s8] =	stream.linear.scatter [tilespmem:s17], [sflag:$0x3], $0x2800, $0x38;
	[tilespmem:$0x1F780] =	vst v63  }
0x32: {  	_ =	swait.ge [sflag:s18], $0x2800  }
0x33: {  	[sflag:s18] =	ssyncset.done $0x0  }
0x34: {  	[sflag:s18] =	ssyncadd.s32 $0xFFFFD800  }
0x35: {  	[spmem:s9] =	stream.linear.scatter [tilespmem:s17], [sflag:$0x3], $0x2800, $0x38;
	[tilespmem:$0x1F780] =	vst v63  }
0x36: {  	_ =	swait.ge [sflag:s18], $0x2800  }
0x37: {  	[sflag:s18] =	ssyncset.done $0x0  }
0x38: {  	[sflag:s18] =	ssyncadd.s32 $0xFFFFD800  }
0x39: {  	[spmem:s10] =	stream.linear.scatter [tilespmem:s17], [sflag:$0x3], $0x2800, $0x38;
	[tilespmem:$0x1F780] =	vst v63  }
0x3a: {  	_ =	swait.ge [sflag:s18], $0x2800  }
0x3b: {  	[sflag:s18] =	ssyncset.done $0x0  }
0x3c: {  	[sflag:s18] =	ssyncadd.s32 $0xFFFFD800  }
0x3d: {  	[spmem:s11] =	stream.linear.scatter [tilespmem:s17], [sflag:$0x3], $0x2800, $0x38;
	[tilespmem:$0x1F780] =	vst v63  }
0x3e: {  	_ =	swait.ge [sflag:s18], $0x2800  }
0x3f: {  	[sflag:s18] =	ssyncset.done $0x0  }
0x40: {  	[sflag:s18] =	ssyncadd.s32 $0xFFFFD800  }
0x41: {  	[spmem:s12] =	stream.linear.scatter [tilespmem:s17], [sflag:$0x3], $0x2800, $0x38;
	[tilespmem:$0x1F780] =	vst v63  }
0x42: {  	_ =	swait.ge [sflag:s18], $0x2800  }
0x43: {  	[sflag:s18] =	ssyncset.done $0x0  }
0x44: {  	[sflag:s18] =	ssyncadd.s32 $0xFFFFD800  }
0x45: {  	[bflag:$0x0] =	sbarrier.arrive $0xFFFF  }
0x46: {  	[tilespmem:s21], [sflag:$0x3] =	stream.strided.gather [hbm4b:s13+s19], $0x2780, s20, s19, $0x38;
	[tilespmem:$0x1F780] =	vst v63  }
0x47: {  	_ =	swait.ge [sflag:s18], $0x2780  }
0x48: {  	[sflag:s18] =	ssyncset.done $0x0  }
0x49: {  	s29 =	simm.s32 $0x0;
	[sflag:s18] =	ssyncadd.s32 $0xFFFFD880  }
0x4a: {  	[tilespmem:s22], [sflag:$0x3] =	stream.linear.gather [hbm4b:s14+s29], $0x3E80, $0x38;
	[tilespmem:$0x1F780] =	vst v63  }
0x4b: {  	_ =	swait.ge [sflag:s18], $0x3E80  }
0x4c: {  	[sflag:s18] =	ssyncset.done $0x0  }
0x4d: {  	[sflag:s18] =	ssyncadd.s32 $0xFFFFC180  }
0x4e: {  	[tilespmem:s17], [sflag:$0x1] =	stream.indirect.gather [hbm4b:s4+s23], $0x80, s21, s23, $0xb8;
	[tilespmem:$0x1F780] =	vst v63  }
0x4f: {  	s29 =	simm.s32 $0x14050  }
0x50: {  	[tilespmem:s24], [sflag:$0x2] =	stream.indirect.gather [hbm4b:s4+s23], $0x80, s29, s23, $0xb8;
	[tilespmem:$0x1F780] =	vst v63  }
0x51: {  	_ =	swait.ge [sflag:s25], $0x2800  }
0x52: {  	[sflag:s25] =	ssyncset.done $0x0  }
0x53: {  	s29 =	simm.s32 $0x16780;
	[sflag:s25] =	ssyncadd.s32 $0xFFFFD800  }
0x54: {  	[spmem:s2] =	stream.indirect.scatter.add.f32 [tilespmem:s17], [sflag:$0x3], $0x80, s29, s23, $0xb8;
	[tilespmem:$0x1F780] =	vst v63  }
0x55: {  	_ =	swait.ge [sflag:s18], $0x2800  }
0x56: {  	[sflag:s18] =	ssyncset.done $0x0  }
0x57: {  	s29 =	simm.s32 $0x140A0;
	[sflag:s18] =	ssyncadd.s32 $0xFFFFD800  }
0x58: {  	[tilespmem:s17], [sflag:$0x1] =	stream.indirect.gather [hbm4b:s4+s23], $0x80, s29, s23, $0xb8;
	[tilespmem:$0x1F780] =	vst v63  }
0x59: {  	_ =	swait.ge [sflag:s26], $0x2800  }
0x5a: {  	[sflag:s26] =	ssyncset.done $0x0  }
0x5b: {  	s29 =	simm.s32 $0x16800;
	[sflag:s26] =	ssyncadd.s32 $0xFFFFD800  }
0x5c: {  	[spmem:s2] =	stream.indirect.scatter.add.f32 [tilespmem:s24], [sflag:$0x3], $0x80, s29, s23, $0xb8;
	[tilespmem:$0x1F780] =	vst v63  }
0x5d: {  	s30 =	simm.s32 $0x400;
	_ =	swait.ge [sflag:s18], $0x2800  }
0x5e: {  	s31 =	simm.s32 $0x800;
	s29 =	simm.s32 $0x14140;
	[sflag:s18] =	ssyncset.done $0x0  }
.LBB2_4:
0x5f: {  	p0 =	sne.s32 s31, $0xF400;
	s1 =	sadd.s32 $0xFFFFFFB0, s29;
	[sflag:s18] =	ssyncadd.s32 $0xFFFFD800  }
0x60: {  	[tilespmem:s24], [sflag:$0x2] =	stream.indirect.gather [hbm4b:s4+s23], $0x80, s1, s23, $0xb8;
	[tilespmem:$0x1F780] =	vst v63  }
0x61: {  	s1 =	smov.u32 s31;
	s31 =	sadd.s32 $0x400, s31;
	_ =	swait.ge [sflag:s25], $0x2800  }
0x62: {  	s0 =	sshra.s32 s30, $0x2;
	s30 =	smov.u32 s1;
	[sflag:s25] =	ssyncset.done $0x0  }
0x63: {  	s1 =	sadd.s32 $0x16780, s0;
	[sflag:s25] =	ssyncadd.s32 $0xFFFFD800  }
0x64: {  	[spmem:s2] =	stream.indirect.scatter.add.f32 [tilespmem:s17], [sflag:$0x3], $0x80, s1, s23, $0xb8;
	[tilespmem:$0x1F780] =	vst v63  }
0x65: {  	_ =	swait.ge [sflag:s18], $0x2800  }
0x66: {  	[sflag:s18] =	ssyncset.done $0x0  }
0x67: {  	[sflag:s18] =	ssyncadd.s32 $0xFFFFD800  }
0x68: {  	[tilespmem:s17], [sflag:$0x1] =	stream.indirect.gather [hbm4b:s4+s23], $0x80, s29, s23, $0xb8;
	[tilespmem:$0x1F780] =	vst v63  }
0x69: {  	_ =	swait.ge [sflag:s26], $0x2800  }
.Ltmp1:
0x6a: {  	[sflag:s26] =	ssyncset.done $0x0;
	(pc) =	sbr.rel @p0 .LBB2_4-.Ltmp1, $4  }
0x6b: {  	s0 =	sadd.s32 $0x16800, s0;
	[sflag:s26] =	ssyncadd.s32 $0xFFFFD800  }
0x6c: {  	[spmem:s2] =	stream.indirect.scatter.add.f32 [tilespmem:s24], [sflag:$0x3], $0x80, s0, s23, $0xb8;
	[tilespmem:$0x1F780] =	vst v63  }
0x6d: {  	_ =	swait.ge [sflag:s18], $0x2800  }
0x6e: {  	s29 =	sadd.s32 $0xA0, s29;
	[sflag:s18] =	ssyncset.done $0x0  }
0x6f: {  	s0 =	sadd.s32 $0xFFFFFFB0, s29;
	[sflag:s18] =	ssyncadd.s32 $0xFFFFD800  }
0x70: {  	[tilespmem:s24], [sflag:$0x2] =	stream.indirect.gather [hbm4b:s4+s23], $0x80, s0, s23, $0xb8;
	[tilespmem:$0x1F780] =	vst v63  }
0x71: {  	_ =	swait.ge [sflag:s25], $0x2800  }
0x72: {  	s31 =	sshra.s32 s30, $0x2;
	[sflag:s25] =	ssyncset.done $0x0  }
0x73: {  	s1 =	sadd.s32 $0x16780, s31;
	[sflag:s25] =	ssyncadd.s32 $0xFFFFD800  }
0x74: {  	[spmem:s2] =	stream.indirect.scatter.add.f32 [tilespmem:s17], [sflag:$0x3], $0x80, s1, s23, $0xb8;
	[tilespmem:$0x1F780] =	vst v63  }
0x75: {  	_ =	swait.ge [sflag:s18], $0x2800  }
0x76: {  	[sflag:s18] =	ssyncset.done $0x0  }
0x77: {  	[sflag:s18] =	ssyncadd.s32 $0xFFFFD800  }
0x78: {  	[tilespmem:s17], [sflag:$0x1] =	stream.indirect.gather [hbm4b:s4+s23], $0x80, s29, s23, $0xb8;
	[tilespmem:$0x1F780] =	vst v63  }
0x79: {  	_ =	swait.ge [sflag:s26], $0x2800  }
0x7a: {  	[sflag:s26] =	ssyncset.done $0x0  }
0x7b: {  	s0 =	sadd.s32 $0x16800, s31;
	[sflag:s26] =	ssyncadd.s32 $0xFFFFD800  }
0x7c: {  	[spmem:s2] =	stream.indirect.scatter.add.f32 [tilespmem:s24], [sflag:$0x3], $0x80, s0, s23, $0xb8;
	[tilespmem:$0x1F780] =	vst v63  }
0x7d: {  	_ =	swait.ge [sflag:s18], $0x2800  }
0x7e: {  	[sflag:s18] =	ssyncset.done $0x0  }
0x7f: {  	[sflag:s18] =	ssyncadd.s32 $0xFFFFD800  }
0x80: {  	_ =	swait.ge [sflag:s25], $0x2800  }
0x81: {  	[sflag:s25] =	ssyncset.done $0x0  }
0x82: {  	[sflag:s25] =	ssyncadd.s32 $0xFFFFD800  }
0x83: {  	[spmem:s2] =	stream.indirect.scatter.add.f32 [tilespmem:s17], [sflag:$0x3], $0x80, s28, s23, $0xb8;
	[tilespmem:$0x1F780] =	vst v63  }
0x84: {  	s30 =	stileid.u32;
	_ =	swait.ge [sflag:s18], $0x2800  }
0x85: {  	s3 =	sadd.s32 $0x1, s3;
	s31 =	sshrl.u32 s5, $0x3;
	[sflag:s18] =	ssyncset.done $0x0  }
0x86: {  	p0 =	sne.s32 s3, s16;
	s0 =	sshll.u32 s30, $0x6;
	[sflag:s18] =	ssyncadd.s32 $0xFFFFD800  }
.Ltmp2:
0x87: {  	s0 =	sor.u32 $0x1C03, s0;
	[bflag:$0x0] =	sbarrier.arrive $0xFFFF;
	(pc) =	sbr.rel @p0 .LBB2_1-.Ltmp2, $4  }
0x88: {  	[hbm:s15], [sflag:s0] =	dma.local [spmem:s31], $0x2800  }
0x89: {  	_ =	swait.ge [sflag:s18], $0x2800  }
0x8a: {  	[sflag:s18] =	ssyncset.done $0x0  }
0x8b: {  	[sflag:s18] =	ssyncadd.s32 $0xFFFFD800  }
0x8c: {  	_ =	sfence.sel $0x180000  }
0x8d: {  	[bflag:$0x0] =	sbarrier.arrive $0xFFFF  }
0x8e: {  	_ =	strace $0x90000050  }
0x8f: {  	s0 =	stileid.u32;
	[bflag:$0x2] =	sbarrier.arrive $0xFFFF  }
0x90: {  	p0 =	sne.s32 s0, $0x0;
	s0 =	rddreg [dreg:$0x3]  }
0x91: {  	s0 =	sadd.s32 @!p0 $0x100000, s0  }
0x92: {  	[sflag:s0] =	ssyncadd.tile.s32 @!p0 $0x1;
	_ =	shalt  }
.Lfunc_end2:
_tile_overlayer_lowered:
.L_overlay_start_2:
0x93: {  	(tag) =	ssettag $0x2  }
0x94: {  	s0 =	rddreg [dreg:$0x0];
	s2 =	stileid.u32  }
0x95: {  	s1 =	rddreg [dreg:$0x1];
	p0 =	sne.s32 s2, $0x0  }
0x96: {  	s3 =	rddreg [dreg:$0x2];
	[bflag:$0x3] =	sbarrier.arrive $0xFFFF;
	s2 =	simm.s32 @!p0 $0x1C03  }
0x97: {  	[timem:s3], [sflag:s2] =	dma.local @!p0 [hbm:s0], s1  }
0x98: {  	s0 =	simm.s32 @!p0 $0x3  }
0x99: {  	_ =	swait.ge @!p0 [sflag:s0], s1  }
0x9a: {  	s1 =	ssub.s32 @!p0 $0x0, s1;
	[sflag:s0] =	ssyncset.done @!p0 $0x0  }
0x9b: {  	[sflag:s0] =	ssyncadd.s32 @!p0 s1  }
0x9c: {  	[bflag:$0x3] =	sbarrier.arrive $0xFFFF  }
0x9d: {  	_ =	shalt  }

</sc_bundles>
